<compile_context>
chip_gen: v7x
topology: tpu7x:2x2x1
jax: 0.10.2.dev20260603
libtpu: 0.0.44.dev20260713+nightly
codegen_flags: <defaults>
</compile_context>

<pallas_src>
import functools

import jax
import jax.numpy as jnp
from jax import lax
from jax.experimental import pallas as pl
from jax.experimental.pallas import tpu as pltpu
from jax.experimental.pallas import tpu_sc as plsc

B = 4096
D = 64
K = 8
N_REL = 32
WINDOW = 128


def _sc_gather_multi(pairs):
    mesh = plsc.VectorSubcoreMesh(core_axis_name="core", subcore_axis_name="subcore")
    out_types = [jax.ShapeDtypeStruct((idx.shape[0], t.shape[1]), t.dtype)
                 for t, idx in pairs]

    @functools.partial(
        pl.kernel,
        out_type=out_types,
        mesh=mesh,
        compiler_params=pltpu.CompilerParams(use_tc_tiling_on_sc=False),
    )
    def k(*refs):
        ins = refs[:2 * len(pairs)]
        outs = refs[2 * len(pairs):]
        for p, (t, idx) in enumerate(pairs):
            tab_hbm, i_hbm, o_hbm = ins[2 * p], ins[2 * p + 1], outs[p]
            n = idx.shape[0]
            vdim = t.shape[1]

            def body(i_vmem, o_vmem, tab=tab_hbm):
                pltpu.sync_copy(tab.at[i_vmem.at[0]], o_vmem)

            pltpu.emit_pipeline(
                body,
                grid=(n // WINDOW,),
                in_specs=[pl.BlockSpec((1, WINDOW), lambda i: (0, i))],
                out_specs=[pl.BlockSpec((WINDOW, vdim), lambda i: (i, 0))],
                core_axis_name=("core", "subcore"),
                dimension_semantics=(pltpu.PARALLEL,),
            )(i_hbm, o_hbm)

    flat = []
    for t, idx in pairs:
        flat.extend([t, idx.reshape(1, idx.shape[0])])
    outs = k(*flat)
    return outs if isinstance(outs, (list, tuple)) else [outs]


BB = 512


def _tc_dense(u, uid, evs3, r0, r1, rel, W0, b0, W1, b1, Bh=B):
    nblk = Bh // BB
    BP = BB * 73 // 16

    def body(u_ref, uid_ref, evs_ref, r0_ref, r1_ref, rel_ref,
             w0_ref, b0_ref, w1_ref, b1_ref, out_ref):
        hp = lambda a, bm: lax.dot_general(
            a, bm, (((1,), (1,)), ((), ())),
            preferred_element_type=jnp.float32)

        x2 = evs_ref[...].reshape(BB * 73 // 2, 128)
        ev2s = [x2[j * BB * 8:(j + 1) * BB * 8, :] for j in range(4)]
        ev1s = [x2[BB * 32 + j * BB:BB * 32 + (j + 1) * BB, :] for j in range(4)]
        ev0p = x2[BB * 36:BB * 36 + BB // 2, :]

        u128 = u_ref[...]
        odd = (uid_ref[...] & 1) == 1
        uu = jnp.where(odd, u128[:, D:], u128[:, :D])
        relm = rel_ref[...]
        P = hp(uu, relm) * (1.0 / D)
        E = jnp.exp(P)
        r0v = r0_ref[...]
        r1v = r1_ref[...]
        e0 = jnp.take_along_axis(E, r0v, axis=1)
        w0 = e0 / jnp.sum(e0, axis=1, keepdims=True)
        E2 = jnp.broadcast_to(E[:, None, :], (BB, K, N_REL)).reshape(BB * K, N_REL)
        e1v = jnp.take_along_axis(E2, r1v, axis=1)
        w1 = e1v / jnp.sum(e1v, axis=1, keepdims=True)

        li8 = lax.broadcasted_iota(jnp.int32, (K, 128), 1)
        ri8 = lax.broadcasted_iota(jnp.int32, (K, 128), 0)

        def pair_w(w, j, n):
            sel = (ri8 == jnp.where(li8 < D, 2 * j, 2 * j + 1)).astype(jnp.float32)
            return lax.dot_general(w, sel, (((1,), (0,)), ((), ())),
                                   preferred_element_type=jnp.float32)

        Rm = pair_w(w1, 0, BB * 8) * ev2s[0]
        for j in range(1, 4):
            Rm = Rm + pair_w(w1, j, BB * 8) * ev2s[j]

        Wm0 = w0_ref[...]
        bb0 = b0_ref[...]
        Wm1 = w1_ref[...]
        bb1 = b1_ref[...]
        z = jnp.zeros((D, D), jnp.float32)
        W0cat = jnp.concatenate([Wm0, Wm0], axis=1) * 0.125
        Y = hp(Rm, W0cat)
        Y3 = Y.reshape(BB, 8, D)
        BD0 = jnp.concatenate(
            [jnp.concatenate([Wm0, z], axis=1),
             jnp.concatenate([z, Wm0], axis=1)], axis=0)
        b0p = jnp.concatenate([bb0, bb0], axis=1)

        S3 = pair_w(w0, 0, BB) * ev1s[0]
        T = None
        h1s = []
        for j in range(4):
            pyj = jnp.concatenate([Y3[:, 2 * j, :], Y3[:, 2 * j + 1, :]], axis=1)
            h1j = jax.nn.relu(hp(ev1s[j], BD0) + pyj + b0p)
            h1s.append(h1j)
            tj = pair_w(w0, j, BB) * h1j
            T = tj if T is None else T + tj
            if j > 0:
                S3 = S3 + pair_w(w0, j, BB) * ev1s[j]
        aggf = (T[:, :D] + T[:, D:]) * 0.125
        agg0 = (S3[:, :D] + S3[:, D:]) * 0.125

        ev0 = jnp.stack([ev0p[:, :D], ev0p[:, D:]],
                        axis=1).reshape(BB, D)
        h0 = jax.nn.relu(hp(ev0 + agg0, Wm0) + bb0)
        i_emb = jnp.tanh(hp(h0 + aggf, Wm1) + bb1)
        out_ref[...] = jnp.sum(uu * i_emb, axis=1, keepdims=True)

    out = pl.pallas_call(
        body,
        grid=(nblk,),
        in_specs=[
            pl.BlockSpec((BB, 128), lambda i: (i, 0)),
            pl.BlockSpec((BB, 1), lambda i: (i, 0)),
            pl.BlockSpec((BP, 8, 128), lambda i: (i, 0, 0)),
            pl.BlockSpec((BB, K), lambda i: (i, 0)),
            pl.BlockSpec((BB * 8, K), lambda i: (i, 0)),
            pl.BlockSpec((N_REL, D), lambda i: (0, 0)),
            pl.BlockSpec((D, D), lambda i: (0, 0)),
            pl.BlockSpec((1, D), lambda i: (0, 0)),
            pl.BlockSpec((D, D), lambda i: (0, 0)),
            pl.BlockSpec((1, D), lambda i: (0, 0)),
        ],
        out_specs=pl.BlockSpec((BB, 1), lambda i: (i, 0)),
        out_shape=jax.ShapeDtypeStruct((Bh, 1), jnp.float32),
    )(u, uid, evs3, r0, r1, rel, W0, b0, W1, b1)
    return out.reshape(Bh)


def kernel(user_ids, item_ids, adj_entity, adj_relation, user_emb,
           entity_emb, relation_emb, W0, b0, W1, b1):
    item_ids = item_ids.astype(jnp.int32)
    user_ids = user_ids.astype(jnp.int32)
    fused_adj = jnp.concatenate(
        [adj_entity.astype(jnp.int32), adj_relation.astype(jnp.int32)], axis=1)

    user_pairs = user_emb.reshape(user_emb.shape[0] // 2, 2 * D)
    er1, u = _sc_gather_multi(
        [(fused_adj, item_ids), (user_pairs, user_ids >> 1)])
    e1 = er1[:, :K].reshape(-1)
    r0 = er1[:, K:]

    er2, = _sc_gather_multi([(fused_adj, e1)])
    e2 = er2[:, :K].reshape(-1)
    r1 = er2[:, K:]

    nblk = B // BB
    e2o = e2.reshape(nblk, BB, 8, 4, 2).transpose(0, 3, 1, 2, 4).reshape(nblk, BB * 64)
    e1o = e1.reshape(nblk, BB, 4, 2).transpose(0, 2, 1, 3).reshape(nblk, BB * 8)
    all_idx = jnp.concatenate(
        [e2o, e1o, item_ids.reshape(nblk, BB)], axis=1)

    Bh = B // 4
    nh = nblk // 4
    uid = user_ids.reshape(B, 1)
    outs = []
    for h in range(4):
        idx_h = all_idx[h * nh:(h + 1) * nh].reshape(-1)
        evs, = _sc_gather_multi([(entity_emb, idx_h)])
        evs3 = evs.reshape(Bh * 73 // 16, 8, 128)
        sl = slice(h * Bh, (h + 1) * Bh)
        sl8 = slice(h * Bh * 8, (h + 1) * Bh * 8)
        outs.append(_tc_dense(u[sl], uid[sl], evs3, r0[sl], r1[sl8],
                              relation_emb, W0, b0.reshape(1, D), W1,
                              b1.reshape(1, D), Bh=Bh))
    return jnp.concatenate(outs)

# --- scband reference (transcript-rebuilt; emitter-appended) ---
"""Pipeline reference for scband-kgnn-ls-torch-13434657702674 (READ-ONLY COPY).

The authoritative reference and input builder live on the scoring server;
editing this copy changes nothing except your own understanding.
"""

import jax, jax.numpy as jnp
import numpy as np

N_USER = 100000
N_ENTITY = 100000
N_REL = 32
D = 64
K = 8
N_ITER = 2
B = 4096


def setup_inputs(seed: int = 0) -> dict:
    key = jax.random.key(seed)
    ks = jax.random.split(key, 12)
    user_ids = jax.random.randint(ks[0], (B,), 0, N_USER)
    item_ids = jax.random.randint(ks[1], (B,), 0, N_ENTITY)
    adj_entity = jax.random.randint(ks[2], (N_ENTITY, K), 0, N_ENTITY)
    adj_relation = jax.random.randint(ks[3], (N_ENTITY, K), 0, N_REL)
    s = float(1.0 / np.sqrt(D))
    user_emb = jax.random.uniform(ks[4], (N_USER, D), minval=-s, maxval=s, dtype=jnp.float32)
    entity_emb = jax.random.uniform(ks[5], (N_ENTITY, D), minval=-s, maxval=s, dtype=jnp.float32)
    relation_emb = jax.random.uniform(ks[6], (N_REL, D), minval=-s, maxval=s, dtype=jnp.float32)
    W0 = jax.random.uniform(ks[7], (D, D), minval=-s, maxval=s, dtype=jnp.float32)
    b0 = jnp.zeros((D,), dtype=jnp.float32)
    W1 = jax.random.uniform(ks[8], (D, D), minval=-s, maxval=s, dtype=jnp.float32)
    b1 = jnp.zeros((D,), dtype=jnp.float32)
    return {
        'user_ids': user_ids,
        'item_ids': item_ids,
        'adj_entity': adj_entity,
        'adj_relation': adj_relation,
        'user_emb': user_emb,
        'entity_emb': entity_emb,
        'relation_emb': relation_emb,
        'W0': W0, 'b0': b0, 'W1': W1, 'b1': b1,
    }


def reference(user_ids, item_ids, adj_entity, adj_relation, user_emb, entity_emb, relation_emb, W0, b0, W1, b1):
    Bn = user_ids.shape[0]
    # _get_neighbors: multi-hop sampled neighborhood expansion (gathers)
    seeds = item_ids.reshape(-1, 1)
    entities = [seeds]
    relations = []
    for _ in range(N_ITER):
        e_prev = entities[-1]
        entities.append(jnp.take(adj_entity, e_prev, axis=0).reshape(Bn, -1))
        relations.append(jnp.take(adj_relation, e_prev, axis=0).reshape(Bn, -1))
    # embedding lookups
    u = jnp.take(user_emb, user_ids, axis=0)  # [B, D]
    ev = [jnp.take(entity_emb, e, axis=0) for e in entities]
    rv = [jnp.take(relation_emb, r, axis=0) for r in relations]
    params = [(W0, b0), (W1, b1)]
    # _aggregate with SumAggregator per iteration
    for i in range(N_ITER):
        W, bb = params[i]
        last = (i == N_ITER - 1)
        nxt = []
        for hop in range(N_ITER - i):
            self_vec = ev[hop]  # [B, L, D]
            L = self_vec.shape[1]
            neigh_vec = ev[hop + 1].reshape(Bn, L, K, D)
            neigh_rel = rv[hop].reshape(Bn, L, K, D)
            uu = u.reshape(Bn, 1, 1, D)
            scores = jnp.mean(uu * neigh_rel, axis=-1)  # [B, L, K]
            scores = jax.nn.softmax(scores, axis=-1)[..., None]
            agg = jnp.mean(scores * neigh_vec, axis=2)  # [B, L, D]
            out = self_vec + agg
            out = (out.reshape(Bn * L, D) @ W.T + bb).reshape(Bn, L, D)
            out = jnp.tanh(out) if last else jax.nn.relu(out)
            nxt.append(out)
        ev = nxt
    i_emb = ev[0].reshape(Bn, D)
    return jnp.sum(u * i_emb, axis=1)

if __name__ == "__main__":
    import jax
    _d = setup_inputs()
    print(jax.jit(kernel)(*tuple(_d.values())))

</pallas_src>

<mosaic_0001>
#map = affine_map<(d0, d1) -> (0, 0)>
module attributes {stable_mosaic.version = 14 : i64} {
  func.func @k(%arg0: i32, %arg1: i32, %arg2: memref<100000x64xf32, #tpu.memory_space<hbm>>, %arg3: memref<1x74752xi32, #tpu.memory_space<hbm>>, %arg4: memref<74752x64xf32, #tpu.memory_space<hbm>>) attributes {dimension_semantics = [#tpu.dimension_semantics<core_parallel>, #tpu.dimension_semantics<subcore_parallel>], iteration_bounds = array<i64: 2, 16>, scalar_prefetch = 0 : i64, scratch_operands = 0 : i64, tpu.core_type = #tpu.core_type<sc_vector_subcore>, window_params = [{transform_indices = #map}, {transform_indices = #map}, {transform_indices = #map}]} {
    %mul3A = arith.constant 1 : i32
    %mul3A_0 = arith.muli %arg1, %mul3A : i32
    %add3A = arith.constant 0 : i32
    %add3A_1 = arith.addi %add3A, %mul3A_0 : i32
    %mul3A_2 = arith.constant 16 : i32
    %mul3A_3 = arith.muli %arg0, %mul3A_2 : i32
    %add3A_4 = arith.addi %add3A_1, %mul3A_3 : i32
    %lt3A = arith.constant 8 : i32
    %lt3A_5 = arith.cmpi slt, %add3A_4, %lt3A : i32
    %jit3A = arith.constant 19 : i32
    %jit3A_6 = arith.constant 18 : i32
    %select_n3A = arith.select %lt3A_5, %jit3A, %jit3A_6 : i32
    %lt3A_7 = arith.constant 8 : i32
    %lt3A_8 = arith.cmpi slt, %add3A_4, %lt3A_7 : i32
    %mul3A_9 = arith.muli %add3A_4, %select_n3A : i32
    %mul3A_10 = arith.constant 18 : i32
    %mul3A_11 = arith.muli %add3A_4, %mul3A_10 : i32
    %add3A_12 = arith.constant 8 : i32
    %add3A_13 = arith.addi %mul3A_11, %add3A_12 : i32
    %select_n3A_14 = arith.select %lt3A_8, %mul3A_9, %add3A_13 : i32
    %mul3A_15 = arith.constant 1 : i32
    %mul3A_16 = arith.muli %mul3A_15, %select_n3A : i32
    "tpu.region"() ({
      %run_scoped3A = memref.alloca() : memref<2x1x128xi32, #tpu.memory_space<vmem>>
      %run_scoped3A_17 = tpu.sem_alloc : memref<2x!tpu.dma_semaphore, #tpu.memory_space<semaphore_mem>>
      %run_scoped3A_18 = memref.alloca() : memref<2x128x64xf32, #tpu.memory_space<vmem>>
      %run_scoped3A_19 = tpu.sem_alloc : memref<2x!tpu.dma_semaphore, #tpu.memory_space<semaphore_mem>>
      %gt3A = arith.constant 0 : i32
      %gt3A_20 = arith.cmpi sgt, %mul3A_16, %gt3A : i32
      %convert_element_type3A = arith.extui %gt3A_20 : i1 to i32
      %cond3A = arith.constant 0 : i32
      %cond3A_21 = arith.cmpi ne, %convert_element_type3A, %cond3A : i32
      scf.if %cond3A_21 {
        %mul3A_22 = arith.constant 1 : i32
        %mul3A_23 = arith.muli %mul3A_22, %select_n3A : i32
        %sub3A = arith.constant 1 : i32
        %sub3A_24 = arith.subi %mul3A_23, %sub3A : i32
        %eq3A = arith.constant 0 : i32
        %eq3A_25 = arith.cmpi eq, %sub3A_24, %eq3A : i32
        %add3A_26 = arith.constant 0 : i32
        %add3A_27 = arith.addi %add3A_26, %select_n3A_14 : i32
        %select_n3A_28 = arith.constant true
        %select_n3A_29 = arith.constant 0 : i32
        %select_n3A_30 = arith.constant -1 : i32
        %select_n3A_31 = arith.select %select_n3A_28, %select_n3A_30, %select_n3A_29 : i32
        %eq3A_32 = arith.constant -1 : i32
        %eq3A_33 = arith.cmpi eq, %select_n3A_31, %eq3A_32 : i32
        %sub3A_34 = arith.constant 1 : i32
        %sub3A_35 = arith.subi %select_n3A, %sub3A_34 : i32
        %select_n3A_36 = arith.select %eq3A_33, %sub3A_35, %select_n3A_31 : i32
        %add3A_37 = arith.addi %select_n3A_36, %select_n3A_14 : i32
        %select_n3A_38 = arith.constant true
        %select_n3A_39 = arith.constant 0 : i32
        %select_n3A_40 = arith.constant 1 : i32
        %select_n3A_41 = arith.select %select_n3A_38, %select_n3A_40, %select_n3A_39 : i32
        %eq3A_42 = arith.cmpi eq, %select_n3A_41, %select_n3A : i32
        %select_n3A_43 = arith.constant 0 : i32
        %select_n3A_44 = arith.select %eq3A_42, %select_n3A_43, %select_n3A_41 : i32
        %add3A_45 = arith.addi %select_n3A_44, %select_n3A_14 : i32
        %add3A_46 = arith.constant 1 : i32
        %add3A_47 = arith.addi %select_n3A_44, %add3A_46 : i32
        %select_n3A_48 = arith.constant true
        %select_n3A_49 = arith.select %select_n3A_48, %add3A_47, %select_n3A_44 : i32
        %eq3A_50 = arith.cmpi eq, %select_n3A_49, %select_n3A : i32
        %select_n3A_51 = arith.constant 0 : i32
        %select_n3A_52 = arith.select %eq3A_50, %select_n3A_51, %select_n3A_49 : i32
        %add3A_53 = arith.addi %select_n3A_52, %select_n3A_14 : i32
        "tpu.trace_start"() <{level = 10 : i32, message = "ep_initialize_0"}> : () -> ()
        %rem3A = arith.constant 0 : i32
        %rem3A_54 = arith.constant 2 : i32
        %rem3A_55 = arith.remui %rem3A, %rem3A_54 : i32
        %mul3A_56 = arith.constant 128 : i32
        %mul3A_57 = arith.muli %mul3A_56, %add3A_27 : i32
        %dma_start3A = arith.constant 0 : i32
        %dma_start3A_58 = arith.constant 0 : i32
        %dma_start3A_59 = tpu.memref_slice %run_scoped3A[%rem3A_55, %dma_start3A, %dma_start3A_58] : memref<2x1x128xi32, #tpu.memory_space<vmem>> -> memref<1x1x128xi32, #tpu.memory_space<vmem>>
        %dma_start3A_60 = tpu.memref_squeeze %dma_start3A_59 : memref<1x1x128xi32, #tpu.memory_space<vmem>> -> memref<1x128xi32, #tpu.memory_space<vmem>>
        %dma_start3A_61 = arith.constant 0 : i32
        %dma_start3A_62 = tpu.memref_slice %arg3[%dma_start3A_61, %mul3A_57] : memref<1x74752xi32, #tpu.memory_space<hbm>> -> memref<1x128xi32, #tpu.memory_space<hbm>>
        %dma_start3A_63 = tpu.memref_slice %run_scoped3A_17[%rem3A_55] : memref<2x!tpu.dma_semaphore, #tpu.memory_space<semaphore_mem>> -> memref<1x!tpu.dma_semaphore, #tpu.memory_space<semaphore_mem>>
        %dma_start3A_64 = tpu.memref_squeeze %dma_start3A_63 : memref<1x!tpu.dma_semaphore, #tpu.memory_space<semaphore_mem>> -> memref<!tpu.dma_semaphore, #tpu.memory_space<semaphore_mem>>
        %dma_start3A_65 = arith.constant 0 : i32
        %dma_start3A_66 = arith.constant 0 : i32
        %dma_start3A_67 = tpu.memref_slice %run_scoped3A[%rem3A_55, %dma_start3A_65, %dma_start3A_66] : memref<2x1x128xi32, #tpu.memory_space<vmem>> -> memref<1x1x128xi32, #tpu.memory_space<vmem>>
        %dma_start3A_68 = tpu.memref_squeeze %dma_start3A_67 : memref<1x1x128xi32, #tpu.memory_space<vmem>> -> memref<1x128xi32, #tpu.memory_space<vmem>>
        %dma_start3A_69 = arith.constant 0 : i32
        %dma_start3A_70 = tpu.memref_slice %arg3[%dma_start3A_69, %mul3A_57] : memref<1x74752xi32, #tpu.memory_space<hbm>> -> memref<1x128xi32, #tpu.memory_space<hbm>>
        tpu.enqueue_dma source(%dma_start3A_70 : memref<1x128xi32, #tpu.memory_space<hbm>>) target(%dma_start3A_68 : memref<1x128xi32, #tpu.memory_space<vmem>>) target_semaphore(%dma_start3A_64 : memref<!tpu.dma_semaphore, #tpu.memory_space<semaphore_mem>>)
        %add3A_71 = arith.constant 0 : i32
        %add3A_72 = arith.constant 1 : i32
        %add3A_73 = arith.addi %add3A_71, %add3A_72 : i32
        %select_n3A_74 = arith.constant true
        %select_n3A_75 = arith.constant 0 : i32
        %select_n3A_76 = arith.select %select_n3A_74, %add3A_73, %select_n3A_75 : i32
        %while3A = arith.constant 0 : i32
        %while3A_77 = arith.constant 0 : i32
        %while3A_78 = arith.constant 0 : i32
        %while3A_79 = arith.constant 0 : i32
        %while3A_80 = arith.constant 0 : i32
        "tpu.trace_stop"() : () -> ()
        %while3A_81 = arith.subi %mul3A_16, %while3A : i32
        %while3A_82 = arith.addi %while3A, %while3A_81 : i32
        %while3A_83 = arith.constant 1 : i32
        %while3A_84 = arith.divsi %while3A_81, %while3A_83 : i32
        %while3A_85 = arith.muli %while3A_84, %while3A_83 : i32
        %while3A_86 = arith.addi %while3A, %while3A_85 : i32
        %while3A_87 = arith.constant 1 : i32
        %while3A_88:5 = scf.for %while3A_142 = %while3A to %while3A_86 step %while3A_87 iter_args(%while3A_143 = %select_n3A_76, %while3A_144 = %while3A_77, %while3A_145 = %while3A_78, %while3A_146 = %while3A_79, %while3A_147 = %while3A_80) -> (i32, i32, i32, i32, i32)  : i32 {
          %mul3A_148 = arith.constant 1 : i32
          %mul3A_149 = arith.muli %mul3A_148, %select_n3A : i32
          %eq3A_150 = arith.constant 0 : i32
          %eq3A_151 = arith.cmpi eq, %while3A_142, %eq3A_150 : i32
          %sub3A_152 = arith.constant 1 : i32
          %sub3A_153 = arith.subi %mul3A_149, %sub3A_152 : i32
          %eq3A_154 = arith.cmpi eq, %while3A_142, %sub3A_153 : i32
          %add3A_155 = arith.addi %while3A_147, %select_n3A_14 : i32
          %sub3A_156 = arith.constant 1 : i32
          %sub3A_157 = arith.subi %while3A_147, %sub3A_156 : i32
          %select_n3A_158 = arith.constant true
          %select_n3A_159 = arith.select %select_n3A_158, %sub3A_157, %while3A_147 : i32
          %eq3A_160 = arith.constant -1 : i32
          %eq3A_161 = arith.cmpi eq, %select_n3A_159, %eq3A_160 : i32
          %sub3A_162 = arith.constant 1 : i32
          %sub3A_163 = arith.subi %select_n3A, %sub3A_162 : i32
          %select_n3A_164 = arith.select %eq3A_161, %sub3A_163, %select_n3A_159 : i32
          %add3A_165 = arith.addi %select_n3A_164, %select_n3A_14 : i32
          %add3A_166 = arith.constant 1 : i32
          %add3A_167 = arith.addi %while3A_147, %add3A_166 : i32
          %select_n3A_168 = arith.constant true
          %select_n3A_169 = arith.select %select_n3A_168, %add3A_167, %while3A_147 : i32
          %eq3A_170 = arith.cmpi eq, %select_n3A_169, %select_n3A : i32
          %select_n3A_171 = arith.constant 0 : i32
          %select_n3A_172 = arith.select %eq3A_170, %select_n3A_171, %select_n3A_169 : i32
          %add3A_173 = arith.addi %select_n3A_172, %select_n3A_14 : i32
          %add3A_174 = arith.constant 1 : i32
          %add3A_175 = arith.addi %select_n3A_172, %add3A_174 : i32
          %select_n3A_176 = arith.constant true
          %select_n3A_177 = arith.select %select_n3A_176, %add3A_175, %select_n3A_172 : i32
          %eq3A_178 = arith.cmpi eq, %select_n3A_177, %select_n3A : i32
          %select_n3A_179 = arith.constant 0 : i32
          %select_n3A_180 = arith.select %eq3A_178, %select_n3A_179, %select_n3A_177 : i32
          %add3A_181 = arith.addi %select_n3A_180, %select_n3A_14 : i32
          %ne3A = arith.cmpi ne, %add3A_155, %add3A_173 : i32
          %or3A = arith.constant false
          %or3A_182 = arith.ori %or3A, %ne3A : i1
          %sub3A_183 = arith.constant 2 : i32
          %sub3A_184 = arith.subi %mul3A_149, %sub3A_183 : i32
          %add3A_185 = arith.constant 1 : i32
          %add3A_186 = arith.addi %sub3A_184, %add3A_185 : i32
          %ge3A = arith.cmpi sge, %while3A_142, %add3A_186 : i32
          %not3A = arith.constant true
          %not3A_187 = arith.xori %ge3A, %not3A : i1
          %and3A = arith.andi %or3A_182, %not3A_187 : i1
          %convert_element_type3A_188 = arith.extui %and3A : i1 to i32
          %cond3A_189 = arith.constant 0 : i32
          %cond3A_190 = arith.cmpi ne, %convert_element_type3A_188, %cond3A_189 : i32
          scf.if %cond3A_190 {
            "tpu.trace_start"() <{level = 10 : i32, message = "ep_copy_in"}> : () -> ()
            %rem3A_294 = arith.constant 2 : i32
            %rem3A_295 = arith.remui %while3A_143, %rem3A_294 : i32
            %mul3A_296 = arith.constant 128 : i32
            %mul3A_297 = arith.muli %mul3A_296, %add3A_173 : i32
            %dma_start3A_298 = arith.constant 0 : i32
            %dma_start3A_299 = arith.constant 0 : i32
            %dma_start3A_300 = tpu.memref_slice %run_scoped3A[%rem3A_295, %dma_start3A_298, %dma_start3A_299] : memref<2x1x128xi32, #tpu.memory_space<vmem>> -> memref<1x1x128xi32, #tpu.memory_space<vmem>>
            %dma_start3A_301 = tpu.memref_squeeze %dma_start3A_300 : memref<1x1x128xi32, #tpu.memory_space<vmem>> -> memref<1x128xi32, #tpu.memory_space<vmem>>
            %dma_start3A_302 = arith.constant 0 : i32
            %dma_start3A_303 = tpu.memref_slice %arg3[%dma_start3A_302, %mul3A_297] : memref<1x74752xi32, #tpu.memory_space<hbm>> -> memref<1x128xi32, #tpu.memory_space<hbm>>
            %dma_start3A_304 = tpu.memref_slice %run_scoped3A_17[%rem3A_295] : memref<2x!tpu.dma_semaphore, #tpu.memory_space<semaphore_mem>> -> memref<1x!tpu.dma_semaphore, #tpu.memory_space<semaphore_mem>>
            %dma_start3A_305 = tpu.memref_squeeze %dma_start3A_304 : memref<1x!tpu.dma_semaphore, #tpu.memory_space<semaphore_mem>> -> memref<!tpu.dma_semaphore, #tpu.memory_space<semaphore_mem>>
            %dma_start3A_306 = arith.constant 0 : i32
            %dma_start3A_307 = arith.constant 0 : i32
            %dma_start3A_308 = tpu.memref_slice %run_scoped3A[%rem3A_295, %dma_start3A_306, %dma_start3A_307] : memref<2x1x128xi32, #tpu.memory_space<vmem>> -> memref<1x1x128xi32, #tpu.memory_space<vmem>>
            %dma_start3A_309 = tpu.memref_squeeze %dma_start3A_308 : memref<1x1x128xi32, #tpu.memory_space<vmem>> -> memref<1x128xi32, #tpu.memory_space<vmem>>
            %dma_start3A_310 = arith.constant 0 : i32
            %dma_start3A_311 = tpu.memref_slice %arg3[%dma_start3A_310, %mul3A_297] : memref<1x74752xi32, #tpu.memory_space<hbm>> -> memref<1x128xi32, #tpu.memory_space<hbm>>
            tpu.enqueue_dma source(%dma_start3A_311 : memref<1x128xi32, #tpu.memory_space<hbm>>) target(%dma_start3A_309 : memref<1x128xi32, #tpu.memory_space<vmem>>) target_semaphore(%dma_start3A_305 : memref<!tpu.dma_semaphore, #tpu.memory_space<semaphore_mem>>)
            "tpu.trace_stop"() : () -> ()
          } else {
          }
          %and3A_191 = arith.constant true
          %and3A_192 = arith.andi %and3A, %and3A_191 : i1
          %add3A_193 = arith.constant 1 : i32
          %add3A_194 = arith.addi %while3A_143, %add3A_193 : i32
          %select_n3A_195 = arith.select %and3A_192, %add3A_194, %while3A_143 : i32
          %ne3A_196 = arith.cmpi ne, %add3A_155, %add3A_173 : i32
          %or3A_197 = arith.constant false
          %or3A_198 = arith.ori %or3A_197, %ne3A_196 : i1
          %or3A_199 = arith.constant false
          %or3A_200 = arith.ori %or3A_198, %or3A_199 : i1
          %sub3A_201 = arith.constant 2 : i32
          %sub3A_202 = arith.subi %mul3A_149, %sub3A_201 : i32
          %add3A_203 = arith.constant 1 : i32
          %add3A_204 = arith.addi %sub3A_202, %add3A_203 : i32
          %ge3A_205 = arith.cmpi sge, %while3A_142, %add3A_204 : i32
          %not3A_206 = arith.constant true
          %not3A_207 = arith.xori %ge3A_205, %not3A_206 : i1
          %and3A_208 = arith.andi %or3A_200, %not3A_207 : i1
          %ne3A_209 = arith.cmpi ne, %add3A_155, %add3A_165 : i32
          %or3A_210 = arith.constant false
          %or3A_211 = arith.ori %or3A_210, %ne3A_209 : i1
          %or3A_212 = arith.ori %or3A_211, %eq3A_151 : i1
          %convert_element_type3A_213 = arith.extui %or3A_212 : i1 to i32
          %cond3A_214 = arith.constant 0 : i32
          %cond3A_215 = arith.cmpi ne, %convert_element_type3A_213, %cond3A_214 : i32
          scf.if %cond3A_215 {
            "tpu.trace_start"() <{level = 10 : i32, message = "ep_wait_in"}> : () -> ()
            %mul3A_294 = arith.constant 128 : i32
            %mul3A_295 = arith.muli %mul3A_294, %add3A_155 : i32
            %rem3A_296 = arith.constant 2 : i32
            %rem3A_297 = arith.remui %while3A_144, %rem3A_296 : i32
            %dma_wait3A = arith.constant 0 : i32
            %dma_wait3A_298 = arith.constant 0 : i32
            %dma_wait3A_299 = tpu.memref_slice %run_scoped3A[%rem3A_297, %dma_wait3A, %dma_wait3A_298] : memref<2x1x128xi32, #tpu.memory_space<vmem>> -> memref<1x1x128xi32, #tpu.memory_space<vmem>>
            %dma_wait3A_300 = tpu.memref_squeeze %dma_wait3A_299 : memref<1x1x128xi32, #tpu.memory_space<vmem>> -> memref<1x128xi32, #tpu.memory_space<vmem>>
            %dma_wait3A_301 = arith.constant 0 : i32
            %dma_wait3A_302 = tpu.memref_slice %arg3[%dma_wait3A_301, %mul3A_295] : memref<1x74752xi32, #tpu.memory_space<hbm>> -> memref<1x128xi32, #tpu.memory_space<hbm>>
            %dma_wait3A_303 = tpu.memref_slice %run_scoped3A_17[%rem3A_297] : memref<2x!tpu.dma_semaphore, #tpu.memory_space<semaphore_mem>> -> memref<1x!tpu.dma_semaphore, #tpu.memory_space<semaphore_mem>>
            %dma_wait3A_304 = tpu.memref_squeeze %dma_wait3A_303 : memref<1x!tpu.dma_semaphore, #tpu.memory_space<semaphore_mem>> -> memref<!tpu.dma_semaphore, #tpu.memory_space<semaphore_mem>>
            %dma_wait3A_305 = arith.constant 0 : i32
            %dma_wait3A_306 = arith.constant 0 : i32
            %dma_wait3A_307 = tpu.memref_slice %run_scoped3A[%rem3A_297, %dma_wait3A_305, %dma_wait3A_306] : memref<2x1x128xi32, #tpu.memory_space<vmem>> -> memref<1x1x128xi32, #tpu.memory_space<vmem>>
            %dma_wait3A_308 = tpu.memref_squeeze %dma_wait3A_307 : memref<1x1x128xi32, #tpu.memory_space<vmem>> -> memref<1x128xi32, #tpu.memory_space<vmem>>
            %dma_wait3A_309 = arith.constant 0 : i32
            %dma_wait3A_310 = tpu.memref_slice %arg3[%dma_wait3A_309, %mul3A_295] : memref<1x74752xi32, #tpu.memory_space<hbm>> -> memref<1x128xi32, #tpu.memory_space<hbm>>
            tpu.wait_dma2 semaphore(%dma_wait3A_304 : memref<!tpu.dma_semaphore, #tpu.memory_space<semaphore_mem>>) src(%dma_wait3A_310 : memref<1x128xi32, #tpu.memory_space<hbm>>) dst(%dma_wait3A_308 : memref<1x128xi32, #tpu.memory_space<vmem>>)
            "tpu.trace_stop"() : () -> ()
          } else {
          }
          %ne3A_216 = arith.cmpi ne, %add3A_155, %add3A_165 : i32
          %or3A_217 = arith.constant false
          %or3A_218 = arith.ori %or3A_217, %ne3A_216 : i1
          %or3A_219 = arith.constant false
          %or3A_220 = arith.ori %or3A_218, %or3A_219 : i1
          %or3A_221 = arith.ori %or3A_220, %eq3A_151 : i1
          %convert_element_type3A_222 = arith.extui %or3A_221 : i1 to i32
          %cond3A_223 = arith.constant 0 : i32
          %cond3A_224 = arith.cmpi ne, %convert_element_type3A_222, %cond3A_223 : i32
          scf.if %cond3A_224 {
          } else {
          }
          %rem3A_225 = arith.constant 2 : i32
          %rem3A_226 = arith.remui %while3A_144, %rem3A_225 : i32
          %rem3A_227 = arith.constant 2 : i32
          %rem3A_228 = arith.remui %while3A_145, %rem3A_227 : i32
          %run_scoped3A_229 = arith.constant 0 : i32
          "tpu.trace_start"() <{level = 10 : i32, message = "ep_run_kernel"}> : () -> ()
          "tpu.region"() ({
            %run_scoped3A_294 = tpu.sem_alloc : memref<!tpu.dma_semaphore, #tpu.memory_space<semaphore_mem>>
            %dma_start3A_295 = arith.constant 0 : i32
            %dma_start3A_296 = arith.constant 0 : i32
            %dma_start3A_297 = tpu.memref_slice %run_scoped3A_18[%rem3A_228, %dma_start3A_295, %dma_start3A_296] : memref<2x128x64xf32, #tpu.memory_space<vmem>> -> memref<1x128x64xf32, #tpu.memory_space<vmem>>
            %dma_start3A_298 = tpu.memref_squeeze %dma_start3A_297 : memref<1x128x64xf32, #tpu.memory_space<vmem>> -> memref<128x64xf32, #tpu.memory_space<vmem>>
            %dma_start3A_299 = arith.constant 0 : i32
            %dma_start3A_300 = arith.constant 0 : i32
            %dma_start3A_301 = tpu.memref_slice %run_scoped3A[%rem3A_226, %dma_start3A_299, %dma_start3A_300] : memref<2x1x128xi32, #tpu.memory_space<vmem>> -> memref<1x1x128xi32, #tpu.memory_space<vmem>>
            %dma_start3A_302 = tpu.memref_squeeze %dma_start3A_301 : memref<1x1x128xi32, #tpu.memory_space<vmem>> -> memref<1x128xi32, #tpu.memory_space<vmem>>
            %dma_start3A_303 = arith.constant 0 : i32
            %dma_start3A_304 = tpu.memref_slice %dma_start3A_302[%run_scoped3A_229, %dma_start3A_303] : memref<1x128xi32, #tpu.memory_space<vmem>> -> memref<1x128xi32, #tpu.memory_space<vmem>>
            %dma_start3A_305 = tpu.memref_squeeze %dma_start3A_304 : memref<1x128xi32, #tpu.memory_space<vmem>> -> memref<128xi32, #tpu.memory_space<vmem>>
            %dma_start3A_306 = arith.constant 0 : i32
            %dma_start3A_307 = arith.constant 0 : i32
            %dma_start3A_308 = tpu.memref_slice %arg2[%dma_start3A_306, %dma_start3A_307] : memref<100000x64xf32, #tpu.memory_space<hbm>> -> memref<100000x64xf32, #tpu.memory_space<hbm>>
            tpu.enqueue_indirect_dma source(%dma_start3A_308 : memref<100000x64xf32, #tpu.memory_space<hbm>>) target(%dma_start3A_298 : memref<128x64xf32, #tpu.memory_space<vmem>>) offsets(%dma_start3A_305 : memref<128xi32, #tpu.memory_space<vmem>>) semaphore(%run_scoped3A_294 : memref<!tpu.dma_semaphore, #tpu.memory_space<semaphore_mem>>)
            %dma_wait3A = arith.constant 0 : i32
            %dma_wait3A_309 = arith.constant 0 : i32
            %dma_wait3A_310 = tpu.memref_slice %run_scoped3A_18[%rem3A_228, %dma_wait3A, %dma_wait3A_309] : memref<2x128x64xf32, #tpu.memory_space<vmem>> -> memref<1x128x64xf32, #tpu.memory_space<vmem>>
            %dma_wait3A_311 = tpu.memref_squeeze %dma_wait3A_310 : memref<1x128x64xf32, #tpu.memory_space<vmem>> -> memref<128x64xf32, #tpu.memory_space<vmem>>
            %dma_wait3A_312 = arith.constant 0 : i32
            %dma_wait3A_313 = arith.constant 0 : i32
            %dma_wait3A_314 = tpu.memref_slice %run_scoped3A[%rem3A_226, %dma_wait3A_312, %dma_wait3A_313] : memref<2x1x128xi32, #tpu.memory_space<vmem>> -> memref<1x1x128xi32, #tpu.memory_space<vmem>>
            %dma_wait3A_315 = tpu.memref_squeeze %dma_wait3A_314 : memref<1x1x128xi32, #tpu.memory_space<vmem>> -> memref<1x128xi32, #tpu.memory_space<vmem>>
            %dma_wait3A_316 = arith.constant 0 : i32
            %dma_wait3A_317 = tpu.memref_slice %dma_wait3A_315[%run_scoped3A_229, %dma_wait3A_316] : memref<1x128xi32, #tpu.memory_space<vmem>> -> memref<1x128xi32, #tpu.memory_space<vmem>>
            %dma_wait3A_318 = tpu.memref_squeeze %dma_wait3A_317 : memref<1x128xi32, #tpu.memory_space<vmem>> -> memref<128xi32, #tpu.memory_space<vmem>>
            %dma_wait3A_319 = arith.constant 0 : i32
            %dma_wait3A_320 = arith.constant 0 : i32
            %dma_wait3A_321 = tpu.memref_slice %arg2[%dma_wait3A_319, %dma_wait3A_320] : memref<100000x64xf32, #tpu.memory_space<hbm>> -> memref<100000x64xf32, #tpu.memory_space<hbm>>
            tpu.wait_indirect_dma semaphore(%run_scoped3A_294 : memref<!tpu.dma_semaphore, #tpu.memory_space<semaphore_mem>>) src(%dma_wait3A_321 : memref<100000x64xf32, #tpu.memory_space<hbm>>) dst(%dma_wait3A_311 : memref<128x64xf32, #tpu.memory_space<vmem>>)
            tpu.yield
          }) : () -> ()
          "tpu.trace_stop"() : () -> ()
          %ne3A_230 = arith.cmpi ne, %add3A_155, %add3A_173 : i32
          %or3A_231 = arith.constant false
          %or3A_232 = arith.ori %or3A_231, %ne3A_230 : i1
          %or3A_233 = arith.ori %or3A_232, %eq3A_154 : i1
          %convert_element_type3A_234 = arith.extui %or3A_233 : i1 to i32
          %cond3A_235 = arith.constant 0 : i32
          %cond3A_236 = arith.cmpi ne, %convert_element_type3A_234, %cond3A_235 : i32
          scf.if %cond3A_236 {
          } else {
          }
          %and3A_237 = arith.constant false
          %and3A_238 = arith.andi %or3A_233, %and3A_237 : i1
          %ne3A_239 = arith.cmpi ne, %add3A_155, %add3A_173 : i32
          %or3A_240 = arith.constant false
          %or3A_241 = arith.ori %or3A_240, %ne3A_239 : i1
          %or3A_242 = arith.constant false
          %or3A_243 = arith.ori %or3A_241, %or3A_242 : i1
          %or3A_244 = arith.ori %or3A_243, %eq3A_154 : i1
          %convert_element_type3A_245 = arith.extui %or3A_244 : i1 to i32
          %cond3A_246 = arith.constant 0 : i32
          %cond3A_247 = arith.cmpi ne, %convert_element_type3A_245, %cond3A_246 : i32
          scf.if %cond3A_247 {
            "tpu.trace_start"() <{level = 10 : i32, message = "ep_copy_out"}> : () -> ()
            %rem3A_294 = arith.constant 2 : i32
            %rem3A_295 = arith.remui %while3A_145, %rem3A_294 : i32
            %mul3A_296 = arith.constant 128 : i32
            %mul3A_297 = arith.muli %mul3A_296, %add3A_155 : i32
            %dma_start3A_298 = arith.constant 0 : i32
            %dma_start3A_299 = arith.constant 0 : i32
            %dma_start3A_300 = tpu.memref_slice %run_scoped3A_18[%rem3A_295, %dma_start3A_298, %dma_start3A_299] : memref<2x128x64xf32, #tpu.memory_space<vmem>> -> memref<1x128x64xf32, #tpu.memory_space<vmem>>
            %dma_start3A_301 = tpu.memref_squeeze %dma_start3A_300 : memref<1x128x64xf32, #tpu.memory_space<vmem>> -> memref<128x64xf32, #tpu.memory_space<vmem>>
            %dma_start3A_302 = arith.constant 0 : i32
            %dma_start3A_303 = tpu.memref_slice %arg4[%mul3A_297, %dma_start3A_302] : memref<74752x64xf32, #tpu.memory_space<hbm>> -> memref<128x64xf32, #tpu.memory_space<hbm>>
            %dma_start3A_304 = tpu.memref_slice %run_scoped3A_19[%rem3A_295] : memref<2x!tpu.dma_semaphore, #tpu.memory_space<semaphore_mem>> -> memref<1x!tpu.dma_semaphore, #tpu.memory_space<semaphore_mem>>
            %dma_start3A_305 = tpu.memref_squeeze %dma_start3A_304 : memref<1x!tpu.dma_semaphore, #tpu.memory_space<semaphore_mem>> -> memref<!tpu.dma_semaphore, #tpu.memory_space<semaphore_mem>>
            %dma_start3A_306 = arith.constant 0 : i32
            %dma_start3A_307 = tpu.memref_slice %arg4[%mul3A_297, %dma_start3A_306] : memref<74752x64xf32, #tpu.memory_space<hbm>> -> memref<128x64xf32, #tpu.memory_space<hbm>>
            %dma_start3A_308 = arith.constant 0 : i32
            %dma_start3A_309 = arith.constant 0 : i32
            %dma_start3A_310 = tpu.memref_slice %run_scoped3A_18[%rem3A_295, %dma_start3A_308, %dma_start3A_309] : memref<2x128x64xf32, #tpu.memory_space<vmem>> -> memref<1x128x64xf32, #tpu.memory_space<vmem>>
            %dma_start3A_311 = tpu.memref_squeeze %dma_start3A_310 : memref<1x128x64xf32, #tpu.memory_space<vmem>> -> memref<128x64xf32, #tpu.memory_space<vmem>>
            tpu.enqueue_dma source(%dma_start3A_311 : memref<128x64xf32, #tpu.memory_space<vmem>>) target(%dma_start3A_307 : memref<128x64xf32, #tpu.memory_space<hbm>>) target_semaphore(%dma_start3A_305 : memref<!tpu.dma_semaphore, #tpu.memory_space<semaphore_mem>>)
            "tpu.trace_stop"() : () -> ()
          } else {
          }
          %and3A_248 = arith.constant true
          %and3A_249 = arith.andi %or3A_244, %and3A_248 : i1
          %add3A_250 = arith.constant 1 : i32
          %add3A_251 = arith.addi %while3A_145, %add3A_250 : i32
          %select_n3A_252 = arith.select %and3A_249, %add3A_251, %while3A_145 : i32
          %ne3A_253 = arith.cmpi ne, %add3A_155, %add3A_165 : i32
          %or3A_254 = arith.constant false
          %or3A_255 = arith.ori %or3A_254, %ne3A_253 : i1
          %not3A_256 = arith.constant true
          %not3A_257 = arith.xori %eq3A_151, %not3A_256 : i1
          %and3A_258 = arith.andi %or3A_255, %not3A_257 : i1
          %convert_element_type3A_259 = arith.extui %and3A_258 : i1 to i32
          %cond3A_260 = arith.constant 0 : i32
          %cond3A_261 = arith.cmpi ne, %convert_element_type3A_259, %cond3A_260 : i32
          scf.if %cond3A_261 {
          } else {
          }
          %and3A_262 = arith.constant false
          %and3A_263 = arith.andi %and3A_258, %and3A_262 : i1
          %ne3A_264 = arith.cmpi ne, %add3A_155, %add3A_165 : i32
          %or3A_265 = arith.constant false
          %or3A_266 = arith.ori %or3A_265, %ne3A_264 : i1
          %or3A_267 = arith.constant false
          %or3A_268 = arith.ori %or3A_266, %or3A_267 : i1
          %not3A_269 = arith.constant true
          %not3A_270 = arith.xori %eq3A_151, %not3A_269 : i1
          %and3A_271 = arith.andi %or3A_268, %not3A_270 : i1
          %convert_element_type3A_272 = arith.extui %and3A_271 : i1 to i32
          %cond3A_273 = arith.constant 0 : i32
          %cond3A_274 = arith.cmpi ne, %convert_element_type3A_272, %cond3A_273 : i32
          scf.if %cond3A_274 {
            "tpu.trace_start"() <{level = 10 : i32, message = "ep_wait_out"}> : () -> ()
            %rem3A_294 = arith.constant 2 : i32
            %rem3A_295 = arith.remui %while3A_146, %rem3A_294 : i32
            %mul3A_296 = arith.constant 128 : i32
            %mul3A_297 = arith.muli %mul3A_296, %add3A_165 : i32
            %dma_wait3A = arith.constant 0 : i32
            %dma_wait3A_298 = arith.constant 0 : i32
            %dma_wait3A_299 = tpu.memref_slice %run_scoped3A_18[%rem3A_295, %dma_wait3A, %dma_wait3A_298] : memref<2x128x64xf32, #tpu.memory_space<vmem>> -> memref<1x128x64xf32, #tpu.memory_space<vmem>>
            %dma_wait3A_300 = tpu.memref_squeeze %dma_wait3A_299 : memref<1x128x64xf32, #tpu.memory_space<vmem>> -> memref<128x64xf32, #tpu.memory_space<vmem>>
            %dma_wait3A_301 = arith.constant 0 : i32
            %dma_wait3A_302 = tpu.memref_slice %arg4[%mul3A_297, %dma_wait3A_301] : memref<74752x64xf32, #tpu.memory_space<hbm>> -> memref<128x64xf32, #tpu.memory_space<hbm>>
            %dma_wait3A_303 = tpu.memref_slice %run_scoped3A_19[%rem3A_295] : memref<2x!tpu.dma_semaphore, #tpu.memory_space<semaphore_mem>> -> memref<1x!tpu.dma_semaphore, #tpu.memory_space<semaphore_mem>>
            %dma_wait3A_304 = tpu.memref_squeeze %dma_wait3A_303 : memref<1x!tpu.dma_semaphore, #tpu.memory_space<semaphore_mem>> -> memref<!tpu.dma_semaphore, #tpu.memory_space<semaphore_mem>>
            %dma_wait3A_305 = arith.constant 0 : i32
            %dma_wait3A_306 = tpu.memref_slice %arg4[%mul3A_297, %dma_wait3A_305] : memref<74752x64xf32, #tpu.memory_space<hbm>> -> memref<128x64xf32, #tpu.memory_space<hbm>>
            %dma_wait3A_307 = arith.constant 0 : i32
            %dma_wait3A_308 = arith.constant 0 : i32
            %dma_wait3A_309 = tpu.memref_slice %run_scoped3A_18[%rem3A_295, %dma_wait3A_307, %dma_wait3A_308] : memref<2x128x64xf32, #tpu.memory_space<vmem>> -> memref<1x128x64xf32, #tpu.memory_space<vmem>>
            %dma_wait3A_310 = tpu.memref_squeeze %dma_wait3A_309 : memref<1x128x64xf32, #tpu.memory_space<vmem>> -> memref<128x64xf32, #tpu.memory_space<vmem>>
            tpu.wait_dma2 semaphore(%dma_wait3A_304 : memref<!tpu.dma_semaphore, #tpu.memory_space<semaphore_mem>>) src(%dma_wait3A_310 : memref<128x64xf32, #tpu.memory_space<vmem>>) dst(%dma_wait3A_306 : memref<128x64xf32, #tpu.memory_space<hbm>>)
            "tpu.trace_stop"() : () -> ()
          } else {
          }
          %and3A_275 = arith.constant true
          %and3A_276 = arith.andi %and3A_271, %and3A_275 : i1
          %add3A_277 = arith.constant 1 : i32
          %add3A_278 = arith.addi %while3A_146, %add3A_277 : i32
          %select_n3A_279 = arith.select %and3A_276, %add3A_278, %while3A_146 : i32
          %ne3A_280 = arith.cmpi ne, %add3A_155, %add3A_173 : i32
          %or3A_281 = arith.constant false
          %or3A_282 = arith.ori %or3A_281, %ne3A_280 : i1
          %or3A_283 = arith.ori %or3A_282, %eq3A_154 : i1
          %add3A_284 = arith.constant 1 : i32
          %add3A_285 = arith.addi %while3A_144, %add3A_284 : i32
          %select_n3A_286 = arith.select %or3A_283, %add3A_285, %while3A_144 : i32
          %add3A_287 = arith.constant 1 : i32
          %add3A_288 = arith.addi %while3A_147, %add3A_287 : i32
          %select_n3A_289 = arith.constant true
          %select_n3A_290 = arith.select %select_n3A_289, %add3A_288, %while3A_147 : i32
          %eq3A_291 = arith.cmpi eq, %select_n3A_290, %select_n3A : i32
          %select_n3A_292 = arith.constant 0 : i32
          %select_n3A_293 = arith.select %eq3A_291, %select_n3A_292, %select_n3A_290 : i32
          scf.yield %select_n3A_195, %select_n3A_286, %select_n3A_252, %select_n3A_279, %select_n3A_293 : i32, i32, i32, i32, i32
        }
        %while3A_89 = arith.constant 1 : i32
        %while3A_90:5 = scf.for %while3A_142 = %while3A_86 to %while3A_82 step %while3A_89 iter_args(%while3A_143 = %while3A_88#0, %while3A_144 = %while3A_88#1, %while3A_145 = %while3A_88#2, %while3A_146 = %while3A_88#3, %while3A_147 = %while3A_88#4) -> (i32, i32, i32, i32, i32)  : i32 {
          %mul3A_148 = arith.constant 1 : i32
          %mul3A_149 = arith.muli %mul3A_148, %select_n3A : i32
          %eq3A_150 = arith.constant 0 : i32
          %eq3A_151 = arith.cmpi eq, %while3A_142, %eq3A_150 : i32
          %sub3A_152 = arith.constant 1 : i32
          %sub3A_153 = arith.subi %mul3A_149, %sub3A_152 : i32
          %eq3A_154 = arith.cmpi eq, %while3A_142, %sub3A_153 : i32
          %add3A_155 = arith.addi %while3A_147, %select_n3A_14 : i32
          %sub3A_156 = arith.constant 1 : i32
          %sub3A_157 = arith.subi %while3A_147, %sub3A_156 : i32
          %select_n3A_158 = arith.constant true
          %select_n3A_159 = arith.select %select_n3A_158, %sub3A_157, %while3A_147 : i32
          %eq3A_160 = arith.constant -1 : i32
          %eq3A_161 = arith.cmpi eq, %select_n3A_159, %eq3A_160 : i32
          %sub3A_162 = arith.constant 1 : i32
          %sub3A_163 = arith.subi %select_n3A, %sub3A_162 : i32
          %select_n3A_164 = arith.select %eq3A_161, %sub3A_163, %select_n3A_159 : i32
          %add3A_165 = arith.addi %select_n3A_164, %select_n3A_14 : i32
          %add3A_166 = arith.constant 1 : i32
          %add3A_167 = arith.addi %while3A_147, %add3A_166 : i32
          %select_n3A_168 = arith.constant true
          %select_n3A_169 = arith.select %select_n3A_168, %add3A_167, %while3A_147 : i32
          %eq3A_170 = arith.cmpi eq, %select_n3A_169, %select_n3A : i32
          %select_n3A_171 = arith.constant 0 : i32
          %select_n3A_172 = arith.select %eq3A_170, %select_n3A_171, %select_n3A_169 : i32
          %add3A_173 = arith.addi %select_n3A_172, %select_n3A_14 : i32
          %add3A_174 = arith.constant 1 : i32
          %add3A_175 = arith.addi %select_n3A_172, %add3A_174 : i32
          %select_n3A_176 = arith.constant true
          %select_n3A_177 = arith.select %select_n3A_176, %add3A_175, %select_n3A_172 : i32
          %eq3A_178 = arith.cmpi eq, %select_n3A_177, %select_n3A : i32
          %select_n3A_179 = arith.constant 0 : i32
          %select_n3A_180 = arith.select %eq3A_178, %select_n3A_179, %select_n3A_177 : i32
          %add3A_181 = arith.addi %select_n3A_180, %select_n3A_14 : i32
          %ne3A = arith.cmpi ne, %add3A_155, %add3A_173 : i32
          %or3A = arith.constant false
          %or3A_182 = arith.ori %or3A, %ne3A : i1
          %sub3A_183 = arith.constant 2 : i32
          %sub3A_184 = arith.subi %mul3A_149, %sub3A_183 : i32
          %add3A_185 = arith.constant 1 : i32
          %add3A_186 = arith.addi %sub3A_184, %add3A_185 : i32
          %ge3A = arith.cmpi sge, %while3A_142, %add3A_186 : i32
          %not3A = arith.constant true
          %not3A_187 = arith.xori %ge3A, %not3A : i1
          %and3A = arith.andi %or3A_182, %not3A_187 : i1
          %convert_element_type3A_188 = arith.extui %and3A : i1 to i32
          %cond3A_189 = arith.constant 0 : i32
          %cond3A_190 = arith.cmpi ne, %convert_element_type3A_188, %cond3A_189 : i32
          scf.if %cond3A_190 {
            "tpu.trace_start"() <{level = 10 : i32, message = "ep_copy_in"}> : () -> ()
            %rem3A_294 = arith.constant 2 : i32
            %rem3A_295 = arith.remui %while3A_143, %rem3A_294 : i32
            %mul3A_296 = arith.constant 128 : i32
            %mul3A_297 = arith.muli %mul3A_296, %add3A_173 : i32
            %dma_start3A_298 = arith.constant 0 : i32
            %dma_start3A_299 = arith.constant 0 : i32
            %dma_start3A_300 = tpu.memref_slice %run_scoped3A[%rem3A_295, %dma_start3A_298, %dma_start3A_299] : memref<2x1x128xi32, #tpu.memory_space<vmem>> -> memref<1x1x128xi32, #tpu.memory_space<vmem>>
            %dma_start3A_301 = tpu.memref_squeeze %dma_start3A_300 : memref<1x1x128xi32, #tpu.memory_space<vmem>> -> memref<1x128xi32, #tpu.memory_space<vmem>>
            %dma_start3A_302 = arith.constant 0 : i32
            %dma_start3A_303 = tpu.memref_slice %arg3[%dma_start3A_302, %mul3A_297] : memref<1x74752xi32, #tpu.memory_space<hbm>> -> memref<1x128xi32, #tpu.memory_space<hbm>>
            %dma_start3A_304 = tpu.memref_slice %run_scoped3A_17[%rem3A_295] : memref<2x!tpu.dma_semaphore, #tpu.memory_space<semaphore_mem>> -> memref<1x!tpu.dma_semaphore, #tpu.memory_space<semaphore_mem>>
            %dma_start3A_305 = tpu.memref_squeeze %dma_start3A_304 : memref<1x!tpu.dma_semaphore, #tpu.memory_space<semaphore_mem>> -> memref<!tpu.dma_semaphore, #tpu.memory_space<semaphore_mem>>
            %dma_start3A_306 = arith.constant 0 : i32
            %dma_start3A_307 = arith.constant 0 : i32
            %dma_start3A_308 = tpu.memref_slice %run_scoped3A[%rem3A_295, %dma_start3A_306, %dma_start3A_307] : memref<2x1x128xi32, #tpu.memory_space<vmem>> -> memref<1x1x128xi32, #tpu.memory_space<vmem>>
            %dma_start3A_309 = tpu.memref_squeeze %dma_start3A_308 : memref<1x1x128xi32, #tpu.memory_space<vmem>> -> memref<1x128xi32, #tpu.memory_space<vmem>>
            %dma_start3A_310 = arith.constant 0 : i32
            %dma_start3A_311 = tpu.memref_slice %arg3[%dma_start3A_310, %mul3A_297] : memref<1x74752xi32, #tpu.memory_space<hbm>> -> memref<1x128xi32, #tpu.memory_space<hbm>>
            tpu.enqueue_dma source(%dma_start3A_311 : memref<1x128xi32, #tpu.memory_space<hbm>>) target(%dma_start3A_309 : memref<1x128xi32, #tpu.memory_space<vmem>>) target_semaphore(%dma_start3A_305 : memref<!tpu.dma_semaphore, #tpu.memory_space<semaphore_mem>>)
            "tpu.trace_stop"() : () -> ()
          } else {
          }
          %and3A_191 = arith.constant true
          %and3A_192 = arith.andi %and3A, %and3A_191 : i1
          %add3A_193 = arith.constant 1 : i32
          %add3A_194 = arith.addi %while3A_143, %add3A_193 : i32
          %select_n3A_195 = arith.select %and3A_192, %add3A_194, %while3A_143 : i32
          %ne3A_196 = arith.cmpi ne, %add3A_155, %add3A_173 : i32
          %or3A_197 = arith.constant false
          %or3A_198 = arith.ori %or3A_197, %ne3A_196 : i1
          %or3A_199 = arith.constant false
          %or3A_200 = arith.ori %or3A_198, %or3A_199 : i1
          %sub3A_201 = arith.constant 2 : i32
          %sub3A_202 = arith.subi %mul3A_149, %sub3A_201 : i32
          %add3A_203 = arith.constant 1 : i32
          %add3A_204 = arith.addi %sub3A_202, %add3A_203 : i32
          %ge3A_205 = arith.cmpi sge, %while3A_142, %add3A_204 : i32
          %not3A_206 = arith.constant true
          %not3A_207 = arith.xori %ge3A_205, %not3A_206 : i1
          %and3A_208 = arith.andi %or3A_200, %not3A_207 : i1
          %ne3A_209 = arith.cmpi ne, %add3A_155, %add3A_165 : i32
          %or3A_210 = arith.constant false
          %or3A_211 = arith.ori %or3A_210, %ne3A_209 : i1
          %or3A_212 = arith.ori %or3A_211, %eq3A_151 : i1
          %convert_element_type3A_213 = arith.extui %or3A_212 : i1 to i32
          %cond3A_214 = arith.constant 0 : i32
          %cond3A_215 = arith.cmpi ne, %convert_element_type3A_213, %cond3A_214 : i32
          scf.if %cond3A_215 {
            "tpu.trace_start"() <{level = 10 : i32, message = "ep_wait_in"}> : () -> ()
            %mul3A_294 = arith.constant 128 : i32
            %mul3A_295 = arith.muli %mul3A_294, %add3A_155 : i32
            %rem3A_296 = arith.constant 2 : i32
            %rem3A_297 = arith.remui %while3A_144, %rem3A_296 : i32
            %dma_wait3A = arith.constant 0 : i32
            %dma_wait3A_298 = arith.constant 0 : i32
            %dma_wait3A_299 = tpu.memref_slice %run_scoped3A[%rem3A_297, %dma_wait3A, %dma_wait3A_298] : memref<2x1x128xi32, #tpu.memory_space<vmem>> -> memref<1x1x128xi32, #tpu.memory_space<vmem>>
            %dma_wait3A_300 = tpu.memref_squeeze %dma_wait3A_299 : memref<1x1x128xi32, #tpu.memory_space<vmem>> -> memref<1x128xi32, #tpu.memory_space<vmem>>
            %dma_wait3A_301 = arith.constant 0 : i32
            %dma_wait3A_302 = tpu.memref_slice %arg3[%dma_wait3A_301, %mul3A_295] : memref<1x74752xi32, #tpu.memory_space<hbm>> -> memref<1x128xi32, #tpu.memory_space<hbm>>
            %dma_wait3A_303 = tpu.memref_slice %run_scoped3A_17[%rem3A_297] : memref<2x!tpu.dma_semaphore, #tpu.memory_space<semaphore_mem>> -> memref<1x!tpu.dma_semaphore, #tpu.memory_space<semaphore_mem>>
            %dma_wait3A_304 = tpu.memref_squeeze %dma_wait3A_303 : memref<1x!tpu.dma_semaphore, #tpu.memory_space<semaphore_mem>> -> memref<!tpu.dma_semaphore, #tpu.memory_space<semaphore_mem>>
            %dma_wait3A_305 = arith.constant 0 : i32
            %dma_wait3A_306 = arith.constant 0 : i32
            %dma_wait3A_307 = tpu.memref_slice %run_scoped3A[%rem3A_297, %dma_wait3A_305, %dma_wait3A_306] : memref<2x1x128xi32, #tpu.memory_space<vmem>> -> memref<1x1x128xi32, #tpu.memory_space<vmem>>
            %dma_wait3A_308 = tpu.memref_squeeze %dma_wait3A_307 : memref<1x1x128xi32, #tpu.memory_space<vmem>> -> memref<1x128xi32, #tpu.memory_space<vmem>>
            %dma_wait3A_309 = arith.constant 0 : i32
            %dma_wait3A_310 = tpu.memref_slice %arg3[%dma_wait3A_309, %mul3A_295] : memref<1x74752xi32, #tpu.memory_space<hbm>> -> memref<1x128xi32, #tpu.memory_space<hbm>>
            tpu.wait_dma2 semaphore(%dma_wait3A_304 : memref<!tpu.dma_semaphore, #tpu.memory_space<semaphore_mem>>) src(%dma_wait3A_310 : memref<1x128xi32, #tpu.memory_space<hbm>>) dst(%dma_wait3A_308 : memref<1x128xi32, #tpu.memory_space<vmem>>)
            "tpu.trace_stop"() : () -> ()
          } else {
          }
          %ne3A_216 = arith.cmpi ne, %add3A_155, %add3A_165 : i32
          %or3A_217 = arith.constant false
          %or3A_218 = arith.ori %or3A_217, %ne3A_216 : i1
          %or3A_219 = arith.constant false
          %or3A_220 = arith.ori %or3A_218, %or3A_219 : i1
          %or3A_221 = arith.ori %or3A_220, %eq3A_151 : i1
          %convert_element_type3A_222 = arith.extui %or3A_221 : i1 to i32
          %cond3A_223 = arith.constant 0 : i32
          %cond3A_224 = arith.cmpi ne, %convert_element_type3A_222, %cond3A_223 : i32
          scf.if %cond3A_224 {
          } else {
          }
          %rem3A_225 = arith.constant 2 : i32
          %rem3A_226 = arith.remui %while3A_144, %rem3A_225 : i32
          %rem3A_227 = arith.constant 2 : i32
          %rem3A_228 = arith.remui %while3A_145, %rem3A_227 : i32
          %run_scoped3A_229 = arith.constant 0 : i32
          "tpu.trace_start"() <{level = 10 : i32, message = "ep_run_kernel"}> : () -> ()
          "tpu.region"() ({
            %run_scoped3A_294 = tpu.sem_alloc : memref<!tpu.dma_semaphore, #tpu.memory_space<semaphore_mem>>
            %dma_start3A_295 = arith.constant 0 : i32
            %dma_start3A_296 = arith.constant 0 : i32
            %dma_start3A_297 = tpu.memref_slice %run_scoped3A_18[%rem3A_228, %dma_start3A_295, %dma_start3A_296] : memref<2x128x64xf32, #tpu.memory_space<vmem>> -> memref<1x128x64xf32, #tpu.memory_space<vmem>>
            %dma_start3A_298 = tpu.memref_squeeze %dma_start3A_297 : memref<1x128x64xf32, #tpu.memory_space<vmem>> -> memref<128x64xf32, #tpu.memory_space<vmem>>
            %dma_start3A_299 = arith.constant 0 : i32
            %dma_start3A_300 = arith.constant 0 : i32
            %dma_start3A_301 = tpu.memref_slice %run_scoped3A[%rem3A_226, %dma_start3A_299, %dma_start3A_300] : memref<2x1x128xi32, #tpu.memory_space<vmem>> -> memref<1x1x128xi32, #tpu.memory_space<vmem>>
            %dma_start3A_302 = tpu.memref_squeeze %dma_start3A_301 : memref<1x1x128xi32, #tpu.memory_space<vmem>> -> memref<1x128xi32, #tpu.memory_space<vmem>>
            %dma_start3A_303 = arith.constant 0 : i32
            %dma_start3A_304 = tpu.memref_slice %dma_start3A_302[%run_scoped3A_229, %dma_start3A_303] : memref<1x128xi32, #tpu.memory_space<vmem>> -> memref<1x128xi32, #tpu.memory_space<vmem>>
            %dma_start3A_305 = tpu.memref_squeeze %dma_start3A_304 : memref<1x128xi32, #tpu.memory_space<vmem>> -> memref<128xi32, #tpu.memory_space<vmem>>
            %dma_start3A_306 = arith.constant 0 : i32
            %dma_start3A_307 = arith.constant 0 : i32
            %dma_start3A_308 = tpu.memref_slice %arg2[%dma_start3A_306, %dma_start3A_307] : memref<100000x64xf32, #tpu.memory_space<hbm>> -> memref<100000x64xf32, #tpu.memory_space<hbm>>
            tpu.enqueue_indirect_dma source(%dma_start3A_308 : memref<100000x64xf32, #tpu.memory_space<hbm>>) target(%dma_start3A_298 : memref<128x64xf32, #tpu.memory_space<vmem>>) offsets(%dma_start3A_305 : memref<128xi32, #tpu.memory_space<vmem>>) semaphore(%run_scoped3A_294 : memref<!tpu.dma_semaphore, #tpu.memory_space<semaphore_mem>>)
            %dma_wait3A = arith.constant 0 : i32
            %dma_wait3A_309 = arith.constant 0 : i32
            %dma_wait3A_310 = tpu.memref_slice %run_scoped3A_18[%rem3A_228, %dma_wait3A, %dma_wait3A_309] : memref<2x128x64xf32, #tpu.memory_space<vmem>> -> memref<1x128x64xf32, #tpu.memory_space<vmem>>
            %dma_wait3A_311 = tpu.memref_squeeze %dma_wait3A_310 : memref<1x128x64xf32, #tpu.memory_space<vmem>> -> memref<128x64xf32, #tpu.memory_space<vmem>>
            %dma_wait3A_312 = arith.constant 0 : i32
            %dma_wait3A_313 = arith.constant 0 : i32
            %dma_wait3A_314 = tpu.memref_slice %run_scoped3A[%rem3A_226, %dma_wait3A_312, %dma_wait3A_313] : memref<2x1x128xi32, #tpu.memory_space<vmem>> -> memref<1x1x128xi32, #tpu.memory_space<vmem>>
            %dma_wait3A_315 = tpu.memref_squeeze %dma_wait3A_314 : memref<1x1x128xi32, #tpu.memory_space<vmem>> -> memref<1x128xi32, #tpu.memory_space<vmem>>
            %dma_wait3A_316 = arith.constant 0 : i32
            %dma_wait3A_317 = tpu.memref_slice %dma_wait3A_315[%run_scoped3A_229, %dma_wait3A_316] : memref<1x128xi32, #tpu.memory_space<vmem>> -> memref<1x128xi32, #tpu.memory_space<vmem>>
            %dma_wait3A_318 = tpu.memref_squeeze %dma_wait3A_317 : memref<1x128xi32, #tpu.memory_space<vmem>> -> memref<128xi32, #tpu.memory_space<vmem>>
            %dma_wait3A_319 = arith.constant 0 : i32
            %dma_wait3A_320 = arith.constant 0 : i32
            %dma_wait3A_321 = tpu.memref_slice %arg2[%dma_wait3A_319, %dma_wait3A_320] : memref<100000x64xf32, #tpu.memory_space<hbm>> -> memref<100000x64xf32, #tpu.memory_space<hbm>>
            tpu.wait_indirect_dma semaphore(%run_scoped3A_294 : memref<!tpu.dma_semaphore, #tpu.memory_space<semaphore_mem>>) src(%dma_wait3A_321 : memref<100000x64xf32, #tpu.memory_space<hbm>>) dst(%dma_wait3A_311 : memref<128x64xf32, #tpu.memory_space<vmem>>)
            tpu.yield
          }) : () -> ()
          "tpu.trace_stop"() : () -> ()
          %ne3A_230 = arith.cmpi ne, %add3A_155, %add3A_173 : i32
          %or3A_231 = arith.constant false
          %or3A_232 = arith.ori %or3A_231, %ne3A_230 : i1
          %or3A_233 = arith.ori %or3A_232, %eq3A_154 : i1
          %convert_element_type3A_234 = arith.extui %or3A_233 : i1 to i32
          %cond3A_235 = arith.constant 0 : i32
          %cond3A_236 = arith.cmpi ne, %convert_element_type3A_234, %cond3A_235 : i32
          scf.if %cond3A_236 {
          } else {
          }
          %and3A_237 = arith.constant false
          %and3A_238 = arith.andi %or3A_233, %and3A_237 : i1
          %ne3A_239 = arith.cmpi ne, %add3A_155, %add3A_173 : i32
          %or3A_240 = arith.constant false
          %or3A_241 = arith.ori %or3A_240, %ne3A_239 : i1
          %or3A_242 = arith.constant false
          %or3A_243 = arith.ori %or3A_241, %or3A_242 : i1
          %or3A_244 = arith.ori %or3A_243, %eq3A_154 : i1
          %convert_element_type3A_245 = arith.extui %or3A_244 : i1 to i32
          %cond3A_246 = arith.constant 0 : i32
          %cond3A_247 = arith.cmpi ne, %convert_element_type3A_245, %cond3A_246 : i32
          scf.if %cond3A_247 {
            "tpu.trace_start"() <{level = 10 : i32, message = "ep_copy_out"}> : () -> ()
            %rem3A_294 = arith.constant 2 : i32
            %rem3A_295 = arith.remui %while3A_145, %rem3A_294 : i32
            %mul3A_296 = arith.constant 128 : i32
            %mul3A_297 = arith.muli %mul3A_296, %add3A_155 : i32
            %dma_start3A_298 = arith.constant 0 : i32
            %dma_start3A_299 = arith.constant 0 : i32
            %dma_start3A_300 = tpu.memref_slice %run_scoped3A_18[%rem3A_295, %dma_start3A_298, %dma_start3A_299] : memref<2x128x64xf32, #tpu.memory_space<vmem>> -> memref<1x128x64xf32, #tpu.memory_space<vmem>>
            %dma_start3A_301 = tpu.memref_squeeze %dma_start3A_300 : memref<1x128x64xf32, #tpu.memory_space<vmem>> -> memref<128x64xf32, #tpu.memory_space<vmem>>
            %dma_start3A_302 = arith.constant 0 : i32
            %dma_start3A_303 = tpu.memref_slice %arg4[%mul3A_297, %dma_start3A_302] : memref<74752x64xf32, #tpu.memory_space<hbm>> -> memref<128x64xf32, #tpu.memory_space<hbm>>
            %dma_start3A_304 = tpu.memref_slice %run_scoped3A_19[%rem3A_295] : memref<2x!tpu.dma_semaphore, #tpu.memory_space<semaphore_mem>> -> memref<1x!tpu.dma_semaphore, #tpu.memory_space<semaphore_mem>>
            %dma_start3A_305 = tpu.memref_squeeze %dma_start3A_304 : memref<1x!tpu.dma_semaphore, #tpu.memory_space<semaphore_mem>> -> memref<!tpu.dma_semaphore, #tpu.memory_space<semaphore_mem>>
            %dma_start3A_306 = arith.constant 0 : i32
            %dma_start3A_307 = tpu.memref_slice %arg4[%mul3A_297, %dma_start3A_306] : memref<74752x64xf32, #tpu.memory_space<hbm>> -> memref<128x64xf32, #tpu.memory_space<hbm>>
            %dma_start3A_308 = arith.constant 0 : i32
            %dma_start3A_309 = arith.constant 0 : i32
            %dma_start3A_310 = tpu.memref_slice %run_scoped3A_18[%rem3A_295, %dma_start3A_308, %dma_start3A_309] : memref<2x128x64xf32, #tpu.memory_space<vmem>> -> memref<1x128x64xf32, #tpu.memory_space<vmem>>
            %dma_start3A_311 = tpu.memref_squeeze %dma_start3A_310 : memref<1x128x64xf32, #tpu.memory_space<vmem>> -> memref<128x64xf32, #tpu.memory_space<vmem>>
            tpu.enqueue_dma source(%dma_start3A_311 : memref<128x64xf32, #tpu.memory_space<vmem>>) target(%dma_start3A_307 : memref<128x64xf32, #tpu.memory_space<hbm>>) target_semaphore(%dma_start3A_305 : memref<!tpu.dma_semaphore, #tpu.memory_space<semaphore_mem>>)
            "tpu.trace_stop"() : () -> ()
          } else {
          }
          %and3A_248 = arith.constant true
          %and3A_249 = arith.andi %or3A_244, %and3A_248 : i1
          %add3A_250 = arith.constant 1 : i32
          %add3A_251 = arith.addi %while3A_145, %add3A_250 : i32
          %select_n3A_252 = arith.select %and3A_249, %add3A_251, %while3A_145 : i32
          %ne3A_253 = arith.cmpi ne, %add3A_155, %add3A_165 : i32
          %or3A_254 = arith.constant false
          %or3A_255 = arith.ori %or3A_254, %ne3A_253 : i1
          %not3A_256 = arith.constant true
          %not3A_257 = arith.xori %eq3A_151, %not3A_256 : i1
          %and3A_258 = arith.andi %or3A_255, %not3A_257 : i1
          %convert_element_type3A_259 = arith.extui %and3A_258 : i1 to i32
          %cond3A_260 = arith.constant 0 : i32
          %cond3A_261 = arith.cmpi ne, %convert_element_type3A_259, %cond3A_260 : i32
          scf.if %cond3A_261 {
          } else {
          }
          %and3A_262 = arith.constant false
          %and3A_263 = arith.andi %and3A_258, %and3A_262 : i1
          %ne3A_264 = arith.cmpi ne, %add3A_155, %add3A_165 : i32
          %or3A_265 = arith.constant false
          %or3A_266 = arith.ori %or3A_265, %ne3A_264 : i1
          %or3A_267 = arith.constant false
          %or3A_268 = arith.ori %or3A_266, %or3A_267 : i1
          %not3A_269 = arith.constant true
          %not3A_270 = arith.xori %eq3A_151, %not3A_269 : i1
          %and3A_271 = arith.andi %or3A_268, %not3A_270 : i1
          %convert_element_type3A_272 = arith.extui %and3A_271 : i1 to i32
          %cond3A_273 = arith.constant 0 : i32
          %cond3A_274 = arith.cmpi ne, %convert_element_type3A_272, %cond3A_273 : i32
          scf.if %cond3A_274 {
            "tpu.trace_start"() <{level = 10 : i32, message = "ep_wait_out"}> : () -> ()
            %rem3A_294 = arith.constant 2 : i32
            %rem3A_295 = arith.remui %while3A_146, %rem3A_294 : i32
            %mul3A_296 = arith.constant 128 : i32
            %mul3A_297 = arith.muli %mul3A_296, %add3A_165 : i32
            %dma_wait3A = arith.constant 0 : i32
            %dma_wait3A_298 = arith.constant 0 : i32
            %dma_wait3A_299 = tpu.memref_slice %run_scoped3A_18[%rem3A_295, %dma_wait3A, %dma_wait3A_298] : memref<2x128x64xf32, #tpu.memory_space<vmem>> -> memref<1x128x64xf32, #tpu.memory_space<vmem>>
            %dma_wait3A_300 = tpu.memref_squeeze %dma_wait3A_299 : memref<1x128x64xf32, #tpu.memory_space<vmem>> -> memref<128x64xf32, #tpu.memory_space<vmem>>
            %dma_wait3A_301 = arith.constant 0 : i32
            %dma_wait3A_302 = tpu.memref_slice %arg4[%mul3A_297, %dma_wait3A_301] : memref<74752x64xf32, #tpu.memory_space<hbm>> -> memref<128x64xf32, #tpu.memory_space<hbm>>
            %dma_wait3A_303 = tpu.memref_slice %run_scoped3A_19[%rem3A_295] : memref<2x!tpu.dma_semaphore, #tpu.memory_space<semaphore_mem>> -> memref<1x!tpu.dma_semaphore, #tpu.memory_space<semaphore_mem>>
            %dma_wait3A_304 = tpu.memref_squeeze %dma_wait3A_303 : memref<1x!tpu.dma_semaphore, #tpu.memory_space<semaphore_mem>> -> memref<!tpu.dma_semaphore, #tpu.memory_space<semaphore_mem>>
            %dma_wait3A_305 = arith.constant 0 : i32
            %dma_wait3A_306 = tpu.memref_slice %arg4[%mul3A_297, %dma_wait3A_305] : memref<74752x64xf32, #tpu.memory_space<hbm>> -> memref<128x64xf32, #tpu.memory_space<hbm>>
            %dma_wait3A_307 = arith.constant 0 : i32
            %dma_wait3A_308 = arith.constant 0 : i32
            %dma_wait3A_309 = tpu.memref_slice %run_scoped3A_18[%rem3A_295, %dma_wait3A_307, %dma_wait3A_308] : memref<2x128x64xf32, #tpu.memory_space<vmem>> -> memref<1x128x64xf32, #tpu.memory_space<vmem>>
            %dma_wait3A_310 = tpu.memref_squeeze %dma_wait3A_309 : memref<1x128x64xf32, #tpu.memory_space<vmem>> -> memref<128x64xf32, #tpu.memory_space<vmem>>
            tpu.wait_dma2 semaphore(%dma_wait3A_304 : memref<!tpu.dma_semaphore, #tpu.memory_space<semaphore_mem>>) src(%dma_wait3A_310 : memref<128x64xf32, #tpu.memory_space<vmem>>) dst(%dma_wait3A_306 : memref<128x64xf32, #tpu.memory_space<hbm>>)
            "tpu.trace_stop"() : () -> ()
          } else {
          }
          %and3A_275 = arith.constant true
          %and3A_276 = arith.andi %and3A_271, %and3A_275 : i1
          %add3A_277 = arith.constant 1 : i32
          %add3A_278 = arith.addi %while3A_146, %add3A_277 : i32
          %select_n3A_279 = arith.select %and3A_276, %add3A_278, %while3A_146 : i32
          %ne3A_280 = arith.cmpi ne, %add3A_155, %add3A_173 : i32
          %or3A_281 = arith.constant false
          %or3A_282 = arith.ori %or3A_281, %ne3A_280 : i1
          %or3A_283 = arith.ori %or3A_282, %eq3A_154 : i1
          %add3A_284 = arith.constant 1 : i32
          %add3A_285 = arith.addi %while3A_144, %add3A_284 : i32
          %select_n3A_286 = arith.select %or3A_283, %add3A_285, %while3A_144 : i32
          %add3A_287 = arith.constant 1 : i32
          %add3A_288 = arith.addi %while3A_147, %add3A_287 : i32
          %select_n3A_289 = arith.constant true
          %select_n3A_290 = arith.select %select_n3A_289, %add3A_288, %while3A_147 : i32
          %eq3A_291 = arith.cmpi eq, %select_n3A_290, %select_n3A : i32
          %select_n3A_292 = arith.constant 0 : i32
          %select_n3A_293 = arith.select %eq3A_291, %select_n3A_292, %select_n3A_290 : i32
          scf.yield %select_n3A_195, %select_n3A_286, %select_n3A_252, %select_n3A_279, %select_n3A_293 : i32, i32, i32, i32, i32
        }
        %sub3A_91 = arith.constant 1 : i32
        %sub3A_92 = arith.subi %while3A_90#4, %sub3A_91 : i32
        %select_n3A_93 = arith.constant true
        %select_n3A_94 = arith.select %select_n3A_93, %sub3A_92, %while3A_90#4 : i32
        %eq3A_95 = arith.constant -1 : i32
        %eq3A_96 = arith.cmpi eq, %select_n3A_94, %eq3A_95 : i32
        %sub3A_97 = arith.constant 1 : i32
        %sub3A_98 = arith.subi %select_n3A, %sub3A_97 : i32
        %select_n3A_99 = arith.select %eq3A_96, %sub3A_98, %select_n3A_94 : i32
        %sub3A_100 = arith.constant 1 : i32
        %sub3A_101 = arith.subi %mul3A_16, %sub3A_100 : i32
        %mul3A_102 = arith.constant 1 : i32
        %mul3A_103 = arith.muli %mul3A_102, %select_n3A : i32
        %eq3A_104 = arith.constant 0 : i32
        %eq3A_105 = arith.cmpi eq, %sub3A_101, %eq3A_104 : i32
        %sub3A_106 = arith.constant 1 : i32
        %sub3A_107 = arith.subi %mul3A_103, %sub3A_106 : i32
        %eq3A_108 = arith.cmpi eq, %sub3A_101, %sub3A_107 : i32
        %add3A_109 = arith.addi %select_n3A_99, %select_n3A_14 : i32
        %sub3A_110 = arith.constant 1 : i32
        %sub3A_111 = arith.subi %select_n3A_99, %sub3A_110 : i32
        %select_n3A_112 = arith.constant true
        %select_n3A_113 = arith.select %select_n3A_112, %sub3A_111, %select_n3A_99 : i32
        %eq3A_114 = arith.constant -1 : i32
        %eq3A_115 = arith.cmpi eq, %select_n3A_113, %eq3A_114 : i32
        %sub3A_116 = arith.constant 1 : i32
        %sub3A_117 = arith.subi %select_n3A, %sub3A_116 : i32
        %select_n3A_118 = arith.select %eq3A_115, %sub3A_117, %select_n3A_113 : i32
        %add3A_119 = arith.addi %select_n3A_118, %select_n3A_14 : i32
        %add3A_120 = arith.constant 1 : i32
        %add3A_121 = arith.addi %select_n3A_99, %add3A_120 : i32
        %select_n3A_122 = arith.constant true
        %select_n3A_123 = arith.select %select_n3A_122, %add3A_121, %select_n3A_99 : i32
        %eq3A_124 = arith.cmpi eq, %select_n3A_123, %select_n3A : i32
        %select_n3A_125 = arith.constant 0 : i32
        %select_n3A_126 = arith.select %eq3A_124, %select_n3A_125, %select_n3A_123 : i32
        %add3A_127 = arith.addi %select_n3A_126, %select_n3A_14 : i32
        %add3A_128 = arith.constant 1 : i32
        %add3A_129 = arith.addi %select_n3A_126, %add3A_128 : i32
        %select_n3A_130 = arith.constant true
        %select_n3A_131 = arith.select %select_n3A_130, %add3A_129, %select_n3A_126 : i32
        %eq3A_132 = arith.cmpi eq, %select_n3A_131, %select_n3A : i32
        %select_n3A_133 = arith.constant 0 : i32
        %select_n3A_134 = arith.select %eq3A_132, %select_n3A_133, %select_n3A_131 : i32
        %add3A_135 = arith.addi %select_n3A_134, %select_n3A_14 : i32
        %convert_element_type3A_136 = arith.extui %eq3A_108 : i1 to i32
        %cond3A_137 = arith.constant 0 : i32
        %cond3A_138 = arith.cmpi ne, %convert_element_type3A_136, %cond3A_137 : i32
        scf.if %cond3A_138 {
        } else {
        }
        %convert_element_type3A_139 = arith.extui %eq3A_108 : i1 to i32
        %cond3A_140 = arith.constant 0 : i32
        %cond3A_141 = arith.cmpi ne, %convert_element_type3A_139, %cond3A_140 : i32
        scf.if %cond3A_141 {
          "tpu.trace_start"() <{level = 10 : i32, message = "ep_finalize"}> : () -> ()
          %rem3A_142 = arith.constant 2 : i32
          %rem3A_143 = arith.remui %while3A_90#3, %rem3A_142 : i32
          %mul3A_144 = arith.constant 128 : i32
          %mul3A_145 = arith.muli %mul3A_144, %add3A_109 : i32
          %dma_wait3A = arith.constant 0 : i32
          %dma_wait3A_146 = arith.constant 0 : i32
          %dma_wait3A_147 = tpu.memref_slice %run_scoped3A_18[%rem3A_143, %dma_wait3A, %dma_wait3A_146] : memref<2x128x64xf32, #tpu.memory_space<vmem>> -> memref<1x128x64xf32, #tpu.memory_space<vmem>>
          %dma_wait3A_148 = tpu.memref_squeeze %dma_wait3A_147 : memref<1x128x64xf32, #tpu.memory_space<vmem>> -> memref<128x64xf32, #tpu.memory_space<vmem>>
          %dma_wait3A_149 = arith.constant 0 : i32
          %dma_wait3A_150 = tpu.memref_slice %arg4[%mul3A_145, %dma_wait3A_149] : memref<74752x64xf32, #tpu.memory_space<hbm>> -> memref<128x64xf32, #tpu.memory_space<hbm>>
          %dma_wait3A_151 = tpu.memref_slice %run_scoped3A_19[%rem3A_143] : memref<2x!tpu.dma_semaphore, #tpu.memory_space<semaphore_mem>> -> memref<1x!tpu.dma_semaphore, #tpu.memory_space<semaphore_mem>>
          %dma_wait3A_152 = tpu.memref_squeeze %dma_wait3A_151 : memref<1x!tpu.dma_semaphore, #tpu.memory_space<semaphore_mem>> -> memref<!tpu.dma_semaphore, #tpu.memory_space<semaphore_mem>>
          %dma_wait3A_153 = arith.constant 0 : i32
          %dma_wait3A_154 = tpu.memref_slice %arg4[%mul3A_145, %dma_wait3A_153] : memref<74752x64xf32, #tpu.memory_space<hbm>> -> memref<128x64xf32, #tpu.memory_space<hbm>>
          %dma_wait3A_155 = arith.constant 0 : i32
          %dma_wait3A_156 = arith.constant 0 : i32
          %dma_wait3A_157 = tpu.memref_slice %run_scoped3A_18[%rem3A_143, %dma_wait3A_155, %dma_wait3A_156] : memref<2x128x64xf32, #tpu.memory_space<vmem>> -> memref<1x128x64xf32, #tpu.memory_space<vmem>>
          %dma_wait3A_158 = tpu.memref_squeeze %dma_wait3A_157 : memref<1x128x64xf32, #tpu.memory_space<vmem>> -> memref<128x64xf32, #tpu.memory_space<vmem>>
          tpu.wait_dma2 semaphore(%dma_wait3A_152 : memref<!tpu.dma_semaphore, #tpu.memory_space<semaphore_mem>>) src(%dma_wait3A_158 : memref<128x64xf32, #tpu.memory_space<vmem>>) dst(%dma_wait3A_154 : memref<128x64xf32, #tpu.memory_space<hbm>>)
          "tpu.trace_stop"() : () -> ()
        } else {
        }
      } else {
      }
      tpu.yield
    }) : () -> ()
    return
  }
}

#map = affine_map<(d0, d1) -> (0, 0)>
module attributes {stable_mosaic.version = 14 : i64} {
  func.func @k(%arg0: i32, %arg1: i32, %arg2: memref<100000x64xf32, #tpu.memory_space<hbm>>, %arg3: memref<1x74752xi32, #tpu.memory_space<hbm>>, %arg4: memref<74752x64xf32, #tpu.memory_space<hbm>>) attributes {dimension_semantics = [#tpu.dimension_semantics<core_parallel>, #tpu.dimension_semantics<subcore_parallel>], iteration_bounds = array<i64: 2, 16>, scalar_prefetch = 0 : i64, scratch_operands = 0 : i64, tpu.core_type = #tpu.core_type<sc_vector_subcore>, window_params = [{transform_indices = #map}, {transform_indices = #map}, {transform_indices = #map}]} {
    %mul3A = arith.constant 1 : i32
    %mul3A_0 = arith.muli %arg1, %mul3A : i32
    %add3A = arith.constant 0 : i32
    %add3A_1 = arith.addi %add3A, %mul3A_0 : i32
    %mul3A_2 = arith.constant 16 : i32
    %mul3A_3 = arith.muli %arg0, %mul3A_2 : i32
    %add3A_4 = arith.addi %add3A_1, %mul3A_3 : i32
    %lt3A = arith.constant 8 : i32
    %lt3A_5 = arith.cmpi slt, %add3A_4, %lt3A : i32
    %jit3A = arith.constant 19 : i32
    %jit3A_6 = arith.constant 18 : i32
    %select_n3A = arith.select %lt3A_5, %jit3A, %jit3A_6 : i32
    %lt3A_7 = arith.constant 8 : i32
    %lt3A_8 = arith.cmpi slt, %add3A_4, %lt3A_7 : i32
    %mul3A_9 = arith.muli %add3A_4, %select_n3A : i32
    %mul3A_10 = arith.constant 18 : i32
    %mul3A_11 = arith.muli %add3A_4, %mul3A_10 : i32
    %add3A_12 = arith.constant 8 : i32
    %add3A_13 = arith.addi %mul3A_11, %add3A_12 : i32
    %select_n3A_14 = arith.select %lt3A_8, %mul3A_9, %add3A_13 : i32
    %mul3A_15 = arith.constant 1 : i32
    %mul3A_16 = arith.muli %mul3A_15, %select_n3A : i32
    "tpu.region"() ({
      %run_scoped3A = memref.alloca() : memref<2x1x128xi32, #tpu.memory_space<vmem>>
      %run_scoped3A_17 = tpu.sem_alloc : memref<2x!tpu.dma_semaphore, #tpu.memory_space<semaphore_mem>>
      %run_scoped3A_18 = memref.alloca() : memref<2x128x64xf32, #tpu.memory_space<vmem>>
      %run_scoped3A_19 = tpu.sem_alloc : memref<2x!tpu.dma_semaphore, #tpu.memory_space<semaphore_mem>>
      %gt3A = arith.constant 0 : i32
      %gt3A_20 = arith.cmpi sgt, %mul3A_16, %gt3A : i32
      %convert_element_type3A = arith.extui %gt3A_20 : i1 to i32
      %cond3A = arith.constant 0 : i32
      %cond3A_21 = arith.cmpi ne, %convert_element_type3A, %cond3A : i32
      scf.if %cond3A_21 {
        %mul3A_22 = arith.constant 1 : i32
        %mul3A_23 = arith.muli %mul3A_22, %select_n3A : i32
        %sub3A = arith.constant 1 : i32
        %sub3A_24 = arith.subi %mul3A_23, %sub3A : i32
        %eq3A = arith.constant 0 : i32
        %eq3A_25 = arith.cmpi eq, %sub3A_24, %eq3A : i32
        %add3A_26 = arith.constant 0 : i32
        %add3A_27 = arith.addi %add3A_26, %select_n3A_14 : i32
        %select_n3A_28 = arith.constant true
        %select_n3A_29 = arith.constant 0 : i32
        %select_n3A_30 = arith.constant -1 : i32
        %select_n3A_31 = arith.select %select_n3A_28, %select_n3A_30, %select_n3A_29 : i32
        %eq3A_32 = arith.constant -1 : i32
        %eq3A_33 = arith.cmpi eq, %select_n3A_31, %eq3A_32 : i32
        %sub3A_34 = arith.constant 1 : i32
        %sub3A_35 = arith.subi %select_n3A, %sub3A_34 : i32
        %select_n3A_36 = arith.select %eq3A_33, %sub3A_35, %select_n3A_31 : i32
        %add3A_37 = arith.addi %select_n3A_36, %select_n3A_14 : i32
        %select_n3A_38 = arith.constant true
        %select_n3A_39 = arith.constant 0 : i32
        %select_n3A_40 = arith.constant 1 : i32
        %select_n3A_41 = arith.select %select_n3A_38, %select_n3A_40, %select_n3A_39 : i32
        %eq3A_42 = arith.cmpi eq, %select_n3A_41, %select_n3A : i32
        %select_n3A_43 = arith.constant 0 : i32
        %select_n3A_44 = arith.select %eq3A_42, %select_n3A_43, %select_n3A_41 : i32
        %add3A_45 = arith.addi %select_n3A_44, %select_n3A_14 : i32
        %add3A_46 = arith.constant 1 : i32
        %add3A_47 = arith.addi %select_n3A_44, %add3A_46 : i32
        %select_n3A_48 = arith.constant true
        %select_n3A_49 = arith.select %select_n3A_48, %add3A_47, %select_n3A_44 : i32
        %eq3A_50 = arith.cmpi eq, %select_n3A_49, %select_n3A : i32
        %select_n3A_51 = arith.constant 0 : i32
        %select_n3A_52 = arith.select %eq3A_50, %select_n3A_51, %select_n3A_49 : i32
        %add3A_53 = arith.addi %select_n3A_52, %select_n3A_14 : i32
        "tpu.trace_start"() <{level = 10 : i32, message = "ep_initialize_0"}> : () -> ()
        %rem3A = arith.constant 0 : i32
        %rem3A_54 = arith.constant 2 : i32
        %rem3A_55 = arith.remui %rem3A, %rem3A_54 : i32
        %mul3A_56 = arith.constant 128 : i32
        %mul3A_57 = arith.muli %mul3A_56, %add3A_27 : i32
        %dma_start3A = arith.constant 0 : i32
        %dma_start3A_58 = arith.constant 0 : i32
        %dma_start3A_59 = tpu.memref_slice %run_scoped3A[%rem3A_55, %dma_start3A, %dma_start3A_58] : memref<2x1x128xi32, #tpu.memory_space<vmem>> -> memref<1x1x128xi32, #tpu.memory_space<vmem>>
        %dma_start3A_60 = tpu.memref_squeeze %dma_start3A_59 : memref<1x1x128xi32, #tpu.memory_space<vmem>> -> memref<1x128xi32, #tpu.memory_space<vmem>>
        %dma_start3A_61 = arith.constant 0 : i32
        %dma_start3A_62 = tpu.memref_slice %arg3[%dma_start3A_61, %mul3A_57] : memref<1x74752xi32, #tpu.memory_space<hbm>> -> memref<1x128xi32, #tpu.memory_space<hbm>>
        %dma_start3A_63 = tpu.memref_slice %run_scoped3A_17[%rem3A_55] : memref<2x!tpu.dma_semaphore, #tpu.memory_space<semaphore_mem>> -> memref<1x!tpu.dma_semaphore, #tpu.memory_space<semaphore_mem>>
        %dma_start3A_64 = tpu.memref_squeeze %dma_start3A_63 : memref<1x!tpu.dma_semaphore, #tpu.memory_space<semaphore_mem>> -> memref<!tpu.dma_semaphore, #tpu.memory_space<semaphore_mem>>
        %dma_start3A_65 = arith.constant 0 : i32
        %dma_start3A_66 = arith.constant 0 : i32
        %dma_start3A_67 = tpu.memref_slice %run_scoped3A[%rem3A_55, %dma_start3A_65, %dma_start3A_66] : memref<2x1x128xi32, #tpu.memory_space<vmem>> -> memref<1x1x128xi32, #tpu.memory_space<vmem>>
        %dma_start3A_68 = tpu.memref_squeeze %dma_start3A_67 : memref<1x1x128xi32, #tpu.memory_space<vmem>> -> memref<1x128xi32, #tpu.memory_space<vmem>>
        %dma_start3A_69 = arith.constant 0 : i32
        %dma_start3A_70 = tpu.memref_slice %arg3[%dma_start3A_69, %mul3A_57] : memref<1x74752xi32, #tpu.memory_space<hbm>> -> memref<1x128xi32, #tpu.memory_space<hbm>>
        tpu.enqueue_dma source(%dma_start3A_70 : memref<1x128xi32, #tpu.memory_space<hbm>>) target(%dma_start3A_68 : memref<1x128xi32, #tpu.memory_space<vmem>>) target_semaphore(%dma_start3A_64 : memref<!tpu.dma_semaphore, #tpu.memory_space<semaphore_mem>>)
        %add3A_71 = arith.constant 0 : i32
        %add3A_72 = arith.constant 1 : i32
        %add3A_73 = arith.addi %add3A_71, %add3A_72 : i32
        %select_n3A_74 = arith.constant true
        %select_n3A_75 = arith.constant 0 : i32
        %select_n3A_76 = arith.select %select_n3A_74, %add3A_73, %select_n3A_75 : i32
        %while3A = arith.constant 0 : i32
        %while3A_77 = arith.constant 0 : i32
        %while3A_78 = arith.constant 0 : i32
        %while3A_79 = arith.constant 0 : i32
        %while3A_80 = arith.constant 0 : i32
        "tpu.trace_stop"() : () -> ()
        %while3A_81 = arith.subi %mul3A_16, %while3A : i32
        %while3A_82 = arith.addi %while3A, %while3A_81 : i32
        %while3A_83 = arith.constant 1 : i32
        %while3A_84 = arith.divsi %while3A_81, %while3A_83 : i32
        %while3A_85 = arith.muli %while3A_84, %while3A_83 : i32
        %while3A_86 = arith.addi %while3A, %while3A_85 : i32
        %while3A_87 = arith.constant 1 : i32
        %while3A_88:5 = scf.for %while3A_142 = %while3A to %while3A_86 step %while3A_87 iter_args(%while3A_143 = %select_n3A_76, %while3A_144 = %while3A_77, %while3A_145 = %while3A_78, %while3A_146 = %while3A_79, %while3A_147 = %while3A_80) -> (i32, i32, i32, i32, i32)  : i32 {
          %mul3A_148 = arith.constant 1 : i32
          %mul3A_149 = arith.muli %mul3A_148, %select_n3A : i32
          %eq3A_150 = arith.constant 0 : i32
          %eq3A_151 = arith.cmpi eq, %while3A_142, %eq3A_150 : i32
          %sub3A_152 = arith.constant 1 : i32
          %sub3A_153 = arith.subi %mul3A_149, %sub3A_152 : i32
          %eq3A_154 = arith.cmpi eq, %while3A_142, %sub3A_153 : i32
          %add3A_155 = arith.addi %while3A_147, %select_n3A_14 : i32
          %sub3A_156 = arith.constant 1 : i32
          %sub3A_157 = arith.subi %while3A_147, %sub3A_156 : i32
          %select_n3A_158 = arith.constant true
          %select_n3A_159 = arith.select %select_n3A_158, %sub3A_157, %while3A_147 : i32
          %eq3A_160 = arith.constant -1 : i32
          %eq3A_161 = arith.cmpi eq, %select_n3A_159, %eq3A_160 : i32
          %sub3A_162 = arith.constant 1 : i32
          %sub3A_163 = arith.subi %select_n3A, %sub3A_162 : i32
          %select_n3A_164 = arith.select %eq3A_161, %sub3A_163, %select_n3A_159 : i32
          %add3A_165 = arith.addi %select_n3A_164, %select_n3A_14 : i32
          %add3A_166 = arith.constant 1 : i32
          %add3A_167 = arith.addi %while3A_147, %add3A_166 : i32
          %select_n3A_168 = arith.constant true
          %select_n3A_169 = arith.select %select_n3A_168, %add3A_167, %while3A_147 : i32
          %eq3A_170 = arith.cmpi eq, %select_n3A_169, %select_n3A : i32
          %select_n3A_171 = arith.constant 0 : i32
          %select_n3A_172 = arith.select %eq3A_170, %select_n3A_171, %select_n3A_169 : i32
          %add3A_173 = arith.addi %select_n3A_172, %select_n3A_14 : i32
          %add3A_174 = arith.constant 1 : i32
          %add3A_175 = arith.addi %select_n3A_172, %add3A_174 : i32
          %select_n3A_176 = arith.constant true
          %select_n3A_177 = arith.select %select_n3A_176, %add3A_175, %select_n3A_172 : i32
          %eq3A_178 = arith.cmpi eq, %select_n3A_177, %select_n3A : i32
          %select_n3A_179 = arith.constant 0 : i32
          %select_n3A_180 = arith.select %eq3A_178, %select_n3A_179, %select_n3A_177 : i32
          %add3A_181 = arith.addi %select_n3A_180, %select_n3A_14 : i32
          %ne3A = arith.cmpi ne, %add3A_155, %add3A_173 : i32
          %or3A = arith.constant false
          %or3A_182 = arith.ori %or3A, %ne3A : i1
          %sub3A_183 = arith.constant 2 : i32
          %sub3A_184 = arith.subi %mul3A_149, %sub3A_183 : i32
          %add3A_185 = arith.constant 1 : i32
          %add3A_186 = arith.addi %sub3A_184, %add3A_185 : i32
          %ge3A = arith.cmpi sge, %while3A_142, %add3A_186 : i32
          %not3A = arith.constant true
          %not3A_187 = arith.xori %ge3A, %not3A : i1
          %and3A = arith.andi %or3A_182, %not3A_187 : i1
          %convert_element_type3A_188 = arith.extui %and3A : i1 to i32
          %cond3A_189 = arith.constant 0 : i32
          %cond3A_190 = arith.cmpi ne, %convert_element_type3A_188, %cond3A_189 : i32
          scf.if %cond3A_190 {
            "tpu.trace_start"() <{level = 10 : i32, message = "ep_copy_in"}> : () -> ()
            %rem3A_294 = arith.constant 2 : i32
            %rem3A_295 = arith.remui %while3A_143, %rem3A_294 : i32
            %mul3A_296 = arith.constant 128 : i32
            %mul3A_297 = arith.muli %mul3A_296, %add3A_173 : i32
            %dma_start3A_298 = arith.constant 0 : i32
            %dma_start3A_299 = arith.constant 0 : i32
            %dma_start3A_300 = tpu.memref_slice %run_scoped3A[%rem3A_295, %dma_start3A_298, %dma_start3A_299] : memref<2x1x128xi32, #tpu.memory_space<vmem>> -> memref<1x1x128xi32, #tpu.memory_space<vmem>>
            %dma_start3A_301 = tpu.memref_squeeze %dma_start3A_300 : memref<1x1x128xi32, #tpu.memory_space<vmem>> -> memref<1x128xi32, #tpu.memory_space<vmem>>
            %dma_start3A_302 = arith.constant 0 : i32
            %dma_start3A_303 = tpu.memref_slice %arg3[%dma_start3A_302, %mul3A_297] : memref<1x74752xi32, #tpu.memory_space<hbm>> -> memref<1x128xi32, #tpu.memory_space<hbm>>
            %dma_start3A_304 = tpu.memref_slice %run_scoped3A_17[%rem3A_295] : memref<2x!tpu.dma_semaphore, #tpu.memory_space<semaphore_mem>> -> memref<1x!tpu.dma_semaphore, #tpu.memory_space<semaphore_mem>>
            %dma_start3A_305 = tpu.memref_squeeze %dma_start3A_304 : memref<1x!tpu.dma_semaphore, #tpu.memory_space<semaphore_mem>> -> memref<!tpu.dma_semaphore, #tpu.memory_space<semaphore_mem>>
            %dma_start3A_306 = arith.constant 0 : i32
            %dma_start3A_307 = arith.constant 0 : i32
            %dma_start3A_308 = tpu.memref_slice %run_scoped3A[%rem3A_295, %dma_start3A_306, %dma_start3A_307] : memref<2x1x128xi32, #tpu.memory_space<vmem>> -> memref<1x1x128xi32, #tpu.memory_space<vmem>>
            %dma_start3A_309 = tpu.memref_squeeze %dma_start3A_308 : memref<1x1x128xi32, #tpu.memory_space<vmem>> -> memref<1x128xi32, #tpu.memory_space<vmem>>
            %dma_start3A_310 = arith.constant 0 : i32
            %dma_start3A_311 = tpu.memref_slice %arg3[%dma_start3A_310, %mul3A_297] : memref<1x74752xi32, #tpu.memory_space<hbm>> -> memref<1x128xi32, #tpu.memory_space<hbm>>
            tpu.enqueue_dma source(%dma_start3A_311 : memref<1x128xi32, #tpu.memory_space<hbm>>) target(%dma_start3A_309 : memref<1x128xi32, #tpu.memory_space<vmem>>) target_semaphore(%dma_start3A_305 : memref<!tpu.dma_semaphore, #tpu.memory_space<semaphore_mem>>)
            "tpu.trace_stop"() : () -> ()
          } else {
          }
          %and3A_191 = arith.constant true
          %and3A_192 = arith.andi %and3A, %and3A_191 : i1
          %add3A_193 = arith.constant 1 : i32
          %add3A_194 = arith.addi %while3A_143, %add3A_193 : i32
          %select_n3A_195 = arith.select %and3A_192, %add3A_194, %while3A_143 : i32
          %ne3A_196 = arith.cmpi ne, %add3A_155, %add3A_173 : i32
          %or3A_197 = arith.constant false
          %or3A_198 = arith.ori %or3A_197, %ne3A_196 : i1
          %or3A_199 = arith.constant false
          %or3A_200 = arith.ori %or3A_198, %or3A_199 : i1
          %sub3A_201 = arith.constant 2 : i32
          %sub3A_202 = arith.subi %mul3A_149, %sub3A_201 : i32
          %add3A_203 = arith.constant 1 : i32
          %add3A_204 = arith.addi %sub3A_202, %add3A_203 : i32
          %ge3A_205 = arith.cmpi sge, %while3A_142, %add3A_204 : i32
          %not3A_206 = arith.constant true
          %not3A_207 = arith.xori %ge3A_205, %not3A_206 : i1
          %and3A_208 = arith.andi %or3A_200, %not3A_207 : i1
          %ne3A_209 = arith.cmpi ne, %add3A_155, %add3A_165 : i32
          %or3A_210 = arith.constant false
          %or3A_211 = arith.ori %or3A_210, %ne3A_209 : i1
          %or3A_212 = arith.ori %or3A_211, %eq3A_151 : i1
          %convert_element_type3A_213 = arith.extui %or3A_212 : i1 to i32
          %cond3A_214 = arith.constant 0 : i32
          %cond3A_215 = arith.cmpi ne, %convert_element_type3A_213, %cond3A_214 : i32
          scf.if %cond3A_215 {
            "tpu.trace_start"() <{level = 10 : i32, message = "ep_wait_in"}> : () -> ()
            %mul3A_294 = arith.constant 128 : i32
            %mul3A_295 = arith.muli %mul3A_294, %add3A_155 : i32
            %rem3A_296 = arith.constant 2 : i32
            %rem3A_297 = arith.remui %while3A_144, %rem3A_296 : i32
            %dma_wait3A = arith.constant 0 : i32
            %dma_wait3A_298 = arith.constant 0 : i32
            %dma_wait3A_299 = tpu.memref_slice %run_scoped3A[%rem3A_297, %dma_wait3A, %dma_wait3A_298] : memref<2x1x128xi32, #tpu.memory_space<vmem>> -> memref<1x1x128xi32, #tpu.memory_space<vmem>>
            %dma_wait3A_300 = tpu.memref_squeeze %dma_wait3A_299 : memref<1x1x128xi32, #tpu.memory_space<vmem>> -> memref<1x128xi32, #tpu.memory_space<vmem>>
            %dma_wait3A_301 = arith.constant 0 : i32
            %dma_wait3A_302 = tpu.memref_slice %arg3[%dma_wait3A_301, %mul3A_295] : memref<1x74752xi32, #tpu.memory_space<hbm>> -> memref<1x128xi32, #tpu.memory_space<hbm>>
            %dma_wait3A_303 = tpu.memref_slice %run_scoped3A_17[%rem3A_297] : memref<2x!tpu.dma_semaphore, #tpu.memory_space<semaphore_mem>> -> memref<1x!tpu.dma_semaphore, #tpu.memory_space<semaphore_mem>>
            %dma_wait3A_304 = tpu.memref_squeeze %dma_wait3A_303 : memref<1x!tpu.dma_semaphore, #tpu.memory_space<semaphore_mem>> -> memref<!tpu.dma_semaphore, #tpu.memory_space<semaphore_mem>>
            %dma_wait3A_305 = arith.constant 0 : i32
            %dma_wait3A_306 = arith.constant 0 : i32
            %dma_wait3A_307 = tpu.memref_slice %run_scoped3A[%rem3A_297, %dma_wait3A_305, %dma_wait3A_306] : memref<2x1x128xi32, #tpu.memory_space<vmem>> -> memref<1x1x128xi32, #tpu.memory_space<vmem>>
            %dma_wait3A_308 = tpu.memref_squeeze %dma_wait3A_307 : memref<1x1x128xi32, #tpu.memory_space<vmem>> -> memref<1x128xi32, #tpu.memory_space<vmem>>
            %dma_wait3A_309 = arith.constant 0 : i32
            %dma_wait3A_310 = tpu.memref_slice %arg3[%dma_wait3A_309, %mul3A_295] : memref<1x74752xi32, #tpu.memory_space<hbm>> -> memref<1x128xi32, #tpu.memory_space<hbm>>
            tpu.wait_dma2 semaphore(%dma_wait3A_304 : memref<!tpu.dma_semaphore, #tpu.memory_space<semaphore_mem>>) src(%dma_wait3A_310 : memref<1x128xi32, #tpu.memory_space<hbm>>) dst(%dma_wait3A_308 : memref<1x128xi32, #tpu.memory_space<vmem>>)
            "tpu.trace_stop"() : () -> ()
          } else {
          }
          %ne3A_216 = arith.cmpi ne, %add3A_155, %add3A_165 : i32
          %or3A_217 = arith.constant false
          %or3A_218 = arith.ori %or3A_217, %ne3A_216 : i1
          %or3A_219 = arith.constant false
          %or3A_220 = arith.ori %or3A_218, %or3A_219 : i1
          %or3A_221 = arith.ori %or3A_220, %eq3A_151 : i1
          %convert_element_type3A_222 = arith.extui %or3A_221 : i1 to i32
          %cond3A_223 = arith.constant 0 : i32
          %cond3A_224 = arith.cmpi ne, %convert_element_type3A_222, %cond3A_223 : i32
          scf.if %cond3A_224 {
          } else {
          }
          %rem3A_225 = arith.constant 2 : i32
          %rem3A_226 = arith.remui %while3A_144, %rem3A_225 : i32
          %rem3A_227 = arith.constant 2 : i32
          %rem3A_228 = arith.remui %while3A_145, %rem3A_227 : i32
          %run_scoped3A_229 = arith.constant 0 : i32
          "tpu.trace_start"() <{level = 10 : i32, message = "ep_run_kernel"}> : () -> ()
          "tpu.region"() ({
            %run_scoped3A_294 = tpu.sem_alloc : memref<!tpu.dma_semaphore, #tpu.memory_space<semaphore_mem>>
            %dma_start3A_295 = arith.constant 0 : i32
            %dma_start3A_296 = arith.constant 0 : i32
            %dma_start3A_297 = tpu.memref_slice %run_scoped3A_18[%rem3A_228, %dma_start3A_295, %dma_start3A_296] : memref<2x128x64xf32, #tpu.memory_space<vmem>> -> memref<1x128x64xf32, #tpu.memory_space<vmem>>
            %dma_start3A_298 = tpu.memref_squeeze %dma_start3A_297 : memref<1x128x64xf32, #tpu.memory_space<vmem>> -> memref<128x64xf32, #tpu.memory_space<vmem>>
            %dma_start3A_299 = arith.constant 0 : i32
            %dma_start3A_300 = arith.constant 0 : i32
            %dma_start3A_301 = tpu.memref_slice %run_scoped3A[%rem3A_226, %dma_start3A_299, %dma_start3A_300] : memref<2x1x128xi32, #tpu.memory_space<vmem>> -> memref<1x1x128xi32, #tpu.memory_space<vmem>>
            %dma_start3A_302 = tpu.memref_squeeze %dma_start3A_301 : memref<1x1x128xi32, #tpu.memory_space<vmem>> -> memref<1x128xi32, #tpu.memory_space<vmem>>
            %dma_start3A_303 = arith.constant 0 : i32
            %dma_start3A_304 = tpu.memref_slice %dma_start3A_302[%run_scoped3A_229, %dma_start3A_303] : memref<1x128xi32, #tpu.memory_space<vmem>> -> memref<1x128xi32, #tpu.memory_space<vmem>>
            %dma_start3A_305 = tpu.memref_squeeze %dma_start3A_304 : memref<1x128xi32, #tpu.memory_space<vmem>> -> memref<128xi32, #tpu.memory_space<vmem>>
            %dma_start3A_306 = arith.constant 0 : i32
            %dma_start3A_307 = arith.constant 0 : i32
            %dma_start3A_308 = tpu.memref_slice %arg2[%dma_start3A_306, %dma_start3A_307] : memref<100000x64xf32, #tpu.memory_space<hbm>> -> memref<100000x64xf32, #tpu.memory_space<hbm>>
            tpu.enqueue_indirect_dma source(%dma_start3A_308 : memref<100000x64xf32, #tpu.memory_space<hbm>>) target(%dma_start3A_298 : memref<128x64xf32, #tpu.memory_space<vmem>>) offsets(%dma_start3A_305 : memref<128xi32, #tpu.memory_space<vmem>>) semaphore(%run_scoped3A_294 : memref<!tpu.dma_semaphore, #tpu.memory_space<semaphore_mem>>)
            %dma_wait3A = arith.constant 0 : i32
            %dma_wait3A_309 = arith.constant 0 : i32
            %dma_wait3A_310 = tpu.memref_slice %run_scoped3A_18[%rem3A_228, %dma_wait3A, %dma_wait3A_309] : memref<2x128x64xf32, #tpu.memory_space<vmem>> -> memref<1x128x64xf32, #tpu.memory_space<vmem>>
            %dma_wait3A_311 = tpu.memref_squeeze %dma_wait3A_310 : memref<1x128x64xf32, #tpu.memory_space<vmem>> -> memref<128x64xf32, #tpu.memory_space<vmem>>
            %dma_wait3A_312 = arith.constant 0 : i32
            %dma_wait3A_313 = arith.constant 0 : i32
            %dma_wait3A_314 = tpu.memref_slice %run_scoped3A[%rem3A_226, %dma_wait3A_312, %dma_wait3A_313] : memref<2x1x128xi32, #tpu.memory_space<vmem>> -> memref<1x1x128xi32, #tpu.memory_space<vmem>>
            %dma_wait3A_315 = tpu.memref_squeeze %dma_wait3A_314 : memref<1x1x128xi32, #tpu.memory_space<vmem>> -> memref<1x128xi32, #tpu.memory_space<vmem>>
            %dma_wait3A_316 = arith.constant 0 : i32
            %dma_wait3A_317 = tpu.memref_slice %dma_wait3A_315[%run_scoped3A_229, %dma_wait3A_316] : memref<1x128xi32, #tpu.memory_space<vmem>> -> memref<1x128xi32, #tpu.memory_space<vmem>>
            %dma_wait3A_318 = tpu.memref_squeeze %dma_wait3A_317 : memref<1x128xi32, #tpu.memory_space<vmem>> -> memref<128xi32, #tpu.memory_space<vmem>>
            %dma_wait3A_319 = arith.constant 0 : i32
            %dma_wait3A_320 = arith.constant 0 : i32
            %dma_wait3A_321 = tpu.memref_slice %arg2[%dma_wait3A_319, %dma_wait3A_320] : memref<100000x64xf32, #tpu.memory_space<hbm>> -> memref<100000x64xf32, #tpu.memory_space<hbm>>
            tpu.wait_indirect_dma semaphore(%run_scoped3A_294 : memref<!tpu.dma_semaphore, #tpu.memory_space<semaphore_mem>>) src(%dma_wait3A_321 : memref<100000x64xf32, #tpu.memory_space<hbm>>) dst(%dma_wait3A_311 : memref<128x64xf32, #tpu.memory_space<vmem>>)
            tpu.yield
          }) : () -> ()
          "tpu.trace_stop"() : () -> ()
          %ne3A_230 = arith.cmpi ne, %add3A_155, %add3A_173 : i32
          %or3A_231 = arith.constant false
          %or3A_232 = arith.ori %or3A_231, %ne3A_230 : i1
          %or3A_233 = arith.ori %or3A_232, %eq3A_154 : i1
          %convert_element_type3A_234 = arith.extui %or3A_233 : i1 to i32
          %cond3A_235 = arith.constant 0 : i32
          %cond3A_236 = arith.cmpi ne, %convert_element_type3A_234, %cond3A_235 : i32
          scf.if %cond3A_236 {
          } else {
          }
          %and3A_237 = arith.constant false
          %and3A_238 = arith.andi %or3A_233, %and3A_237 : i1
          %ne3A_239 = arith.cmpi ne, %add3A_155, %add3A_173 : i32
          %or3A_240 = arith.constant false
          %or3A_241 = arith.ori %or3A_240, %ne3A_239 : i1
          %or3A_242 = arith.constant false
          %or3A_243 = arith.ori %or3A_241, %or3A_242 : i1
          %or3A_244 = arith.ori %or3A_243, %eq3A_154 : i1
          %convert_element_type3A_245 = arith.extui %or3A_244 : i1 to i32
          %cond3A_246 = arith.constant 0 : i32
          %cond3A_247 = arith.cmpi ne, %convert_element_type3A_245, %cond3A_246 : i32
          scf.if %cond3A_247 {
            "tpu.trace_start"() <{level = 10 : i32, message = "ep_copy_out"}> : () -> ()
            %rem3A_294 = arith.constant 2 : i32
            %rem3A_295 = arith.remui %while3A_145, %rem3A_294 : i32
            %mul3A_296 = arith.constant 128 : i32
            %mul3A_297 = arith.muli %mul3A_296, %add3A_155 : i32
            %dma_start3A_298 = arith.constant 0 : i32
            %dma_start3A_299 = arith.constant 0 : i32
            %dma_start3A_300 = tpu.memref_slice %run_scoped3A_18[%rem3A_295, %dma_start3A_298, %dma_start3A_299] : memref<2x128x64xf32, #tpu.memory_space<vmem>> -> memref<1x128x64xf32, #tpu.memory_space<vmem>>
            %dma_start3A_301 = tpu.memref_squeeze %dma_start3A_300 : memref<1x128x64xf32, #tpu.memory_space<vmem>> -> memref<128x64xf32, #tpu.memory_space<vmem>>
            %dma_start3A_302 = arith.constant 0 : i32
            %dma_start3A_303 = tpu.memref_slice %arg4[%mul3A_297, %dma_start3A_302] : memref<74752x64xf32, #tpu.memory_space<hbm>> -> memref<128x64xf32, #tpu.memory_space<hbm>>
            %dma_start3A_304 = tpu.memref_slice %run_scoped3A_19[%rem3A_295] : memref<2x!tpu.dma_semaphore, #tpu.memory_space<semaphore_mem>> -> memref<1x!tpu.dma_semaphore, #tpu.memory_space<semaphore_mem>>
            %dma_start3A_305 = tpu.memref_squeeze %dma_start3A_304 : memref<1x!tpu.dma_semaphore, #tpu.memory_space<semaphore_mem>> -> memref<!tpu.dma_semaphore, #tpu.memory_space<semaphore_mem>>
            %dma_start3A_306 = arith.constant 0 : i32
            %dma_start3A_307 = tpu.memref_slice %arg4[%mul3A_297, %dma_start3A_306] : memref<74752x64xf32, #tpu.memory_space<hbm>> -> memref<128x64xf32, #tpu.memory_space<hbm>>
            %dma_start3A_308 = arith.constant 0 : i32
            %dma_start3A_309 = arith.constant 0 : i32
            %dma_start3A_310 = tpu.memref_slice %run_scoped3A_18[%rem3A_295, %dma_start3A_308, %dma_start3A_309] : memref<2x128x64xf32, #tpu.memory_space<vmem>> -> memref<1x128x64xf32, #tpu.memory_space<vmem>>
            %dma_start3A_311 = tpu.memref_squeeze %dma_start3A_310 : memref<1x128x64xf32, #tpu.memory_space<vmem>> -> memref<128x64xf32, #tpu.memory_space<vmem>>
            tpu.enqueue_dma source(%dma_start3A_311 : memref<128x64xf32, #tpu.memory_space<vmem>>) target(%dma_start3A_307 : memref<128x64xf32, #tpu.memory_space<hbm>>) target_semaphore(%dma_start3A_305 : memref<!tpu.dma_semaphore, #tpu.memory_space<semaphore_mem>>)
            "tpu.trace_stop"() : () -> ()
          } else {
          }
          %and3A_248 = arith.constant true
          %and3A_249 = arith.andi %or3A_244, %and3A_248 : i1
          %add3A_250 = arith.constant 1 : i32
          %add3A_251 = arith.addi %while3A_145, %add3A_250 : i32
          %select_n3A_252 = arith.select %and3A_249, %add3A_251, %while3A_145 : i32
          %ne3A_253 = arith.cmpi ne, %add3A_155, %add3A_165 : i32
          %or3A_254 = arith.constant false
          %or3A_255 = arith.ori %or3A_254, %ne3A_253 : i1
          %not3A_256 = arith.constant true
          %not3A_257 = arith.xori %eq3A_151, %not3A_256 : i1
          %and3A_258 = arith.andi %or3A_255, %not3A_257 : i1
          %convert_element_type3A_259 = arith.extui %and3A_258 : i1 to i32
          %cond3A_260 = arith.constant 0 : i32
          %cond3A_261 = arith.cmpi ne, %convert_element_type3A_259, %cond3A_260 : i32
          scf.if %cond3A_261 {
          } else {
          }
          %and3A_262 = arith.constant false
          %and3A_263 = arith.andi %and3A_258, %and3A_262 : i1
          %ne3A_264 = arith.cmpi ne, %add3A_155, %add3A_165 : i32
          %or3A_265 = arith.constant false
          %or3A_266 = arith.ori %or3A_265, %ne3A_264 : i1
          %or3A_267 = arith.constant false
          %or3A_268 = arith.ori %or3A_266, %or3A_267 : i1
          %not3A_269 = arith.constant true
          %not3A_270 = arith.xori %eq3A_151, %not3A_269 : i1
          %and3A_271 = arith.andi %or3A_268, %not3A_270 : i1
          %convert_element_type3A_272 = arith.extui %and3A_271 : i1 to i32
          %cond3A_273 = arith.constant 0 : i32
          %cond3A_274 = arith.cmpi ne, %convert_element_type3A_272, %cond3A_273 : i32
          scf.if %cond3A_274 {
            "tpu.trace_start"() <{level = 10 : i32, message = "ep_wait_out"}> : () -> ()
            %rem3A_294 = arith.constant 2 : i32
            %rem3A_295 = arith.remui %while3A_146, %rem3A_294 : i32
            %mul3A_296 = arith.constant 128 : i32
            %mul3A_297 = arith.muli %mul3A_296, %add3A_165 : i32
            %dma_wait3A = arith.constant 0 : i32
            %dma_wait3A_298 = arith.constant 0 : i32
            %dma_wait3A_299 = tpu.memref_slice %run_scoped3A_18[%rem3A_295, %dma_wait3A, %dma_wait3A_298] : memref<2x128x64xf32, #tpu.memory_space<vmem>> -> memref<1x128x64xf32, #tpu.memory_space<vmem>>
            %dma_wait3A_300 = tpu.memref_squeeze %dma_wait3A_299 : memref<1x128x64xf32, #tpu.memory_space<vmem>> -> memref<128x64xf32, #tpu.memory_space<vmem>>
            %dma_wait3A_301 = arith.constant 0 : i32
            %dma_wait3A_302 = tpu.memref_slice %arg4[%mul3A_297, %dma_wait3A_301] : memref<74752x64xf32, #tpu.memory_space<hbm>> -> memref<128x64xf32, #tpu.memory_space<hbm>>
            %dma_wait3A_303 = tpu.memref_slice %run_scoped3A_19[%rem3A_295] : memref<2x!tpu.dma_semaphore, #tpu.memory_space<semaphore_mem>> -> memref<1x!tpu.dma_semaphore, #tpu.memory_space<semaphore_mem>>
            %dma_wait3A_304 = tpu.memref_squeeze %dma_wait3A_303 : memref<1x!tpu.dma_semaphore, #tpu.memory_space<semaphore_mem>> -> memref<!tpu.dma_semaphore, #tpu.memory_space<semaphore_mem>>
            %dma_wait3A_305 = arith.constant 0 : i32
            %dma_wait3A_306 = tpu.memref_slice %arg4[%mul3A_297, %dma_wait3A_305] : memref<74752x64xf32, #tpu.memory_space<hbm>> -> memref<128x64xf32, #tpu.memory_space<hbm>>
            %dma_wait3A_307 = arith.constant 0 : i32
            %dma_wait3A_308 = arith.constant 0 : i32
            %dma_wait3A_309 = tpu.memref_slice %run_scoped3A_18[%rem3A_295, %dma_wait3A_307, %dma_wait3A_308] : memref<2x128x64xf32, #tpu.memory_space<vmem>> -> memref<1x128x64xf32, #tpu.memory_space<vmem>>
            %dma_wait3A_310 = tpu.memref_squeeze %dma_wait3A_309 : memref<1x128x64xf32, #tpu.memory_space<vmem>> -> memref<128x64xf32, #tpu.memory_space<vmem>>
            tpu.wait_dma2 semaphore(%dma_wait3A_304 : memref<!tpu.dma_semaphore, #tpu.memory_space<semaphore_mem>>) src(%dma_wait3A_310 : memref<128x64xf32, #tpu.memory_space<vmem>>) dst(%dma_wait3A_306 : memref<128x64xf32, #tpu.memory_space<hbm>>)
            "tpu.trace_stop"() : () -> ()
          } else {
          }
          %and3A_275 = arith.constant true
          %and3A_276 = arith.andi %and3A_271, %and3A_275 : i1
          %add3A_277 = arith.constant 1 : i32
          %add3A_278 = arith.addi %while3A_146, %add3A_277 : i32
          %select_n3A_279 = arith.select %and3A_276, %add3A_278, %while3A_146 : i32
          %ne3A_280 = arith.cmpi ne, %add3A_155, %add3A_173 : i32
          %or3A_281 = arith.constant false
          %or3A_282 = arith.ori %or3A_281, %ne3A_280 : i1
          %or3A_283 = arith.ori %or3A_282, %eq3A_154 : i1
          %add3A_284 = arith.constant 1 : i32
          %add3A_285 = arith.addi %while3A_144, %add3A_284 : i32
          %select_n3A_286 = arith.select %or3A_283, %add3A_285, %while3A_144 : i32
          %add3A_287 = arith.constant 1 : i32
          %add3A_288 = arith.addi %while3A_147, %add3A_287 : i32
          %select_n3A_289 = arith.constant true
          %select_n3A_290 = arith.select %select_n3A_289, %add3A_288, %while3A_147 : i32
          %eq3A_291 = arith.cmpi eq, %select_n3A_290, %select_n3A : i32
          %select_n3A_292 = arith.constant 0 : i32
          %select_n3A_293 = arith.select %eq3A_291, %select_n3A_292, %select_n3A_290 : i32
          scf.yield %select_n3A_195, %select_n3A_286, %select_n3A_252, %select_n3A_279, %select_n3A_293 : i32, i32, i32, i32, i32
        }
        %while3A_89 = arith.constant 1 : i32
        %while3A_90:5 = scf.for %while3A_142 = %while3A_86 to %while3A_82 step %while3A_89 iter_args(%while3A_143 = %while3A_88#0, %while3A_144 = %while3A_88#1, %while3A_145 = %while3A_88#2, %while3A_146 = %while3A_88#3, %while3A_147 = %while3A_88#4) -> (i32, i32, i32, i32, i32)  : i32 {
          %mul3A_148 = arith.constant 1 : i32
          %mul3A_149 = arith.muli %mul3A_148, %select_n3A : i32
          %eq3A_150 = arith.constant 0 : i32
          %eq3A_151 = arith.cmpi eq, %while3A_142, %eq3A_150 : i32
          %sub3A_152 = arith.constant 1 : i32
          %sub3A_153 = arith.subi %mul3A_149, %sub3A_152 : i32
          %eq3A_154 = arith.cmpi eq, %while3A_142, %sub3A_153 : i32
          %add3A_155 = arith.addi %while3A_147, %select_n3A_14 : i32
          %sub3A_156 = arith.constant 1 : i32
          %sub3A_157 = arith.subi %while3A_147, %sub3A_156 : i32
          %select_n3A_158 = arith.constant true
          %select_n3A_159 = arith.select %select_n3A_158, %sub3A_157, %while3A_147 : i32
          %eq3A_160 = arith.constant -1 : i32
          %eq3A_161 = arith.cmpi eq, %select_n3A_159, %eq3A_160 : i32
          %sub3A_162 = arith.constant 1 : i32
          %sub3A_163 = arith.subi %select_n3A, %sub3A_162 : i32
          %select_n3A_164 = arith.select %eq3A_161, %sub3A_163, %select_n3A_159 : i32
          %add3A_165 = arith.addi %select_n3A_164, %select_n3A_14 : i32
          %add3A_166 = arith.constant 1 : i32
          %add3A_167 = arith.addi %while3A_147, %add3A_166 : i32
          %select_n3A_168 = arith.constant true
          %select_n3A_169 = arith.select %select_n3A_168, %add3A_167, %while3A_147 : i32
          %eq3A_170 = arith.cmpi eq, %select_n3A_169, %select_n3A : i32
          %select_n3A_171 = arith.constant 0 : i32
          %select_n3A_172 = arith.select %eq3A_170, %select_n3A_171, %select_n3A_169 : i32
          %add3A_173 = arith.addi %select_n3A_172, %select_n3A_14 : i32
          %add3A_174 = arith.constant 1 : i32
          %add3A_175 = arith.addi %select_n3A_172, %add3A_174 : i32
          %select_n3A_176 = arith.constant true
          %select_n3A_177 = arith.select %select_n3A_176, %add3A_175, %select_n3A_172 : i32
          %eq3A_178 = arith.cmpi eq, %select_n3A_177, %select_n3A : i32
          %select_n3A_179 = arith.constant 0 : i32
          %select_n3A_180 = arith.select %eq3A_178, %select_n3A_179, %select_n3A_177 : i32
          %add3A_181 = arith.addi %select_n3A_180, %select_n3A_14 : i32
          %ne3A = arith.cmpi ne, %add3A_155, %add3A_173 : i32
          %or3A = arith.constant false
          %or3A_182 = arith.ori %or3A, %ne3A : i1
          %sub3A_183 = arith.constant 2 : i32
          %sub3A_184 = arith.subi %mul3A_149, %sub3A_183 : i32
          %add3A_185 = arith.constant 1 : i32
          %add3A_186 = arith.addi %sub3A_184, %add3A_185 : i32
          %ge3A = arith.cmpi sge, %while3A_142, %add3A_186 : i32
          %not3A = arith.constant true
          %not3A_187 = arith.xori %ge3A, %not3A : i1
          %and3A = arith.andi %or3A_182, %not3A_187 : i1
          %convert_element_type3A_188 = arith.extui %and3A : i1 to i32
          %cond3A_189 = arith.constant 0 : i32
          %cond3A_190 = arith.cmpi ne, %convert_element_type3A_188, %cond3A_189 : i32
          scf.if %cond3A_190 {
            "tpu.trace_start"() <{level = 10 : i32, message = "ep_copy_in"}> : () -> ()
            %rem3A_294 = arith.constant 2 : i32
            %rem3A_295 = arith.remui %while3A_143, %rem3A_294 : i32
            %mul3A_296 = arith.constant 128 : i32
            %mul3A_297 = arith.muli %mul3A_296, %add3A_173 : i32
            %dma_start3A_298 = arith.constant 0 : i32
            %dma_start3A_299 = arith.constant 0 : i32
            %dma_start3A_300 = tpu.memref_slice %run_scoped3A[%rem3A_295, %dma_start3A_298, %dma_start3A_299] : memref<2x1x128xi32, #tpu.memory_space<vmem>> -> memref<1x1x128xi32, #tpu.memory_space<vmem>>
            %dma_start3A_301 = tpu.memref_squeeze %dma_start3A_300 : memref<1x1x128xi32, #tpu.memory_space<vmem>> -> memref<1x128xi32, #tpu.memory_space<vmem>>
            %dma_start3A_302 = arith.constant 0 : i32
            %dma_start3A_303 = tpu.memref_slice %arg3[%dma_start3A_302, %mul3A_297] : memref<1x74752xi32, #tpu.memory_space<hbm>> -> memref<1x128xi32, #tpu.memory_space<hbm>>
            %dma_start3A_304 = tpu.memref_slice %run_scoped3A_17[%rem3A_295] : memref<2x!tpu.dma_semaphore, #tpu.memory_space<semaphore_mem>> -> memref<1x!tpu.dma_semaphore, #tpu.memory_space<semaphore_mem>>
            %dma_start3A_305 = tpu.memref_squeeze %dma_start3A_304 : memref<1x!tpu.dma_semaphore, #tpu.memory_space<semaphore_mem>> -> memref<!tpu.dma_semaphore, #tpu.memory_space<semaphore_mem>>
            %dma_start3A_306 = arith.constant 0 : i32
            %dma_start3A_307 = arith.constant 0 : i32
            %dma_start3A_308 = tpu.memref_slice %run_scoped3A[%rem3A_295, %dma_start3A_306, %dma_start3A_307] : memref<2x1x128xi32, #tpu.memory_space<vmem>> -> memref<1x1x128xi32, #tpu.memory_space<vmem>>
            %dma_start3A_309 = tpu.memref_squeeze %dma_start3A_308 : memref<1x1x128xi32, #tpu.memory_space<vmem>> -> memref<1x128xi32, #tpu.memory_space<vmem>>
            %dma_start3A_310 = arith.constant 0 : i32
            %dma_start3A_311 = tpu.memref_slice %arg3[%dma_start3A_310, %mul3A_297] : memref<1x74752xi32, #tpu.memory_space<hbm>> -> memref<1x128xi32, #tpu.memory_space<hbm>>
            tpu.enqueue_dma source(%dma_start3A_311 : memref<1x128xi32, #tpu.memory_space<hbm>>) target(%dma_start3A_309 : memref<1x128xi32, #tpu.memory_space<vmem>>) target_semaphore(%dma_start3A_305 : memref<!tpu.dma_semaphore, #tpu.memory_space<semaphore_mem>>)
            "tpu.trace_stop"() : () -> ()
          } else {
          }
          %and3A_191 = arith.constant true
          %and3A_192 = arith.andi %and3A, %and3A_191 : i1
          %add3A_193 = arith.constant 1 : i32
          %add3A_194 = arith.addi %while3A_143, %add3A_193 : i32
          %select_n3A_195 = arith.select %and3A_192, %add3A_194, %while3A_143 : i32
          %ne3A_196 = arith.cmpi ne, %add3A_155, %add3A_173 : i32
          %or3A_197 = arith.constant false
          %or3A_198 = arith.ori %or3A_197, %ne3A_196 : i1
          %or3A_199 = arith.constant false
          %or3A_200 = arith.ori %or3A_198, %or3A_199 : i1
          %sub3A_201 = arith.constant 2 : i32
          %sub3A_202 = arith.subi %mul3A_149, %sub3A_201 : i32
          %add3A_203 = arith.constant 1 : i32
          %add3A_204 = arith.addi %sub3A_202, %add3A_203 : i32
          %ge3A_205 = arith.cmpi sge, %while3A_142, %add3A_204 : i32
          %not3A_206 = arith.constant true
          %not3A_207 = arith.xori %ge3A_205, %not3A_206 : i1
          %and3A_208 = arith.andi %or3A_200, %not3A_207 : i1
          %ne3A_209 = arith.cmpi ne, %add3A_155, %add3A_165 : i32
          %or3A_210 = arith.constant false
          %or3A_211 = arith.ori %or3A_210, %ne3A_209 : i1
          %or3A_212 = arith.ori %or3A_211, %eq3A_151 : i1
          %convert_element_type3A_213 = arith.extui %or3A_212 : i1 to i32
          %cond3A_214 = arith.constant 0 : i32
          %cond3A_215 = arith.cmpi ne, %convert_element_type3A_213, %cond3A_214 : i32
          scf.if %cond3A_215 {
            "tpu.trace_start"() <{level = 10 : i32, message = "ep_wait_in"}> : () -> ()
            %mul3A_294 = arith.constant 128 : i32
            %mul3A_295 = arith.muli %mul3A_294, %add3A_155 : i32
            %rem3A_296 = arith.constant 2 : i32
            %rem3A_297 = arith.remui %while3A_144, %rem3A_296 : i32
            %dma_wait3A = arith.constant 0 : i32
            %dma_wait3A_298 = arith.constant 0 : i32
            %dma_wait3A_299 = tpu.memref_slice %run_scoped3A[%rem3A_297, %dma_wait3A, %dma_wait3A_298] : memref<2x1x128xi32, #tpu.memory_space<vmem>> -> memref<1x1x128xi32, #tpu.memory_space<vmem>>
            %dma_wait3A_300 = tpu.memref_squeeze %dma_wait3A_299 : memref<1x1x128xi32, #tpu.memory_space<vmem>> -> memref<1x128xi32, #tpu.memory_space<vmem>>
            %dma_wait3A_301 = arith.constant 0 : i32
            %dma_wait3A_302 = tpu.memref_slice %arg3[%dma_wait3A_301, %mul3A_295] : memref<1x74752xi32, #tpu.memory_space<hbm>> -> memref<1x128xi32, #tpu.memory_space<hbm>>
            %dma_wait3A_303 = tpu.memref_slice %run_scoped3A_17[%rem3A_297] : memref<2x!tpu.dma_semaphore, #tpu.memory_space<semaphore_mem>> -> memref<1x!tpu.dma_semaphore, #tpu.memory_space<semaphore_mem>>
            %dma_wait3A_304 = tpu.memref_squeeze %dma_wait3A_303 : memref<1x!tpu.dma_semaphore, #tpu.memory_space<semaphore_mem>> -> memref<!tpu.dma_semaphore, #tpu.memory_space<semaphore_mem>>
            %dma_wait3A_305 = arith.constant 0 : i32
            %dma_wait3A_306 = arith.constant 0 : i32
            %dma_wait3A_307 = tpu.memref_slice %run_scoped3A[%rem3A_297, %dma_wait3A_305, %dma_wait3A_306] : memref<2x1x128xi32, #tpu.memory_space<vmem>> -> memref<1x1x128xi32, #tpu.memory_space<vmem>>
            %dma_wait3A_308 = tpu.memref_squeeze %dma_wait3A_307 : memref<1x1x128xi32, #tpu.memory_space<vmem>> -> memref<1x128xi32, #tpu.memory_space<vmem>>
            %dma_wait3A_309 = arith.constant 0 : i32
            %dma_wait3A_310 = tpu.memref_slice %arg3[%dma_wait3A_309, %mul3A_295] : memref<1x74752xi32, #tpu.memory_space<hbm>> -> memref<1x128xi32, #tpu.memory_space<hbm>>
            tpu.wait_dma2 semaphore(%dma_wait3A_304 : memref<!tpu.dma_semaphore, #tpu.memory_space<semaphore_mem>>) src(%dma_wait3A_310 : memref<1x128xi32, #tpu.memory_space<hbm>>) dst(%dma_wait3A_308 : memref<1x128xi32, #tpu.memory_space<vmem>>)
            "tpu.trace_stop"() : () -> ()
          } else {
          }
          %ne3A_216 = arith.cmpi ne, %add3A_155, %add3A_165 : i32
          %or3A_217 = arith.constant false
          %or3A_218 = arith.ori %or3A_217, %ne3A_216 : i1
          %or3A_219 = arith.constant false
          %or3A_220 = arith.ori %or3A_218, %or3A_219 : i1
          %or3A_221 = arith.ori %or3A_220, %eq3A_151 : i1
          %convert_element_type3A_222 = arith.extui %or3A_221 : i1 to i32
          %cond3A_223 = arith.constant 0 : i32
          %cond3A_224 = arith.cmpi ne, %convert_element_type3A_222, %cond3A_223 : i32
          scf.if %cond3A_224 {
          } else {
          }
          %rem3A_225 = arith.constant 2 : i32
          %rem3A_226 = arith.remui %while3A_144, %rem3A_225 : i32
          %rem3A_227 = arith.constant 2 : i32
          %rem3A_228 = arith.remui %while3A_145, %rem3A_227 : i32
          %run_scoped3A_229 = arith.constant 0 : i32
          "tpu.trace_start"() <{level = 10 : i32, message = "ep_run_kernel"}> : () -> ()
          "tpu.region"() ({
            %run_scoped3A_294 = tpu.sem_alloc : memref<!tpu.dma_semaphore, #tpu.memory_space<semaphore_mem>>
            %dma_start3A_295 = arith.constant 0 : i32
            %dma_start3A_296 = arith.constant 0 : i32
            %dma_start3A_297 = tpu.memref_slice %run_scoped3A_18[%rem3A_228, %dma_start3A_295, %dma_start3A_296] : memref<2x128x64xf32, #tpu.memory_space<vmem>> -> memref<1x128x64xf32, #tpu.memory_space<vmem>>
            %dma_start3A_298 = tpu.memref_squeeze %dma_start3A_297 : memref<1x128x64xf32, #tpu.memory_space<vmem>> -> memref<128x64xf32, #tpu.memory_space<vmem>>
            %dma_start3A_299 = arith.constant 0 : i32
            %dma_start3A_300 = arith.constant 0 : i32
            %dma_start3A_301 = tpu.memref_slice %run_scoped3A[%rem3A_226, %dma_start3A_299, %dma_start3A_300] : memref<2x1x128xi32, #tpu.memory_space<vmem>> -> memref<1x1x128xi32, #tpu.memory_space<vmem>>
            %dma_start3A_302 = tpu.memref_squeeze %dma_start3A_301 : memref<1x1x128xi32, #tpu.memory_space<vmem>> -> memref<1x128xi32, #tpu.memory_space<vmem>>
            %dma_start3A_303 = arith.constant 0 : i32
            %dma_start3A_304 = tpu.memref_slice %dma_start3A_302[%run_scoped3A_229, %dma_start3A_303] : memref<1x128xi32, #tpu.memory_space<vmem>> -> memref<1x128xi32, #tpu.memory_space<vmem>>
            %dma_start3A_305 = tpu.memref_squeeze %dma_start3A_304 : memref<1x128xi32, #tpu.memory_space<vmem>> -> memref<128xi32, #tpu.memory_space<vmem>>
            %dma_start3A_306 = arith.constant 0 : i32
            %dma_start3A_307 = arith.constant 0 : i32
            %dma_start3A_308 = tpu.memref_slice %arg2[%dma_start3A_306, %dma_start3A_307] : memref<100000x64xf32, #tpu.memory_space<hbm>> -> memref<100000x64xf32, #tpu.memory_space<hbm>>
            tpu.enqueue_indirect_dma source(%dma_start3A_308 : memref<100000x64xf32, #tpu.memory_space<hbm>>) target(%dma_start3A_298 : memref<128x64xf32, #tpu.memory_space<vmem>>) offsets(%dma_start3A_305 : memref<128xi32, #tpu.memory_space<vmem>>) semaphore(%run_scoped3A_294 : memref<!tpu.dma_semaphore, #tpu.memory_space<semaphore_mem>>)
            %dma_wait3A = arith.constant 0 : i32
            %dma_wait3A_309 = arith.constant 0 : i32
            %dma_wait3A_310 = tpu.memref_slice %run_scoped3A_18[%rem3A_228, %dma_wait3A, %dma_wait3A_309] : memref<2x128x64xf32, #tpu.memory_space<vmem>> -> memref<1x128x64xf32, #tpu.memory_space<vmem>>
            %dma_wait3A_311 = tpu.memref_squeeze %dma_wait3A_310 : memref<1x128x64xf32, #tpu.memory_space<vmem>> -> memref<128x64xf32, #tpu.memory_space<vmem>>
            %dma_wait3A_312 = arith.constant 0 : i32
            %dma_wait3A_313 = arith.constant 0 : i32
            %dma_wait3A_314 = tpu.memref_slice %run_scoped3A[%rem3A_226, %dma_wait3A_312, %dma_wait3A_313] : memref<2x1x128xi32, #tpu.memory_space<vmem>> -> memref<1x1x128xi32, #tpu.memory_space<vmem>>
            %dma_wait3A_315 = tpu.memref_squeeze %dma_wait3A_314 : memref<1x1x128xi32, #tpu.memory_space<vmem>> -> memref<1x128xi32, #tpu.memory_space<vmem>>
            %dma_wait3A_316 = arith.constant 0 : i32
            %dma_wait3A_317 = tpu.memref_slice %dma_wait3A_315[%run_scoped3A_229, %dma_wait3A_316] : memref<1x128xi32, #tpu.memory_space<vmem>> -> memref<1x128xi32, #tpu.memory_space<vmem>>
            %dma_wait3A_318 = tpu.memref_squeeze %dma_wait3A_317 : memref<1x128xi32, #tpu.memory_space<vmem>> -> memref<128xi32, #tpu.memory_space<vmem>>
            %dma_wait3A_319 = arith.constant 0 : i32
            %dma_wait3A_320 = arith.constant 0 : i32
            %dma_wait3A_321 = tpu.memref_slice %arg2[%dma_wait3A_319, %dma_wait3A_320] : memref<100000x64xf32, #tpu.memory_space<hbm>> -> memref<100000x64xf32, #tpu.memory_space<hbm>>
            tpu.wait_indirect_dma semaphore(%run_scoped3A_294 : memref<!tpu.dma_semaphore, #tpu.memory_space<semaphore_mem>>) src(%dma_wait3A_321 : memref<100000x64xf32, #tpu.memory_space<hbm>>) dst(%dma_wait3A_311 : memref<128x64xf32, #tpu.memory_space<vmem>>)
            tpu.yield
          }) : () -> ()
          "tpu.trace_stop"() : () -> ()
          %ne3A_230 = arith.cmpi ne, %add3A_155, %add3A_173 : i32
          %or3A_231 = arith.constant false
          %or3A_232 = arith.ori %or3A_231, %ne3A_230 : i1
          %or3A_233 = arith.ori %or3A_232, %eq3A_154 : i1
          %convert_element_type3A_234 = arith.extui %or3A_233 : i1 to i32
          %cond3A_235 = arith.constant 0 : i32
          %cond3A_236 = arith.cmpi ne, %convert_element_type3A_234, %cond3A_235 : i32
          scf.if %cond3A_236 {
          } else {
          }
          %and3A_237 = arith.constant false
          %and3A_238 = arith.andi %or3A_233, %and3A_237 : i1
          %ne3A_239 = arith.cmpi ne, %add3A_155, %add3A_173 : i32
          %or3A_240 = arith.constant false
          %or3A_241 = arith.ori %or3A_240, %ne3A_239 : i1
          %or3A_242 = arith.constant false
          %or3A_243 = arith.ori %or3A_241, %or3A_242 : i1
          %or3A_244 = arith.ori %or3A_243, %eq3A_154 : i1
          %convert_element_type3A_245 = arith.extui %or3A_244 : i1 to i32
          %cond3A_246 = arith.constant 0 : i32
          %cond3A_247 = arith.cmpi ne, %convert_element_type3A_245, %cond3A_246 : i32
          scf.if %cond3A_247 {
            "tpu.trace_start"() <{level = 10 : i32, message = "ep_copy_out"}> : () -> ()
            %rem3A_294 = arith.constant 2 : i32
            %rem3A_295 = arith.remui %while3A_145, %rem3A_294 : i32
            %mul3A_296 = arith.constant 128 : i32
            %mul3A_297 = arith.muli %mul3A_296, %add3A_155 : i32
            %dma_start3A_298 = arith.constant 0 : i32
            %dma_start3A_299 = arith.constant 0 : i32
            %dma_start3A_300 = tpu.memref_slice %run_scoped3A_18[%rem3A_295, %dma_start3A_298, %dma_start3A_299] : memref<2x128x64xf32, #tpu.memory_space<vmem>> -> memref<1x128x64xf32, #tpu.memory_space<vmem>>
            %dma_start3A_301 = tpu.memref_squeeze %dma_start3A_300 : memref<1x128x64xf32, #tpu.memory_space<vmem>> -> memref<128x64xf32, #tpu.memory_space<vmem>>
            %dma_start3A_302 = arith.constant 0 : i32
            %dma_start3A_303 = tpu.memref_slice %arg4[%mul3A_297, %dma_start3A_302] : memref<74752x64xf32, #tpu.memory_space<hbm>> -> memref<128x64xf32, #tpu.memory_space<hbm>>
            %dma_start3A_304 = tpu.memref_slice %run_scoped3A_19[%rem3A_295] : memref<2x!tpu.dma_semaphore, #tpu.memory_space<semaphore_mem>> -> memref<1x!tpu.dma_semaphore, #tpu.memory_space<semaphore_mem>>
            %dma_start3A_305 = tpu.memref_squeeze %dma_start3A_304 : memref<1x!tpu.dma_semaphore, #tpu.memory_space<semaphore_mem>> -> memref<!tpu.dma_semaphore, #tpu.memory_space<semaphore_mem>>
            %dma_start3A_306 = arith.constant 0 : i32
            %dma_start3A_307 = tpu.memref_slice %arg4[%mul3A_297, %dma_start3A_306] : memref<74752x64xf32, #tpu.memory_space<hbm>> -> memref<128x64xf32, #tpu.memory_space<hbm>>
            %dma_start3A_308 = arith.constant 0 : i32
            %dma_start3A_309 = arith.constant 0 : i32
            %dma_start3A_310 = tpu.memref_slice %run_scoped3A_18[%rem3A_295, %dma_start3A_308, %dma_start3A_309] : memref<2x128x64xf32, #tpu.memory_space<vmem>> -> memref<1x128x64xf32, #tpu.memory_space<vmem>>
            %dma_start3A_311 = tpu.memref_squeeze %dma_start3A_310 : memref<1x128x64xf32, #tpu.memory_space<vmem>> -> memref<128x64xf32, #tpu.memory_space<vmem>>
            tpu.enqueue_dma source(%dma_start3A_311 : memref<128x64xf32, #tpu.memory_space<vmem>>) target(%dma_start3A_307 : memref<128x64xf32, #tpu.memory_space<hbm>>) target_semaphore(%dma_start3A_305 : memref<!tpu.dma_semaphore, #tpu.memory_space<semaphore_mem>>)
            "tpu.trace_stop"() : () -> ()
          } else {
          }
          %and3A_248 = arith.constant true
          %and3A_249 = arith.andi %or3A_244, %and3A_248 : i1
          %add3A_250 = arith.constant 1 : i32
          %add3A_251 = arith.addi %while3A_145, %add3A_250 : i32
          %select_n3A_252 = arith.select %and3A_249, %add3A_251, %while3A_145 : i32
          %ne3A_253 = arith.cmpi ne, %add3A_155, %add3A_165 : i32
          %or3A_254 = arith.constant false
          %or3A_255 = arith.ori %or3A_254, %ne3A_253 : i1
          %not3A_256 = arith.constant true
          %not3A_257 = arith.xori %eq3A_151, %not3A_256 : i1
          %and3A_258 = arith.andi %or3A_255, %not3A_257 : i1
          %convert_element_type3A_259 = arith.extui %and3A_258 : i1 to i32
          %cond3A_260 = arith.constant 0 : i32
          %cond3A_261 = arith.cmpi ne, %convert_element_type3A_259, %cond3A_260 : i32
          scf.if %cond3A_261 {
          } else {
          }
          %and3A_262 = arith.constant false
          %and3A_263 = arith.andi %and3A_258, %and3A_262 : i1
          %ne3A_264 = arith.cmpi ne, %add3A_155, %add3A_165 : i32
          %or3A_265 = arith.constant false
          %or3A_266 = arith.ori %or3A_265, %ne3A_264 : i1
          %or3A_267 = arith.constant false
          %or3A_268 = arith.ori %or3A_266, %or3A_267 : i1
          %not3A_269 = arith.constant true
          %not3A_270 = arith.xori %eq3A_151, %not3A_269 : i1
          %and3A_271 = arith.andi %or3A_268, %not3A_270 : i1
          %convert_element_type3A_272 = arith.extui %and3A_271 : i1 to i32
          %cond3A_273 = arith.constant 0 : i32
          %cond3A_274 = arith.cmpi ne, %convert_element_type3A_272, %cond3A_273 : i32
          scf.if %cond3A_274 {
            "tpu.trace_start"() <{level = 10 : i32, message = "ep_wait_out"}> : () -> ()
            %rem3A_294 = arith.constant 2 : i32
            %rem3A_295 = arith.remui %while3A_146, %rem3A_294 : i32
            %mul3A_296 = arith.constant 128 : i32
            %mul3A_297 = arith.muli %mul3A_296, %add3A_165 : i32
            %dma_wait3A = arith.constant 0 : i32
            %dma_wait3A_298 = arith.constant 0 : i32
            %dma_wait3A_299 = tpu.memref_slice %run_scoped3A_18[%rem3A_295, %dma_wait3A, %dma_wait3A_298] : memref<2x128x64xf32, #tpu.memory_space<vmem>> -> memref<1x128x64xf32, #tpu.memory_space<vmem>>
            %dma_wait3A_300 = tpu.memref_squeeze %dma_wait3A_299 : memref<1x128x64xf32, #tpu.memory_space<vmem>> -> memref<128x64xf32, #tpu.memory_space<vmem>>
            %dma_wait3A_301 = arith.constant 0 : i32
            %dma_wait3A_302 = tpu.memref_slice %arg4[%mul3A_297, %dma_wait3A_301] : memref<74752x64xf32, #tpu.memory_space<hbm>> -> memref<128x64xf32, #tpu.memory_space<hbm>>
            %dma_wait3A_303 = tpu.memref_slice %run_scoped3A_19[%rem3A_295] : memref<2x!tpu.dma_semaphore, #tpu.memory_space<semaphore_mem>> -> memref<1x!tpu.dma_semaphore, #tpu.memory_space<semaphore_mem>>
            %dma_wait3A_304 = tpu.memref_squeeze %dma_wait3A_303 : memref<1x!tpu.dma_semaphore, #tpu.memory_space<semaphore_mem>> -> memref<!tpu.dma_semaphore, #tpu.memory_space<semaphore_mem>>
            %dma_wait3A_305 = arith.constant 0 : i32
            %dma_wait3A_306 = tpu.memref_slice %arg4[%mul3A_297, %dma_wait3A_305] : memref<74752x64xf32, #tpu.memory_space<hbm>> -> memref<128x64xf32, #tpu.memory_space<hbm>>
            %dma_wait3A_307 = arith.constant 0 : i32
            %dma_wait3A_308 = arith.constant 0 : i32
            %dma_wait3A_309 = tpu.memref_slice %run_scoped3A_18[%rem3A_295, %dma_wait3A_307, %dma_wait3A_308] : memref<2x128x64xf32, #tpu.memory_space<vmem>> -> memref<1x128x64xf32, #tpu.memory_space<vmem>>
            %dma_wait3A_310 = tpu.memref_squeeze %dma_wait3A_309 : memref<1x128x64xf32, #tpu.memory_space<vmem>> -> memref<128x64xf32, #tpu.memory_space<vmem>>
            tpu.wait_dma2 semaphore(%dma_wait3A_304 : memref<!tpu.dma_semaphore, #tpu.memory_space<semaphore_mem>>) src(%dma_wait3A_310 : memref<128x64xf32, #tpu.memory_space<vmem>>) dst(%dma_wait3A_306 : memref<128x64xf32, #tpu.memory_space<hbm>>)
            "tpu.trace_stop"() : () -> ()
          } else {
          }
          %and3A_275 = arith.constant true
          %and3A_276 = arith.andi %and3A_271, %and3A_275 : i1
          %add3A_277 = arith.constant 1 : i32
          %add3A_278 = arith.addi %while3A_146, %add3A_277 : i32
          %select_n3A_279 = arith.select %and3A_276, %add3A_278, %while3A_146 : i32
          %ne3A_280 = arith.cmpi ne, %add3A_155, %add3A_173 : i32
          %or3A_281 = arith.constant false
          %or3A_282 = arith.ori %or3A_281, %ne3A_280 : i1
          %or3A_283 = arith.ori %or3A_282, %eq3A_154 : i1
          %add3A_284 = arith.constant 1 : i32
          %add3A_285 = arith.addi %while3A_144, %add3A_284 : i32
          %select_n3A_286 = arith.select %or3A_283, %add3A_285, %while3A_144 : i32
          %add3A_287 = arith.constant 1 : i32
          %add3A_288 = arith.addi %while3A_147, %add3A_287 : i32
          %select_n3A_289 = arith.constant true
          %select_n3A_290 = arith.select %select_n3A_289, %add3A_288, %while3A_147 : i32
          %eq3A_291 = arith.cmpi eq, %select_n3A_290, %select_n3A : i32
          %select_n3A_292 = arith.constant 0 : i32
          %select_n3A_293 = arith.select %eq3A_291, %select_n3A_292, %select_n3A_290 : i32
          scf.yield %select_n3A_195, %select_n3A_286, %select_n3A_252, %select_n3A_279, %select_n3A_293 : i32, i32, i32, i32, i32
        }
        %sub3A_91 = arith.constant 1 : i32
        %sub3A_92 = arith.subi %while3A_90#4, %sub3A_91 : i32
        %select_n3A_93 = arith.constant true
        %select_n3A_94 = arith.select %select_n3A_93, %sub3A_92, %while3A_90#4 : i32
        %eq3A_95 = arith.constant -1 : i32
        %eq3A_96 = arith.cmpi eq, %select_n3A_94, %eq3A_95 : i32
        %sub3A_97 = arith.constant 1 : i32
        %sub3A_98 = arith.subi %select_n3A, %sub3A_97 : i32
        %select_n3A_99 = arith.select %eq3A_96, %sub3A_98, %select_n3A_94 : i32
        %sub3A_100 = arith.constant 1 : i32
        %sub3A_101 = arith.subi %mul3A_16, %sub3A_100 : i32
        %mul3A_102 = arith.constant 1 : i32
        %mul3A_103 = arith.muli %mul3A_102, %select_n3A : i32
        %eq3A_104 = arith.constant 0 : i32
        %eq3A_105 = arith.cmpi eq, %sub3A_101, %eq3A_104 : i32
        %sub3A_106 = arith.constant 1 : i32
        %sub3A_107 = arith.subi %mul3A_103, %sub3A_106 : i32
        %eq3A_108 = arith.cmpi eq, %sub3A_101, %sub3A_107 : i32
        %add3A_109 = arith.addi %select_n3A_99, %select_n3A_14 : i32
        %sub3A_110 = arith.constant 1 : i32
        %sub3A_111 = arith.subi %select_n3A_99, %sub3A_110 : i32
        %select_n3A_112 = arith.constant true
        %select_n3A_113 = arith.select %select_n3A_112, %sub3A_111, %select_n3A_99 : i32
        %eq3A_114 = arith.constant -1 : i32
        %eq3A_115 = arith.cmpi eq, %select_n3A_113, %eq3A_114 : i32
        %sub3A_116 = arith.constant 1 : i32
        %sub3A_117 = arith.subi %select_n3A, %sub3A_116 : i32
        %select_n3A_118 = arith.select %eq3A_115, %sub3A_117, %select_n3A_113 : i32
        %add3A_119 = arith.addi %select_n3A_118, %select_n3A_14 : i32
        %add3A_120 = arith.constant 1 : i32
        %add3A_121 = arith.addi %select_n3A_99, %add3A_120 : i32
        %select_n3A_122 = arith.constant true
        %select_n3A_123 = arith.select %select_n3A_122, %add3A_121, %select_n3A_99 : i32
        %eq3A_124 = arith.cmpi eq, %select_n3A_123, %select_n3A : i32
        %select_n3A_125 = arith.constant 0 : i32
        %select_n3A_126 = arith.select %eq3A_124, %select_n3A_125, %select_n3A_123 : i32
        %add3A_127 = arith.addi %select_n3A_126, %select_n3A_14 : i32
        %add3A_128 = arith.constant 1 : i32
        %add3A_129 = arith.addi %select_n3A_126, %add3A_128 : i32
        %select_n3A_130 = arith.constant true
        %select_n3A_131 = arith.select %select_n3A_130, %add3A_129, %select_n3A_126 : i32
        %eq3A_132 = arith.cmpi eq, %select_n3A_131, %select_n3A : i32
        %select_n3A_133 = arith.constant 0 : i32
        %select_n3A_134 = arith.select %eq3A_132, %select_n3A_133, %select_n3A_131 : i32
        %add3A_135 = arith.addi %select_n3A_134, %select_n3A_14 : i32
        %convert_element_type3A_136 = arith.extui %eq3A_108 : i1 to i32
        %cond3A_137 = arith.constant 0 : i32
        %cond3A_138 = arith.cmpi ne, %convert_element_type3A_136, %cond3A_137 : i32
        scf.if %cond3A_138 {
        } else {
        }
        %convert_element_type3A_139 = arith.extui %eq3A_108 : i1 to i32
        %cond3A_140 = arith.constant 0 : i32
        %cond3A_141 = arith.cmpi ne, %convert_element_type3A_139, %cond3A_140 : i32
        scf.if %cond3A_141 {
          "tpu.trace_start"() <{level = 10 : i32, message = "ep_finalize"}> : () -> ()
          %rem3A_142 = arith.constant 2 : i32
          %rem3A_143 = arith.remui %while3A_90#3, %rem3A_142 : i32
          %mul3A_144 = arith.constant 128 : i32
          %mul3A_145 = arith.muli %mul3A_144, %add3A_109 : i32
          %dma_wait3A = arith.constant 0 : i32
          %dma_wait3A_146 = arith.constant 0 : i32
          %dma_wait3A_147 = tpu.memref_slice %run_scoped3A_18[%rem3A_143, %dma_wait3A, %dma_wait3A_146] : memref<2x128x64xf32, #tpu.memory_space<vmem>> -> memref<1x128x64xf32, #tpu.memory_space<vmem>>
          %dma_wait3A_148 = tpu.memref_squeeze %dma_wait3A_147 : memref<1x128x64xf32, #tpu.memory_space<vmem>> -> memref<128x64xf32, #tpu.memory_space<vmem>>
          %dma_wait3A_149 = arith.constant 0 : i32
          %dma_wait3A_150 = tpu.memref_slice %arg4[%mul3A_145, %dma_wait3A_149] : memref<74752x64xf32, #tpu.memory_space<hbm>> -> memref<128x64xf32, #tpu.memory_space<hbm>>
          %dma_wait3A_151 = tpu.memref_slice %run_scoped3A_19[%rem3A_143] : memref<2x!tpu.dma_semaphore, #tpu.memory_space<semaphore_mem>> -> memref<1x!tpu.dma_semaphore, #tpu.memory_space<semaphore_mem>>
          %dma_wait3A_152 = tpu.memref_squeeze %dma_wait3A_151 : memref<1x!tpu.dma_semaphore, #tpu.memory_space<semaphore_mem>> -> memref<!tpu.dma_semaphore, #tpu.memory_space<semaphore_mem>>
          %dma_wait3A_153 = arith.constant 0 : i32
          %dma_wait3A_154 = tpu.memref_slice %arg4[%mul3A_145, %dma_wait3A_153] : memref<74752x64xf32, #tpu.memory_space<hbm>> -> memref<128x64xf32, #tpu.memory_space<hbm>>
          %dma_wait3A_155 = arith.constant 0 : i32
          %dma_wait3A_156 = arith.constant 0 : i32
          %dma_wait3A_157 = tpu.memref_slice %run_scoped3A_18[%rem3A_143, %dma_wait3A_155, %dma_wait3A_156] : memref<2x128x64xf32, #tpu.memory_space<vmem>> -> memref<1x128x64xf32, #tpu.memory_space<vmem>>
          %dma_wait3A_158 = tpu.memref_squeeze %dma_wait3A_157 : memref<1x128x64xf32, #tpu.memory_space<vmem>> -> memref<128x64xf32, #tpu.memory_space<vmem>>
          tpu.wait_dma2 semaphore(%dma_wait3A_152 : memref<!tpu.dma_semaphore, #tpu.memory_space<semaphore_mem>>) src(%dma_wait3A_158 : memref<128x64xf32, #tpu.memory_space<vmem>>) dst(%dma_wait3A_154 : memref<128x64xf32, #tpu.memory_space<hbm>>)
          "tpu.trace_stop"() : () -> ()
        } else {
        }
      } else {
      }
      tpu.yield
    }) : () -> ()
    return
  }
}

#map = affine_map<(d0, d1) -> (0, 0)>
module attributes {stable_mosaic.version = 14 : i64} {
  func.func @k(%arg0: i32, %arg1: i32, %arg2: memref<100000x16xi32, #tpu.memory_space<hbm>>, %arg3: memref<1x4096xi32, #tpu.memory_space<hbm>>, %arg4: memref<50000x128xf32, #tpu.memory_space<hbm>>, %arg5: memref<1x4096xi32, #tpu.memory_space<hbm>>, %arg6: memref<4096x16xi32, #tpu.memory_space<hbm>>, %arg7: memref<4096x128xf32, #tpu.memory_space<hbm>>) attributes {dimension_semantics = [#tpu.dimension_semantics<core_parallel>, #tpu.dimension_semantics<subcore_parallel>], iteration_bounds = array<i64: 2, 16>, scalar_prefetch = 0 : i64, scratch_operands = 0 : i64, tpu.core_type = #tpu.core_type<sc_vector_subcore>, window_params = [{transform_indices = #map}, {transform_indices = #map}, {transform_indices = #map}, {transform_indices = #map}, {transform_indices = #map}, {transform_indices = #map}]} {
    %mul3A = arith.constant 1 : i32
    %mul3A_0 = arith.muli %arg1, %mul3A : i32
    %add3A = arith.constant 0 : i32
    %add3A_1 = arith.addi %add3A, %mul3A_0 : i32
    %mul3A_2 = arith.constant 16 : i32
    %mul3A_3 = arith.muli %arg0, %mul3A_2 : i32
    %add3A_4 = arith.addi %add3A_1, %mul3A_3 : i32
    %mul3A_5 = arith.constant 1 : i32
    %mul3A_6 = arith.muli %add3A_4, %mul3A_5 : i32
    "tpu.region"() ({
      %run_scoped3A = memref.alloca() : memref<2x1x128xi32, #tpu.memory_space<vmem>>
      %run_scoped3A_16 = tpu.sem_alloc : memref<2x!tpu.dma_semaphore, #tpu.memory_space<semaphore_mem>>
      %run_scoped3A_17 = memref.alloca() : memref<2x128x16xi32, #tpu.memory_space<vmem>>
      %run_scoped3A_18 = tpu.sem_alloc : memref<2x!tpu.dma_semaphore, #tpu.memory_space<semaphore_mem>>
      %add3A_19 = arith.constant 0 : i32
      %add3A_20 = arith.addi %add3A_19, %mul3A_6 : i32
      %select_n3A = arith.constant true
      %select_n3A_21 = arith.constant 0 : i32
      %select_n3A_22 = arith.constant -1 : i32
      %select_n3A_23 = arith.select %select_n3A, %select_n3A_22, %select_n3A_21 : i32
      %eq3A = arith.constant -1 : i32
      %eq3A_24 = arith.cmpi eq, %select_n3A_23, %eq3A : i32
      %select_n3A_25 = arith.constant 0 : i32
      %select_n3A_26 = arith.select %eq3A_24, %select_n3A_25, %select_n3A_23 : i32
      %add3A_27 = arith.constant 0 : i32
      %add3A_28 = arith.addi %add3A_27, %mul3A_6 : i32
      %select_n3A_29 = arith.constant true
      %select_n3A_30 = arith.constant 0 : i32
      %select_n3A_31 = arith.constant 1 : i32
      %select_n3A_32 = arith.select %select_n3A_29, %select_n3A_31, %select_n3A_30 : i32
      %eq3A_33 = arith.constant 1 : i32
      %eq3A_34 = arith.cmpi eq, %select_n3A_32, %eq3A_33 : i32
      %select_n3A_35 = arith.constant 0 : i32
      %select_n3A_36 = arith.select %eq3A_34, %select_n3A_35, %select_n3A_32 : i32
      %add3A_37 = arith.constant 0 : i32
      %add3A_38 = arith.addi %add3A_37, %mul3A_6 : i32
      %select_n3A_39 = arith.constant true
      %select_n3A_40 = arith.constant 0 : i32
      %select_n3A_41 = arith.constant 1 : i32
      %select_n3A_42 = arith.select %select_n3A_39, %select_n3A_41, %select_n3A_40 : i32
      %eq3A_43 = arith.constant 1 : i32
      %eq3A_44 = arith.cmpi eq, %select_n3A_42, %eq3A_43 : i32
      %select_n3A_45 = arith.constant 0 : i32
      %select_n3A_46 = arith.select %eq3A_44, %select_n3A_45, %select_n3A_42 : i32
      %add3A_47 = arith.constant 0 : i32
      %add3A_48 = arith.addi %add3A_47, %mul3A_6 : i32
      "tpu.trace_start"() <{level = 10 : i32, message = "ep_initialize_0"}> : () -> ()
      %rem3A = arith.constant 0 : i32
      %rem3A_49 = arith.constant 2 : i32
      %rem3A_50 = arith.remui %rem3A, %rem3A_49 : i32
      %mul3A_51 = arith.constant 128 : i32
      %mul3A_52 = arith.muli %mul3A_51, %add3A_20 : i32
      %dma_start3A = arith.constant 0 : i32
      %dma_start3A_53 = arith.constant 0 : i32
      %dma_start3A_54 = tpu.memref_slice %run_scoped3A[%rem3A_50, %dma_start3A, %dma_start3A_53] : memref<2x1x128xi32, #tpu.memory_space<vmem>> -> memref<1x1x128xi32, #tpu.memory_space<vmem>>
      %dma_start3A_55 = tpu.memref_squeeze %dma_start3A_54 : memref<1x1x128xi32, #tpu.memory_space<vmem>> -> memref<1x128xi32, #tpu.memory_space<vmem>>
      %dma_start3A_56 = arith.constant 0 : i32
      %dma_start3A_57 = tpu.memref_slice %arg3[%dma_start3A_56, %mul3A_52] : memref<1x4096xi32, #tpu.memory_space<hbm>> -> memref<1x128xi32, #tpu.memory_space<hbm>>
      %dma_start3A_58 = tpu.memref_slice %run_scoped3A_16[%rem3A_50] : memref<2x!tpu.dma_semaphore, #tpu.memory_space<semaphore_mem>> -> memref<1x!tpu.dma_semaphore, #tpu.memory_space<semaphore_mem>>
      %dma_start3A_59 = tpu.memref_squeeze %dma_start3A_58 : memref<1x!tpu.dma_semaphore, #tpu.memory_space<semaphore_mem>> -> memref<!tpu.dma_semaphore, #tpu.memory_space<semaphore_mem>>
      %dma_start3A_60 = arith.constant 0 : i32
      %dma_start3A_61 = arith.constant 0 : i32
      %dma_start3A_62 = tpu.memref_slice %run_scoped3A[%rem3A_50, %dma_start3A_60, %dma_start3A_61] : memref<2x1x128xi32, #tpu.memory_space<vmem>> -> memref<1x1x128xi32, #tpu.memory_space<vmem>>
      %dma_start3A_63 = tpu.memref_squeeze %dma_start3A_62 : memref<1x1x128xi32, #tpu.memory_space<vmem>> -> memref<1x128xi32, #tpu.memory_space<vmem>>
      %dma_start3A_64 = arith.constant 0 : i32
      %dma_start3A_65 = tpu.memref_slice %arg3[%dma_start3A_64, %mul3A_52] : memref<1x4096xi32, #tpu.memory_space<hbm>> -> memref<1x128xi32, #tpu.memory_space<hbm>>
      tpu.enqueue_dma source(%dma_start3A_65 : memref<1x128xi32, #tpu.memory_space<hbm>>) target(%dma_start3A_63 : memref<1x128xi32, #tpu.memory_space<vmem>>) target_semaphore(%dma_start3A_59 : memref<!tpu.dma_semaphore, #tpu.memory_space<semaphore_mem>>)
      %add3A_66 = arith.constant 0 : i32
      %add3A_67 = arith.constant 1 : i32
      %add3A_68 = arith.addi %add3A_66, %add3A_67 : i32
      %select_n3A_69 = arith.constant true
      %select_n3A_70 = arith.constant 0 : i32
      %select_n3A_71 = arith.select %select_n3A_69, %add3A_68, %select_n3A_70 : i32
      "tpu.trace_stop"() : () -> ()
      %scan3A = arith.constant 0 : i32
      %scan3A_72 = arith.constant 0 : i32
      %scan3A_73 = arith.constant 0 : i32
      %scan3A_74 = arith.constant 0 : i32
      %scan3A_75 = arith.constant 0 : i32
      %eq3A_76 = arith.constant 0 : i32
      %eq3A_77 = arith.cmpi eq, %scan3A_75, %eq3A_76 : i32
      %eq3A_78 = arith.constant 0 : i32
      %eq3A_79 = arith.cmpi eq, %scan3A_75, %eq3A_78 : i32
      %add3A_80 = arith.constant 0 : i32
      %add3A_81 = arith.addi %add3A_80, %mul3A_6 : i32
      %select_n3A_82 = arith.constant true
      %select_n3A_83 = arith.constant 0 : i32
      %select_n3A_84 = arith.constant -1 : i32
      %select_n3A_85 = arith.select %select_n3A_82, %select_n3A_84, %select_n3A_83 : i32
      %eq3A_86 = arith.constant -1 : i32
      %eq3A_87 = arith.cmpi eq, %select_n3A_85, %eq3A_86 : i32
      %select_n3A_88 = arith.constant 0 : i32
      %select_n3A_89 = arith.select %eq3A_87, %select_n3A_88, %select_n3A_85 : i32
      %add3A_90 = arith.constant 0 : i32
      %add3A_91 = arith.addi %add3A_90, %mul3A_6 : i32
      %select_n3A_92 = arith.constant true
      %select_n3A_93 = arith.constant 0 : i32
      %select_n3A_94 = arith.constant 1 : i32
      %select_n3A_95 = arith.select %select_n3A_92, %select_n3A_94, %select_n3A_93 : i32
      %eq3A_96 = arith.constant 1 : i32
      %eq3A_97 = arith.cmpi eq, %select_n3A_95, %eq3A_96 : i32
      %select_n3A_98 = arith.constant 0 : i32
      %select_n3A_99 = arith.select %eq3A_97, %select_n3A_98, %select_n3A_95 : i32
      %add3A_100 = arith.constant 0 : i32
      %add3A_101 = arith.addi %add3A_100, %mul3A_6 : i32
      %select_n3A_102 = arith.constant true
      %select_n3A_103 = arith.constant 0 : i32
      %select_n3A_104 = arith.constant 1 : i32
      %select_n3A_105 = arith.select %select_n3A_102, %select_n3A_104, %select_n3A_103 : i32
      %eq3A_106 = arith.constant 1 : i32
      %eq3A_107 = arith.cmpi eq, %select_n3A_105, %eq3A_106 : i32
      %select_n3A_108 = arith.constant 0 : i32
      %select_n3A_109 = arith.select %eq3A_107, %select_n3A_108, %select_n3A_105 : i32
      %add3A_110 = arith.constant 0 : i32
      %add3A_111 = arith.addi %add3A_110, %mul3A_6 : i32
      %ne3A = arith.cmpi ne, %add3A_81, %add3A_101 : i32
      %or3A = arith.constant false
      %or3A_112 = arith.ori %or3A, %ne3A : i1
      %ge3A = arith.constant 0 : i32
      %ge3A_113 = arith.cmpi sge, %scan3A_75, %ge3A : i32
      %not3A = arith.constant true
      %not3A_114 = arith.xori %ge3A_113, %not3A : i1
      %and3A = arith.andi %or3A_112, %not3A_114 : i1
      %convert_element_type3A = arith.extui %and3A : i1 to i32
      %cond3A = arith.constant 0 : i32
      %cond3A_115 = arith.cmpi ne, %convert_element_type3A, %cond3A : i32
      scf.if %cond3A_115 {
        "tpu.trace_start"() <{level = 10 : i32, message = "ep_copy_in"}> : () -> ()
        %rem3A_275 = arith.constant 2 : i32
        %rem3A_276 = arith.remui %select_n3A_71, %rem3A_275 : i32
        %mul3A_277 = arith.constant 128 : i32
        %mul3A_278 = arith.muli %mul3A_277, %add3A_101 : i32
        %dma_start3A_279 = arith.constant 0 : i32
        %dma_start3A_280 = arith.constant 0 : i32
        %dma_start3A_281 = tpu.memref_slice %run_scoped3A[%rem3A_276, %dma_start3A_279, %dma_start3A_280] : memref<2x1x128xi32, #tpu.memory_space<vmem>> -> memref<1x1x128xi32, #tpu.memory_space<vmem>>
        %dma_start3A_282 = tpu.memref_squeeze %dma_start3A_281 : memref<1x1x128xi32, #tpu.memory_space<vmem>> -> memref<1x128xi32, #tpu.memory_space<vmem>>
        %dma_start3A_283 = arith.constant 0 : i32
        %dma_start3A_284 = tpu.memref_slice %arg3[%dma_start3A_283, %mul3A_278] : memref<1x4096xi32, #tpu.memory_space<hbm>> -> memref<1x128xi32, #tpu.memory_space<hbm>>
        %dma_start3A_285 = tpu.memref_slice %run_scoped3A_16[%rem3A_276] : memref<2x!tpu.dma_semaphore, #tpu.memory_space<semaphore_mem>> -> memref<1x!tpu.dma_semaphore, #tpu.memory_space<semaphore_mem>>
        %dma_start3A_286 = tpu.memref_squeeze %dma_start3A_285 : memref<1x!tpu.dma_semaphore, #tpu.memory_space<semaphore_mem>> -> memref<!tpu.dma_semaphore, #tpu.memory_space<semaphore_mem>>
        %dma_start3A_287 = arith.constant 0 : i32
        %dma_start3A_288 = arith.constant 0 : i32
        %dma_start3A_289 = tpu.memref_slice %run_scoped3A[%rem3A_276, %dma_start3A_287, %dma_start3A_288] : memref<2x1x128xi32, #tpu.memory_space<vmem>> -> memref<1x1x128xi32, #tpu.memory_space<vmem>>
        %dma_start3A_290 = tpu.memref_squeeze %dma_start3A_289 : memref<1x1x128xi32, #tpu.memory_space<vmem>> -> memref<1x128xi32, #tpu.memory_space<vmem>>
        %dma_start3A_291 = arith.constant 0 : i32
        %dma_start3A_292 = tpu.memref_slice %arg3[%dma_start3A_291, %mul3A_278] : memref<1x4096xi32, #tpu.memory_space<hbm>> -> memref<1x128xi32, #tpu.memory_space<hbm>>
        tpu.enqueue_dma source(%dma_start3A_292 : memref<1x128xi32, #tpu.memory_space<hbm>>) target(%dma_start3A_290 : memref<1x128xi32, #tpu.memory_space<vmem>>) target_semaphore(%dma_start3A_286 : memref<!tpu.dma_semaphore, #tpu.memory_space<semaphore_mem>>)
        "tpu.trace_stop"() : () -> ()
      } else {
      }
      %and3A_116 = arith.constant true
      %and3A_117 = arith.andi %and3A, %and3A_116 : i1
      %add3A_118 = arith.constant 1 : i32
      %add3A_119 = arith.addi %select_n3A_71, %add3A_118 : i32
      %select_n3A_120 = arith.select %and3A_117, %add3A_119, %select_n3A_71 : i32
      %ne3A_121 = arith.cmpi ne, %add3A_81, %add3A_101 : i32
      %or3A_122 = arith.constant false
      %or3A_123 = arith.ori %or3A_122, %ne3A_121 : i1
      %or3A_124 = arith.constant false
      %or3A_125 = arith.ori %or3A_123, %or3A_124 : i1
      %ge3A_126 = arith.constant 0 : i32
      %ge3A_127 = arith.cmpi sge, %scan3A_75, %ge3A_126 : i32
      %not3A_128 = arith.constant true
      %not3A_129 = arith.xori %ge3A_127, %not3A_128 : i1
      %and3A_130 = arith.andi %or3A_125, %not3A_129 : i1
      %ne3A_131 = arith.cmpi ne, %add3A_81, %add3A_91 : i32
      %or3A_132 = arith.constant false
      %or3A_133 = arith.ori %or3A_132, %ne3A_131 : i1
      %or3A_134 = arith.ori %or3A_133, %eq3A_77 : i1
      %convert_element_type3A_135 = arith.extui %or3A_134 : i1 to i32
      %cond3A_136 = arith.constant 0 : i32
      %cond3A_137 = arith.cmpi ne, %convert_element_type3A_135, %cond3A_136 : i32
      scf.if %cond3A_137 {
        "tpu.trace_start"() <{level = 10 : i32, message = "ep_wait_in"}> : () -> ()
        %mul3A_275 = arith.constant 128 : i32
        %mul3A_276 = arith.muli %mul3A_275, %add3A_81 : i32
        %rem3A_277 = arith.constant 2 : i32
        %rem3A_278 = arith.remui %scan3A, %rem3A_277 : i32
        %dma_wait3A_279 = arith.constant 0 : i32
        %dma_wait3A_280 = arith.constant 0 : i32
        %dma_wait3A_281 = tpu.memref_slice %run_scoped3A[%rem3A_278, %dma_wait3A_279, %dma_wait3A_280] : memref<2x1x128xi32, #tpu.memory_space<vmem>> -> memref<1x1x128xi32, #tpu.memory_space<vmem>>
        %dma_wait3A_282 = tpu.memref_squeeze %dma_wait3A_281 : memref<1x1x128xi32, #tpu.memory_space<vmem>> -> memref<1x128xi32, #tpu.memory_space<vmem>>
        %dma_wait3A_283 = arith.constant 0 : i32
        %dma_wait3A_284 = tpu.memref_slice %arg3[%dma_wait3A_283, %mul3A_276] : memref<1x4096xi32, #tpu.memory_space<hbm>> -> memref<1x128xi32, #tpu.memory_space<hbm>>
        %dma_wait3A_285 = tpu.memref_slice %run_scoped3A_16[%rem3A_278] : memref<2x!tpu.dma_semaphore, #tpu.memory_space<semaphore_mem>> -> memref<1x!tpu.dma_semaphore, #tpu.memory_space<semaphore_mem>>
        %dma_wait3A_286 = tpu.memref_squeeze %dma_wait3A_285 : memref<1x!tpu.dma_semaphore, #tpu.memory_space<semaphore_mem>> -> memref<!tpu.dma_semaphore, #tpu.memory_space<semaphore_mem>>
        %dma_wait3A_287 = arith.constant 0 : i32
        %dma_wait3A_288 = arith.constant 0 : i32
        %dma_wait3A_289 = tpu.memref_slice %run_scoped3A[%rem3A_278, %dma_wait3A_287, %dma_wait3A_288] : memref<2x1x128xi32, #tpu.memory_space<vmem>> -> memref<1x1x128xi32, #tpu.memory_space<vmem>>
        %dma_wait3A_290 = tpu.memref_squeeze %dma_wait3A_289 : memref<1x1x128xi32, #tpu.memory_space<vmem>> -> memref<1x128xi32, #tpu.memory_space<vmem>>
        %dma_wait3A_291 = arith.constant 0 : i32
        %dma_wait3A_292 = tpu.memref_slice %arg3[%dma_wait3A_291, %mul3A_276] : memref<1x4096xi32, #tpu.memory_space<hbm>> -> memref<1x128xi32, #tpu.memory_space<hbm>>
        tpu.wait_dma2 semaphore(%dma_wait3A_286 : memref<!tpu.dma_semaphore, #tpu.memory_space<semaphore_mem>>) src(%dma_wait3A_292 : memref<1x128xi32, #tpu.memory_space<hbm>>) dst(%dma_wait3A_290 : memref<1x128xi32, #tpu.memory_space<vmem>>)
        "tpu.trace_stop"() : () -> ()
      } else {
      }
      %ne3A_138 = arith.cmpi ne, %add3A_81, %add3A_91 : i32
      %or3A_139 = arith.constant false
      %or3A_140 = arith.ori %or3A_139, %ne3A_138 : i1
      %or3A_141 = arith.constant false
      %or3A_142 = arith.ori %or3A_140, %or3A_141 : i1
      %or3A_143 = arith.ori %or3A_142, %eq3A_77 : i1
      %convert_element_type3A_144 = arith.extui %or3A_143 : i1 to i32
      %cond3A_145 = arith.constant 0 : i32
      %cond3A_146 = arith.cmpi ne, %convert_element_type3A_144, %cond3A_145 : i32
      scf.if %cond3A_146 {
      } else {
      }
      %rem3A_147 = arith.constant 2 : i32
      %rem3A_148 = arith.remui %scan3A, %rem3A_147 : i32
      %rem3A_149 = arith.constant 2 : i32
      %rem3A_150 = arith.remui %scan3A_72, %rem3A_149 : i32
      %run_scoped3A_151 = arith.constant 0 : i32
      "tpu.trace_start"() <{level = 10 : i32, message = "ep_run_kernel"}> : () -> ()
      "tpu.region"() ({
        %run_scoped3A_275 = tpu.sem_alloc : memref<!tpu.dma_semaphore, #tpu.memory_space<semaphore_mem>>
        %dma_start3A_276 = arith.constant 0 : i32
        %dma_start3A_277 = arith.constant 0 : i32
        %dma_start3A_278 = tpu.memref_slice %run_scoped3A_17[%rem3A_150, %dma_start3A_276, %dma_start3A_277] : memref<2x128x16xi32, #tpu.memory_space<vmem>> -> memref<1x128x16xi32, #tpu.memory_space<vmem>>
        %dma_start3A_279 = tpu.memref_squeeze %dma_start3A_278 : memref<1x128x16xi32, #tpu.memory_space<vmem>> -> memref<128x16xi32, #tpu.memory_space<vmem>>
        %dma_start3A_280 = arith.constant 0 : i32
        %dma_start3A_281 = arith.constant 0 : i32
        %dma_start3A_282 = tpu.memref_slice %run_scoped3A[%rem3A_148, %dma_start3A_280, %dma_start3A_281] : memref<2x1x128xi32, #tpu.memory_space<vmem>> -> memref<1x1x128xi32, #tpu.memory_space<vmem>>
        %dma_start3A_283 = tpu.memref_squeeze %dma_start3A_282 : memref<1x1x128xi32, #tpu.memory_space<vmem>> -> memref<1x128xi32, #tpu.memory_space<vmem>>
        %dma_start3A_284 = arith.constant 0 : i32
        %dma_start3A_285 = tpu.memref_slice %dma_start3A_283[%run_scoped3A_151, %dma_start3A_284] : memref<1x128xi32, #tpu.memory_space<vmem>> -> memref<1x128xi32, #tpu.memory_space<vmem>>
        %dma_start3A_286 = tpu.memref_squeeze %dma_start3A_285 : memref<1x128xi32, #tpu.memory_space<vmem>> -> memref<128xi32, #tpu.memory_space<vmem>>
        %dma_start3A_287 = arith.constant 0 : i32
        %dma_start3A_288 = arith.constant 0 : i32
        %dma_start3A_289 = tpu.memref_slice %arg2[%dma_start3A_287, %dma_start3A_288] : memref<100000x16xi32, #tpu.memory_space<hbm>> -> memref<100000x16xi32, #tpu.memory_space<hbm>>
        tpu.enqueue_indirect_dma source(%dma_start3A_289 : memref<100000x16xi32, #tpu.memory_space<hbm>>) target(%dma_start3A_279 : memref<128x16xi32, #tpu.memory_space<vmem>>) offsets(%dma_start3A_286 : memref<128xi32, #tpu.memory_space<vmem>>) semaphore(%run_scoped3A_275 : memref<!tpu.dma_semaphore, #tpu.memory_space<semaphore_mem>>)
        %dma_wait3A_290 = arith.constant 0 : i32
        %dma_wait3A_291 = arith.constant 0 : i32
        %dma_wait3A_292 = tpu.memref_slice %run_scoped3A_17[%rem3A_150, %dma_wait3A_290, %dma_wait3A_291] : memref<2x128x16xi32, #tpu.memory_space<vmem>> -> memref<1x128x16xi32, #tpu.memory_space<vmem>>
        %dma_wait3A_293 = tpu.memref_squeeze %dma_wait3A_292 : memref<1x128x16xi32, #tpu.memory_space<vmem>> -> memref<128x16xi32, #tpu.memory_space<vmem>>
        %dma_wait3A_294 = arith.constant 0 : i32
        %dma_wait3A_295 = arith.constant 0 : i32
        %dma_wait3A_296 = tpu.memref_slice %run_scoped3A[%rem3A_148, %dma_wait3A_294, %dma_wait3A_295] : memref<2x1x128xi32, #tpu.memory_space<vmem>> -> memref<1x1x128xi32, #tpu.memory_space<vmem>>
        %dma_wait3A_297 = tpu.memref_squeeze %dma_wait3A_296 : memref<1x1x128xi32, #tpu.memory_space<vmem>> -> memref<1x128xi32, #tpu.memory_space<vmem>>
        %dma_wait3A_298 = arith.constant 0 : i32
        %dma_wait3A_299 = tpu.memref_slice %dma_wait3A_297[%run_scoped3A_151, %dma_wait3A_298] : memref<1x128xi32, #tpu.memory_space<vmem>> -> memref<1x128xi32, #tpu.memory_space<vmem>>
        %dma_wait3A_300 = tpu.memref_squeeze %dma_wait3A_299 : memref<1x128xi32, #tpu.memory_space<vmem>> -> memref<128xi32, #tpu.memory_space<vmem>>
        %dma_wait3A_301 = arith.constant 0 : i32
        %dma_wait3A_302 = arith.constant 0 : i32
        %dma_wait3A_303 = tpu.memref_slice %arg2[%dma_wait3A_301, %dma_wait3A_302] : memref<100000x16xi32, #tpu.memory_space<hbm>> -> memref<100000x16xi32, #tpu.memory_space<hbm>>
        tpu.wait_indirect_dma semaphore(%run_scoped3A_275 : memref<!tpu.dma_semaphore, #tpu.memory_space<semaphore_mem>>) src(%dma_wait3A_303 : memref<100000x16xi32, #tpu.memory_space<hbm>>) dst(%dma_wait3A_293 : memref<128x16xi32, #tpu.memory_space<vmem>>)
        tpu.yield
      }) : () -> ()
      "tpu.trace_stop"() : () -> ()
      %ne3A_152 = arith.cmpi ne, %add3A_81, %add3A_101 : i32
      %or3A_153 = arith.constant false
      %or3A_154 = arith.ori %or3A_153, %ne3A_152 : i1
      %or3A_155 = arith.ori %or3A_154, %eq3A_79 : i1
      %convert_element_type3A_156 = arith.extui %or3A_155 : i1 to i32
      %cond3A_157 = arith.constant 0 : i32
      %cond3A_158 = arith.cmpi ne, %convert_element_type3A_156, %cond3A_157 : i32
      scf.if %cond3A_158 {
      } else {
      }
      %and3A_159 = arith.constant false
      %and3A_160 = arith.andi %or3A_155, %and3A_159 : i1
      %ne3A_161 = arith.cmpi ne, %add3A_81, %add3A_101 : i32
      %or3A_162 = arith.constant false
      %or3A_163 = arith.ori %or3A_162, %ne3A_161 : i1
      %or3A_164 = arith.constant false
      %or3A_165 = arith.ori %or3A_163, %or3A_164 : i1
      %or3A_166 = arith.ori %or3A_165, %eq3A_79 : i1
      %convert_element_type3A_167 = arith.extui %or3A_166 : i1 to i32
      %cond3A_168 = arith.constant 0 : i32
      %cond3A_169 = arith.cmpi ne, %convert_element_type3A_167, %cond3A_168 : i32
      scf.if %cond3A_169 {
        "tpu.trace_start"() <{level = 10 : i32, message = "ep_copy_out"}> : () -> ()
        %rem3A_275 = arith.constant 2 : i32
        %rem3A_276 = arith.remui %scan3A_72, %rem3A_275 : i32
        %mul3A_277 = arith.constant 128 : i32
        %mul3A_278 = arith.muli %mul3A_277, %add3A_81 : i32
        %dma_start3A_279 = arith.constant 0 : i32
        %dma_start3A_280 = arith.constant 0 : i32
        %dma_start3A_281 = tpu.memref_slice %run_scoped3A_17[%rem3A_276, %dma_start3A_279, %dma_start3A_280] : memref<2x128x16xi32, #tpu.memory_space<vmem>> -> memref<1x128x16xi32, #tpu.memory_space<vmem>>
        %dma_start3A_282 = tpu.memref_squeeze %dma_start3A_281 : memref<1x128x16xi32, #tpu.memory_space<vmem>> -> memref<128x16xi32, #tpu.memory_space<vmem>>
        %dma_start3A_283 = arith.constant 0 : i32
        %dma_start3A_284 = tpu.memref_slice %arg6[%mul3A_278, %dma_start3A_283] : memref<4096x16xi32, #tpu.memory_space<hbm>> -> memref<128x16xi32, #tpu.memory_space<hbm>>
        %dma_start3A_285 = tpu.memref_slice %run_scoped3A_18[%rem3A_276] : memref<2x!tpu.dma_semaphore, #tpu.memory_space<semaphore_mem>> -> memref<1x!tpu.dma_semaphore, #tpu.memory_space<semaphore_mem>>
        %dma_start3A_286 = tpu.memref_squeeze %dma_start3A_285 : memref<1x!tpu.dma_semaphore, #tpu.memory_space<semaphore_mem>> -> memref<!tpu.dma_semaphore, #tpu.memory_space<semaphore_mem>>
        %dma_start3A_287 = arith.constant 0 : i32
        %dma_start3A_288 = tpu.memref_slice %arg6[%mul3A_278, %dma_start3A_287] : memref<4096x16xi32, #tpu.memory_space<hbm>> -> memref<128x16xi32, #tpu.memory_space<hbm>>
        %dma_start3A_289 = arith.constant 0 : i32
        %dma_start3A_290 = arith.constant 0 : i32
        %dma_start3A_291 = tpu.memref_slice %run_scoped3A_17[%rem3A_276, %dma_start3A_289, %dma_start3A_290] : memref<2x128x16xi32, #tpu.memory_space<vmem>> -> memref<1x128x16xi32, #tpu.memory_space<vmem>>
        %dma_start3A_292 = tpu.memref_squeeze %dma_start3A_291 : memref<1x128x16xi32, #tpu.memory_space<vmem>> -> memref<128x16xi32, #tpu.memory_space<vmem>>
        tpu.enqueue_dma source(%dma_start3A_292 : memref<128x16xi32, #tpu.memory_space<vmem>>) target(%dma_start3A_288 : memref<128x16xi32, #tpu.memory_space<hbm>>) target_semaphore(%dma_start3A_286 : memref<!tpu.dma_semaphore, #tpu.memory_space<semaphore_mem>>)
        "tpu.trace_stop"() : () -> ()
      } else {
      }
      %and3A_170 = arith.constant true
      %and3A_171 = arith.andi %or3A_166, %and3A_170 : i1
      %add3A_172 = arith.constant 1 : i32
      %add3A_173 = arith.addi %scan3A_72, %add3A_172 : i32
      %select_n3A_174 = arith.select %and3A_171, %add3A_173, %scan3A_72 : i32
      %ne3A_175 = arith.cmpi ne, %add3A_81, %add3A_91 : i32
      %or3A_176 = arith.constant false
      %or3A_177 = arith.ori %or3A_176, %ne3A_175 : i1
      %not3A_178 = arith.constant true
      %not3A_179 = arith.xori %eq3A_77, %not3A_178 : i1
      %and3A_180 = arith.andi %or3A_177, %not3A_179 : i1
      %convert_element_type3A_181 = arith.extui %and3A_180 : i1 to i32
      %cond3A_182 = arith.constant 0 : i32
      %cond3A_183 = arith.cmpi ne, %convert_element_type3A_181, %cond3A_182 : i32
      scf.if %cond3A_183 {
      } else {
      }
      %and3A_184 = arith.constant false
      %and3A_185 = arith.andi %and3A_180, %and3A_184 : i1
      %ne3A_186 = arith.cmpi ne, %add3A_81, %add3A_91 : i32
      %or3A_187 = arith.constant false
      %or3A_188 = arith.ori %or3A_187, %ne3A_186 : i1
      %or3A_189 = arith.constant false
      %or3A_190 = arith.ori %or3A_188, %or3A_189 : i1
      %not3A_191 = arith.constant true
      %not3A_192 = arith.xori %eq3A_77, %not3A_191 : i1
      %and3A_193 = arith.andi %or3A_190, %not3A_192 : i1
      %convert_element_type3A_194 = arith.extui %and3A_193 : i1 to i32
      %cond3A_195 = arith.constant 0 : i32
      %cond3A_196 = arith.cmpi ne, %convert_element_type3A_194, %cond3A_195 : i32
      scf.if %cond3A_196 {
        "tpu.trace_start"() <{level = 10 : i32, message = "ep_wait_out"}> : () -> ()
        %rem3A_275 = arith.constant 2 : i32
        %rem3A_276 = arith.remui %scan3A_73, %rem3A_275 : i32
        %mul3A_277 = arith.constant 128 : i32
        %mul3A_278 = arith.muli %mul3A_277, %add3A_91 : i32
        %dma_wait3A_279 = arith.constant 0 : i32
        %dma_wait3A_280 = arith.constant 0 : i32
        %dma_wait3A_281 = tpu.memref_slice %run_scoped3A_17[%rem3A_276, %dma_wait3A_279, %dma_wait3A_280] : memref<2x128x16xi32, #tpu.memory_space<vmem>> -> memref<1x128x16xi32, #tpu.memory_space<vmem>>
        %dma_wait3A_282 = tpu.memref_squeeze %dma_wait3A_281 : memref<1x128x16xi32, #tpu.memory_space<vmem>> -> memref<128x16xi32, #tpu.memory_space<vmem>>
        %dma_wait3A_283 = arith.constant 0 : i32
        %dma_wait3A_284 = tpu.memref_slice %arg6[%mul3A_278, %dma_wait3A_283] : memref<4096x16xi32, #tpu.memory_space<hbm>> -> memref<128x16xi32, #tpu.memory_space<hbm>>
        %dma_wait3A_285 = tpu.memref_slice %run_scoped3A_18[%rem3A_276] : memref<2x!tpu.dma_semaphore, #tpu.memory_space<semaphore_mem>> -> memref<1x!tpu.dma_semaphore, #tpu.memory_space<semaphore_mem>>
        %dma_wait3A_286 = tpu.memref_squeeze %dma_wait3A_285 : memref<1x!tpu.dma_semaphore, #tpu.memory_space<semaphore_mem>> -> memref<!tpu.dma_semaphore, #tpu.memory_space<semaphore_mem>>
        %dma_wait3A_287 = arith.constant 0 : i32
        %dma_wait3A_288 = tpu.memref_slice %arg6[%mul3A_278, %dma_wait3A_287] : memref<4096x16xi32, #tpu.memory_space<hbm>> -> memref<128x16xi32, #tpu.memory_space<hbm>>
        %dma_wait3A_289 = arith.constant 0 : i32
        %dma_wait3A_290 = arith.constant 0 : i32
        %dma_wait3A_291 = tpu.memref_slice %run_scoped3A_17[%rem3A_276, %dma_wait3A_289, %dma_wait3A_290] : memref<2x128x16xi32, #tpu.memory_space<vmem>> -> memref<1x128x16xi32, #tpu.memory_space<vmem>>
        %dma_wait3A_292 = tpu.memref_squeeze %dma_wait3A_291 : memref<1x128x16xi32, #tpu.memory_space<vmem>> -> memref<128x16xi32, #tpu.memory_space<vmem>>
        tpu.wait_dma2 semaphore(%dma_wait3A_286 : memref<!tpu.dma_semaphore, #tpu.memory_space<semaphore_mem>>) src(%dma_wait3A_292 : memref<128x16xi32, #tpu.memory_space<vmem>>) dst(%dma_wait3A_288 : memref<128x16xi32, #tpu.memory_space<hbm>>)
        "tpu.trace_stop"() : () -> ()
      } else {
      }
      %and3A_197 = arith.constant true
      %and3A_198 = arith.andi %and3A_193, %and3A_197 : i1
      %add3A_199 = arith.constant 1 : i32
      %add3A_200 = arith.addi %scan3A_73, %add3A_199 : i32
      %select_n3A_201 = arith.select %and3A_198, %add3A_200, %scan3A_73 : i32
      %ne3A_202 = arith.cmpi ne, %add3A_81, %add3A_101 : i32
      %or3A_203 = arith.constant false
      %or3A_204 = arith.ori %or3A_203, %ne3A_202 : i1
      %or3A_205 = arith.ori %or3A_204, %eq3A_79 : i1
      %add3A_206 = arith.constant 1 : i32
      %add3A_207 = arith.addi %scan3A, %add3A_206 : i32
      %select_n3A_208 = arith.select %or3A_205, %add3A_207, %scan3A : i32
      %select_n3A_209 = arith.constant true
      %select_n3A_210 = arith.constant 0 : i32
      %select_n3A_211 = arith.constant 1 : i32
      %select_n3A_212 = arith.select %select_n3A_209, %select_n3A_211, %select_n3A_210 : i32
      %eq3A_213 = arith.constant 1 : i32
      %eq3A_214 = arith.cmpi eq, %select_n3A_212, %eq3A_213 : i32
      %select_n3A_215 = arith.constant 0 : i32
      %select_n3A_216 = arith.select %eq3A_214, %select_n3A_215, %select_n3A_212 : i32
      %scan3A_217 = arith.constant 0 : i32
      %scan3A_218 = arith.constant 1 : i32
      %sub3A = arith.constant 1 : i32
      %sub3A_219 = arith.subi %scan3A_217, %sub3A : i32
      %select_n3A_220 = arith.constant true
      %select_n3A_221 = arith.select %select_n3A_220, %sub3A_219, %scan3A_217 : i32
      %eq3A_222 = arith.constant -1 : i32
      %eq3A_223 = arith.cmpi eq, %select_n3A_221, %eq3A_222 : i32
      %select_n3A_224 = arith.constant 0 : i32
      %select_n3A_225 = arith.select %eq3A_223, %select_n3A_224, %select_n3A_221 : i32
      %add3A_226 = arith.constant 0 : i32
      %add3A_227 = arith.addi %add3A_226, %mul3A_6 : i32
      %select_n3A_228 = arith.constant true
      %select_n3A_229 = arith.constant 0 : i32
      %select_n3A_230 = arith.constant -1 : i32
      %select_n3A_231 = arith.select %select_n3A_228, %select_n3A_230, %select_n3A_229 : i32
      %eq3A_232 = arith.constant -1 : i32
      %eq3A_233 = arith.cmpi eq, %select_n3A_231, %eq3A_232 : i32
      %select_n3A_234 = arith.constant 0 : i32
      %select_n3A_235 = arith.select %eq3A_233, %select_n3A_234, %select_n3A_231 : i32
      %add3A_236 = arith.constant 0 : i32
      %add3A_237 = arith.addi %add3A_236, %mul3A_6 : i32
      %select_n3A_238 = arith.constant true
      %select_n3A_239 = arith.constant 0 : i32
      %select_n3A_240 = arith.constant 1 : i32
      %select_n3A_241 = arith.select %select_n3A_238, %select_n3A_240, %select_n3A_239 : i32
      %eq3A_242 = arith.constant 1 : i32
      %eq3A_243 = arith.cmpi eq, %select_n3A_241, %eq3A_242 : i32
      %select_n3A_244 = arith.constant 0 : i32
      %select_n3A_245 = arith.select %eq3A_243, %select_n3A_244, %select_n3A_241 : i32
      %add3A_246 = arith.constant 0 : i32
      %add3A_247 = arith.addi %add3A_246, %mul3A_6 : i32
      %select_n3A_248 = arith.constant true
      %select_n3A_249 = arith.constant 0 : i32
      %select_n3A_250 = arith.constant 1 : i32
      %select_n3A_251 = arith.select %select_n3A_248, %select_n3A_250, %select_n3A_249 : i32
      %eq3A_252 = arith.constant 1 : i32
      %eq3A_253 = arith.cmpi eq, %select_n3A_251, %eq3A_252 : i32
      %select_n3A_254 = arith.constant 0 : i32
      %select_n3A_255 = arith.select %eq3A_253, %select_n3A_254, %select_n3A_251 : i32
      %add3A_256 = arith.constant 0 : i32
      %add3A_257 = arith.addi %add3A_256, %mul3A_6 : i32
      "tpu.trace_start"() <{level = 10 : i32, message = "ep_finalize"}> : () -> ()
      %rem3A_258 = arith.constant 2 : i32
      %rem3A_259 = arith.remui %select_n3A_201, %rem3A_258 : i32
      %mul3A_260 = arith.constant 128 : i32
      %mul3A_261 = arith.muli %mul3A_260, %add3A_227 : i32
      %dma_wait3A = arith.constant 0 : i32
      %dma_wait3A_262 = arith.constant 0 : i32
      %dma_wait3A_263 = tpu.memref_slice %run_scoped3A_17[%rem3A_259, %dma_wait3A, %dma_wait3A_262] : memref<2x128x16xi32, #tpu.memory_space<vmem>> -> memref<1x128x16xi32, #tpu.memory_space<vmem>>
      %dma_wait3A_264 = tpu.memref_squeeze %dma_wait3A_263 : memref<1x128x16xi32, #tpu.memory_space<vmem>> -> memref<128x16xi32, #tpu.memory_space<vmem>>
      %dma_wait3A_265 = arith.constant 0 : i32
      %dma_wait3A_266 = tpu.memref_slice %arg6[%mul3A_261, %dma_wait3A_265] : memref<4096x16xi32, #tpu.memory_space<hbm>> -> memref<128x16xi32, #tpu.memory_space<hbm>>
      %dma_wait3A_267 = tpu.memref_slice %run_scoped3A_18[%rem3A_259] : memref<2x!tpu.dma_semaphore, #tpu.memory_space<semaphore_mem>> -> memref<1x!tpu.dma_semaphore, #tpu.memory_space<semaphore_mem>>
      %dma_wait3A_268 = tpu.memref_squeeze %dma_wait3A_267 : memref<1x!tpu.dma_semaphore, #tpu.memory_space<semaphore_mem>> -> memref<!tpu.dma_semaphore, #tpu.memory_space<semaphore_mem>>
      %dma_wait3A_269 = arith.constant 0 : i32
      %dma_wait3A_270 = tpu.memref_slice %arg6[%mul3A_261, %dma_wait3A_269] : memref<4096x16xi32, #tpu.memory_space<hbm>> -> memref<128x16xi32, #tpu.memory_space<hbm>>
      %dma_wait3A_271 = arith.constant 0 : i32
      %dma_wait3A_272 = arith.constant 0 : i32
      %dma_wait3A_273 = tpu.memref_slice %run_scoped3A_17[%rem3A_259, %dma_wait3A_271, %dma_wait3A_272] : memref<2x128x16xi32, #tpu.memory_space<vmem>> -> memref<1x128x16xi32, #tpu.memory_space<vmem>>
      %dma_wait3A_274 = tpu.memref_squeeze %dma_wait3A_273 : memref<1x128x16xi32, #tpu.memory_space<vmem>> -> memref<128x16xi32, #tpu.memory_space<vmem>>
      tpu.wait_dma2 semaphore(%dma_wait3A_268 : memref<!tpu.dma_semaphore, #tpu.memory_space<semaphore_mem>>) src(%dma_wait3A_274 : memref<128x16xi32, #tpu.memory_space<vmem>>) dst(%dma_wait3A_270 : memref<128x16xi32, #tpu.memory_space<hbm>>)
      "tpu.trace_stop"() : () -> ()
      tpu.yield
    }) : () -> ()
    %mul3A_7 = arith.constant 1 : i32
    %mul3A_8 = arith.muli %arg1, %mul3A_7 : i32
    %add3A_9 = arith.constant 0 : i32
    %add3A_10 = arith.addi %add3A_9, %mul3A_8 : i32
    %mul3A_11 = arith.constant 16 : i32
    %mul3A_12 = arith.muli %arg0, %mul3A_11 : i32
    %add3A_13 = arith.addi %add3A_10, %mul3A_12 : i32
    %mul3A_14 = arith.constant 1 : i32
    %mul3A_15 = arith.muli %add3A_13, %mul3A_14 : i32
    "tpu.region"() ({
      %run_scoped3A = memref.alloca() : memref<2x1x128xi32, #tpu.memory_space<vmem>>
      %run_scoped3A_16 = tpu.sem_alloc : memref<2x!tpu.dma_semaphore, #tpu.memory_space<semaphore_mem>>
      %run_scoped3A_17 = memref.alloca() : memref<2x128x128xf32, #tpu.memory_space<vmem>>
      %run_scoped3A_18 = tpu.sem_alloc : memref<2x!tpu.dma_semaphore, #tpu.memory_space<semaphore_mem>>
      %add3A_19 = arith.constant 0 : i32
      %add3A_20 = arith.addi %add3A_19, %mul3A_15 : i32
      %select_n3A = arith.constant true
      %select_n3A_21 = arith.constant 0 : i32
      %select_n3A_22 = arith.constant -1 : i32
      %select_n3A_23 = arith.select %select_n3A, %select_n3A_22, %select_n3A_21 : i32
      %eq3A = arith.constant -1 : i32
      %eq3A_24 = arith.cmpi eq, %select_n3A_23, %eq3A : i32
      %select_n3A_25 = arith.constant 0 : i32
      %select_n3A_26 = arith.select %eq3A_24, %select_n3A_25, %select_n3A_23 : i32
      %add3A_27 = arith.constant 0 : i32
      %add3A_28 = arith.addi %add3A_27, %mul3A_15 : i32
      %select_n3A_29 = arith.constant true
      %select_n3A_30 = arith.constant 0 : i32
      %select_n3A_31 = arith.constant 1 : i32
      %select_n3A_32 = arith.select %select_n3A_29, %select_n3A_31, %select_n3A_30 : i32
      %eq3A_33 = arith.constant 1 : i32
      %eq3A_34 = arith.cmpi eq, %select_n3A_32, %eq3A_33 : i32
      %select_n3A_35 = arith.constant 0 : i32
      %select_n3A_36 = arith.select %eq3A_34, %select_n3A_35, %select_n3A_32 : i32
      %add3A_37 = arith.constant 0 : i32
      %add3A_38 = arith.addi %add3A_37, %mul3A_15 : i32
      %select_n3A_39 = arith.constant true
      %select_n3A_40 = arith.constant 0 : i32
      %select_n3A_41 = arith.constant 1 : i32
      %select_n3A_42 = arith.select %select_n3A_39, %select_n3A_41, %select_n3A_40 : i32
      %eq3A_43 = arith.constant 1 : i32
      %eq3A_44 = arith.cmpi eq, %select_n3A_42, %eq3A_43 : i32
      %select_n3A_45 = arith.constant 0 : i32
      %select_n3A_46 = arith.select %eq3A_44, %select_n3A_45, %select_n3A_42 : i32
      %add3A_47 = arith.constant 0 : i32
      %add3A_48 = arith.addi %add3A_47, %mul3A_15 : i32
      "tpu.trace_start"() <{level = 10 : i32, message = "ep_initialize_0"}> : () -> ()
      %rem3A = arith.constant 0 : i32
      %rem3A_49 = arith.constant 2 : i32
      %rem3A_50 = arith.remui %rem3A, %rem3A_49 : i32
      %mul3A_51 = arith.constant 128 : i32
      %mul3A_52 = arith.muli %mul3A_51, %add3A_20 : i32
      %dma_start3A = arith.constant 0 : i32
      %dma_start3A_53 = arith.constant 0 : i32
      %dma_start3A_54 = tpu.memref_slice %run_scoped3A[%rem3A_50, %dma_start3A, %dma_start3A_53] : memref<2x1x128xi32, #tpu.memory_space<vmem>> -> memref<1x1x128xi32, #tpu.memory_space<vmem>>
      %dma_start3A_55 = tpu.memref_squeeze %dma_start3A_54 : memref<1x1x128xi32, #tpu.memory_space<vmem>> -> memref<1x128xi32, #tpu.memory_space<vmem>>
      %dma_start3A_56 = arith.constant 0 : i32
      %dma_start3A_57 = tpu.memref_slice %arg5[%dma_start3A_56, %mul3A_52] : memref<1x4096xi32, #tpu.memory_space<hbm>> -> memref<1x128xi32, #tpu.memory_space<hbm>>
      %dma_start3A_58 = tpu.memref_slice %run_scoped3A_16[%rem3A_50] : memref<2x!tpu.dma_semaphore, #tpu.memory_space<semaphore_mem>> -> memref<1x!tpu.dma_semaphore, #tpu.memory_space<semaphore_mem>>
      %dma_start3A_59 = tpu.memref_squeeze %dma_start3A_58 : memref<1x!tpu.dma_semaphore, #tpu.memory_space<semaphore_mem>> -> memref<!tpu.dma_semaphore, #tpu.memory_space<semaphore_mem>>
      %dma_start3A_60 = arith.constant 0 : i32
      %dma_start3A_61 = arith.constant 0 : i32
      %dma_start3A_62 = tpu.memref_slice %run_scoped3A[%rem3A_50, %dma_start3A_60, %dma_start3A_61] : memref<2x1x128xi32, #tpu.memory_space<vmem>> -> memref<1x1x128xi32, #tpu.memory_space<vmem>>
      %dma_start3A_63 = tpu.memref_squeeze %dma_start3A_62 : memref<1x1x128xi32, #tpu.memory_space<vmem>> -> memref<1x128xi32, #tpu.memory_space<vmem>>
      %dma_start3A_64 = arith.constant 0 : i32
      %dma_start3A_65 = tpu.memref_slice %arg5[%dma_start3A_64, %mul3A_52] : memref<1x4096xi32, #tpu.memory_space<hbm>> -> memref<1x128xi32, #tpu.memory_space<hbm>>
      tpu.enqueue_dma source(%dma_start3A_65 : memref<1x128xi32, #tpu.memory_space<hbm>>) target(%dma_start3A_63 : memref<1x128xi32, #tpu.memory_space<vmem>>) target_semaphore(%dma_start3A_59 : memref<!tpu.dma_semaphore, #tpu.memory_space<semaphore_mem>>)
      %add3A_66 = arith.constant 0 : i32
      %add3A_67 = arith.constant 1 : i32
      %add3A_68 = arith.addi %add3A_66, %add3A_67 : i32
      %select_n3A_69 = arith.constant true
      %select_n3A_70 = arith.constant 0 : i32
      %select_n3A_71 = arith.select %select_n3A_69, %add3A_68, %select_n3A_70 : i32
      "tpu.trace_stop"() : () -> ()
      %scan3A = arith.constant 0 : i32
      %scan3A_72 = arith.constant 0 : i32
      %scan3A_73 = arith.constant 0 : i32
      %scan3A_74 = arith.constant 0 : i32
      %scan3A_75 = arith.constant 0 : i32
      %eq3A_76 = arith.constant 0 : i32
      %eq3A_77 = arith.cmpi eq, %scan3A_75, %eq3A_76 : i32
      %eq3A_78 = arith.constant 0 : i32
      %eq3A_79 = arith.cmpi eq, %scan3A_75, %eq3A_78 : i32
      %add3A_80 = arith.constant 0 : i32
      %add3A_81 = arith.addi %add3A_80, %mul3A_15 : i32
      %select_n3A_82 = arith.constant true
      %select_n3A_83 = arith.constant 0 : i32
      %select_n3A_84 = arith.constant -1 : i32
      %select_n3A_85 = arith.select %select_n3A_82, %select_n3A_84, %select_n3A_83 : i32
      %eq3A_86 = arith.constant -1 : i32
      %eq3A_87 = arith.cmpi eq, %select_n3A_85, %eq3A_86 : i32
      %select_n3A_88 = arith.constant 0 : i32
      %select_n3A_89 = arith.select %eq3A_87, %select_n3A_88, %select_n3A_85 : i32
      %add3A_90 = arith.constant 0 : i32
      %add3A_91 = arith.addi %add3A_90, %mul3A_15 : i32
      %select_n3A_92 = arith.constant true
      %select_n3A_93 = arith.constant 0 : i32
      %select_n3A_94 = arith.constant 1 : i32
      %select_n3A_95 = arith.select %select_n3A_92, %select_n3A_94, %select_n3A_93 : i32
      %eq3A_96 = arith.constant 1 : i32
      %eq3A_97 = arith.cmpi eq, %select_n3A_95, %eq3A_96 : i32
      %select_n3A_98 = arith.constant 0 : i32
      %select_n3A_99 = arith.select %eq3A_97, %select_n3A_98, %select_n3A_95 : i32
      %add3A_100 = arith.constant 0 : i32
      %add3A_101 = arith.addi %add3A_100, %mul3A_15 : i32
      %select_n3A_102 = arith.constant true
      %select_n3A_103 = arith.constant 0 : i32
      %select_n3A_104 = arith.constant 1 : i32
      %select_n3A_105 = arith.select %select_n3A_102, %select_n3A_104, %select_n3A_103 : i32
      %eq3A_106 = arith.constant 1 : i32
      %eq3A_107 = arith.cmpi eq, %select_n3A_105, %eq3A_106 : i32
      %select_n3A_108 = arith.constant 0 : i32
      %select_n3A_109 = arith.select %eq3A_107, %select_n3A_108, %select_n3A_105 : i32
      %add3A_110 = arith.constant 0 : i32
      %add3A_111 = arith.addi %add3A_110, %mul3A_15 : i32
      %ne3A = arith.cmpi ne, %add3A_81, %add3A_101 : i32
      %or3A = arith.constant false
      %or3A_112 = arith.ori %or3A, %ne3A : i1
      %ge3A = arith.constant 0 : i32
      %ge3A_113 = arith.cmpi sge, %scan3A_75, %ge3A : i32
      %not3A = arith.constant true
      %not3A_114 = arith.xori %ge3A_113, %not3A : i1
      %and3A = arith.andi %or3A_112, %not3A_114 : i1
      %convert_element_type3A = arith.extui %and3A : i1 to i32
      %cond3A = arith.constant 0 : i32
      %cond3A_115 = arith.cmpi ne, %convert_element_type3A, %cond3A : i32
      scf.if %cond3A_115 {
        "tpu.trace_start"() <{level = 10 : i32, message = "ep_copy_in"}> : () -> ()
        %rem3A_275 = arith.constant 2 : i32
        %rem3A_276 = arith.remui %select_n3A_71, %rem3A_275 : i32
        %mul3A_277 = arith.constant 128 : i32
        %mul3A_278 = arith.muli %mul3A_277, %add3A_101 : i32
        %dma_start3A_279 = arith.constant 0 : i32
        %dma_start3A_280 = arith.constant 0 : i32
        %dma_start3A_281 = tpu.memref_slice %run_scoped3A[%rem3A_276, %dma_start3A_279, %dma_start3A_280] : memref<2x1x128xi32, #tpu.memory_space<vmem>> -> memref<1x1x128xi32, #tpu.memory_space<vmem>>
        %dma_start3A_282 = tpu.memref_squeeze %dma_start3A_281 : memref<1x1x128xi32, #tpu.memory_space<vmem>> -> memref<1x128xi32, #tpu.memory_space<vmem>>
        %dma_start3A_283 = arith.constant 0 : i32
        %dma_start3A_284 = tpu.memref_slice %arg5[%dma_start3A_283, %mul3A_278] : memref<1x4096xi32, #tpu.memory_space<hbm>> -> memref<1x128xi32, #tpu.memory_space<hbm>>
        %dma_start3A_285 = tpu.memref_slice %run_scoped3A_16[%rem3A_276] : memref<2x!tpu.dma_semaphore, #tpu.memory_space<semaphore_mem>> -> memref<1x!tpu.dma_semaphore, #tpu.memory_space<semaphore_mem>>
        %dma_start3A_286 = tpu.memref_squeeze %dma_start3A_285 : memref<1x!tpu.dma_semaphore, #tpu.memory_space<semaphore_mem>> -> memref<!tpu.dma_semaphore, #tpu.memory_space<semaphore_mem>>
        %dma_start3A_287 = arith.constant 0 : i32
        %dma_start3A_288 = arith.constant 0 : i32
        %dma_start3A_289 = tpu.memref_slice %run_scoped3A[%rem3A_276, %dma_start3A_287, %dma_start3A_288] : memref<2x1x128xi32, #tpu.memory_space<vmem>> -> memref<1x1x128xi32, #tpu.memory_space<vmem>>
        %dma_start3A_290 = tpu.memref_squeeze %dma_start3A_289 : memref<1x1x128xi32, #tpu.memory_space<vmem>> -> memref<1x128xi32, #tpu.memory_space<vmem>>
        %dma_start3A_291 = arith.constant 0 : i32
        %dma_start3A_292 = tpu.memref_slice %arg5[%dma_start3A_291, %mul3A_278] : memref<1x4096xi32, #tpu.memory_space<hbm>> -> memref<1x128xi32, #tpu.memory_space<hbm>>
        tpu.enqueue_dma source(%dma_start3A_292 : memref<1x128xi32, #tpu.memory_space<hbm>>) target(%dma_start3A_290 : memref<1x128xi32, #tpu.memory_space<vmem>>) target_semaphore(%dma_start3A_286 : memref<!tpu.dma_semaphore, #tpu.memory_space<semaphore_mem>>)
        "tpu.trace_stop"() : () -> ()
      } else {
      }
      %and3A_116 = arith.constant true
      %and3A_117 = arith.andi %and3A, %and3A_116 : i1
      %add3A_118 = arith.constant 1 : i32
      %add3A_119 = arith.addi %select_n3A_71, %add3A_118 : i32
      %select_n3A_120 = arith.select %and3A_117, %add3A_119, %select_n3A_71 : i32
      %ne3A_121 = arith.cmpi ne, %add3A_81, %add3A_101 : i32
      %or3A_122 = arith.constant false
      %or3A_123 = arith.ori %or3A_122, %ne3A_121 : i1
      %or3A_124 = arith.constant false
      %or3A_125 = arith.ori %or3A_123, %or3A_124 : i1
      %ge3A_126 = arith.constant 0 : i32
      %ge3A_127 = arith.cmpi sge, %scan3A_75, %ge3A_126 : i32
      %not3A_128 = arith.constant true
      %not3A_129 = arith.xori %ge3A_127, %not3A_128 : i1
      %and3A_130 = arith.andi %or3A_125, %not3A_129 : i1
      %ne3A_131 = arith.cmpi ne, %add3A_81, %add3A_91 : i32
      %or3A_132 = arith.constant false
      %or3A_133 = arith.ori %or3A_132, %ne3A_131 : i1
      %or3A_134 = arith.ori %or3A_133, %eq3A_77 : i1
      %convert_element_type3A_135 = arith.extui %or3A_134 : i1 to i32
      %cond3A_136 = arith.constant 0 : i32
      %cond3A_137 = arith.cmpi ne, %convert_element_type3A_135, %cond3A_136 : i32
      scf.if %cond3A_137 {
        "tpu.trace_start"() <{level = 10 : i32, message = "ep_wait_in"}> : () -> ()
        %mul3A_275 = arith.constant 128 : i32
        %mul3A_276 = arith.muli %mul3A_275, %add3A_81 : i32
        %rem3A_277 = arith.constant 2 : i32
        %rem3A_278 = arith.remui %scan3A, %rem3A_277 : i32
        %dma_wait3A_279 = arith.constant 0 : i32
        %dma_wait3A_280 = arith.constant 0 : i32
        %dma_wait3A_281 = tpu.memref_slice %run_scoped3A[%rem3A_278, %dma_wait3A_279, %dma_wait3A_280] : memref<2x1x128xi32, #tpu.memory_space<vmem>> -> memref<1x1x128xi32, #tpu.memory_space<vmem>>
        %dma_wait3A_282 = tpu.memref_squeeze %dma_wait3A_281 : memref<1x1x128xi32, #tpu.memory_space<vmem>> -> memref<1x128xi32, #tpu.memory_space<vmem>>
        %dma_wait3A_283 = arith.constant 0 : i32
        %dma_wait3A_284 = tpu.memref_slice %arg5[%dma_wait3A_283, %mul3A_276] : memref<1x4096xi32, #tpu.memory_space<hbm>> -> memref<1x128xi32, #tpu.memory_space<hbm>>
        %dma_wait3A_285 = tpu.memref_slice %run_scoped3A_16[%rem3A_278] : memref<2x!tpu.dma_semaphore, #tpu.memory_space<semaphore_mem>> -> memref<1x!tpu.dma_semaphore, #tpu.memory_space<semaphore_mem>>
        %dma_wait3A_286 = tpu.memref_squeeze %dma_wait3A_285 : memref<1x!tpu.dma_semaphore, #tpu.memory_space<semaphore_mem>> -> memref<!tpu.dma_semaphore, #tpu.memory_space<semaphore_mem>>
        %dma_wait3A_287 = arith.constant 0 : i32
        %dma_wait3A_288 = arith.constant 0 : i32
        %dma_wait3A_289 = tpu.memref_slice %run_scoped3A[%rem3A_278, %dma_wait3A_287, %dma_wait3A_288] : memref<2x1x128xi32, #tpu.memory_space<vmem>> -> memref<1x1x128xi32, #tpu.memory_space<vmem>>
        %dma_wait3A_290 = tpu.memref_squeeze %dma_wait3A_289 : memref<1x1x128xi32, #tpu.memory_space<vmem>> -> memref<1x128xi32, #tpu.memory_space<vmem>>
        %dma_wait3A_291 = arith.constant 0 : i32
        %dma_wait3A_292 = tpu.memref_slice %arg5[%dma_wait3A_291, %mul3A_276] : memref<1x4096xi32, #tpu.memory_space<hbm>> -> memref<1x128xi32, #tpu.memory_space<hbm>>
        tpu.wait_dma2 semaphore(%dma_wait3A_286 : memref<!tpu.dma_semaphore, #tpu.memory_space<semaphore_mem>>) src(%dma_wait3A_292 : memref<1x128xi32, #tpu.memory_space<hbm>>) dst(%dma_wait3A_290 : memref<1x128xi32, #tpu.memory_space<vmem>>)
        "tpu.trace_stop"() : () -> ()
      } else {
      }
      %ne3A_138 = arith.cmpi ne, %add3A_81, %add3A_91 : i32
      %or3A_139 = arith.constant false
      %or3A_140 = arith.ori %or3A_139, %ne3A_138 : i1
      %or3A_141 = arith.constant false
      %or3A_142 = arith.ori %or3A_140, %or3A_141 : i1
      %or3A_143 = arith.ori %or3A_142, %eq3A_77 : i1
      %convert_element_type3A_144 = arith.extui %or3A_143 : i1 to i32
      %cond3A_145 = arith.constant 0 : i32
      %cond3A_146 = arith.cmpi ne, %convert_element_type3A_144, %cond3A_145 : i32
      scf.if %cond3A_146 {
      } else {
      }
      %rem3A_147 = arith.constant 2 : i32
      %rem3A_148 = arith.remui %scan3A, %rem3A_147 : i32
      %rem3A_149 = arith.constant 2 : i32
      %rem3A_150 = arith.remui %scan3A_72, %rem3A_149 : i32
      %run_scoped3A_151 = arith.constant 0 : i32
      "tpu.trace_start"() <{level = 10 : i32, message = "ep_run_kernel"}> : () -> ()
      "tpu.region"() ({
        %run_scoped3A_275 = tpu.sem_alloc : memref<!tpu.dma_semaphore, #tpu.memory_space<semaphore_mem>>
        %dma_start3A_276 = arith.constant 0 : i32
        %dma_start3A_277 = arith.constant 0 : i32
        %dma_start3A_278 = tpu.memref_slice %run_scoped3A_17[%rem3A_150, %dma_start3A_276, %dma_start3A_277] : memref<2x128x128xf32, #tpu.memory_space<vmem>> -> memref<1x128x128xf32, #tpu.memory_space<vmem>>
        %dma_start3A_279 = tpu.memref_squeeze %dma_start3A_278 : memref<1x128x128xf32, #tpu.memory_space<vmem>> -> memref<128x128xf32, #tpu.memory_space<vmem>>
        %dma_start3A_280 = arith.constant 0 : i32
        %dma_start3A_281 = arith.constant 0 : i32
        %dma_start3A_282 = tpu.memref_slice %run_scoped3A[%rem3A_148, %dma_start3A_280, %dma_start3A_281] : memref<2x1x128xi32, #tpu.memory_space<vmem>> -> memref<1x1x128xi32, #tpu.memory_space<vmem>>
        %dma_start3A_283 = tpu.memref_squeeze %dma_start3A_282 : memref<1x1x128xi32, #tpu.memory_space<vmem>> -> memref<1x128xi32, #tpu.memory_space<vmem>>
        %dma_start3A_284 = arith.constant 0 : i32
        %dma_start3A_285 = tpu.memref_slice %dma_start3A_283[%run_scoped3A_151, %dma_start3A_284] : memref<1x128xi32, #tpu.memory_space<vmem>> -> memref<1x128xi32, #tpu.memory_space<vmem>>
        %dma_start3A_286 = tpu.memref_squeeze %dma_start3A_285 : memref<1x128xi32, #tpu.memory_space<vmem>> -> memref<128xi32, #tpu.memory_space<vmem>>
        %dma_start3A_287 = arith.constant 0 : i32
        %dma_start3A_288 = arith.constant 0 : i32
        %dma_start3A_289 = tpu.memref_slice %arg4[%dma_start3A_287, %dma_start3A_288] : memref<50000x128xf32, #tpu.memory_space<hbm>> -> memref<50000x128xf32, #tpu.memory_space<hbm>>
        tpu.enqueue_indirect_dma source(%dma_start3A_289 : memref<50000x128xf32, #tpu.memory_space<hbm>>) target(%dma_start3A_279 : memref<128x128xf32, #tpu.memory_space<vmem>>) offsets(%dma_start3A_286 : memref<128xi32, #tpu.memory_space<vmem>>) semaphore(%run_scoped3A_275 : memref<!tpu.dma_semaphore, #tpu.memory_space<semaphore_mem>>)
        %dma_wait3A_290 = arith.constant 0 : i32
        %dma_wait3A_291 = arith.constant 0 : i32
        %dma_wait3A_292 = tpu.memref_slice %run_scoped3A_17[%rem3A_150, %dma_wait3A_290, %dma_wait3A_291] : memref<2x128x128xf32, #tpu.memory_space<vmem>> -> memref<1x128x128xf32, #tpu.memory_space<vmem>>
        %dma_wait3A_293 = tpu.memref_squeeze %dma_wait3A_292 : memref<1x128x128xf32, #tpu.memory_space<vmem>> -> memref<128x128xf32, #tpu.memory_space<vmem>>
        %dma_wait3A_294 = arith.constant 0 : i32
        %dma_wait3A_295 = arith.constant 0 : i32
        %dma_wait3A_296 = tpu.memref_slice %run_scoped3A[%rem3A_148, %dma_wait3A_294, %dma_wait3A_295] : memref<2x1x128xi32, #tpu.memory_space<vmem>> -> memref<1x1x128xi32, #tpu.memory_space<vmem>>
        %dma_wait3A_297 = tpu.memref_squeeze %dma_wait3A_296 : memref<1x1x128xi32, #tpu.memory_space<vmem>> -> memref<1x128xi32, #tpu.memory_space<vmem>>
        %dma_wait3A_298 = arith.constant 0 : i32
        %dma_wait3A_299 = tpu.memref_slice %dma_wait3A_297[%run_scoped3A_151, %dma_wait3A_298] : memref<1x128xi32, #tpu.memory_space<vmem>> -> memref<1x128xi32, #tpu.memory_space<vmem>>
        %dma_wait3A_300 = tpu.memref_squeeze %dma_wait3A_299 : memref<1x128xi32, #tpu.memory_space<vmem>> -> memref<128xi32, #tpu.memory_space<vmem>>
        %dma_wait3A_301 = arith.constant 0 : i32
        %dma_wait3A_302 = arith.constant 0 : i32
        %dma_wait3A_303 = tpu.memref_slice %arg4[%dma_wait3A_301, %dma_wait3A_302] : memref<50000x128xf32, #tpu.memory_space<hbm>> -> memref<50000x128xf32, #tpu.memory_space<hbm>>
        tpu.wait_indirect_dma semaphore(%run_scoped3A_275 : memref<!tpu.dma_semaphore, #tpu.memory_space<semaphore_mem>>) src(%dma_wait3A_303 : memref<50000x128xf32, #tpu.memory_space<hbm>>) dst(%dma_wait3A_293 : memref<128x128xf32, #tpu.memory_space<vmem>>)
        tpu.yield
      }) : () -> ()
      "tpu.trace_stop"() : () -> ()
      %ne3A_152 = arith.cmpi ne, %add3A_81, %add3A_101 : i32
      %or3A_153 = arith.constant false
      %or3A_154 = arith.ori %or3A_153, %ne3A_152 : i1
      %or3A_155 = arith.ori %or3A_154, %eq3A_79 : i1
      %convert_element_type3A_156 = arith.extui %or3A_155 : i1 to i32
      %cond3A_157 = arith.constant 0 : i32
      %cond3A_158 = arith.cmpi ne, %convert_element_type3A_156, %cond3A_157 : i32
      scf.if %cond3A_158 {
      } else {
      }
      %and3A_159 = arith.constant false
      %and3A_160 = arith.andi %or3A_155, %and3A_159 : i1
      %ne3A_161 = arith.cmpi ne, %add3A_81, %add3A_101 : i32
      %or3A_162 = arith.constant false
      %or3A_163 = arith.ori %or3A_162, %ne3A_161 : i1
      %or3A_164 = arith.constant false
      %or3A_165 = arith.ori %or3A_163, %or3A_164 : i1
      %or3A_166 = arith.ori %or3A_165, %eq3A_79 : i1
      %convert_element_type3A_167 = arith.extui %or3A_166 : i1 to i32
      %cond3A_168 = arith.constant 0 : i32
      %cond3A_169 = arith.cmpi ne, %convert_element_type3A_167, %cond3A_168 : i32
      scf.if %cond3A_169 {
        "tpu.trace_start"() <{level = 10 : i32, message = "ep_copy_out"}> : () -> ()
        %rem3A_275 = arith.constant 2 : i32
        %rem3A_276 = arith.remui %scan3A_72, %rem3A_275 : i32
        %mul3A_277 = arith.constant 128 : i32
        %mul3A_278 = arith.muli %mul3A_277, %add3A_81 : i32
        %dma_start3A_279 = arith.constant 0 : i32
        %dma_start3A_280 = arith.constant 0 : i32
        %dma_start3A_281 = tpu.memref_slice %run_scoped3A_17[%rem3A_276, %dma_start3A_279, %dma_start3A_280] : memref<2x128x128xf32, #tpu.memory_space<vmem>> -> memref<1x128x128xf32, #tpu.memory_space<vmem>>
        %dma_start3A_282 = tpu.memref_squeeze %dma_start3A_281 : memref<1x128x128xf32, #tpu.memory_space<vmem>> -> memref<128x128xf32, #tpu.memory_space<vmem>>
        %dma_start3A_283 = arith.constant 0 : i32
        %dma_start3A_284 = tpu.memref_slice %arg7[%mul3A_278, %dma_start3A_283] : memref<4096x128xf32, #tpu.memory_space<hbm>> -> memref<128x128xf32, #tpu.memory_space<hbm>>
        %dma_start3A_285 = tpu.memref_slice %run_scoped3A_18[%rem3A_276] : memref<2x!tpu.dma_semaphore, #tpu.memory_space<semaphore_mem>> -> memref<1x!tpu.dma_semaphore, #tpu.memory_space<semaphore_mem>>
        %dma_start3A_286 = tpu.memref_squeeze %dma_start3A_285 : memref<1x!tpu.dma_semaphore, #tpu.memory_space<semaphore_mem>> -> memref<!tpu.dma_semaphore, #tpu.memory_space<semaphore_mem>>
        %dma_start3A_287 = arith.constant 0 : i32
        %dma_start3A_288 = tpu.memref_slice %arg7[%mul3A_278, %dma_start3A_287] : memref<4096x128xf32, #tpu.memory_space<hbm>> -> memref<128x128xf32, #tpu.memory_space<hbm>>
        %dma_start3A_289 = arith.constant 0 : i32
        %dma_start3A_290 = arith.constant 0 : i32
        %dma_start3A_291 = tpu.memref_slice %run_scoped3A_17[%rem3A_276, %dma_start3A_289, %dma_start3A_290] : memref<2x128x128xf32, #tpu.memory_space<vmem>> -> memref<1x128x128xf32, #tpu.memory_space<vmem>>
        %dma_start3A_292 = tpu.memref_squeeze %dma_start3A_291 : memref<1x128x128xf32, #tpu.memory_space<vmem>> -> memref<128x128xf32, #tpu.memory_space<vmem>>
        tpu.enqueue_dma source(%dma_start3A_292 : memref<128x128xf32, #tpu.memory_space<vmem>>) target(%dma_start3A_288 : memref<128x128xf32, #tpu.memory_space<hbm>>) target_semaphore(%dma_start3A_286 : memref<!tpu.dma_semaphore, #tpu.memory_space<semaphore_mem>>)
        "tpu.trace_stop"() : () -> ()
      } else {
      }
      %and3A_170 = arith.constant true
      %and3A_171 = arith.andi %or3A_166, %and3A_170 : i1
      %add3A_172 = arith.constant 1 : i32
      %add3A_173 = arith.addi %scan3A_72, %add3A_172 : i32
      %select_n3A_174 = arith.select %and3A_171, %add3A_173, %scan3A_72 : i32
      %ne3A_175 = arith.cmpi ne, %add3A_81, %add3A_91 : i32
      %or3A_176 = arith.constant false
      %or3A_177 = arith.ori %or3A_176, %ne3A_175 : i1
      %not3A_178 = arith.constant true
      %not3A_179 = arith.xori %eq3A_77, %not3A_178 : i1
      %and3A_180 = arith.andi %or3A_177, %not3A_179 : i1
      %convert_element_type3A_181 = arith.extui %and3A_180 : i1 to i32
      %cond3A_182 = arith.constant 0 : i32
      %cond3A_183 = arith.cmpi ne, %convert_element_type3A_181, %cond3A_182 : i32
      scf.if %cond3A_183 {
      } else {
      }
      %and3A_184 = arith.constant false
      %and3A_185 = arith.andi %and3A_180, %and3A_184 : i1
      %ne3A_186 = arith.cmpi ne, %add3A_81, %add3A_91 : i32
      %or3A_187 = arith.constant false
      %or3A_188 = arith.ori %or3A_187, %ne3A_186 : i1
      %or3A_189 = arith.constant false
      %or3A_190 = arith.ori %or3A_188, %or3A_189 : i1
      %not3A_191 = arith.constant true
      %not3A_192 = arith.xori %eq3A_77, %not3A_191 : i1
      %and3A_193 = arith.andi %or3A_190, %not3A_192 : i1
      %convert_element_type3A_194 = arith.extui %and3A_193 : i1 to i32
      %cond3A_195 = arith.constant 0 : i32
      %cond3A_196 = arith.cmpi ne, %convert_element_type3A_194, %cond3A_195 : i32
      scf.if %cond3A_196 {
        "tpu.trace_start"() <{level = 10 : i32, message = "ep_wait_out"}> : () -> ()
        %rem3A_275 = arith.constant 2 : i32
        %rem3A_276 = arith.remui %scan3A_73, %rem3A_275 : i32
        %mul3A_277 = arith.constant 128 : i32
        %mul3A_278 = arith.muli %mul3A_277, %add3A_91 : i32
        %dma_wait3A_279 = arith.constant 0 : i32
        %dma_wait3A_280 = arith.constant 0 : i32
        %dma_wait3A_281 = tpu.memref_slice %run_scoped3A_17[%rem3A_276, %dma_wait3A_279, %dma_wait3A_280] : memref<2x128x128xf32, #tpu.memory_space<vmem>> -> memref<1x128x128xf32, #tpu.memory_space<vmem>>
        %dma_wait3A_282 = tpu.memref_squeeze %dma_wait3A_281 : memref<1x128x128xf32, #tpu.memory_space<vmem>> -> memref<128x128xf32, #tpu.memory_space<vmem>>
        %dma_wait3A_283 = arith.constant 0 : i32
        %dma_wait3A_284 = tpu.memref_slice %arg7[%mul3A_278, %dma_wait3A_283] : memref<4096x128xf32, #tpu.memory_space<hbm>> -> memref<128x128xf32, #tpu.memory_space<hbm>>
        %dma_wait3A_285 = tpu.memref_slice %run_scoped3A_18[%rem3A_276] : memref<2x!tpu.dma_semaphore, #tpu.memory_space<semaphore_mem>> -> memref<1x!tpu.dma_semaphore, #tpu.memory_space<semaphore_mem>>
        %dma_wait3A_286 = tpu.memref_squeeze %dma_wait3A_285 : memref<1x!tpu.dma_semaphore, #tpu.memory_space<semaphore_mem>> -> memref<!tpu.dma_semaphore, #tpu.memory_space<semaphore_mem>>
        %dma_wait3A_287 = arith.constant 0 : i32
        %dma_wait3A_288 = tpu.memref_slice %arg7[%mul3A_278, %dma_wait3A_287] : memref<4096x128xf32, #tpu.memory_space<hbm>> -> memref<128x128xf32, #tpu.memory_space<hbm>>
        %dma_wait3A_289 = arith.constant 0 : i32
        %dma_wait3A_290 = arith.constant 0 : i32
        %dma_wait3A_291 = tpu.memref_slice %run_scoped3A_17[%rem3A_276, %dma_wait3A_289, %dma_wait3A_290] : memref<2x128x128xf32, #tpu.memory_space<vmem>> -> memref<1x128x128xf32, #tpu.memory_space<vmem>>
        %dma_wait3A_292 = tpu.memref_squeeze %dma_wait3A_291 : memref<1x128x128xf32, #tpu.memory_space<vmem>> -> memref<128x128xf32, #tpu.memory_space<vmem>>
        tpu.wait_dma2 semaphore(%dma_wait3A_286 : memref<!tpu.dma_semaphore, #tpu.memory_space<semaphore_mem>>) src(%dma_wait3A_292 : memref<128x128xf32, #tpu.memory_space<vmem>>) dst(%dma_wait3A_288 : memref<128x128xf32, #tpu.memory_space<hbm>>)
        "tpu.trace_stop"() : () -> ()
      } else {
      }
      %and3A_197 = arith.constant true
      %and3A_198 = arith.andi %and3A_193, %and3A_197 : i1
      %add3A_199 = arith.constant 1 : i32
      %add3A_200 = arith.addi %scan3A_73, %add3A_199 : i32
      %select_n3A_201 = arith.select %and3A_198, %add3A_200, %scan3A_73 : i32
      %ne3A_202 = arith.cmpi ne, %add3A_81, %add3A_101 : i32
      %or3A_203 = arith.constant false
      %or3A_204 = arith.ori %or3A_203, %ne3A_202 : i1
      %or3A_205 = arith.ori %or3A_204, %eq3A_79 : i1
      %add3A_206 = arith.constant 1 : i32
      %add3A_207 = arith.addi %scan3A, %add3A_206 : i32
      %select_n3A_208 = arith.select %or3A_205, %add3A_207, %scan3A : i32
      %select_n3A_209 = arith.constant true
      %select_n3A_210 = arith.constant 0 : i32
      %select_n3A_211 = arith.constant 1 : i32
      %select_n3A_212 = arith.select %select_n3A_209, %select_n3A_211, %select_n3A_210 : i32
      %eq3A_213 = arith.constant 1 : i32
      %eq3A_214 = arith.cmpi eq, %select_n3A_212, %eq3A_213 : i32
      %select_n3A_215 = arith.constant 0 : i32
      %select_n3A_216 = arith.select %eq3A_214, %select_n3A_215, %select_n3A_212 : i32
      %scan3A_217 = arith.constant 0 : i32
      %scan3A_218 = arith.constant 1 : i32
      %sub3A = arith.constant 1 : i32
      %sub3A_219 = arith.subi %scan3A_217, %sub3A : i32
      %select_n3A_220 = arith.constant true
      %select_n3A_221 = arith.select %select_n3A_220, %sub3A_219, %scan3A_217 : i32
      %eq3A_222 = arith.constant -1 : i32
      %eq3A_223 = arith.cmpi eq, %select_n3A_221, %eq3A_222 : i32
      %select_n3A_224 = arith.constant 0 : i32
      %select_n3A_225 = arith.select %eq3A_223, %select_n3A_224, %select_n3A_221 : i32
      %add3A_226 = arith.constant 0 : i32
      %add3A_227 = arith.addi %add3A_226, %mul3A_15 : i32
      %select_n3A_228 = arith.constant true
      %select_n3A_229 = arith.constant 0 : i32
      %select_n3A_230 = arith.constant -1 : i32
      %select_n3A_231 = arith.select %select_n3A_228, %select_n3A_230, %select_n3A_229 : i32
      %eq3A_232 = arith.constant -1 : i32
      %eq3A_233 = arith.cmpi eq, %select_n3A_231, %eq3A_232 : i32
      %select_n3A_234 = arith.constant 0 : i32
      %select_n3A_235 = arith.select %eq3A_233, %select_n3A_234, %select_n3A_231 : i32
      %add3A_236 = arith.constant 0 : i32
      %add3A_237 = arith.addi %add3A_236, %mul3A_15 : i32
      %select_n3A_238 = arith.constant true
      %select_n3A_239 = arith.constant 0 : i32
      %select_n3A_240 = arith.constant 1 : i32
      %select_n3A_241 = arith.select %select_n3A_238, %select_n3A_240, %select_n3A_239 : i32
      %eq3A_242 = arith.constant 1 : i32
      %eq3A_243 = arith.cmpi eq, %select_n3A_241, %eq3A_242 : i32
      %select_n3A_244 = arith.constant 0 : i32
      %select_n3A_245 = arith.select %eq3A_243, %select_n3A_244, %select_n3A_241 : i32
      %add3A_246 = arith.constant 0 : i32
      %add3A_247 = arith.addi %add3A_246, %mul3A_15 : i32
      %select_n3A_248 = arith.constant true
      %select_n3A_249 = arith.constant 0 : i32
      %select_n3A_250 = arith.constant 1 : i32
      %select_n3A_251 = arith.select %select_n3A_248, %select_n3A_250, %select_n3A_249 : i32
      %eq3A_252 = arith.constant 1 : i32
      %eq3A_253 = arith.cmpi eq, %select_n3A_251, %eq3A_252 : i32
      %select_n3A_254 = arith.constant 0 : i32
      %select_n3A_255 = arith.select %eq3A_253, %select_n3A_254, %select_n3A_251 : i32
      %add3A_256 = arith.constant 0 : i32
      %add3A_257 = arith.addi %add3A_256, %mul3A_15 : i32
      "tpu.trace_start"() <{level = 10 : i32, message = "ep_finalize"}> : () -> ()
      %rem3A_258 = arith.constant 2 : i32
      %rem3A_259 = arith.remui %select_n3A_201, %rem3A_258 : i32
      %mul3A_260 = arith.constant 128 : i32
      %mul3A_261 = arith.muli %mul3A_260, %add3A_227 : i32
      %dma_wait3A = arith.constant 0 : i32
      %dma_wait3A_262 = arith.constant 0 : i32
      %dma_wait3A_263 = tpu.memref_slice %run_scoped3A_17[%rem3A_259, %dma_wait3A, %dma_wait3A_262] : memref<2x128x128xf32, #tpu.memory_space<vmem>> -> memref<1x128x128xf32, #tpu.memory_space<vmem>>
      %dma_wait3A_264 = tpu.memref_squeeze %dma_wait3A_263 : memref<1x128x128xf32, #tpu.memory_space<vmem>> -> memref<128x128xf32, #tpu.memory_space<vmem>>
      %dma_wait3A_265 = arith.constant 0 : i32
      %dma_wait3A_266 = tpu.memref_slice %arg7[%mul3A_261, %dma_wait3A_265] : memref<4096x128xf32, #tpu.memory_space<hbm>> -> memref<128x128xf32, #tpu.memory_space<hbm>>
      %dma_wait3A_267 = tpu.memref_slice %run_scoped3A_18[%rem3A_259] : memref<2x!tpu.dma_semaphore, #tpu.memory_space<semaphore_mem>> -> memref<1x!tpu.dma_semaphore, #tpu.memory_space<semaphore_mem>>
      %dma_wait3A_268 = tpu.memref_squeeze %dma_wait3A_267 : memref<1x!tpu.dma_semaphore, #tpu.memory_space<semaphore_mem>> -> memref<!tpu.dma_semaphore, #tpu.memory_space<semaphore_mem>>
      %dma_wait3A_269 = arith.constant 0 : i32
      %dma_wait3A_270 = tpu.memref_slice %arg7[%mul3A_261, %dma_wait3A_269] : memref<4096x128xf32, #tpu.memory_space<hbm>> -> memref<128x128xf32, #tpu.memory_space<hbm>>
      %dma_wait3A_271 = arith.constant 0 : i32
      %dma_wait3A_272 = arith.constant 0 : i32
      %dma_wait3A_273 = tpu.memref_slice %run_scoped3A_17[%rem3A_259, %dma_wait3A_271, %dma_wait3A_272] : memref<2x128x128xf32, #tpu.memory_space<vmem>> -> memref<1x128x128xf32, #tpu.memory_space<vmem>>
      %dma_wait3A_274 = tpu.memref_squeeze %dma_wait3A_273 : memref<1x128x128xf32, #tpu.memory_space<vmem>> -> memref<128x128xf32, #tpu.memory_space<vmem>>
      tpu.wait_dma2 semaphore(%dma_wait3A_268 : memref<!tpu.dma_semaphore, #tpu.memory_space<semaphore_mem>>) src(%dma_wait3A_274 : memref<128x128xf32, #tpu.memory_space<vmem>>) dst(%dma_wait3A_270 : memref<128x128xf32, #tpu.memory_space<hbm>>)
      "tpu.trace_stop"() : () -> ()
      tpu.yield
    }) : () -> ()
    return
  }
}

#map = affine_map<(d0, d1) -> (0, 0)>
module attributes {stable_mosaic.version = 14 : i64} {
  func.func @k(%arg0: i32, %arg1: i32, %arg2: memref<100000x16xi32, #tpu.memory_space<hbm>>, %arg3: memref<1x32768xi32, #tpu.memory_space<hbm>>, %arg4: memref<32768x16xi32, #tpu.memory_space<hbm>>) attributes {dimension_semantics = [#tpu.dimension_semantics<core_parallel>, #tpu.dimension_semantics<subcore_parallel>], iteration_bounds = array<i64: 2, 16>, scalar_prefetch = 0 : i64, scratch_operands = 0 : i64, tpu.core_type = #tpu.core_type<sc_vector_subcore>, window_params = [{transform_indices = #map}, {transform_indices = #map}, {transform_indices = #map}]} {
    %mul3A = arith.constant 1 : i32
    %mul3A_0 = arith.muli %arg1, %mul3A : i32
    %add3A = arith.constant 0 : i32
    %add3A_1 = arith.addi %add3A, %mul3A_0 : i32
    %mul3A_2 = arith.constant 16 : i32
    %mul3A_3 = arith.muli %arg0, %mul3A_2 : i32
    %add3A_4 = arith.addi %add3A_1, %mul3A_3 : i32
    %mul3A_5 = arith.constant 8 : i32
    %mul3A_6 = arith.muli %add3A_4, %mul3A_5 : i32
    "tpu.region"() ({
      %run_scoped3A = memref.alloca() : memref<2x1x128xi32, #tpu.memory_space<vmem>>
      %run_scoped3A_7 = tpu.sem_alloc : memref<2x!tpu.dma_semaphore, #tpu.memory_space<semaphore_mem>>
      %run_scoped3A_8 = memref.alloca() : memref<2x128x16xi32, #tpu.memory_space<vmem>>
      %run_scoped3A_9 = tpu.sem_alloc : memref<2x!tpu.dma_semaphore, #tpu.memory_space<semaphore_mem>>
      %add3A_10 = arith.constant 0 : i32
      %add3A_11 = arith.addi %add3A_10, %mul3A_6 : i32
      %select_n3A = arith.constant true
      %select_n3A_12 = arith.constant 0 : i32
      %select_n3A_13 = arith.constant -1 : i32
      %select_n3A_14 = arith.select %select_n3A, %select_n3A_13, %select_n3A_12 : i32
      %eq3A = arith.constant -1 : i32
      %eq3A_15 = arith.cmpi eq, %select_n3A_14, %eq3A : i32
      %select_n3A_16 = arith.constant 7 : i32
      %select_n3A_17 = arith.select %eq3A_15, %select_n3A_16, %select_n3A_14 : i32
      %add3A_18 = arith.addi %select_n3A_17, %mul3A_6 : i32
      %select_n3A_19 = arith.constant true
      %select_n3A_20 = arith.constant 0 : i32
      %select_n3A_21 = arith.constant 1 : i32
      %select_n3A_22 = arith.select %select_n3A_19, %select_n3A_21, %select_n3A_20 : i32
      %eq3A_23 = arith.constant 8 : i32
      %eq3A_24 = arith.cmpi eq, %select_n3A_22, %eq3A_23 : i32
      %select_n3A_25 = arith.constant 0 : i32
      %select_n3A_26 = arith.select %eq3A_24, %select_n3A_25, %select_n3A_22 : i32
      %add3A_27 = arith.addi %select_n3A_26, %mul3A_6 : i32
      %add3A_28 = arith.constant 1 : i32
      %add3A_29 = arith.addi %select_n3A_26, %add3A_28 : i32
      %select_n3A_30 = arith.constant true
      %select_n3A_31 = arith.select %select_n3A_30, %add3A_29, %select_n3A_26 : i32
      %eq3A_32 = arith.constant 8 : i32
      %eq3A_33 = arith.cmpi eq, %select_n3A_31, %eq3A_32 : i32
      %select_n3A_34 = arith.constant 0 : i32
      %select_n3A_35 = arith.select %eq3A_33, %select_n3A_34, %select_n3A_31 : i32
      %add3A_36 = arith.addi %select_n3A_35, %mul3A_6 : i32
      "tpu.trace_start"() <{level = 10 : i32, message = "ep_initialize_0"}> : () -> ()
      %rem3A = arith.constant 0 : i32
      %rem3A_37 = arith.constant 2 : i32
      %rem3A_38 = arith.remui %rem3A, %rem3A_37 : i32
      %mul3A_39 = arith.constant 128 : i32
      %mul3A_40 = arith.muli %mul3A_39, %add3A_11 : i32
      %dma_start3A = arith.constant 0 : i32
      %dma_start3A_41 = arith.constant 0 : i32
      %dma_start3A_42 = tpu.memref_slice %run_scoped3A[%rem3A_38, %dma_start3A, %dma_start3A_41] : memref<2x1x128xi32, #tpu.memory_space<vmem>> -> memref<1x1x128xi32, #tpu.memory_space<vmem>>
      %dma_start3A_43 = tpu.memref_squeeze %dma_start3A_42 : memref<1x1x128xi32, #tpu.memory_space<vmem>> -> memref<1x128xi32, #tpu.memory_space<vmem>>
      %dma_start3A_44 = arith.constant 0 : i32
      %dma_start3A_45 = tpu.memref_slice %arg3[%dma_start3A_44, %mul3A_40] : memref<1x32768xi32, #tpu.memory_space<hbm>> -> memref<1x128xi32, #tpu.memory_space<hbm>>
      %dma_start3A_46 = tpu.memref_slice %run_scoped3A_7[%rem3A_38] : memref<2x!tpu.dma_semaphore, #tpu.memory_space<semaphore_mem>> -> memref<1x!tpu.dma_semaphore, #tpu.memory_space<semaphore_mem>>
      %dma_start3A_47 = tpu.memref_squeeze %dma_start3A_46 : memref<1x!tpu.dma_semaphore, #tpu.memory_space<semaphore_mem>> -> memref<!tpu.dma_semaphore, #tpu.memory_space<semaphore_mem>>
      %dma_start3A_48 = arith.constant 0 : i32
      %dma_start3A_49 = arith.constant 0 : i32
      %dma_start3A_50 = tpu.memref_slice %run_scoped3A[%rem3A_38, %dma_start3A_48, %dma_start3A_49] : memref<2x1x128xi32, #tpu.memory_space<vmem>> -> memref<1x1x128xi32, #tpu.memory_space<vmem>>
      %dma_start3A_51 = tpu.memref_squeeze %dma_start3A_50 : memref<1x1x128xi32, #tpu.memory_space<vmem>> -> memref<1x128xi32, #tpu.memory_space<vmem>>
      %dma_start3A_52 = arith.constant 0 : i32
      %dma_start3A_53 = tpu.memref_slice %arg3[%dma_start3A_52, %mul3A_40] : memref<1x32768xi32, #tpu.memory_space<hbm>> -> memref<1x128xi32, #tpu.memory_space<hbm>>
      tpu.enqueue_dma source(%dma_start3A_53 : memref<1x128xi32, #tpu.memory_space<hbm>>) target(%dma_start3A_51 : memref<1x128xi32, #tpu.memory_space<vmem>>) target_semaphore(%dma_start3A_47 : memref<!tpu.dma_semaphore, #tpu.memory_space<semaphore_mem>>)
      %add3A_54 = arith.constant 0 : i32
      %add3A_55 = arith.constant 1 : i32
      %add3A_56 = arith.addi %add3A_54, %add3A_55 : i32
      %select_n3A_57 = arith.constant true
      %select_n3A_58 = arith.constant 0 : i32
      %select_n3A_59 = arith.select %select_n3A_57, %add3A_56, %select_n3A_58 : i32
      "tpu.trace_stop"() : () -> ()
      %scan3A = arith.constant 0 : i32
      %scan3A_60 = arith.constant 0 : i32
      %scan3A_61 = arith.constant 0 : i32
      %scan3A_62 = arith.constant 0 : i32
      %scan3A_63 = arith.constant 0 : i32
      %scan3A_64 = arith.constant 8 : i32
      %scan3A_65 = arith.addi %scan3A_63, %scan3A_64 : i32
      %scan3A_66 = arith.constant 1 : i32
      %scan3A_67:5 = scf.for %scan3A_121 = %scan3A_63 to %scan3A_65 step %scan3A_66 iter_args(%scan3A_122 = %select_n3A_59, %scan3A_123 = %scan3A, %scan3A_124 = %scan3A_60, %scan3A_125 = %scan3A_61, %scan3A_126 = %scan3A_62) -> (i32, i32, i32, i32, i32)  : i32 {
        %eq3A_127 = arith.constant 0 : i32
        %eq3A_128 = arith.cmpi eq, %scan3A_121, %eq3A_127 : i32
        %eq3A_129 = arith.constant 7 : i32
        %eq3A_130 = arith.cmpi eq, %scan3A_121, %eq3A_129 : i32
        %add3A_131 = arith.addi %scan3A_126, %mul3A_6 : i32
        %sub3A_132 = arith.constant 1 : i32
        %sub3A_133 = arith.subi %scan3A_126, %sub3A_132 : i32
        %select_n3A_134 = arith.constant true
        %select_n3A_135 = arith.select %select_n3A_134, %sub3A_133, %scan3A_126 : i32
        %eq3A_136 = arith.constant -1 : i32
        %eq3A_137 = arith.cmpi eq, %select_n3A_135, %eq3A_136 : i32
        %select_n3A_138 = arith.constant 7 : i32
        %select_n3A_139 = arith.select %eq3A_137, %select_n3A_138, %select_n3A_135 : i32
        %add3A_140 = arith.addi %select_n3A_139, %mul3A_6 : i32
        %add3A_141 = arith.constant 1 : i32
        %add3A_142 = arith.addi %scan3A_126, %add3A_141 : i32
        %select_n3A_143 = arith.constant true
        %select_n3A_144 = arith.select %select_n3A_143, %add3A_142, %scan3A_126 : i32
        %eq3A_145 = arith.constant 8 : i32
        %eq3A_146 = arith.cmpi eq, %select_n3A_144, %eq3A_145 : i32
        %select_n3A_147 = arith.constant 0 : i32
        %select_n3A_148 = arith.select %eq3A_146, %select_n3A_147, %select_n3A_144 : i32
        %add3A_149 = arith.addi %select_n3A_148, %mul3A_6 : i32
        %add3A_150 = arith.constant 1 : i32
        %add3A_151 = arith.addi %select_n3A_148, %add3A_150 : i32
        %select_n3A_152 = arith.constant true
        %select_n3A_153 = arith.select %select_n3A_152, %add3A_151, %select_n3A_148 : i32
        %eq3A_154 = arith.constant 8 : i32
        %eq3A_155 = arith.cmpi eq, %select_n3A_153, %eq3A_154 : i32
        %select_n3A_156 = arith.constant 0 : i32
        %select_n3A_157 = arith.select %eq3A_155, %select_n3A_156, %select_n3A_153 : i32
        %add3A_158 = arith.addi %select_n3A_157, %mul3A_6 : i32
        %ne3A = arith.cmpi ne, %add3A_131, %add3A_149 : i32
        %or3A = arith.constant false
        %or3A_159 = arith.ori %or3A, %ne3A : i1
        %ge3A = arith.constant 7 : i32
        %ge3A_160 = arith.cmpi sge, %scan3A_121, %ge3A : i32
        %not3A = arith.constant true
        %not3A_161 = arith.xori %ge3A_160, %not3A : i1
        %and3A = arith.andi %or3A_159, %not3A_161 : i1
        %convert_element_type3A = arith.extui %and3A : i1 to i32
        %cond3A = arith.constant 0 : i32
        %cond3A_162 = arith.cmpi ne, %convert_element_type3A, %cond3A : i32
        scf.if %cond3A_162 {
          "tpu.trace_start"() <{level = 10 : i32, message = "ep_copy_in"}> : () -> ()
          %rem3A_264 = arith.constant 2 : i32
          %rem3A_265 = arith.remui %scan3A_122, %rem3A_264 : i32
          %mul3A_266 = arith.constant 128 : i32
          %mul3A_267 = arith.muli %mul3A_266, %add3A_149 : i32
          %dma_start3A_268 = arith.constant 0 : i32
          %dma_start3A_269 = arith.constant 0 : i32
          %dma_start3A_270 = tpu.memref_slice %run_scoped3A[%rem3A_265, %dma_start3A_268, %dma_start3A_269] : memref<2x1x128xi32, #tpu.memory_space<vmem>> -> memref<1x1x128xi32, #tpu.memory_space<vmem>>
          %dma_start3A_271 = tpu.memref_squeeze %dma_start3A_270 : memref<1x1x128xi32, #tpu.memory_space<vmem>> -> memref<1x128xi32, #tpu.memory_space<vmem>>
          %dma_start3A_272 = arith.constant 0 : i32
          %dma_start3A_273 = tpu.memref_slice %arg3[%dma_start3A_272, %mul3A_267] : memref<1x32768xi32, #tpu.memory_space<hbm>> -> memref<1x128xi32, #tpu.memory_space<hbm>>
          %dma_start3A_274 = tpu.memref_slice %run_scoped3A_7[%rem3A_265] : memref<2x!tpu.dma_semaphore, #tpu.memory_space<semaphore_mem>> -> memref<1x!tpu.dma_semaphore, #tpu.memory_space<semaphore_mem>>
          %dma_start3A_275 = tpu.memref_squeeze %dma_start3A_274 : memref<1x!tpu.dma_semaphore, #tpu.memory_space<semaphore_mem>> -> memref<!tpu.dma_semaphore, #tpu.memory_space<semaphore_mem>>
          %dma_start3A_276 = arith.constant 0 : i32
          %dma_start3A_277 = arith.constant 0 : i32
          %dma_start3A_278 = tpu.memref_slice %run_scoped3A[%rem3A_265, %dma_start3A_276, %dma_start3A_277] : memref<2x1x128xi32, #tpu.memory_space<vmem>> -> memref<1x1x128xi32, #tpu.memory_space<vmem>>
          %dma_start3A_279 = tpu.memref_squeeze %dma_start3A_278 : memref<1x1x128xi32, #tpu.memory_space<vmem>> -> memref<1x128xi32, #tpu.memory_space<vmem>>
          %dma_start3A_280 = arith.constant 0 : i32
          %dma_start3A_281 = tpu.memref_slice %arg3[%dma_start3A_280, %mul3A_267] : memref<1x32768xi32, #tpu.memory_space<hbm>> -> memref<1x128xi32, #tpu.memory_space<hbm>>
          tpu.enqueue_dma source(%dma_start3A_281 : memref<1x128xi32, #tpu.memory_space<hbm>>) target(%dma_start3A_279 : memref<1x128xi32, #tpu.memory_space<vmem>>) target_semaphore(%dma_start3A_275 : memref<!tpu.dma_semaphore, #tpu.memory_space<semaphore_mem>>)
          "tpu.trace_stop"() : () -> ()
        } else {
        }
        %and3A_163 = arith.constant true
        %and3A_164 = arith.andi %and3A, %and3A_163 : i1
        %add3A_165 = arith.constant 1 : i32
        %add3A_166 = arith.addi %scan3A_122, %add3A_165 : i32
        %select_n3A_167 = arith.select %and3A_164, %add3A_166, %scan3A_122 : i32
        %ne3A_168 = arith.cmpi ne, %add3A_131, %add3A_149 : i32
        %or3A_169 = arith.constant false
        %or3A_170 = arith.ori %or3A_169, %ne3A_168 : i1
        %or3A_171 = arith.constant false
        %or3A_172 = arith.ori %or3A_170, %or3A_171 : i1
        %ge3A_173 = arith.constant 7 : i32
        %ge3A_174 = arith.cmpi sge, %scan3A_121, %ge3A_173 : i32
        %not3A_175 = arith.constant true
        %not3A_176 = arith.xori %ge3A_174, %not3A_175 : i1
        %and3A_177 = arith.andi %or3A_172, %not3A_176 : i1
        %ne3A_178 = arith.cmpi ne, %add3A_131, %add3A_140 : i32
        %or3A_179 = arith.constant false
        %or3A_180 = arith.ori %or3A_179, %ne3A_178 : i1
        %or3A_181 = arith.ori %or3A_180, %eq3A_128 : i1
        %convert_element_type3A_182 = arith.extui %or3A_181 : i1 to i32
        %cond3A_183 = arith.constant 0 : i32
        %cond3A_184 = arith.cmpi ne, %convert_element_type3A_182, %cond3A_183 : i32
        scf.if %cond3A_184 {
          "tpu.trace_start"() <{level = 10 : i32, message = "ep_wait_in"}> : () -> ()
          %mul3A_264 = arith.constant 128 : i32
          %mul3A_265 = arith.muli %mul3A_264, %add3A_131 : i32
          %rem3A_266 = arith.constant 2 : i32
          %rem3A_267 = arith.remui %scan3A_123, %rem3A_266 : i32
          %dma_wait3A_268 = arith.constant 0 : i32
          %dma_wait3A_269 = arith.constant 0 : i32
          %dma_wait3A_270 = tpu.memref_slice %run_scoped3A[%rem3A_267, %dma_wait3A_268, %dma_wait3A_269] : memref<2x1x128xi32, #tpu.memory_space<vmem>> -> memref<1x1x128xi32, #tpu.memory_space<vmem>>
          %dma_wait3A_271 = tpu.memref_squeeze %dma_wait3A_270 : memref<1x1x128xi32, #tpu.memory_space<vmem>> -> memref<1x128xi32, #tpu.memory_space<vmem>>
          %dma_wait3A_272 = arith.constant 0 : i32
          %dma_wait3A_273 = tpu.memref_slice %arg3[%dma_wait3A_272, %mul3A_265] : memref<1x32768xi32, #tpu.memory_space<hbm>> -> memref<1x128xi32, #tpu.memory_space<hbm>>
          %dma_wait3A_274 = tpu.memref_slice %run_scoped3A_7[%rem3A_267] : memref<2x!tpu.dma_semaphore, #tpu.memory_space<semaphore_mem>> -> memref<1x!tpu.dma_semaphore, #tpu.memory_space<semaphore_mem>>
          %dma_wait3A_275 = tpu.memref_squeeze %dma_wait3A_274 : memref<1x!tpu.dma_semaphore, #tpu.memory_space<semaphore_mem>> -> memref<!tpu.dma_semaphore, #tpu.memory_space<semaphore_mem>>
          %dma_wait3A_276 = arith.constant 0 : i32
          %dma_wait3A_277 = arith.constant 0 : i32
          %dma_wait3A_278 = tpu.memref_slice %run_scoped3A[%rem3A_267, %dma_wait3A_276, %dma_wait3A_277] : memref<2x1x128xi32, #tpu.memory_space<vmem>> -> memref<1x1x128xi32, #tpu.memory_space<vmem>>
          %dma_wait3A_279 = tpu.memref_squeeze %dma_wait3A_278 : memref<1x1x128xi32, #tpu.memory_space<vmem>> -> memref<1x128xi32, #tpu.memory_space<vmem>>
          %dma_wait3A_280 = arith.constant 0 : i32
          %dma_wait3A_281 = tpu.memref_slice %arg3[%dma_wait3A_280, %mul3A_265] : memref<1x32768xi32, #tpu.memory_space<hbm>> -> memref<1x128xi32, #tpu.memory_space<hbm>>
          tpu.wait_dma2 semaphore(%dma_wait3A_275 : memref<!tpu.dma_semaphore, #tpu.memory_space<semaphore_mem>>) src(%dma_wait3A_281 : memref<1x128xi32, #tpu.memory_space<hbm>>) dst(%dma_wait3A_279 : memref<1x128xi32, #tpu.memory_space<vmem>>)
          "tpu.trace_stop"() : () -> ()
        } else {
        }
        %ne3A_185 = arith.cmpi ne, %add3A_131, %add3A_140 : i32
        %or3A_186 = arith.constant false
        %or3A_187 = arith.ori %or3A_186, %ne3A_185 : i1
        %or3A_188 = arith.constant false
        %or3A_189 = arith.ori %or3A_187, %or3A_188 : i1
        %or3A_190 = arith.ori %or3A_189, %eq3A_128 : i1
        %convert_element_type3A_191 = arith.extui %or3A_190 : i1 to i32
        %cond3A_192 = arith.constant 0 : i32
        %cond3A_193 = arith.cmpi ne, %convert_element_type3A_191, %cond3A_192 : i32
        scf.if %cond3A_193 {
        } else {
        }
        %rem3A_194 = arith.constant 2 : i32
        %rem3A_195 = arith.remui %scan3A_123, %rem3A_194 : i32
        %rem3A_196 = arith.constant 2 : i32
        %rem3A_197 = arith.remui %scan3A_124, %rem3A_196 : i32
        %run_scoped3A_198 = arith.constant 0 : i32
        "tpu.trace_start"() <{level = 10 : i32, message = "ep_run_kernel"}> : () -> ()
        "tpu.region"() ({
          %run_scoped3A_264 = tpu.sem_alloc : memref<!tpu.dma_semaphore, #tpu.memory_space<semaphore_mem>>
          %dma_start3A_265 = arith.constant 0 : i32
          %dma_start3A_266 = arith.constant 0 : i32
          %dma_start3A_267 = tpu.memref_slice %run_scoped3A_8[%rem3A_197, %dma_start3A_265, %dma_start3A_266] : memref<2x128x16xi32, #tpu.memory_space<vmem>> -> memref<1x128x16xi32, #tpu.memory_space<vmem>>
          %dma_start3A_268 = tpu.memref_squeeze %dma_start3A_267 : memref<1x128x16xi32, #tpu.memory_space<vmem>> -> memref<128x16xi32, #tpu.memory_space<vmem>>
          %dma_start3A_269 = arith.constant 0 : i32
          %dma_start3A_270 = arith.constant 0 : i32
          %dma_start3A_271 = tpu.memref_slice %run_scoped3A[%rem3A_195, %dma_start3A_269, %dma_start3A_270] : memref<2x1x128xi32, #tpu.memory_space<vmem>> -> memref<1x1x128xi32, #tpu.memory_space<vmem>>
          %dma_start3A_272 = tpu.memref_squeeze %dma_start3A_271 : memref<1x1x128xi32, #tpu.memory_space<vmem>> -> memref<1x128xi32, #tpu.memory_space<vmem>>
          %dma_start3A_273 = arith.constant 0 : i32
          %dma_start3A_274 = tpu.memref_slice %dma_start3A_272[%run_scoped3A_198, %dma_start3A_273] : memref<1x128xi32, #tpu.memory_space<vmem>> -> memref<1x128xi32, #tpu.memory_space<vmem>>
          %dma_start3A_275 = tpu.memref_squeeze %dma_start3A_274 : memref<1x128xi32, #tpu.memory_space<vmem>> -> memref<128xi32, #tpu.memory_space<vmem>>
          %dma_start3A_276 = arith.constant 0 : i32
          %dma_start3A_277 = arith.constant 0 : i32
          %dma_start3A_278 = tpu.memref_slice %arg2[%dma_start3A_276, %dma_start3A_277] : memref<100000x16xi32, #tpu.memory_space<hbm>> -> memref<100000x16xi32, #tpu.memory_space<hbm>>
          tpu.enqueue_indirect_dma source(%dma_start3A_278 : memref<100000x16xi32, #tpu.memory_space<hbm>>) target(%dma_start3A_268 : memref<128x16xi32, #tpu.memory_space<vmem>>) offsets(%dma_start3A_275 : memref<128xi32, #tpu.memory_space<vmem>>) semaphore(%run_scoped3A_264 : memref<!tpu.dma_semaphore, #tpu.memory_space<semaphore_mem>>)
          %dma_wait3A_279 = arith.constant 0 : i32
          %dma_wait3A_280 = arith.constant 0 : i32
          %dma_wait3A_281 = tpu.memref_slice %run_scoped3A_8[%rem3A_197, %dma_wait3A_279, %dma_wait3A_280] : memref<2x128x16xi32, #tpu.memory_space<vmem>> -> memref<1x128x16xi32, #tpu.memory_space<vmem>>
          %dma_wait3A_282 = tpu.memref_squeeze %dma_wait3A_281 : memref<1x128x16xi32, #tpu.memory_space<vmem>> -> memref<128x16xi32, #tpu.memory_space<vmem>>
          %dma_wait3A_283 = arith.constant 0 : i32
          %dma_wait3A_284 = arith.constant 0 : i32
          %dma_wait3A_285 = tpu.memref_slice %run_scoped3A[%rem3A_195, %dma_wait3A_283, %dma_wait3A_284] : memref<2x1x128xi32, #tpu.memory_space<vmem>> -> memref<1x1x128xi32, #tpu.memory_space<vmem>>
          %dma_wait3A_286 = tpu.memref_squeeze %dma_wait3A_285 : memref<1x1x128xi32, #tpu.memory_space<vmem>> -> memref<1x128xi32, #tpu.memory_space<vmem>>
          %dma_wait3A_287 = arith.constant 0 : i32
          %dma_wait3A_288 = tpu.memref_slice %dma_wait3A_286[%run_scoped3A_198, %dma_wait3A_287] : memref<1x128xi32, #tpu.memory_space<vmem>> -> memref<1x128xi32, #tpu.memory_space<vmem>>
          %dma_wait3A_289 = tpu.memref_squeeze %dma_wait3A_288 : memref<1x128xi32, #tpu.memory_space<vmem>> -> memref<128xi32, #tpu.memory_space<vmem>>
          %dma_wait3A_290 = arith.constant 0 : i32
          %dma_wait3A_291 = arith.constant 0 : i32
          %dma_wait3A_292 = tpu.memref_slice %arg2[%dma_wait3A_290, %dma_wait3A_291] : memref<100000x16xi32, #tpu.memory_space<hbm>> -> memref<100000x16xi32, #tpu.memory_space<hbm>>
          tpu.wait_indirect_dma semaphore(%run_scoped3A_264 : memref<!tpu.dma_semaphore, #tpu.memory_space<semaphore_mem>>) src(%dma_wait3A_292 : memref<100000x16xi32, #tpu.memory_space<hbm>>) dst(%dma_wait3A_282 : memref<128x16xi32, #tpu.memory_space<vmem>>)
          tpu.yield
        }) : () -> ()
        "tpu.trace_stop"() : () -> ()
        %ne3A_199 = arith.cmpi ne, %add3A_131, %add3A_149 : i32
        %or3A_200 = arith.constant false
        %or3A_201 = arith.ori %or3A_200, %ne3A_199 : i1
        %or3A_202 = arith.ori %or3A_201, %eq3A_130 : i1
        %convert_element_type3A_203 = arith.extui %or3A_202 : i1 to i32
        %cond3A_204 = arith.constant 0 : i32
        %cond3A_205 = arith.cmpi ne, %convert_element_type3A_203, %cond3A_204 : i32
        scf.if %cond3A_205 {
        } else {
        }
        %and3A_206 = arith.constant false
        %and3A_207 = arith.andi %or3A_202, %and3A_206 : i1
        %ne3A_208 = arith.cmpi ne, %add3A_131, %add3A_149 : i32
        %or3A_209 = arith.constant false
        %or3A_210 = arith.ori %or3A_209, %ne3A_208 : i1
        %or3A_211 = arith.constant false
        %or3A_212 = arith.ori %or3A_210, %or3A_211 : i1
        %or3A_213 = arith.ori %or3A_212, %eq3A_130 : i1
        %convert_element_type3A_214 = arith.extui %or3A_213 : i1 to i32
        %cond3A_215 = arith.constant 0 : i32
        %cond3A_216 = arith.cmpi ne, %convert_element_type3A_214, %cond3A_215 : i32
        scf.if %cond3A_216 {
          "tpu.trace_start"() <{level = 10 : i32, message = "ep_copy_out"}> : () -> ()
          %rem3A_264 = arith.constant 2 : i32
          %rem3A_265 = arith.remui %scan3A_124, %rem3A_264 : i32
          %mul3A_266 = arith.constant 128 : i32
          %mul3A_267 = arith.muli %mul3A_266, %add3A_131 : i32
          %dma_start3A_268 = arith.constant 0 : i32
          %dma_start3A_269 = arith.constant 0 : i32
          %dma_start3A_270 = tpu.memref_slice %run_scoped3A_8[%rem3A_265, %dma_start3A_268, %dma_start3A_269] : memref<2x128x16xi32, #tpu.memory_space<vmem>> -> memref<1x128x16xi32, #tpu.memory_space<vmem>>
          %dma_start3A_271 = tpu.memref_squeeze %dma_start3A_270 : memref<1x128x16xi32, #tpu.memory_space<vmem>> -> memref<128x16xi32, #tpu.memory_space<vmem>>
          %dma_start3A_272 = arith.constant 0 : i32
          %dma_start3A_273 = tpu.memref_slice %arg4[%mul3A_267, %dma_start3A_272] : memref<32768x16xi32, #tpu.memory_space<hbm>> -> memref<128x16xi32, #tpu.memory_space<hbm>>
          %dma_start3A_274 = tpu.memref_slice %run_scoped3A_9[%rem3A_265] : memref<2x!tpu.dma_semaphore, #tpu.memory_space<semaphore_mem>> -> memref<1x!tpu.dma_semaphore, #tpu.memory_space<semaphore_mem>>
          %dma_start3A_275 = tpu.memref_squeeze %dma_start3A_274 : memref<1x!tpu.dma_semaphore, #tpu.memory_space<semaphore_mem>> -> memref<!tpu.dma_semaphore, #tpu.memory_space<semaphore_mem>>
          %dma_start3A_276 = arith.constant 0 : i32
          %dma_start3A_277 = tpu.memref_slice %arg4[%mul3A_267, %dma_start3A_276] : memref<32768x16xi32, #tpu.memory_space<hbm>> -> memref<128x16xi32, #tpu.memory_space<hbm>>
          %dma_start3A_278 = arith.constant 0 : i32
          %dma_start3A_279 = arith.constant 0 : i32
          %dma_start3A_280 = tpu.memref_slice %run_scoped3A_8[%rem3A_265, %dma_start3A_278, %dma_start3A_279] : memref<2x128x16xi32, #tpu.memory_space<vmem>> -> memref<1x128x16xi32, #tpu.memory_space<vmem>>
          %dma_start3A_281 = tpu.memref_squeeze %dma_start3A_280 : memref<1x128x16xi32, #tpu.memory_space<vmem>> -> memref<128x16xi32, #tpu.memory_space<vmem>>
          tpu.enqueue_dma source(%dma_start3A_281 : memref<128x16xi32, #tpu.memory_space<vmem>>) target(%dma_start3A_277 : memref<128x16xi32, #tpu.memory_space<hbm>>) target_semaphore(%dma_start3A_275 : memref<!tpu.dma_semaphore, #tpu.memory_space<semaphore_mem>>)
          "tpu.trace_stop"() : () -> ()
        } else {
        }
        %and3A_217 = arith.constant true
        %and3A_218 = arith.andi %or3A_213, %and3A_217 : i1
        %add3A_219 = arith.constant 1 : i32
        %add3A_220 = arith.addi %scan3A_124, %add3A_219 : i32
        %select_n3A_221 = arith.select %and3A_218, %add3A_220, %scan3A_124 : i32
        %ne3A_222 = arith.cmpi ne, %add3A_131, %add3A_140 : i32
        %or3A_223 = arith.constant false
        %or3A_224 = arith.ori %or3A_223, %ne3A_222 : i1
        %not3A_225 = arith.constant true
        %not3A_226 = arith.xori %eq3A_128, %not3A_225 : i1
        %and3A_227 = arith.andi %or3A_224, %not3A_226 : i1
        %convert_element_type3A_228 = arith.extui %and3A_227 : i1 to i32
        %cond3A_229 = arith.constant 0 : i32
        %cond3A_230 = arith.cmpi ne, %convert_element_type3A_228, %cond3A_229 : i32
        scf.if %cond3A_230 {
        } else {
        }
        %and3A_231 = arith.constant false
        %and3A_232 = arith.andi %and3A_227, %and3A_231 : i1
        %ne3A_233 = arith.cmpi ne, %add3A_131, %add3A_140 : i32
        %or3A_234 = arith.constant false
        %or3A_235 = arith.ori %or3A_234, %ne3A_233 : i1
        %or3A_236 = arith.constant false
        %or3A_237 = arith.ori %or3A_235, %or3A_236 : i1
        %not3A_238 = arith.constant true
        %not3A_239 = arith.xori %eq3A_128, %not3A_238 : i1
        %and3A_240 = arith.andi %or3A_237, %not3A_239 : i1
        %convert_element_type3A_241 = arith.extui %and3A_240 : i1 to i32
        %cond3A_242 = arith.constant 0 : i32
        %cond3A_243 = arith.cmpi ne, %convert_element_type3A_241, %cond3A_242 : i32
        scf.if %cond3A_243 {
          "tpu.trace_start"() <{level = 10 : i32, message = "ep_wait_out"}> : () -> ()
          %rem3A_264 = arith.constant 2 : i32
          %rem3A_265 = arith.remui %scan3A_125, %rem3A_264 : i32
          %mul3A_266 = arith.constant 128 : i32
          %mul3A_267 = arith.muli %mul3A_266, %add3A_140 : i32
          %dma_wait3A_268 = arith.constant 0 : i32
          %dma_wait3A_269 = arith.constant 0 : i32
          %dma_wait3A_270 = tpu.memref_slice %run_scoped3A_8[%rem3A_265, %dma_wait3A_268, %dma_wait3A_269] : memref<2x128x16xi32, #tpu.memory_space<vmem>> -> memref<1x128x16xi32, #tpu.memory_space<vmem>>
          %dma_wait3A_271 = tpu.memref_squeeze %dma_wait3A_270 : memref<1x128x16xi32, #tpu.memory_space<vmem>> -> memref<128x16xi32, #tpu.memory_space<vmem>>
          %dma_wait3A_272 = arith.constant 0 : i32
          %dma_wait3A_273 = tpu.memref_slice %arg4[%mul3A_267, %dma_wait3A_272] : memref<32768x16xi32, #tpu.memory_space<hbm>> -> memref<128x16xi32, #tpu.memory_space<hbm>>
          %dma_wait3A_274 = tpu.memref_slice %run_scoped3A_9[%rem3A_265] : memref<2x!tpu.dma_semaphore, #tpu.memory_space<semaphore_mem>> -> memref<1x!tpu.dma_semaphore, #tpu.memory_space<semaphore_mem>>
          %dma_wait3A_275 = tpu.memref_squeeze %dma_wait3A_274 : memref<1x!tpu.dma_semaphore, #tpu.memory_space<semaphore_mem>> -> memref<!tpu.dma_semaphore, #tpu.memory_space<semaphore_mem>>
          %dma_wait3A_276 = arith.constant 0 : i32
          %dma_wait3A_277 = tpu.memref_slice %arg4[%mul3A_267, %dma_wait3A_276] : memref<32768x16xi32, #tpu.memory_space<hbm>> -> memref<128x16xi32, #tpu.memory_space<hbm>>
          %dma_wait3A_278 = arith.constant 0 : i32
          %dma_wait3A_279 = arith.constant 0 : i32
          %dma_wait3A_280 = tpu.memref_slice %run_scoped3A_8[%rem3A_265, %dma_wait3A_278, %dma_wait3A_279] : memref<2x128x16xi32, #tpu.memory_space<vmem>> -> memref<1x128x16xi32, #tpu.memory_space<vmem>>
          %dma_wait3A_281 = tpu.memref_squeeze %dma_wait3A_280 : memref<1x128x16xi32, #tpu.memory_space<vmem>> -> memref<128x16xi32, #tpu.memory_space<vmem>>
          tpu.wait_dma2 semaphore(%dma_wait3A_275 : memref<!tpu.dma_semaphore, #tpu.memory_space<semaphore_mem>>) src(%dma_wait3A_281 : memref<128x16xi32, #tpu.memory_space<vmem>>) dst(%dma_wait3A_277 : memref<128x16xi32, #tpu.memory_space<hbm>>)
          "tpu.trace_stop"() : () -> ()
        } else {
        }
        %and3A_244 = arith.constant true
        %and3A_245 = arith.andi %and3A_240, %and3A_244 : i1
        %add3A_246 = arith.constant 1 : i32
        %add3A_247 = arith.addi %scan3A_125, %add3A_246 : i32
        %select_n3A_248 = arith.select %and3A_245, %add3A_247, %scan3A_125 : i32
        %ne3A_249 = arith.cmpi ne, %add3A_131, %add3A_149 : i32
        %or3A_250 = arith.constant false
        %or3A_251 = arith.ori %or3A_250, %ne3A_249 : i1
        %or3A_252 = arith.ori %or3A_251, %eq3A_130 : i1
        %add3A_253 = arith.constant 1 : i32
        %add3A_254 = arith.addi %scan3A_123, %add3A_253 : i32
        %select_n3A_255 = arith.select %or3A_252, %add3A_254, %scan3A_123 : i32
        %add3A_256 = arith.constant 1 : i32
        %add3A_257 = arith.addi %scan3A_126, %add3A_256 : i32
        %select_n3A_258 = arith.constant true
        %select_n3A_259 = arith.select %select_n3A_258, %add3A_257, %scan3A_126 : i32
        %eq3A_260 = arith.constant 8 : i32
        %eq3A_261 = arith.cmpi eq, %select_n3A_259, %eq3A_260 : i32
        %select_n3A_262 = arith.constant 0 : i32
        %select_n3A_263 = arith.select %eq3A_261, %select_n3A_262, %select_n3A_259 : i32
        scf.yield %select_n3A_167, %select_n3A_255, %select_n3A_221, %select_n3A_248, %select_n3A_263 : i32, i32, i32, i32, i32
      }
      %scan3A_68 = arith.constant 8 : i32
      %sub3A = arith.constant 1 : i32
      %sub3A_69 = arith.subi %scan3A_67#4, %sub3A : i32
      %select_n3A_70 = arith.constant true
      %select_n3A_71 = arith.select %select_n3A_70, %sub3A_69, %scan3A_67#4 : i32
      %eq3A_72 = arith.constant -1 : i32
      %eq3A_73 = arith.cmpi eq, %select_n3A_71, %eq3A_72 : i32
      %select_n3A_74 = arith.constant 7 : i32
      %select_n3A_75 = arith.select %eq3A_73, %select_n3A_74, %select_n3A_71 : i32
      %add3A_76 = arith.addi %select_n3A_75, %mul3A_6 : i32
      %sub3A_77 = arith.constant 1 : i32
      %sub3A_78 = arith.subi %select_n3A_75, %sub3A_77 : i32
      %select_n3A_79 = arith.constant true
      %select_n3A_80 = arith.select %select_n3A_79, %sub3A_78, %select_n3A_75 : i32
      %eq3A_81 = arith.constant -1 : i32
      %eq3A_82 = arith.cmpi eq, %select_n3A_80, %eq3A_81 : i32
      %select_n3A_83 = arith.constant 7 : i32
      %select_n3A_84 = arith.select %eq3A_82, %select_n3A_83, %select_n3A_80 : i32
      %add3A_85 = arith.addi %select_n3A_84, %mul3A_6 : i32
      %add3A_86 = arith.constant 1 : i32
      %add3A_87 = arith.addi %select_n3A_75, %add3A_86 : i32
      %select_n3A_88 = arith.constant true
      %select_n3A_89 = arith.select %select_n3A_88, %add3A_87, %select_n3A_75 : i32
      %eq3A_90 = arith.constant 8 : i32
      %eq3A_91 = arith.cmpi eq, %select_n3A_89, %eq3A_90 : i32
      %select_n3A_92 = arith.constant 0 : i32
      %select_n3A_93 = arith.select %eq3A_91, %select_n3A_92, %select_n3A_89 : i32
      %add3A_94 = arith.addi %select_n3A_93, %mul3A_6 : i32
      %add3A_95 = arith.constant 1 : i32
      %add3A_96 = arith.addi %select_n3A_93, %add3A_95 : i32
      %select_n3A_97 = arith.constant true
      %select_n3A_98 = arith.select %select_n3A_97, %add3A_96, %select_n3A_93 : i32
      %eq3A_99 = arith.constant 8 : i32
      %eq3A_100 = arith.cmpi eq, %select_n3A_98, %eq3A_99 : i32
      %select_n3A_101 = arith.constant 0 : i32
      %select_n3A_102 = arith.select %eq3A_100, %select_n3A_101, %select_n3A_98 : i32
      %add3A_103 = arith.addi %select_n3A_102, %mul3A_6 : i32
      "tpu.trace_start"() <{level = 10 : i32, message = "ep_finalize"}> : () -> ()
      %rem3A_104 = arith.constant 2 : i32
      %rem3A_105 = arith.remui %scan3A_67#3, %rem3A_104 : i32
      %mul3A_106 = arith.constant 128 : i32
      %mul3A_107 = arith.muli %mul3A_106, %add3A_76 : i32
      %dma_wait3A = arith.constant 0 : i32
      %dma_wait3A_108 = arith.constant 0 : i32
      %dma_wait3A_109 = tpu.memref_slice %run_scoped3A_8[%rem3A_105, %dma_wait3A, %dma_wait3A_108] : memref<2x128x16xi32, #tpu.memory_space<vmem>> -> memref<1x128x16xi32, #tpu.memory_space<vmem>>
      %dma_wait3A_110 = tpu.memref_squeeze %dma_wait3A_109 : memref<1x128x16xi32, #tpu.memory_space<vmem>> -> memref<128x16xi32, #tpu.memory_space<vmem>>
      %dma_wait3A_111 = arith.constant 0 : i32
      %dma_wait3A_112 = tpu.memref_slice %arg4[%mul3A_107, %dma_wait3A_111] : memref<32768x16xi32, #tpu.memory_space<hbm>> -> memref<128x16xi32, #tpu.memory_space<hbm>>
      %dma_wait3A_113 = tpu.memref_slice %run_scoped3A_9[%rem3A_105] : memref<2x!tpu.dma_semaphore, #tpu.memory_space<semaphore_mem>> -> memref<1x!tpu.dma_semaphore, #tpu.memory_space<semaphore_mem>>
      %dma_wait3A_114 = tpu.memref_squeeze %dma_wait3A_113 : memref<1x!tpu.dma_semaphore, #tpu.memory_space<semaphore_mem>> -> memref<!tpu.dma_semaphore, #tpu.memory_space<semaphore_mem>>
      %dma_wait3A_115 = arith.constant 0 : i32
      %dma_wait3A_116 = tpu.memref_slice %arg4[%mul3A_107, %dma_wait3A_115] : memref<32768x16xi32, #tpu.memory_space<hbm>> -> memref<128x16xi32, #tpu.memory_space<hbm>>
      %dma_wait3A_117 = arith.constant 0 : i32
      %dma_wait3A_118 = arith.constant 0 : i32
      %dma_wait3A_119 = tpu.memref_slice %run_scoped3A_8[%rem3A_105, %dma_wait3A_117, %dma_wait3A_118] : memref<2x128x16xi32, #tpu.memory_space<vmem>> -> memref<1x128x16xi32, #tpu.memory_space<vmem>>
      %dma_wait3A_120 = tpu.memref_squeeze %dma_wait3A_119 : memref<1x128x16xi32, #tpu.memory_space<vmem>> -> memref<128x16xi32, #tpu.memory_space<vmem>>
      tpu.wait_dma2 semaphore(%dma_wait3A_114 : memref<!tpu.dma_semaphore, #tpu.memory_space<semaphore_mem>>) src(%dma_wait3A_120 : memref<128x16xi32, #tpu.memory_space<vmem>>) dst(%dma_wait3A_116 : memref<128x16xi32, #tpu.memory_space<hbm>>)
      "tpu.trace_stop"() : () -> ()
      tpu.yield
    }) : () -> ()
    return
  }
}

#map = affine_map<(d0, d1) -> (0, 0)>
module attributes {stable_mosaic.version = 14 : i64} {
  func.func @k(%arg0: i32, %arg1: i32, %arg2: memref<100000x64xf32, #tpu.memory_space<hbm>>, %arg3: memref<1x74752xi32, #tpu.memory_space<hbm>>, %arg4: memref<74752x64xf32, #tpu.memory_space<hbm>>) attributes {dimension_semantics = [#tpu.dimension_semantics<core_parallel>, #tpu.dimension_semantics<subcore_parallel>], iteration_bounds = array<i64: 2, 16>, scalar_prefetch = 0 : i64, scratch_operands = 0 : i64, tpu.core_type = #tpu.core_type<sc_vector_subcore>, window_params = [{transform_indices = #map}, {transform_indices = #map}, {transform_indices = #map}]} {
    %mul3A = arith.constant 1 : i32
    %mul3A_0 = arith.muli %arg1, %mul3A : i32
    %add3A = arith.constant 0 : i32
    %add3A_1 = arith.addi %add3A, %mul3A_0 : i32
    %mul3A_2 = arith.constant 16 : i32
    %mul3A_3 = arith.muli %arg0, %mul3A_2 : i32
    %add3A_4 = arith.addi %add3A_1, %mul3A_3 : i32
    %lt3A = arith.constant 8 : i32
    %lt3A_5 = arith.cmpi slt, %add3A_4, %lt3A : i32
    %jit3A = arith.constant 19 : i32
    %jit3A_6 = arith.constant 18 : i32
    %select_n3A = arith.select %lt3A_5, %jit3A, %jit3A_6 : i32
    %lt3A_7 = arith.constant 8 : i32
    %lt3A_8 = arith.cmpi slt, %add3A_4, %lt3A_7 : i32
    %mul3A_9 = arith.muli %add3A_4, %select_n3A : i32
    %mul3A_10 = arith.constant 18 : i32
    %mul3A_11 = arith.muli %add3A_4, %mul3A_10 : i32
    %add3A_12 = arith.constant 8 : i32
    %add3A_13 = arith.addi %mul3A_11, %add3A_12 : i32
    %select_n3A_14 = arith.select %lt3A_8, %mul3A_9, %add3A_13 : i32
    %mul3A_15 = arith.constant 1 : i32
    %mul3A_16 = arith.muli %mul3A_15, %select_n3A : i32
    "tpu.region"() ({
      %run_scoped3A = memref.alloca() : memref<2x1x128xi32, #tpu.memory_space<vmem>>
      %run_scoped3A_17 = tpu.sem_alloc : memref<2x!tpu.dma_semaphore, #tpu.memory_space<semaphore_mem>>
      %run_scoped3A_18 = memref.alloca() : memref<2x128x64xf32, #tpu.memory_space<vmem>>
      %run_scoped3A_19 = tpu.sem_alloc : memref<2x!tpu.dma_semaphore, #tpu.memory_space<semaphore_mem>>
      %gt3A = arith.constant 0 : i32
      %gt3A_20 = arith.cmpi sgt, %mul3A_16, %gt3A : i32
      %convert_element_type3A = arith.extui %gt3A_20 : i1 to i32
      %cond3A = arith.constant 0 : i32
      %cond3A_21 = arith.cmpi ne, %convert_element_type3A, %cond3A : i32
      scf.if %cond3A_21 {
        %mul3A_22 = arith.constant 1 : i32
        %mul3A_23 = arith.muli %mul3A_22, %select_n3A : i32
        %sub3A = arith.constant 1 : i32
        %sub3A_24 = arith.subi %mul3A_23, %sub3A : i32
        %eq3A = arith.constant 0 : i32
        %eq3A_25 = arith.cmpi eq, %sub3A_24, %eq3A : i32
        %add3A_26 = arith.constant 0 : i32
        %add3A_27 = arith.addi %add3A_26, %select_n3A_14 : i32
        %select_n3A_28 = arith.constant true
        %select_n3A_29 = arith.constant 0 : i32
        %select_n3A_30 = arith.constant -1 : i32
        %select_n3A_31 = arith.select %select_n3A_28, %select_n3A_30, %select_n3A_29 : i32
        %eq3A_32 = arith.constant -1 : i32
        %eq3A_33 = arith.cmpi eq, %select_n3A_31, %eq3A_32 : i32
        %sub3A_34 = arith.constant 1 : i32
        %sub3A_35 = arith.subi %select_n3A, %sub3A_34 : i32
        %select_n3A_36 = arith.select %eq3A_33, %sub3A_35, %select_n3A_31 : i32
        %add3A_37 = arith.addi %select_n3A_36, %select_n3A_14 : i32
        %select_n3A_38 = arith.constant true
        %select_n3A_39 = arith.constant 0 : i32
        %select_n3A_40 = arith.constant 1 : i32
        %select_n3A_41 = arith.select %select_n3A_38, %select_n3A_40, %select_n3A_39 : i32
        %eq3A_42 = arith.cmpi eq, %select_n3A_41, %select_n3A : i32
        %select_n3A_43 = arith.constant 0 : i32
        %select_n3A_44 = arith.select %eq3A_42, %select_n3A_43, %select_n3A_41 : i32
        %add3A_45 = arith.addi %select_n3A_44, %select_n3A_14 : i32
        %add3A_46 = arith.constant 1 : i32
        %add3A_47 = arith.addi %select_n3A_44, %add3A_46 : i32
        %select_n3A_48 = arith.constant true
        %select_n3A_49 = arith.select %select_n3A_48, %add3A_47, %select_n3A_44 : i32
        %eq3A_50 = arith.cmpi eq, %select_n3A_49, %select_n3A : i32
        %select_n3A_51 = arith.constant 0 : i32
        %select_n3A_52 = arith.select %eq3A_50, %select_n3A_51, %select_n3A_49 : i32
        %add3A_53 = arith.addi %select_n3A_52, %select_n3A_14 : i32
        "tpu.trace_start"() <{level = 10 : i32, message = "ep_initialize_0"}> : () -> ()
        %rem3A = arith.constant 0 : i32
        %rem3A_54 = arith.constant 2 : i32
        %rem3A_55 = arith.remui %rem3A, %rem3A_54 : i32
        %mul3A_56 = arith.constant 128 : i32
        %mul3A_57 = arith.muli %mul3A_56, %add3A_27 : i32
        %dma_start3A = arith.constant 0 : i32
        %dma_start3A_58 = arith.constant 0 : i32
        %dma_start3A_59 = tpu.memref_slice %run_scoped3A[%rem3A_55, %dma_start3A, %dma_start3A_58] : memref<2x1x128xi32, #tpu.memory_space<vmem>> -> memref<1x1x128xi32, #tpu.memory_space<vmem>>
        %dma_start3A_60 = tpu.memref_squeeze %dma_start3A_59 : memref<1x1x128xi32, #tpu.memory_space<vmem>> -> memref<1x128xi32, #tpu.memory_space<vmem>>
        %dma_start3A_61 = arith.constant 0 : i32
        %dma_start3A_62 = tpu.memref_slice %arg3[%dma_start3A_61, %mul3A_57] : memref<1x74752xi32, #tpu.memory_space<hbm>> -> memref<1x128xi32, #tpu.memory_space<hbm>>
        %dma_start3A_63 = tpu.memref_slice %run_scoped3A_17[%rem3A_55] : memref<2x!tpu.dma_semaphore, #tpu.memory_space<semaphore_mem>> -> memref<1x!tpu.dma_semaphore, #tpu.memory_space<semaphore_mem>>
        %dma_start3A_64 = tpu.memref_squeeze %dma_start3A_63 : memref<1x!tpu.dma_semaphore, #tpu.memory_space<semaphore_mem>> -> memref<!tpu.dma_semaphore, #tpu.memory_space<semaphore_mem>>
        %dma_start3A_65 = arith.constant 0 : i32
        %dma_start3A_66 = arith.constant 0 : i32
        %dma_start3A_67 = tpu.memref_slice %run_scoped3A[%rem3A_55, %dma_start3A_65, %dma_start3A_66] : memref<2x1x128xi32, #tpu.memory_space<vmem>> -> memref<1x1x128xi32, #tpu.memory_space<vmem>>
        %dma_start3A_68 = tpu.memref_squeeze %dma_start3A_67 : memref<1x1x128xi32, #tpu.memory_space<vmem>> -> memref<1x128xi32, #tpu.memory_space<vmem>>
        %dma_start3A_69 = arith.constant 0 : i32
        %dma_start3A_70 = tpu.memref_slice %arg3[%dma_start3A_69, %mul3A_57] : memref<1x74752xi32, #tpu.memory_space<hbm>> -> memref<1x128xi32, #tpu.memory_space<hbm>>
        tpu.enqueue_dma source(%dma_start3A_70 : memref<1x128xi32, #tpu.memory_space<hbm>>) target(%dma_start3A_68 : memref<1x128xi32, #tpu.memory_space<vmem>>) target_semaphore(%dma_start3A_64 : memref<!tpu.dma_semaphore, #tpu.memory_space<semaphore_mem>>)
        %add3A_71 = arith.constant 0 : i32
        %add3A_72 = arith.constant 1 : i32
        %add3A_73 = arith.addi %add3A_71, %add3A_72 : i32
        %select_n3A_74 = arith.constant true
        %select_n3A_75 = arith.constant 0 : i32
        %select_n3A_76 = arith.select %select_n3A_74, %add3A_73, %select_n3A_75 : i32
        %while3A = arith.constant 0 : i32
        %while3A_77 = arith.constant 0 : i32
        %while3A_78 = arith.constant 0 : i32
        %while3A_79 = arith.constant 0 : i32
        %while3A_80 = arith.constant 0 : i32
        "tpu.trace_stop"() : () -> ()
        %while3A_81 = arith.subi %mul3A_16, %while3A : i32
        %while3A_82 = arith.addi %while3A, %while3A_81 : i32
        %while3A_83 = arith.constant 1 : i32
        %while3A_84 = arith.divsi %while3A_81, %while3A_83 : i32
        %while3A_85 = arith.muli %while3A_84, %while3A_83 : i32
        %while3A_86 = arith.addi %while3A, %while3A_85 : i32
        %while3A_87 = arith.constant 1 : i32
        %while3A_88:5 = scf.for %while3A_142 = %while3A to %while3A_86 step %while3A_87 iter_args(%while3A_143 = %select_n3A_76, %while3A_144 = %while3A_77, %while3A_145 = %while3A_78, %while3A_146 = %while3A_79, %while3A_147 = %while3A_80) -> (i32, i32, i32, i32, i32)  : i32 {
          %mul3A_148 = arith.constant 1 : i32
          %mul3A_149 = arith.muli %mul3A_148, %select_n3A : i32
          %eq3A_150 = arith.constant 0 : i32
          %eq3A_151 = arith.cmpi eq, %while3A_142, %eq3A_150 : i32
          %sub3A_152 = arith.constant 1 : i32
          %sub3A_153 = arith.subi %mul3A_149, %sub3A_152 : i32
          %eq3A_154 = arith.cmpi eq, %while3A_142, %sub3A_153 : i32
          %add3A_155 = arith.addi %while3A_147, %select_n3A_14 : i32
          %sub3A_156 = arith.constant 1 : i32
          %sub3A_157 = arith.subi %while3A_147, %sub3A_156 : i32
          %select_n3A_158 = arith.constant true
          %select_n3A_159 = arith.select %select_n3A_158, %sub3A_157, %while3A_147 : i32
          %eq3A_160 = arith.constant -1 : i32
          %eq3A_161 = arith.cmpi eq, %select_n3A_159, %eq3A_160 : i32
          %sub3A_162 = arith.constant 1 : i32
          %sub3A_163 = arith.subi %select_n3A, %sub3A_162 : i32
          %select_n3A_164 = arith.select %eq3A_161, %sub3A_163, %select_n3A_159 : i32
          %add3A_165 = arith.addi %select_n3A_164, %select_n3A_14 : i32
          %add3A_166 = arith.constant 1 : i32
          %add3A_167 = arith.addi %while3A_147, %add3A_166 : i32
          %select_n3A_168 = arith.constant true
          %select_n3A_169 = arith.select %select_n3A_168, %add3A_167, %while3A_147 : i32
          %eq3A_170 = arith.cmpi eq, %select_n3A_169, %select_n3A : i32
          %select_n3A_171 = arith.constant 0 : i32
          %select_n3A_172 = arith.select %eq3A_170, %select_n3A_171, %select_n3A_169 : i32
          %add3A_173 = arith.addi %select_n3A_172, %select_n3A_14 : i32
          %add3A_174 = arith.constant 1 : i32
          %add3A_175 = arith.addi %select_n3A_172, %add3A_174 : i32
          %select_n3A_176 = arith.constant true
          %select_n3A_177 = arith.select %select_n3A_176, %add3A_175, %select_n3A_172 : i32
          %eq3A_178 = arith.cmpi eq, %select_n3A_177, %select_n3A : i32
          %select_n3A_179 = arith.constant 0 : i32
          %select_n3A_180 = arith.select %eq3A_178, %select_n3A_179, %select_n3A_177 : i32
          %add3A_181 = arith.addi %select_n3A_180, %select_n3A_14 : i32
          %ne3A = arith.cmpi ne, %add3A_155, %add3A_173 : i32
          %or3A = arith.constant false
          %or3A_182 = arith.ori %or3A, %ne3A : i1
          %sub3A_183 = arith.constant 2 : i32
          %sub3A_184 = arith.subi %mul3A_149, %sub3A_183 : i32
          %add3A_185 = arith.constant 1 : i32
          %add3A_186 = arith.addi %sub3A_184, %add3A_185 : i32
          %ge3A = arith.cmpi sge, %while3A_142, %add3A_186 : i32
          %not3A = arith.constant true
          %not3A_187 = arith.xori %ge3A, %not3A : i1
          %and3A = arith.andi %or3A_182, %not3A_187 : i1
          %convert_element_type3A_188 = arith.extui %and3A : i1 to i32
          %cond3A_189 = arith.constant 0 : i32
          %cond3A_190 = arith.cmpi ne, %convert_element_type3A_188, %cond3A_189 : i32
          scf.if %cond3A_190 {
            "tpu.trace_start"() <{level = 10 : i32, message = "ep_copy_in"}> : () -> ()
            %rem3A_294 = arith.constant 2 : i32
            %rem3A_295 = arith.remui %while3A_143, %rem3A_294 : i32
            %mul3A_296 = arith.constant 128 : i32
            %mul3A_297 = arith.muli %mul3A_296, %add3A_173 : i32
            %dma_start3A_298 = arith.constant 0 : i32
            %dma_start3A_299 = arith.constant 0 : i32
            %dma_start3A_300 = tpu.memref_slice %run_scoped3A[%rem3A_295, %dma_start3A_298, %dma_start3A_299] : memref<2x1x128xi32, #tpu.memory_space<vmem>> -> memref<1x1x128xi32, #tpu.memory_space<vmem>>
            %dma_start3A_301 = tpu.memref_squeeze %dma_start3A_300 : memref<1x1x128xi32, #tpu.memory_space<vmem>> -> memref<1x128xi32, #tpu.memory_space<vmem>>
            %dma_start3A_302 = arith.constant 0 : i32
            %dma_start3A_303 = tpu.memref_slice %arg3[%dma_start3A_302, %mul3A_297] : memref<1x74752xi32, #tpu.memory_space<hbm>> -> memref<1x128xi32, #tpu.memory_space<hbm>>
            %dma_start3A_304 = tpu.memref_slice %run_scoped3A_17[%rem3A_295] : memref<2x!tpu.dma_semaphore, #tpu.memory_space<semaphore_mem>> -> memref<1x!tpu.dma_semaphore, #tpu.memory_space<semaphore_mem>>
            %dma_start3A_305 = tpu.memref_squeeze %dma_start3A_304 : memref<1x!tpu.dma_semaphore, #tpu.memory_space<semaphore_mem>> -> memref<!tpu.dma_semaphore, #tpu.memory_space<semaphore_mem>>
            %dma_start3A_306 = arith.constant 0 : i32
            %dma_start3A_307 = arith.constant 0 : i32
            %dma_start3A_308 = tpu.memref_slice %run_scoped3A[%rem3A_295, %dma_start3A_306, %dma_start3A_307] : memref<2x1x128xi32, #tpu.memory_space<vmem>> -> memref<1x1x128xi32, #tpu.memory_space<vmem>>
            %dma_start3A_309 = tpu.memref_squeeze %dma_start3A_308 : memref<1x1x128xi32, #tpu.memory_space<vmem>> -> memref<1x128xi32, #tpu.memory_space<vmem>>
            %dma_start3A_310 = arith.constant 0 : i32
            %dma_start3A_311 = tpu.memref_slice %arg3[%dma_start3A_310, %mul3A_297] : memref<1x74752xi32, #tpu.memory_space<hbm>> -> memref<1x128xi32, #tpu.memory_space<hbm>>
            tpu.enqueue_dma source(%dma_start3A_311 : memref<1x128xi32, #tpu.memory_space<hbm>>) target(%dma_start3A_309 : memref<1x128xi32, #tpu.memory_space<vmem>>) target_semaphore(%dma_start3A_305 : memref<!tpu.dma_semaphore, #tpu.memory_space<semaphore_mem>>)
            "tpu.trace_stop"() : () -> ()
          } else {
          }
          %and3A_191 = arith.constant true
          %and3A_192 = arith.andi %and3A, %and3A_191 : i1
          %add3A_193 = arith.constant 1 : i32
          %add3A_194 = arith.addi %while3A_143, %add3A_193 : i32
          %select_n3A_195 = arith.select %and3A_192, %add3A_194, %while3A_143 : i32
          %ne3A_196 = arith.cmpi ne, %add3A_155, %add3A_173 : i32
          %or3A_197 = arith.constant false
          %or3A_198 = arith.ori %or3A_197, %ne3A_196 : i1
          %or3A_199 = arith.constant false
          %or3A_200 = arith.ori %or3A_198, %or3A_199 : i1
          %sub3A_201 = arith.constant 2 : i32
          %sub3A_202 = arith.subi %mul3A_149, %sub3A_201 : i32
          %add3A_203 = arith.constant 1 : i32
          %add3A_204 = arith.addi %sub3A_202, %add3A_203 : i32
          %ge3A_205 = arith.cmpi sge, %while3A_142, %add3A_204 : i32
          %not3A_206 = arith.constant true
          %not3A_207 = arith.xori %ge3A_205, %not3A_206 : i1
          %and3A_208 = arith.andi %or3A_200, %not3A_207 : i1
          %ne3A_209 = arith.cmpi ne, %add3A_155, %add3A_165 : i32
          %or3A_210 = arith.constant false
          %or3A_211 = arith.ori %or3A_210, %ne3A_209 : i1
          %or3A_212 = arith.ori %or3A_211, %eq3A_151 : i1
          %convert_element_type3A_213 = arith.extui %or3A_212 : i1 to i32
          %cond3A_214 = arith.constant 0 : i32
          %cond3A_215 = arith.cmpi ne, %convert_element_type3A_213, %cond3A_214 : i32
          scf.if %cond3A_215 {
            "tpu.trace_start"() <{level = 10 : i32, message = "ep_wait_in"}> : () -> ()
            %mul3A_294 = arith.constant 128 : i32
            %mul3A_295 = arith.muli %mul3A_294, %add3A_155 : i32
            %rem3A_296 = arith.constant 2 : i32
            %rem3A_297 = arith.remui %while3A_144, %rem3A_296 : i32
            %dma_wait3A = arith.constant 0 : i32
            %dma_wait3A_298 = arith.constant 0 : i32
            %dma_wait3A_299 = tpu.memref_slice %run_scoped3A[%rem3A_297, %dma_wait3A, %dma_wait3A_298] : memref<2x1x128xi32, #tpu.memory_space<vmem>> -> memref<1x1x128xi32, #tpu.memory_space<vmem>>
            %dma_wait3A_300 = tpu.memref_squeeze %dma_wait3A_299 : memref<1x1x128xi32, #tpu.memory_space<vmem>> -> memref<1x128xi32, #tpu.memory_space<vmem>>
            %dma_wait3A_301 = arith.constant 0 : i32
            %dma_wait3A_302 = tpu.memref_slice %arg3[%dma_wait3A_301, %mul3A_295] : memref<1x74752xi32, #tpu.memory_space<hbm>> -> memref<1x128xi32, #tpu.memory_space<hbm>>
            %dma_wait3A_303 = tpu.memref_slice %run_scoped3A_17[%rem3A_297] : memref<2x!tpu.dma_semaphore, #tpu.memory_space<semaphore_mem>> -> memref<1x!tpu.dma_semaphore, #tpu.memory_space<semaphore_mem>>
            %dma_wait3A_304 = tpu.memref_squeeze %dma_wait3A_303 : memref<1x!tpu.dma_semaphore, #tpu.memory_space<semaphore_mem>> -> memref<!tpu.dma_semaphore, #tpu.memory_space<semaphore_mem>>
            %dma_wait3A_305 = arith.constant 0 : i32
            %dma_wait3A_306 = arith.constant 0 : i32
            %dma_wait3A_307 = tpu.memref_slice %run_scoped3A[%rem3A_297, %dma_wait3A_305, %dma_wait3A_306] : memref<2x1x128xi32, #tpu.memory_space<vmem>> -> memref<1x1x128xi32, #tpu.memory_space<vmem>>
            %dma_wait3A_308 = tpu.memref_squeeze %dma_wait3A_307 : memref<1x1x128xi32, #tpu.memory_space<vmem>> -> memref<1x128xi32, #tpu.memory_space<vmem>>
            %dma_wait3A_309 = arith.constant 0 : i32
            %dma_wait3A_310 = tpu.memref_slice %arg3[%dma_wait3A_309, %mul3A_295] : memref<1x74752xi32, #tpu.memory_space<hbm>> -> memref<1x128xi32, #tpu.memory_space<hbm>>
            tpu.wait_dma2 semaphore(%dma_wait3A_304 : memref<!tpu.dma_semaphore, #tpu.memory_space<semaphore_mem>>) src(%dma_wait3A_310 : memref<1x128xi32, #tpu.memory_space<hbm>>) dst(%dma_wait3A_308 : memref<1x128xi32, #tpu.memory_space<vmem>>)
            "tpu.trace_stop"() : () -> ()
          } else {
          }
          %ne3A_216 = arith.cmpi ne, %add3A_155, %add3A_165 : i32
          %or3A_217 = arith.constant false
          %or3A_218 = arith.ori %or3A_217, %ne3A_216 : i1
          %or3A_219 = arith.constant false
          %or3A_220 = arith.ori %or3A_218, %or3A_219 : i1
          %or3A_221 = arith.ori %or3A_220, %eq3A_151 : i1
          %convert_element_type3A_222 = arith.extui %or3A_221 : i1 to i32
          %cond3A_223 = arith.constant 0 : i32
          %cond3A_224 = arith.cmpi ne, %convert_element_type3A_222, %cond3A_223 : i32
          scf.if %cond3A_224 {
          } else {
          }
          %rem3A_225 = arith.constant 2 : i32
          %rem3A_226 = arith.remui %while3A_144, %rem3A_225 : i32
          %rem3A_227 = arith.constant 2 : i32
          %rem3A_228 = arith.remui %while3A_145, %rem3A_227 : i32
          %run_scoped3A_229 = arith.constant 0 : i32
          "tpu.trace_start"() <{level = 10 : i32, message = "ep_run_kernel"}> : () -> ()
          "tpu.region"() ({
            %run_scoped3A_294 = tpu.sem_alloc : memref<!tpu.dma_semaphore, #tpu.memory_space<semaphore_mem>>
            %dma_start3A_295 = arith.constant 0 : i32
            %dma_start3A_296 = arith.constant 0 : i32
            %dma_start3A_297 = tpu.memref_slice %run_scoped3A_18[%rem3A_228, %dma_start3A_295, %dma_start3A_296] : memref<2x128x64xf32, #tpu.memory_space<vmem>> -> memref<1x128x64xf32, #tpu.memory_space<vmem>>
            %dma_start3A_298 = tpu.memref_squeeze %dma_start3A_297 : memref<1x128x64xf32, #tpu.memory_space<vmem>> -> memref<128x64xf32, #tpu.memory_space<vmem>>
            %dma_start3A_299 = arith.constant 0 : i32
            %dma_start3A_300 = arith.constant 0 : i32
            %dma_start3A_301 = tpu.memref_slice %run_scoped3A[%rem3A_226, %dma_start3A_299, %dma_start3A_300] : memref<2x1x128xi32, #tpu.memory_space<vmem>> -> memref<1x1x128xi32, #tpu.memory_space<vmem>>
            %dma_start3A_302 = tpu.memref_squeeze %dma_start3A_301 : memref<1x1x128xi32, #tpu.memory_space<vmem>> -> memref<1x128xi32, #tpu.memory_space<vmem>>
            %dma_start3A_303 = arith.constant 0 : i32
            %dma_start3A_304 = tpu.memref_slice %dma_start3A_302[%run_scoped3A_229, %dma_start3A_303] : memref<1x128xi32, #tpu.memory_space<vmem>> -> memref<1x128xi32, #tpu.memory_space<vmem>>
            %dma_start3A_305 = tpu.memref_squeeze %dma_start3A_304 : memref<1x128xi32, #tpu.memory_space<vmem>> -> memref<128xi32, #tpu.memory_space<vmem>>
            %dma_start3A_306 = arith.constant 0 : i32
            %dma_start3A_307 = arith.constant 0 : i32
            %dma_start3A_308 = tpu.memref_slice %arg2[%dma_start3A_306, %dma_start3A_307] : memref<100000x64xf32, #tpu.memory_space<hbm>> -> memref<100000x64xf32, #tpu.memory_space<hbm>>
            tpu.enqueue_indirect_dma source(%dma_start3A_308 : memref<100000x64xf32, #tpu.memory_space<hbm>>) target(%dma_start3A_298 : memref<128x64xf32, #tpu.memory_space<vmem>>) offsets(%dma_start3A_305 : memref<128xi32, #tpu.memory_space<vmem>>) semaphore(%run_scoped3A_294 : memref<!tpu.dma_semaphore, #tpu.memory_space<semaphore_mem>>)
            %dma_wait3A = arith.constant 0 : i32
            %dma_wait3A_309 = arith.constant 0 : i32
            %dma_wait3A_310 = tpu.memref_slice %run_scoped3A_18[%rem3A_228, %dma_wait3A, %dma_wait3A_309] : memref<2x128x64xf32, #tpu.memory_space<vmem>> -> memref<1x128x64xf32, #tpu.memory_space<vmem>>
            %dma_wait3A_311 = tpu.memref_squeeze %dma_wait3A_310 : memref<1x128x64xf32, #tpu.memory_space<vmem>> -> memref<128x64xf32, #tpu.memory_space<vmem>>
            %dma_wait3A_312 = arith.constant 0 : i32
            %dma_wait3A_313 = arith.constant 0 : i32
            %dma_wait3A_314 = tpu.memref_slice %run_scoped3A[%rem3A_226, %dma_wait3A_312, %dma_wait3A_313] : memref<2x1x128xi32, #tpu.memory_space<vmem>> -> memref<1x1x128xi32, #tpu.memory_space<vmem>>
            %dma_wait3A_315 = tpu.memref_squeeze %dma_wait3A_314 : memref<1x1x128xi32, #tpu.memory_space<vmem>> -> memref<1x128xi32, #tpu.memory_space<vmem>>
            %dma_wait3A_316 = arith.constant 0 : i32
            %dma_wait3A_317 = tpu.memref_slice %dma_wait3A_315[%run_scoped3A_229, %dma_wait3A_316] : memref<1x128xi32, #tpu.memory_space<vmem>> -> memref<1x128xi32, #tpu.memory_space<vmem>>
            %dma_wait3A_318 = tpu.memref_squeeze %dma_wait3A_317 : memref<1x128xi32, #tpu.memory_space<vmem>> -> memref<128xi32, #tpu.memory_space<vmem>>
            %dma_wait3A_319 = arith.constant 0 : i32
            %dma_wait3A_320 = arith.constant 0 : i32
            %dma_wait3A_321 = tpu.memref_slice %arg2[%dma_wait3A_319, %dma_wait3A_320] : memref<100000x64xf32, #tpu.memory_space<hbm>> -> memref<100000x64xf32, #tpu.memory_space<hbm>>
            tpu.wait_indirect_dma semaphore(%run_scoped3A_294 : memref<!tpu.dma_semaphore, #tpu.memory_space<semaphore_mem>>) src(%dma_wait3A_321 : memref<100000x64xf32, #tpu.memory_space<hbm>>) dst(%dma_wait3A_311 : memref<128x64xf32, #tpu.memory_space<vmem>>)
            tpu.yield
          }) : () -> ()
          "tpu.trace_stop"() : () -> ()
          %ne3A_230 = arith.cmpi ne, %add3A_155, %add3A_173 : i32
          %or3A_231 = arith.constant false
          %or3A_232 = arith.ori %or3A_231, %ne3A_230 : i1
          %or3A_233 = arith.ori %or3A_232, %eq3A_154 : i1
          %convert_element_type3A_234 = arith.extui %or3A_233 : i1 to i32
          %cond3A_235 = arith.constant 0 : i32
          %cond3A_236 = arith.cmpi ne, %convert_element_type3A_234, %cond3A_235 : i32
          scf.if %cond3A_236 {
          } else {
          }
          %and3A_237 = arith.constant false
          %and3A_238 = arith.andi %or3A_233, %and3A_237 : i1
          %ne3A_239 = arith.cmpi ne, %add3A_155, %add3A_173 : i32
          %or3A_240 = arith.constant false
          %or3A_241 = arith.ori %or3A_240, %ne3A_239 : i1
          %or3A_242 = arith.constant false
          %or3A_243 = arith.ori %or3A_241, %or3A_242 : i1
          %or3A_244 = arith.ori %or3A_243, %eq3A_154 : i1
          %convert_element_type3A_245 = arith.extui %or3A_244 : i1 to i32
          %cond3A_246 = arith.constant 0 : i32
          %cond3A_247 = arith.cmpi ne, %convert_element_type3A_245, %cond3A_246 : i32
          scf.if %cond3A_247 {
            "tpu.trace_start"() <{level = 10 : i32, message = "ep_copy_out"}> : () -> ()
            %rem3A_294 = arith.constant 2 : i32
            %rem3A_295 = arith.remui %while3A_145, %rem3A_294 : i32
            %mul3A_296 = arith.constant 128 : i32
            %mul3A_297 = arith.muli %mul3A_296, %add3A_155 : i32
            %dma_start3A_298 = arith.constant 0 : i32
            %dma_start3A_299 = arith.constant 0 : i32
            %dma_start3A_300 = tpu.memref_slice %run_scoped3A_18[%rem3A_295, %dma_start3A_298, %dma_start3A_299] : memref<2x128x64xf32, #tpu.memory_space<vmem>> -> memref<1x128x64xf32, #tpu.memory_space<vmem>>
            %dma_start3A_301 = tpu.memref_squeeze %dma_start3A_300 : memref<1x128x64xf32, #tpu.memory_space<vmem>> -> memref<128x64xf32, #tpu.memory_space<vmem>>
            %dma_start3A_302 = arith.constant 0 : i32
            %dma_start3A_303 = tpu.memref_slice %arg4[%mul3A_297, %dma_start3A_302] : memref<74752x64xf32, #tpu.memory_space<hbm>> -> memref<128x64xf32, #tpu.memory_space<hbm>>
            %dma_start3A_304 = tpu.memref_slice %run_scoped3A_19[%rem3A_295] : memref<2x!tpu.dma_semaphore, #tpu.memory_space<semaphore_mem>> -> memref<1x!tpu.dma_semaphore, #tpu.memory_space<semaphore_mem>>
            %dma_start3A_305 = tpu.memref_squeeze %dma_start3A_304 : memref<1x!tpu.dma_semaphore, #tpu.memory_space<semaphore_mem>> -> memref<!tpu.dma_semaphore, #tpu.memory_space<semaphore_mem>>
            %dma_start3A_306 = arith.constant 0 : i32
            %dma_start3A_307 = tpu.memref_slice %arg4[%mul3A_297, %dma_start3A_306] : memref<74752x64xf32, #tpu.memory_space<hbm>> -> memref<128x64xf32, #tpu.memory_space<hbm>>
            %dma_start3A_308 = arith.constant 0 : i32
            %dma_start3A_309 = arith.constant 0 : i32
            %dma_start3A_310 = tpu.memref_slice %run_scoped3A_18[%rem3A_295, %dma_start3A_308, %dma_start3A_309] : memref<2x128x64xf32, #tpu.memory_space<vmem>> -> memref<1x128x64xf32, #tpu.memory_space<vmem>>
            %dma_start3A_311 = tpu.memref_squeeze %dma_start3A_310 : memref<1x128x64xf32, #tpu.memory_space<vmem>> -> memref<128x64xf32, #tpu.memory_space<vmem>>
            tpu.enqueue_dma source(%dma_start3A_311 : memref<128x64xf32, #tpu.memory_space<vmem>>) target(%dma_start3A_307 : memref<128x64xf32, #tpu.memory_space<hbm>>) target_semaphore(%dma_start3A_305 : memref<!tpu.dma_semaphore, #tpu.memory_space<semaphore_mem>>)
            "tpu.trace_stop"() : () -> ()
          } else {
          }
          %and3A_248 = arith.constant true
          %and3A_249 = arith.andi %or3A_244, %and3A_248 : i1
          %add3A_250 = arith.constant 1 : i32
          %add3A_251 = arith.addi %while3A_145, %add3A_250 : i32
          %select_n3A_252 = arith.select %and3A_249, %add3A_251, %while3A_145 : i32
          %ne3A_253 = arith.cmpi ne, %add3A_155, %add3A_165 : i32
          %or3A_254 = arith.constant false
          %or3A_255 = arith.ori %or3A_254, %ne3A_253 : i1
          %not3A_256 = arith.constant true
          %not3A_257 = arith.xori %eq3A_151, %not3A_256 : i1
          %and3A_258 = arith.andi %or3A_255, %not3A_257 : i1
          %convert_element_type3A_259 = arith.extui %and3A_258 : i1 to i32
          %cond3A_260 = arith.constant 0 : i32
          %cond3A_261 = arith.cmpi ne, %convert_element_type3A_259, %cond3A_260 : i32
          scf.if %cond3A_261 {
          } else {
          }
          %and3A_262 = arith.constant false
          %and3A_263 = arith.andi %and3A_258, %and3A_262 : i1
          %ne3A_264 = arith.cmpi ne, %add3A_155, %add3A_165 : i32
          %or3A_265 = arith.constant false
          %or3A_266 = arith.ori %or3A_265, %ne3A_264 : i1
          %or3A_267 = arith.constant false
          %or3A_268 = arith.ori %or3A_266, %or3A_267 : i1
          %not3A_269 = arith.constant true
          %not3A_270 = arith.xori %eq3A_151, %not3A_269 : i1
          %and3A_271 = arith.andi %or3A_268, %not3A_270 : i1
          %convert_element_type3A_272 = arith.extui %and3A_271 : i1 to i32
          %cond3A_273 = arith.constant 0 : i32
          %cond3A_274 = arith.cmpi ne, %convert_element_type3A_272, %cond3A_273 : i32
          scf.if %cond3A_274 {
            "tpu.trace_start"() <{level = 10 : i32, message = "ep_wait_out"}> : () -> ()
            %rem3A_294 = arith.constant 2 : i32
            %rem3A_295 = arith.remui %while3A_146, %rem3A_294 : i32
            %mul3A_296 = arith.constant 128 : i32
            %mul3A_297 = arith.muli %mul3A_296, %add3A_165 : i32
            %dma_wait3A = arith.constant 0 : i32
            %dma_wait3A_298 = arith.constant 0 : i32
            %dma_wait3A_299 = tpu.memref_slice %run_scoped3A_18[%rem3A_295, %dma_wait3A, %dma_wait3A_298] : memref<2x128x64xf32, #tpu.memory_space<vmem>> -> memref<1x128x64xf32, #tpu.memory_space<vmem>>
            %dma_wait3A_300 = tpu.memref_squeeze %dma_wait3A_299 : memref<1x128x64xf32, #tpu.memory_space<vmem>> -> memref<128x64xf32, #tpu.memory_space<vmem>>
            %dma_wait3A_301 = arith.constant 0 : i32
            %dma_wait3A_302 = tpu.memref_slice %arg4[%mul3A_297, %dma_wait3A_301] : memref<74752x64xf32, #tpu.memory_space<hbm>> -> memref<128x64xf32, #tpu.memory_space<hbm>>
            %dma_wait3A_303 = tpu.memref_slice %run_scoped3A_19[%rem3A_295] : memref<2x!tpu.dma_semaphore, #tpu.memory_space<semaphore_mem>> -> memref<1x!tpu.dma_semaphore, #tpu.memory_space<semaphore_mem>>
            %dma_wait3A_304 = tpu.memref_squeeze %dma_wait3A_303 : memref<1x!tpu.dma_semaphore, #tpu.memory_space<semaphore_mem>> -> memref<!tpu.dma_semaphore, #tpu.memory_space<semaphore_mem>>
            %dma_wait3A_305 = arith.constant 0 : i32
            %dma_wait3A_306 = tpu.memref_slice %arg4[%mul3A_297, %dma_wait3A_305] : memref<74752x64xf32, #tpu.memory_space<hbm>> -> memref<128x64xf32, #tpu.memory_space<hbm>>
            %dma_wait3A_307 = arith.constant 0 : i32
            %dma_wait3A_308 = arith.constant 0 : i32
            %dma_wait3A_309 = tpu.memref_slice %run_scoped3A_18[%rem3A_295, %dma_wait3A_307, %dma_wait3A_308] : memref<2x128x64xf32, #tpu.memory_space<vmem>> -> memref<1x128x64xf32, #tpu.memory_space<vmem>>
            %dma_wait3A_310 = tpu.memref_squeeze %dma_wait3A_309 : memref<1x128x64xf32, #tpu.memory_space<vmem>> -> memref<128x64xf32, #tpu.memory_space<vmem>>
            tpu.wait_dma2 semaphore(%dma_wait3A_304 : memref<!tpu.dma_semaphore, #tpu.memory_space<semaphore_mem>>) src(%dma_wait3A_310 : memref<128x64xf32, #tpu.memory_space<vmem>>) dst(%dma_wait3A_306 : memref<128x64xf32, #tpu.memory_space<hbm>>)
            "tpu.trace_stop"() : () -> ()
          } else {
          }
          %and3A_275 = arith.constant true
          %and3A_276 = arith.andi %and3A_271, %and3A_275 : i1
          %add3A_277 = arith.constant 1 : i32
          %add3A_278 = arith.addi %while3A_146, %add3A_277 : i32
          %select_n3A_279 = arith.select %and3A_276, %add3A_278, %while3A_146 : i32
          %ne3A_280 = arith.cmpi ne, %add3A_155, %add3A_173 : i32
          %or3A_281 = arith.constant false
          %or3A_282 = arith.ori %or3A_281, %ne3A_280 : i1
          %or3A_283 = arith.ori %or3A_282, %eq3A_154 : i1
          %add3A_284 = arith.constant 1 : i32
          %add3A_285 = arith.addi %while3A_144, %add3A_284 : i32
          %select_n3A_286 = arith.select %or3A_283, %add3A_285, %while3A_144 : i32
          %add3A_287 = arith.constant 1 : i32
          %add3A_288 = arith.addi %while3A_147, %add3A_287 : i32
          %select_n3A_289 = arith.constant true
          %select_n3A_290 = arith.select %select_n3A_289, %add3A_288, %while3A_147 : i32
          %eq3A_291 = arith.cmpi eq, %select_n3A_290, %select_n3A : i32
          %select_n3A_292 = arith.constant 0 : i32
          %select_n3A_293 = arith.select %eq3A_291, %select_n3A_292, %select_n3A_290 : i32
          scf.yield %select_n3A_195, %select_n3A_286, %select_n3A_252, %select_n3A_279, %select_n3A_293 : i32, i32, i32, i32, i32
        }
        %while3A_89 = arith.constant 1 : i32
        %while3A_90:5 = scf.for %while3A_142 = %while3A_86 to %while3A_82 step %while3A_89 iter_args(%while3A_143 = %while3A_88#0, %while3A_144 = %while3A_88#1, %while3A_145 = %while3A_88#2, %while3A_146 = %while3A_88#3, %while3A_147 = %while3A_88#4) -> (i32, i32, i32, i32, i32)  : i32 {
          %mul3A_148 = arith.constant 1 : i32
          %mul3A_149 = arith.muli %mul3A_148, %select_n3A : i32
          %eq3A_150 = arith.constant 0 : i32
          %eq3A_151 = arith.cmpi eq, %while3A_142, %eq3A_150 : i32
          %sub3A_152 = arith.constant 1 : i32
          %sub3A_153 = arith.subi %mul3A_149, %sub3A_152 : i32
          %eq3A_154 = arith.cmpi eq, %while3A_142, %sub3A_153 : i32
          %add3A_155 = arith.addi %while3A_147, %select_n3A_14 : i32
          %sub3A_156 = arith.constant 1 : i32
          %sub3A_157 = arith.subi %while3A_147, %sub3A_156 : i32
          %select_n3A_158 = arith.constant true
          %select_n3A_159 = arith.select %select_n3A_158, %sub3A_157, %while3A_147 : i32
          %eq3A_160 = arith.constant -1 : i32
          %eq3A_161 = arith.cmpi eq, %select_n3A_159, %eq3A_160 : i32
          %sub3A_162 = arith.constant 1 : i32
          %sub3A_163 = arith.subi %select_n3A, %sub3A_162 : i32
          %select_n3A_164 = arith.select %eq3A_161, %sub3A_163, %select_n3A_159 : i32
          %add3A_165 = arith.addi %select_n3A_164, %select_n3A_14 : i32
          %add3A_166 = arith.constant 1 : i32
          %add3A_167 = arith.addi %while3A_147, %add3A_166 : i32
          %select_n3A_168 = arith.constant true
          %select_n3A_169 = arith.select %select_n3A_168, %add3A_167, %while3A_147 : i32
          %eq3A_170 = arith.cmpi eq, %select_n3A_169, %select_n3A : i32
          %select_n3A_171 = arith.constant 0 : i32
          %select_n3A_172 = arith.select %eq3A_170, %select_n3A_171, %select_n3A_169 : i32
          %add3A_173 = arith.addi %select_n3A_172, %select_n3A_14 : i32
          %add3A_174 = arith.constant 1 : i32
          %add3A_175 = arith.addi %select_n3A_172, %add3A_174 : i32
          %select_n3A_176 = arith.constant true
          %select_n3A_177 = arith.select %select_n3A_176, %add3A_175, %select_n3A_172 : i32
          %eq3A_178 = arith.cmpi eq, %select_n3A_177, %select_n3A : i32
          %select_n3A_179 = arith.constant 0 : i32
          %select_n3A_180 = arith.select %eq3A_178, %select_n3A_179, %select_n3A_177 : i32
          %add3A_181 = arith.addi %select_n3A_180, %select_n3A_14 : i32
          %ne3A = arith.cmpi ne, %add3A_155, %add3A_173 : i32
          %or3A = arith.constant false
          %or3A_182 = arith.ori %or3A, %ne3A : i1
          %sub3A_183 = arith.constant 2 : i32
          %sub3A_184 = arith.subi %mul3A_149, %sub3A_183 : i32
          %add3A_185 = arith.constant 1 : i32
          %add3A_186 = arith.addi %sub3A_184, %add3A_185 : i32
          %ge3A = arith.cmpi sge, %while3A_142, %add3A_186 : i32
          %not3A = arith.constant true
          %not3A_187 = arith.xori %ge3A, %not3A : i1
          %and3A = arith.andi %or3A_182, %not3A_187 : i1
          %convert_element_type3A_188 = arith.extui %and3A : i1 to i32
          %cond3A_189 = arith.constant 0 : i32
          %cond3A_190 = arith.cmpi ne, %convert_element_type3A_188, %cond3A_189 : i32
          scf.if %cond3A_190 {
            "tpu.trace_start"() <{level = 10 : i32, message = "ep_copy_in"}> : () -> ()
            %rem3A_294 = arith.constant 2 : i32
            %rem3A_295 = arith.remui %while3A_143, %rem3A_294 : i32
            %mul3A_296 = arith.constant 128 : i32
            %mul3A_297 = arith.muli %mul3A_296, %add3A_173 : i32
            %dma_start3A_298 = arith.constant 0 : i32
            %dma_start3A_299 = arith.constant 0 : i32
            %dma_start3A_300 = tpu.memref_slice %run_scoped3A[%rem3A_295, %dma_start3A_298, %dma_start3A_299] : memref<2x1x128xi32, #tpu.memory_space<vmem>> -> memref<1x1x128xi32, #tpu.memory_space<vmem>>
            %dma_start3A_301 = tpu.memref_squeeze %dma_start3A_300 : memref<1x1x128xi32, #tpu.memory_space<vmem>> -> memref<1x128xi32, #tpu.memory_space<vmem>>
            %dma_start3A_302 = arith.constant 0 : i32
            %dma_start3A_303 = tpu.memref_slice %arg3[%dma_start3A_302, %mul3A_297] : memref<1x74752xi32, #tpu.memory_space<hbm>> -> memref<1x128xi32, #tpu.memory_space<hbm>>
            %dma_start3A_304 = tpu.memref_slice %run_scoped3A_17[%rem3A_295] : memref<2x!tpu.dma_semaphore, #tpu.memory_space<semaphore_mem>> -> memref<1x!tpu.dma_semaphore, #tpu.memory_space<semaphore_mem>>
            %dma_start3A_305 = tpu.memref_squeeze %dma_start3A_304 : memref<1x!tpu.dma_semaphore, #tpu.memory_space<semaphore_mem>> -> memref<!tpu.dma_semaphore, #tpu.memory_space<semaphore_mem>>
            %dma_start3A_306 = arith.constant 0 : i32
            %dma_start3A_307 = arith.constant 0 : i32
            %dma_start3A_308 = tpu.memref_slice %run_scoped3A[%rem3A_295, %dma_start3A_306, %dma_start3A_307] : memref<2x1x128xi32, #tpu.memory_space<vmem>> -> memref<1x1x128xi32, #tpu.memory_space<vmem>>
            %dma_start3A_309 = tpu.memref_squeeze %dma_start3A_308 : memref<1x1x128xi32, #tpu.memory_space<vmem>> -> memref<1x128xi32, #tpu.memory_space<vmem>>
            %dma_start3A_310 = arith.constant 0 : i32
            %dma_start3A_311 = tpu.memref_slice %arg3[%dma_start3A_310, %mul3A_297] : memref<1x74752xi32, #tpu.memory_space<hbm>> -> memref<1x128xi32, #tpu.memory_space<hbm>>
            tpu.enqueue_dma source(%dma_start3A_311 : memref<1x128xi32, #tpu.memory_space<hbm>>) target(%dma_start3A_309 : memref<1x128xi32, #tpu.memory_space<vmem>>) target_semaphore(%dma_start3A_305 : memref<!tpu.dma_semaphore, #tpu.memory_space<semaphore_mem>>)
            "tpu.trace_stop"() : () -> ()
          } else {
          }
          %and3A_191 = arith.constant true
          %and3A_192 = arith.andi %and3A, %and3A_191 : i1
          %add3A_193 = arith.constant 1 : i32
          %add3A_194 = arith.addi %while3A_143, %add3A_193 : i32
          %select_n3A_195 = arith.select %and3A_192, %add3A_194, %while3A_143 : i32
          %ne3A_196 = arith.cmpi ne, %add3A_155, %add3A_173 : i32
          %or3A_197 = arith.constant false
          %or3A_198 = arith.ori %or3A_197, %ne3A_196 : i1
          %or3A_199 = arith.constant false
          %or3A_200 = arith.ori %or3A_198, %or3A_199 : i1
          %sub3A_201 = arith.constant 2 : i32
          %sub3A_202 = arith.subi %mul3A_149, %sub3A_201 : i32
          %add3A_203 = arith.constant 1 : i32
          %add3A_204 = arith.addi %sub3A_202, %add3A_203 : i32
          %ge3A_205 = arith.cmpi sge, %while3A_142, %add3A_204 : i32
          %not3A_206 = arith.constant true
          %not3A_207 = arith.xori %ge3A_205, %not3A_206 : i1
          %and3A_208 = arith.andi %or3A_200, %not3A_207 : i1
          %ne3A_209 = arith.cmpi ne, %add3A_155, %add3A_165 : i32
          %or3A_210 = arith.constant false
          %or3A_211 = arith.ori %or3A_210, %ne3A_209 : i1
          %or3A_212 = arith.ori %or3A_211, %eq3A_151 : i1
          %convert_element_type3A_213 = arith.extui %or3A_212 : i1 to i32
          %cond3A_214 = arith.constant 0 : i32
          %cond3A_215 = arith.cmpi ne, %convert_element_type3A_213, %cond3A_214 : i32
          scf.if %cond3A_215 {
            "tpu.trace_start"() <{level = 10 : i32, message = "ep_wait_in"}> : () -> ()
            %mul3A_294 = arith.constant 128 : i32
            %mul3A_295 = arith.muli %mul3A_294, %add3A_155 : i32
            %rem3A_296 = arith.constant 2 : i32
            %rem3A_297 = arith.remui %while3A_144, %rem3A_296 : i32
            %dma_wait3A = arith.constant 0 : i32
            %dma_wait3A_298 = arith.constant 0 : i32
            %dma_wait3A_299 = tpu.memref_slice %run_scoped3A[%rem3A_297, %dma_wait3A, %dma_wait3A_298] : memref<2x1x128xi32, #tpu.memory_space<vmem>> -> memref<1x1x128xi32, #tpu.memory_space<vmem>>
            %dma_wait3A_300 = tpu.memref_squeeze %dma_wait3A_299 : memref<1x1x128xi32, #tpu.memory_space<vmem>> -> memref<1x128xi32, #tpu.memory_space<vmem>>
            %dma_wait3A_301 = arith.constant 0 : i32
            %dma_wait3A_302 = tpu.memref_slice %arg3[%dma_wait3A_301, %mul3A_295] : memref<1x74752xi32, #tpu.memory_space<hbm>> -> memref<1x128xi32, #tpu.memory_space<hbm>>
            %dma_wait3A_303 = tpu.memref_slice %run_scoped3A_17[%rem3A_297] : memref<2x!tpu.dma_semaphore, #tpu.memory_space<semaphore_mem>> -> memref<1x!tpu.dma_semaphore, #tpu.memory_space<semaphore_mem>>
            %dma_wait3A_304 = tpu.memref_squeeze %dma_wait3A_303 : memref<1x!tpu.dma_semaphore, #tpu.memory_space<semaphore_mem>> -> memref<!tpu.dma_semaphore, #tpu.memory_space<semaphore_mem>>
            %dma_wait3A_305 = arith.constant 0 : i32
            %dma_wait3A_306 = arith.constant 0 : i32
            %dma_wait3A_307 = tpu.memref_slice %run_scoped3A[%rem3A_297, %dma_wait3A_305, %dma_wait3A_306] : memref<2x1x128xi32, #tpu.memory_space<vmem>> -> memref<1x1x128xi32, #tpu.memory_space<vmem>>
            %dma_wait3A_308 = tpu.memref_squeeze %dma_wait3A_307 : memref<1x1x128xi32, #tpu.memory_space<vmem>> -> memref<1x128xi32, #tpu.memory_space<vmem>>
            %dma_wait3A_309 = arith.constant 0 : i32
            %dma_wait3A_310 = tpu.memref_slice %arg3[%dma_wait3A_309, %mul3A_295] : memref<1x74752xi32, #tpu.memory_space<hbm>> -> memref<1x128xi32, #tpu.memory_space<hbm>>
            tpu.wait_dma2 semaphore(%dma_wait3A_304 : memref<!tpu.dma_semaphore, #tpu.memory_space<semaphore_mem>>) src(%dma_wait3A_310 : memref<1x128xi32, #tpu.memory_space<hbm>>) dst(%dma_wait3A_308 : memref<1x128xi32, #tpu.memory_space<vmem>>)
            "tpu.trace_stop"() : () -> ()
          } else {
          }
          %ne3A_216 = arith.cmpi ne, %add3A_155, %add3A_165 : i32
          %or3A_217 = arith.constant false
          %or3A_218 = arith.ori %or3A_217, %ne3A_216 : i1
          %or3A_219 = arith.constant false
          %or3A_220 = arith.ori %or3A_218, %or3A_219 : i1
          %or3A_221 = arith.ori %or3A_220, %eq3A_151 : i1
          %convert_element_type3A_222 = arith.extui %or3A_221 : i1 to i32
          %cond3A_223 = arith.constant 0 : i32
          %cond3A_224 = arith.cmpi ne, %convert_element_type3A_222, %cond3A_223 : i32
          scf.if %cond3A_224 {
          } else {
          }
          %rem3A_225 = arith.constant 2 : i32
          %rem3A_226 = arith.remui %while3A_144, %rem3A_225 : i32
          %rem3A_227 = arith.constant 2 : i32
          %rem3A_228 = arith.remui %while3A_145, %rem3A_227 : i32
          %run_scoped3A_229 = arith.constant 0 : i32
          "tpu.trace_start"() <{level = 10 : i32, message = "ep_run_kernel"}> : () -> ()
          "tpu.region"() ({
            %run_scoped3A_294 = tpu.sem_alloc : memref<!tpu.dma_semaphore, #tpu.memory_space<semaphore_mem>>
            %dma_start3A_295 = arith.constant 0 : i32
            %dma_start3A_296 = arith.constant 0 : i32
            %dma_start3A_297 = tpu.memref_slice %run_scoped3A_18[%rem3A_228, %dma_start3A_295, %dma_start3A_296] : memref<2x128x64xf32, #tpu.memory_space<vmem>> -> memref<1x128x64xf32, #tpu.memory_space<vmem>>
            %dma_start3A_298 = tpu.memref_squeeze %dma_start3A_297 : memref<1x128x64xf32, #tpu.memory_space<vmem>> -> memref<128x64xf32, #tpu.memory_space<vmem>>
            %dma_start3A_299 = arith.constant 0 : i32
            %dma_start3A_300 = arith.constant 0 : i32
            %dma_start3A_301 = tpu.memref_slice %run_scoped3A[%rem3A_226, %dma_start3A_299, %dma_start3A_300] : memref<2x1x128xi32, #tpu.memory_space<vmem>> -> memref<1x1x128xi32, #tpu.memory_space<vmem>>
            %dma_start3A_302 = tpu.memref_squeeze %dma_start3A_301 : memref<1x1x128xi32, #tpu.memory_space<vmem>> -> memref<1x128xi32, #tpu.memory_space<vmem>>
            %dma_start3A_303 = arith.constant 0 : i32
            %dma_start3A_304 = tpu.memref_slice %dma_start3A_302[%run_scoped3A_229, %dma_start3A_303] : memref<1x128xi32, #tpu.memory_space<vmem>> -> memref<1x128xi32, #tpu.memory_space<vmem>>
            %dma_start3A_305 = tpu.memref_squeeze %dma_start3A_304 : memref<1x128xi32, #tpu.memory_space<vmem>> -> memref<128xi32, #tpu.memory_space<vmem>>
            %dma_start3A_306 = arith.constant 0 : i32
            %dma_start3A_307 = arith.constant 0 : i32
            %dma_start3A_308 = tpu.memref_slice %arg2[%dma_start3A_306, %dma_start3A_307] : memref<100000x64xf32, #tpu.memory_space<hbm>> -> memref<100000x64xf32, #tpu.memory_space<hbm>>
            tpu.enqueue_indirect_dma source(%dma_start3A_308 : memref<100000x64xf32, #tpu.memory_space<hbm>>) target(%dma_start3A_298 : memref<128x64xf32, #tpu.memory_space<vmem>>) offsets(%dma_start3A_305 : memref<128xi32, #tpu.memory_space<vmem>>) semaphore(%run_scoped3A_294 : memref<!tpu.dma_semaphore, #tpu.memory_space<semaphore_mem>>)
            %dma_wait3A = arith.constant 0 : i32
            %dma_wait3A_309 = arith.constant 0 : i32
            %dma_wait3A_310 = tpu.memref_slice %run_scoped3A_18[%rem3A_228, %dma_wait3A, %dma_wait3A_309] : memref<2x128x64xf32, #tpu.memory_space<vmem>> -> memref<1x128x64xf32, #tpu.memory_space<vmem>>
            %dma_wait3A_311 = tpu.memref_squeeze %dma_wait3A_310 : memref<1x128x64xf32, #tpu.memory_space<vmem>> -> memref<128x64xf32, #tpu.memory_space<vmem>>
            %dma_wait3A_312 = arith.constant 0 : i32
            %dma_wait3A_313 = arith.constant 0 : i32
            %dma_wait3A_314 = tpu.memref_slice %run_scoped3A[%rem3A_226, %dma_wait3A_312, %dma_wait3A_313] : memref<2x1x128xi32, #tpu.memory_space<vmem>> -> memref<1x1x128xi32, #tpu.memory_space<vmem>>
            %dma_wait3A_315 = tpu.memref_squeeze %dma_wait3A_314 : memref<1x1x128xi32, #tpu.memory_space<vmem>> -> memref<1x128xi32, #tpu.memory_space<vmem>>
            %dma_wait3A_316 = arith.constant 0 : i32
            %dma_wait3A_317 = tpu.memref_slice %dma_wait3A_315[%run_scoped3A_229, %dma_wait3A_316] : memref<1x128xi32, #tpu.memory_space<vmem>> -> memref<1x128xi32, #tpu.memory_space<vmem>>
            %dma_wait3A_318 = tpu.memref_squeeze %dma_wait3A_317 : memref<1x128xi32, #tpu.memory_space<vmem>> -> memref<128xi32, #tpu.memory_space<vmem>>
            %dma_wait3A_319 = arith.constant 0 : i32
            %dma_wait3A_320 = arith.constant 0 : i32
            %dma_wait3A_321 = tpu.memref_slice %arg2[%dma_wait3A_319, %dma_wait3A_320] : memref<100000x64xf32, #tpu.memory_space<hbm>> -> memref<100000x64xf32, #tpu.memory_space<hbm>>
            tpu.wait_indirect_dma semaphore(%run_scoped3A_294 : memref<!tpu.dma_semaphore, #tpu.memory_space<semaphore_mem>>) src(%dma_wait3A_321 : memref<100000x64xf32, #tpu.memory_space<hbm>>) dst(%dma_wait3A_311 : memref<128x64xf32, #tpu.memory_space<vmem>>)
            tpu.yield
          }) : () -> ()
          "tpu.trace_stop"() : () -> ()
          %ne3A_230 = arith.cmpi ne, %add3A_155, %add3A_173 : i32
          %or3A_231 = arith.constant false
          %or3A_232 = arith.ori %or3A_231, %ne3A_230 : i1
          %or3A_233 = arith.ori %or3A_232, %eq3A_154 : i1
          %convert_element_type3A_234 = arith.extui %or3A_233 : i1 to i32
          %cond3A_235 = arith.constant 0 : i32
          %cond3A_236 = arith.cmpi ne, %convert_element_type3A_234, %cond3A_235 : i32
          scf.if %cond3A_236 {
          } else {
          }
          %and3A_237 = arith.constant false
          %and3A_238 = arith.andi %or3A_233, %and3A_237 : i1
          %ne3A_239 = arith.cmpi ne, %add3A_155, %add3A_173 : i32
          %or3A_240 = arith.constant false
          %or3A_241 = arith.ori %or3A_240, %ne3A_239 : i1
          %or3A_242 = arith.constant false
          %or3A_243 = arith.ori %or3A_241, %or3A_242 : i1
          %or3A_244 = arith.ori %or3A_243, %eq3A_154 : i1
          %convert_element_type3A_245 = arith.extui %or3A_244 : i1 to i32
          %cond3A_246 = arith.constant 0 : i32
          %cond3A_247 = arith.cmpi ne, %convert_element_type3A_245, %cond3A_246 : i32
          scf.if %cond3A_247 {
            "tpu.trace_start"() <{level = 10 : i32, message = "ep_copy_out"}> : () -> ()
            %rem3A_294 = arith.constant 2 : i32
            %rem3A_295 = arith.remui %while3A_145, %rem3A_294 : i32
            %mul3A_296 = arith.constant 128 : i32
            %mul3A_297 = arith.muli %mul3A_296, %add3A_155 : i32
            %dma_start3A_298 = arith.constant 0 : i32
            %dma_start3A_299 = arith.constant 0 : i32
            %dma_start3A_300 = tpu.memref_slice %run_scoped3A_18[%rem3A_295, %dma_start3A_298, %dma_start3A_299] : memref<2x128x64xf32, #tpu.memory_space<vmem>> -> memref<1x128x64xf32, #tpu.memory_space<vmem>>
            %dma_start3A_301 = tpu.memref_squeeze %dma_start3A_300 : memref<1x128x64xf32, #tpu.memory_space<vmem>> -> memref<128x64xf32, #tpu.memory_space<vmem>>
            %dma_start3A_302 = arith.constant 0 : i32
            %dma_start3A_303 = tpu.memref_slice %arg4[%mul3A_297, %dma_start3A_302] : memref<74752x64xf32, #tpu.memory_space<hbm>> -> memref<128x64xf32, #tpu.memory_space<hbm>>
            %dma_start3A_304 = tpu.memref_slice %run_scoped3A_19[%rem3A_295] : memref<2x!tpu.dma_semaphore, #tpu.memory_space<semaphore_mem>> -> memref<1x!tpu.dma_semaphore, #tpu.memory_space<semaphore_mem>>
            %dma_start3A_305 = tpu.memref_squeeze %dma_start3A_304 : memref<1x!tpu.dma_semaphore, #tpu.memory_space<semaphore_mem>> -> memref<!tpu.dma_semaphore, #tpu.memory_space<semaphore_mem>>
            %dma_start3A_306 = arith.constant 0 : i32
            %dma_start3A_307 = tpu.memref_slice %arg4[%mul3A_297, %dma_start3A_306] : memref<74752x64xf32, #tpu.memory_space<hbm>> -> memref<128x64xf32, #tpu.memory_space<hbm>>
            %dma_start3A_308 = arith.constant 0 : i32
            %dma_start3A_309 = arith.constant 0 : i32
            %dma_start3A_310 = tpu.memref_slice %run_scoped3A_18[%rem3A_295, %dma_start3A_308, %dma_start3A_309] : memref<2x128x64xf32, #tpu.memory_space<vmem>> -> memref<1x128x64xf32, #tpu.memory_space<vmem>>
            %dma_start3A_311 = tpu.memref_squeeze %dma_start3A_310 : memref<1x128x64xf32, #tpu.memory_space<vmem>> -> memref<128x64xf32, #tpu.memory_space<vmem>>
            tpu.enqueue_dma source(%dma_start3A_311 : memref<128x64xf32, #tpu.memory_space<vmem>>) target(%dma_start3A_307 : memref<128x64xf32, #tpu.memory_space<hbm>>) target_semaphore(%dma_start3A_305 : memref<!tpu.dma_semaphore, #tpu.memory_space<semaphore_mem>>)
            "tpu.trace_stop"() : () -> ()
          } else {
          }
          %and3A_248 = arith.constant true
          %and3A_249 = arith.andi %or3A_244, %and3A_248 : i1
          %add3A_250 = arith.constant 1 : i32
          %add3A_251 = arith.addi %while3A_145, %add3A_250 : i32
          %select_n3A_252 = arith.select %and3A_249, %add3A_251, %while3A_145 : i32
          %ne3A_253 = arith.cmpi ne, %add3A_155, %add3A_165 : i32
          %or3A_254 = arith.constant false
          %or3A_255 = arith.ori %or3A_254, %ne3A_253 : i1
          %not3A_256 = arith.constant true
          %not3A_257 = arith.xori %eq3A_151, %not3A_256 : i1
          %and3A_258 = arith.andi %or3A_255, %not3A_257 : i1
          %convert_element_type3A_259 = arith.extui %and3A_258 : i1 to i32
          %cond3A_260 = arith.constant 0 : i32
          %cond3A_261 = arith.cmpi ne, %convert_element_type3A_259, %cond3A_260 : i32
          scf.if %cond3A_261 {
          } else {
          }
          %and3A_262 = arith.constant false
          %and3A_263 = arith.andi %and3A_258, %and3A_262 : i1
          %ne3A_264 = arith.cmpi ne, %add3A_155, %add3A_165 : i32
          %or3A_265 = arith.constant false
          %or3A_266 = arith.ori %or3A_265, %ne3A_264 : i1
          %or3A_267 = arith.constant false
          %or3A_268 = arith.ori %or3A_266, %or3A_267 : i1
          %not3A_269 = arith.constant true
          %not3A_270 = arith.xori %eq3A_151, %not3A_269 : i1
          %and3A_271 = arith.andi %or3A_268, %not3A_270 : i1
          %convert_element_type3A_272 = arith.extui %and3A_271 : i1 to i32
          %cond3A_273 = arith.constant 0 : i32
          %cond3A_274 = arith.cmpi ne, %convert_element_type3A_272, %cond3A_273 : i32
          scf.if %cond3A_274 {
            "tpu.trace_start"() <{level = 10 : i32, message = "ep_wait_out"}> : () -> ()
            %rem3A_294 = arith.constant 2 : i32
            %rem3A_295 = arith.remui %while3A_146, %rem3A_294 : i32
            %mul3A_296 = arith.constant 128 : i32
            %mul3A_297 = arith.muli %mul3A_296, %add3A_165 : i32
            %dma_wait3A = arith.constant 0 : i32
            %dma_wait3A_298 = arith.constant 0 : i32
            %dma_wait3A_299 = tpu.memref_slice %run_scoped3A_18[%rem3A_295, %dma_wait3A, %dma_wait3A_298] : memref<2x128x64xf32, #tpu.memory_space<vmem>> -> memref<1x128x64xf32, #tpu.memory_space<vmem>>
            %dma_wait3A_300 = tpu.memref_squeeze %dma_wait3A_299 : memref<1x128x64xf32, #tpu.memory_space<vmem>> -> memref<128x64xf32, #tpu.memory_space<vmem>>
            %dma_wait3A_301 = arith.constant 0 : i32
            %dma_wait3A_302 = tpu.memref_slice %arg4[%mul3A_297, %dma_wait3A_301] : memref<74752x64xf32, #tpu.memory_space<hbm>> -> memref<128x64xf32, #tpu.memory_space<hbm>>
            %dma_wait3A_303 = tpu.memref_slice %run_scoped3A_19[%rem3A_295] : memref<2x!tpu.dma_semaphore, #tpu.memory_space<semaphore_mem>> -> memref<1x!tpu.dma_semaphore, #tpu.memory_space<semaphore_mem>>
            %dma_wait3A_304 = tpu.memref_squeeze %dma_wait3A_303 : memref<1x!tpu.dma_semaphore, #tpu.memory_space<semaphore_mem>> -> memref<!tpu.dma_semaphore, #tpu.memory_space<semaphore_mem>>
            %dma_wait3A_305 = arith.constant 0 : i32
            %dma_wait3A_306 = tpu.memref_slice %arg4[%mul3A_297, %dma_wait3A_305] : memref<74752x64xf32, #tpu.memory_space<hbm>> -> memref<128x64xf32, #tpu.memory_space<hbm>>
            %dma_wait3A_307 = arith.constant 0 : i32
            %dma_wait3A_308 = arith.constant 0 : i32
            %dma_wait3A_309 = tpu.memref_slice %run_scoped3A_18[%rem3A_295, %dma_wait3A_307, %dma_wait3A_308] : memref<2x128x64xf32, #tpu.memory_space<vmem>> -> memref<1x128x64xf32, #tpu.memory_space<vmem>>
            %dma_wait3A_310 = tpu.memref_squeeze %dma_wait3A_309 : memref<1x128x64xf32, #tpu.memory_space<vmem>> -> memref<128x64xf32, #tpu.memory_space<vmem>>
            tpu.wait_dma2 semaphore(%dma_wait3A_304 : memref<!tpu.dma_semaphore, #tpu.memory_space<semaphore_mem>>) src(%dma_wait3A_310 : memref<128x64xf32, #tpu.memory_space<vmem>>) dst(%dma_wait3A_306 : memref<128x64xf32, #tpu.memory_space<hbm>>)
            "tpu.trace_stop"() : () -> ()
          } else {
          }
          %and3A_275 = arith.constant true
          %and3A_276 = arith.andi %and3A_271, %and3A_275 : i1
          %add3A_277 = arith.constant 1 : i32
          %add3A_278 = arith.addi %while3A_146, %add3A_277 : i32
          %select_n3A_279 = arith.select %and3A_276, %add3A_278, %while3A_146 : i32
          %ne3A_280 = arith.cmpi ne, %add3A_155, %add3A_173 : i32
          %or3A_281 = arith.constant false
          %or3A_282 = arith.ori %or3A_281, %ne3A_280 : i1
          %or3A_283 = arith.ori %or3A_282, %eq3A_154 : i1
          %add3A_284 = arith.constant 1 : i32
          %add3A_285 = arith.addi %while3A_144, %add3A_284 : i32
          %select_n3A_286 = arith.select %or3A_283, %add3A_285, %while3A_144 : i32
          %add3A_287 = arith.constant 1 : i32
          %add3A_288 = arith.addi %while3A_147, %add3A_287 : i32
          %select_n3A_289 = arith.constant true
          %select_n3A_290 = arith.select %select_n3A_289, %add3A_288, %while3A_147 : i32
          %eq3A_291 = arith.cmpi eq, %select_n3A_290, %select_n3A : i32
          %select_n3A_292 = arith.constant 0 : i32
          %select_n3A_293 = arith.select %eq3A_291, %select_n3A_292, %select_n3A_290 : i32
          scf.yield %select_n3A_195, %select_n3A_286, %select_n3A_252, %select_n3A_279, %select_n3A_293 : i32, i32, i32, i32, i32
        }
        %sub3A_91 = arith.constant 1 : i32
        %sub3A_92 = arith.subi %while3A_90#4, %sub3A_91 : i32
        %select_n3A_93 = arith.constant true
        %select_n3A_94 = arith.select %select_n3A_93, %sub3A_92, %while3A_90#4 : i32
        %eq3A_95 = arith.constant -1 : i32
        %eq3A_96 = arith.cmpi eq, %select_n3A_94, %eq3A_95 : i32
        %sub3A_97 = arith.constant 1 : i32
        %sub3A_98 = arith.subi %select_n3A, %sub3A_97 : i32
        %select_n3A_99 = arith.select %eq3A_96, %sub3A_98, %select_n3A_94 : i32
        %sub3A_100 = arith.constant 1 : i32
        %sub3A_101 = arith.subi %mul3A_16, %sub3A_100 : i32
        %mul3A_102 = arith.constant 1 : i32
        %mul3A_103 = arith.muli %mul3A_102, %select_n3A : i32
        %eq3A_104 = arith.constant 0 : i32
        %eq3A_105 = arith.cmpi eq, %sub3A_101, %eq3A_104 : i32
        %sub3A_106 = arith.constant 1 : i32
        %sub3A_107 = arith.subi %mul3A_103, %sub3A_106 : i32
        %eq3A_108 = arith.cmpi eq, %sub3A_101, %sub3A_107 : i32
        %add3A_109 = arith.addi %select_n3A_99, %select_n3A_14 : i32
        %sub3A_110 = arith.constant 1 : i32
        %sub3A_111 = arith.subi %select_n3A_99, %sub3A_110 : i32
        %select_n3A_112 = arith.constant true
        %select_n3A_113 = arith.select %select_n3A_112, %sub3A_111, %select_n3A_99 : i32
        %eq3A_114 = arith.constant -1 : i32
        %eq3A_115 = arith.cmpi eq, %select_n3A_113, %eq3A_114 : i32
        %sub3A_116 = arith.constant 1 : i32
        %sub3A_117 = arith.subi %select_n3A, %sub3A_116 : i32
        %select_n3A_118 = arith.select %eq3A_115, %sub3A_117, %select_n3A_113 : i32
        %add3A_119 = arith.addi %select_n3A_118, %select_n3A_14 : i32
        %add3A_120 = arith.constant 1 : i32
        %add3A_121 = arith.addi %select_n3A_99, %add3A_120 : i32
        %select_n3A_122 = arith.constant true
        %select_n3A_123 = arith.select %select_n3A_122, %add3A_121, %select_n3A_99 : i32
        %eq3A_124 = arith.cmpi eq, %select_n3A_123, %select_n3A : i32
        %select_n3A_125 = arith.constant 0 : i32
        %select_n3A_126 = arith.select %eq3A_124, %select_n3A_125, %select_n3A_123 : i32
        %add3A_127 = arith.addi %select_n3A_126, %select_n3A_14 : i32
        %add3A_128 = arith.constant 1 : i32
        %add3A_129 = arith.addi %select_n3A_126, %add3A_128 : i32
        %select_n3A_130 = arith.constant true
        %select_n3A_131 = arith.select %select_n3A_130, %add3A_129, %select_n3A_126 : i32
        %eq3A_132 = arith.cmpi eq, %select_n3A_131, %select_n3A : i32
        %select_n3A_133 = arith.constant 0 : i32
        %select_n3A_134 = arith.select %eq3A_132, %select_n3A_133, %select_n3A_131 : i32
        %add3A_135 = arith.addi %select_n3A_134, %select_n3A_14 : i32
        %convert_element_type3A_136 = arith.extui %eq3A_108 : i1 to i32
        %cond3A_137 = arith.constant 0 : i32
        %cond3A_138 = arith.cmpi ne, %convert_element_type3A_136, %cond3A_137 : i32
        scf.if %cond3A_138 {
        } else {
        }
        %convert_element_type3A_139 = arith.extui %eq3A_108 : i1 to i32
        %cond3A_140 = arith.constant 0 : i32
        %cond3A_141 = arith.cmpi ne, %convert_element_type3A_139, %cond3A_140 : i32
        scf.if %cond3A_141 {
          "tpu.trace_start"() <{level = 10 : i32, message = "ep_finalize"}> : () -> ()
          %rem3A_142 = arith.constant 2 : i32
          %rem3A_143 = arith.remui %while3A_90#3, %rem3A_142 : i32
          %mul3A_144 = arith.constant 128 : i32
          %mul3A_145 = arith.muli %mul3A_144, %add3A_109 : i32
          %dma_wait3A = arith.constant 0 : i32
          %dma_wait3A_146 = arith.constant 0 : i32
          %dma_wait3A_147 = tpu.memref_slice %run_scoped3A_18[%rem3A_143, %dma_wait3A, %dma_wait3A_146] : memref<2x128x64xf32, #tpu.memory_space<vmem>> -> memref<1x128x64xf32, #tpu.memory_space<vmem>>
          %dma_wait3A_148 = tpu.memref_squeeze %dma_wait3A_147 : memref<1x128x64xf32, #tpu.memory_space<vmem>> -> memref<128x64xf32, #tpu.memory_space<vmem>>
          %dma_wait3A_149 = arith.constant 0 : i32
          %dma_wait3A_150 = tpu.memref_slice %arg4[%mul3A_145, %dma_wait3A_149] : memref<74752x64xf32, #tpu.memory_space<hbm>> -> memref<128x64xf32, #tpu.memory_space<hbm>>
          %dma_wait3A_151 = tpu.memref_slice %run_scoped3A_19[%rem3A_143] : memref<2x!tpu.dma_semaphore, #tpu.memory_space<semaphore_mem>> -> memref<1x!tpu.dma_semaphore, #tpu.memory_space<semaphore_mem>>
          %dma_wait3A_152 = tpu.memref_squeeze %dma_wait3A_151 : memref<1x!tpu.dma_semaphore, #tpu.memory_space<semaphore_mem>> -> memref<!tpu.dma_semaphore, #tpu.memory_space<semaphore_mem>>
          %dma_wait3A_153 = arith.constant 0 : i32
          %dma_wait3A_154 = tpu.memref_slice %arg4[%mul3A_145, %dma_wait3A_153] : memref<74752x64xf32, #tpu.memory_space<hbm>> -> memref<128x64xf32, #tpu.memory_space<hbm>>
          %dma_wait3A_155 = arith.constant 0 : i32
          %dma_wait3A_156 = arith.constant 0 : i32
          %dma_wait3A_157 = tpu.memref_slice %run_scoped3A_18[%rem3A_143, %dma_wait3A_155, %dma_wait3A_156] : memref<2x128x64xf32, #tpu.memory_space<vmem>> -> memref<1x128x64xf32, #tpu.memory_space<vmem>>
          %dma_wait3A_158 = tpu.memref_squeeze %dma_wait3A_157 : memref<1x128x64xf32, #tpu.memory_space<vmem>> -> memref<128x64xf32, #tpu.memory_space<vmem>>
          tpu.wait_dma2 semaphore(%dma_wait3A_152 : memref<!tpu.dma_semaphore, #tpu.memory_space<semaphore_mem>>) src(%dma_wait3A_158 : memref<128x64xf32, #tpu.memory_space<vmem>>) dst(%dma_wait3A_154 : memref<128x64xf32, #tpu.memory_space<hbm>>)
          "tpu.trace_stop"() : () -> ()
        } else {
        }
      } else {
      }
      tpu.yield
    }) : () -> ()
    return
  }
}

#map = affine_map<(d0, d1) -> (0, 0)>
module attributes {stable_mosaic.version = 14 : i64} {
  func.func @k(%arg0: i32, %arg1: i32, %arg2: memref<100000x64xf32, #tpu.memory_space<hbm>>, %arg3: memref<1x74752xi32, #tpu.memory_space<hbm>>, %arg4: memref<74752x64xf32, #tpu.memory_space<hbm>>) attributes {dimension_semantics = [#tpu.dimension_semantics<core_parallel>, #tpu.dimension_semantics<subcore_parallel>], iteration_bounds = array<i64: 2, 16>, scalar_prefetch = 0 : i64, scratch_operands = 0 : i64, tpu.core_type = #tpu.core_type<sc_vector_subcore>, window_params = [{transform_indices = #map}, {transform_indices = #map}, {transform_indices = #map}]} {
    %mul3A = arith.constant 1 : i32
    %mul3A_0 = arith.muli %arg1, %mul3A : i32
    %add3A = arith.constant 0 : i32
    %add3A_1 = arith.addi %add3A, %mul3A_0 : i32
    %mul3A_2 = arith.constant 16 : i32
    %mul3A_3 = arith.muli %arg0, %mul3A_2 : i32
    %add3A_4 = arith.addi %add3A_1, %mul3A_3 : i32
    %lt3A = arith.constant 8 : i32
    %lt3A_5 = arith.cmpi slt, %add3A_4, %lt3A : i32
    %jit3A = arith.constant 19 : i32
    %jit3A_6 = arith.constant 18 : i32
    %select_n3A = arith.select %lt3A_5, %jit3A, %jit3A_6 : i32
    %lt3A_7 = arith.constant 8 : i32
    %lt3A_8 = arith.cmpi slt, %add3A_4, %lt3A_7 : i32
    %mul3A_9 = arith.muli %add3A_4, %select_n3A : i32
    %mul3A_10 = arith.constant 18 : i32
    %mul3A_11 = arith.muli %add3A_4, %mul3A_10 : i32
    %add3A_12 = arith.constant 8 : i32
    %add3A_13 = arith.addi %mul3A_11, %add3A_12 : i32
    %select_n3A_14 = arith.select %lt3A_8, %mul3A_9, %add3A_13 : i32
    %mul3A_15 = arith.constant 1 : i32
    %mul3A_16 = arith.muli %mul3A_15, %select_n3A : i32
    "tpu.region"() ({
      %run_scoped3A = memref.alloca() : memref<2x1x128xi32, #tpu.memory_space<vmem>>
      %run_scoped3A_17 = tpu.sem_alloc : memref<2x!tpu.dma_semaphore, #tpu.memory_space<semaphore_mem>>
      %run_scoped3A_18 = memref.alloca() : memref<2x128x64xf32, #tpu.memory_space<vmem>>
      %run_scoped3A_19 = tpu.sem_alloc : memref<2x!tpu.dma_semaphore, #tpu.memory_space<semaphore_mem>>
      %gt3A = arith.constant 0 : i32
      %gt3A_20 = arith.cmpi sgt, %mul3A_16, %gt3A : i32
      %convert_element_type3A = arith.extui %gt3A_20 : i1 to i32
      %cond3A = arith.constant 0 : i32
      %cond3A_21 = arith.cmpi ne, %convert_element_type3A, %cond3A : i32
      scf.if %cond3A_21 {
        %mul3A_22 = arith.constant 1 : i32
        %mul3A_23 = arith.muli %mul3A_22, %select_n3A : i32
        %sub3A = arith.constant 1 : i32
        %sub3A_24 = arith.subi %mul3A_23, %sub3A : i32
        %eq3A = arith.constant 0 : i32
        %eq3A_25 = arith.cmpi eq, %sub3A_24, %eq3A : i32
        %add3A_26 = arith.constant 0 : i32
        %add3A_27 = arith.addi %add3A_26, %select_n3A_14 : i32
        %select_n3A_28 = arith.constant true
        %select_n3A_29 = arith.constant 0 : i32
        %select_n3A_30 = arith.constant -1 : i32
        %select_n3A_31 = arith.select %select_n3A_28, %select_n3A_30, %select_n3A_29 : i32
        %eq3A_32 = arith.constant -1 : i32
        %eq3A_33 = arith.cmpi eq, %select_n3A_31, %eq3A_32 : i32
        %sub3A_34 = arith.constant 1 : i32
        %sub3A_35 = arith.subi %select_n3A, %sub3A_34 : i32
        %select_n3A_36 = arith.select %eq3A_33, %sub3A_35, %select_n3A_31 : i32
        %add3A_37 = arith.addi %select_n3A_36, %select_n3A_14 : i32
        %select_n3A_38 = arith.constant true
        %select_n3A_39 = arith.constant 0 : i32
        %select_n3A_40 = arith.constant 1 : i32
        %select_n3A_41 = arith.select %select_n3A_38, %select_n3A_40, %select_n3A_39 : i32
        %eq3A_42 = arith.cmpi eq, %select_n3A_41, %select_n3A : i32
        %select_n3A_43 = arith.constant 0 : i32
        %select_n3A_44 = arith.select %eq3A_42, %select_n3A_43, %select_n3A_41 : i32
        %add3A_45 = arith.addi %select_n3A_44, %select_n3A_14 : i32
        %add3A_46 = arith.constant 1 : i32
        %add3A_47 = arith.addi %select_n3A_44, %add3A_46 : i32
        %select_n3A_48 = arith.constant true
        %select_n3A_49 = arith.select %select_n3A_48, %add3A_47, %select_n3A_44 : i32
        %eq3A_50 = arith.cmpi eq, %select_n3A_49, %select_n3A : i32
        %select_n3A_51 = arith.constant 0 : i32
        %select_n3A_52 = arith.select %eq3A_50, %select_n3A_51, %select_n3A_49 : i32
        %add3A_53 = arith.addi %select_n3A_52, %select_n3A_14 : i32
        "tpu.trace_start"() <{level = 10 : i32, message = "ep_initialize_0"}> : () -> ()
        %rem3A = arith.constant 0 : i32
        %rem3A_54 = arith.constant 2 : i32
        %rem3A_55 = arith.remui %rem3A, %rem3A_54 : i32
        %mul3A_56 = arith.constant 128 : i32
        %mul3A_57 = arith.muli %mul3A_56, %add3A_27 : i32
        %dma_start3A = arith.constant 0 : i32
        %dma_start3A_58 = arith.constant 0 : i32
        %dma_start3A_59 = tpu.memref_slice %run_scoped3A[%rem3A_55, %dma_start3A, %dma_start3A_58] : memref<2x1x128xi32, #tpu.memory_space<vmem>> -> memref<1x1x128xi32, #tpu.memory_space<vmem>>
        %dma_start3A_60 = tpu.memref_squeeze %dma_start3A_59 : memref<1x1x128xi32, #tpu.memory_space<vmem>> -> memref<1x128xi32, #tpu.memory_space<vmem>>
        %dma_start3A_61 = arith.constant 0 : i32
        %dma_start3A_62 = tpu.memref_slice %arg3[%dma_start3A_61, %mul3A_57] : memref<1x74752xi32, #tpu.memory_space<hbm>> -> memref<1x128xi32, #tpu.memory_space<hbm>>
        %dma_start3A_63 = tpu.memref_slice %run_scoped3A_17[%rem3A_55] : memref<2x!tpu.dma_semaphore, #tpu.memory_space<semaphore_mem>> -> memref<1x!tpu.dma_semaphore, #tpu.memory_space<semaphore_mem>>
        %dma_start3A_64 = tpu.memref_squeeze %dma_start3A_63 : memref<1x!tpu.dma_semaphore, #tpu.memory_space<semaphore_mem>> -> memref<!tpu.dma_semaphore, #tpu.memory_space<semaphore_mem>>
        %dma_start3A_65 = arith.constant 0 : i32
        %dma_start3A_66 = arith.constant 0 : i32
        %dma_start3A_67 = tpu.memref_slice %run_scoped3A[%rem3A_55, %dma_start3A_65, %dma_start3A_66] : memref<2x1x128xi32, #tpu.memory_space<vmem>> -> memref<1x1x128xi32, #tpu.memory_space<vmem>>
        %dma_start3A_68 = tpu.memref_squeeze %dma_start3A_67 : memref<1x1x128xi32, #tpu.memory_space<vmem>> -> memref<1x128xi32, #tpu.memory_space<vmem>>
        %dma_start3A_69 = arith.constant 0 : i32
        %dma_start3A_70 = tpu.memref_slice %arg3[%dma_start3A_69, %mul3A_57] : memref<1x74752xi32, #tpu.memory_space<hbm>> -> memref<1x128xi32, #tpu.memory_space<hbm>>
        tpu.enqueue_dma source(%dma_start3A_70 : memref<1x128xi32, #tpu.memory_space<hbm>>) target(%dma_start3A_68 : memref<1x128xi32, #tpu.memory_space<vmem>>) target_semaphore(%dma_start3A_64 : memref<!tpu.dma_semaphore, #tpu.memory_space<semaphore_mem>>)
        %add3A_71 = arith.constant 0 : i32
        %add3A_72 = arith.constant 1 : i32
        %add3A_73 = arith.addi %add3A_71, %add3A_72 : i32
        %select_n3A_74 = arith.constant true
        %select_n3A_75 = arith.constant 0 : i32
        %select_n3A_76 = arith.select %select_n3A_74, %add3A_73, %select_n3A_75 : i32
        %while3A = arith.constant 0 : i32
        %while3A_77 = arith.constant 0 : i32
        %while3A_78 = arith.constant 0 : i32
        %while3A_79 = arith.constant 0 : i32
        %while3A_80 = arith.constant 0 : i32
        "tpu.trace_stop"() : () -> ()
        %while3A_81 = arith.subi %mul3A_16, %while3A : i32
        %while3A_82 = arith.addi %while3A, %while3A_81 : i32
        %while3A_83 = arith.constant 1 : i32
        %while3A_84 = arith.divsi %while3A_81, %while3A_83 : i32
        %while3A_85 = arith.muli %while3A_84, %while3A_83 : i32
        %while3A_86 = arith.addi %while3A, %while3A_85 : i32
        %while3A_87 = arith.constant 1 : i32
        %while3A_88:5 = scf.for %while3A_142 = %while3A to %while3A_86 step %while3A_87 iter_args(%while3A_143 = %select_n3A_76, %while3A_144 = %while3A_77, %while3A_145 = %while3A_78, %while3A_146 = %while3A_79, %while3A_147 = %while3A_80) -> (i32, i32, i32, i32, i32)  : i32 {
          %mul3A_148 = arith.constant 1 : i32
          %mul3A_149 = arith.muli %mul3A_148, %select_n3A : i32
          %eq3A_150 = arith.constant 0 : i32
          %eq3A_151 = arith.cmpi eq, %while3A_142, %eq3A_150 : i32
          %sub3A_152 = arith.constant 1 : i32
          %sub3A_153 = arith.subi %mul3A_149, %sub3A_152 : i32
          %eq3A_154 = arith.cmpi eq, %while3A_142, %sub3A_153 : i32
          %add3A_155 = arith.addi %while3A_147, %select_n3A_14 : i32
          %sub3A_156 = arith.constant 1 : i32
          %sub3A_157 = arith.subi %while3A_147, %sub3A_156 : i32
          %select_n3A_158 = arith.constant true
          %select_n3A_159 = arith.select %select_n3A_158, %sub3A_157, %while3A_147 : i32
          %eq3A_160 = arith.constant -1 : i32
          %eq3A_161 = arith.cmpi eq, %select_n3A_159, %eq3A_160 : i32
          %sub3A_162 = arith.constant 1 : i32
          %sub3A_163 = arith.subi %select_n3A, %sub3A_162 : i32
          %select_n3A_164 = arith.select %eq3A_161, %sub3A_163, %select_n3A_159 : i32
          %add3A_165 = arith.addi %select_n3A_164, %select_n3A_14 : i32
          %add3A_166 = arith.constant 1 : i32
          %add3A_167 = arith.addi %while3A_147, %add3A_166 : i32
          %select_n3A_168 = arith.constant true
          %select_n3A_169 = arith.select %select_n3A_168, %add3A_167, %while3A_147 : i32
          %eq3A_170 = arith.cmpi eq, %select_n3A_169, %select_n3A : i32
          %select_n3A_171 = arith.constant 0 : i32
          %select_n3A_172 = arith.select %eq3A_170, %select_n3A_171, %select_n3A_169 : i32
          %add3A_173 = arith.addi %select_n3A_172, %select_n3A_14 : i32
          %add3A_174 = arith.constant 1 : i32
          %add3A_175 = arith.addi %select_n3A_172, %add3A_174 : i32
          %select_n3A_176 = arith.constant true
          %select_n3A_177 = arith.select %select_n3A_176, %add3A_175, %select_n3A_172 : i32
          %eq3A_178 = arith.cmpi eq, %select_n3A_177, %select_n3A : i32
          %select_n3A_179 = arith.constant 0 : i32
          %select_n3A_180 = arith.select %eq3A_178, %select_n3A_179, %select_n3A_177 : i32
          %add3A_181 = arith.addi %select_n3A_180, %select_n3A_14 : i32
          %ne3A = arith.cmpi ne, %add3A_155, %add3A_173 : i32
          %or3A = arith.constant false
          %or3A_182 = arith.ori %or3A, %ne3A : i1
          %sub3A_183 = arith.constant 2 : i32
          %sub3A_184 = arith.subi %mul3A_149, %sub3A_183 : i32
          %add3A_185 = arith.constant 1 : i32
          %add3A_186 = arith.addi %sub3A_184, %add3A_185 : i32
          %ge3A = arith.cmpi sge, %while3A_142, %add3A_186 : i32
          %not3A = arith.constant true
          %not3A_187 = arith.xori %ge3A, %not3A : i1
          %and3A = arith.andi %or3A_182, %not3A_187 : i1
          %convert_element_type3A_188 = arith.extui %and3A : i1 to i32
          %cond3A_189 = arith.constant 0 : i32
          %cond3A_190 = arith.cmpi ne, %convert_element_type3A_188, %cond3A_189 : i32
          scf.if %cond3A_190 {
            "tpu.trace_start"() <{level = 10 : i32, message = "ep_copy_in"}> : () -> ()
            %rem3A_294 = arith.constant 2 : i32
            %rem3A_295 = arith.remui %while3A_143, %rem3A_294 : i32
            %mul3A_296 = arith.constant 128 : i32
            %mul3A_297 = arith.muli %mul3A_296, %add3A_173 : i32
            %dma_start3A_298 = arith.constant 0 : i32
            %dma_start3A_299 = arith.constant 0 : i32
            %dma_start3A_300 = tpu.memref_slice %run_scoped3A[%rem3A_295, %dma_start3A_298, %dma_start3A_299] : memref<2x1x128xi32, #tpu.memory_space<vmem>> -> memref<1x1x128xi32, #tpu.memory_space<vmem>>
            %dma_start3A_301 = tpu.memref_squeeze %dma_start3A_300 : memref<1x1x128xi32, #tpu.memory_space<vmem>> -> memref<1x128xi32, #tpu.memory_space<vmem>>
            %dma_start3A_302 = arith.constant 0 : i32
            %dma_start3A_303 = tpu.memref_slice %arg3[%dma_start3A_302, %mul3A_297] : memref<1x74752xi32, #tpu.memory_space<hbm>> -> memref<1x128xi32, #tpu.memory_space<hbm>>
            %dma_start3A_304 = tpu.memref_slice %run_scoped3A_17[%rem3A_295] : memref<2x!tpu.dma_semaphore, #tpu.memory_space<semaphore_mem>> -> memref<1x!tpu.dma_semaphore, #tpu.memory_space<semaphore_mem>>
            %dma_start3A_305 = tpu.memref_squeeze %dma_start3A_304 : memref<1x!tpu.dma_semaphore, #tpu.memory_space<semaphore_mem>> -> memref<!tpu.dma_semaphore, #tpu.memory_space<semaphore_mem>>
            %dma_start3A_306 = arith.constant 0 : i32
            %dma_start3A_307 = arith.constant 0 : i32
            %dma_start3A_308 = tpu.memref_slice %run_scoped3A[%rem3A_295, %dma_start3A_306, %dma_start3A_307] : memref<2x1x128xi32, #tpu.memory_space<vmem>> -> memref<1x1x128xi32, #tpu.memory_space<vmem>>
            %dma_start3A_309 = tpu.memref_squeeze %dma_start3A_308 : memref<1x1x128xi32, #tpu.memory_space<vmem>> -> memref<1x128xi32, #tpu.memory_space<vmem>>
            %dma_start3A_310 = arith.constant 0 : i32
            %dma_start3A_311 = tpu.memref_slice %arg3[%dma_start3A_310, %mul3A_297] : memref<1x74752xi32, #tpu.memory_space<hbm>> -> memref<1x128xi32, #tpu.memory_space<hbm>>
            tpu.enqueue_dma source(%dma_start3A_311 : memref<1x128xi32, #tpu.memory_space<hbm>>) target(%dma_start3A_309 : memref<1x128xi32, #tpu.memory_space<vmem>>) target_semaphore(%dma_start3A_305 : memref<!tpu.dma_semaphore, #tpu.memory_space<semaphore_mem>>)
            "tpu.trace_stop"() : () -> ()
          } else {
          }
          %and3A_191 = arith.constant true
          %and3A_192 = arith.andi %and3A, %and3A_191 : i1
          %add3A_193 = arith.constant 1 : i32
          %add3A_194 = arith.addi %while3A_143, %add3A_193 : i32
          %select_n3A_195 = arith.select %and3A_192, %add3A_194, %while3A_143 : i32
          %ne3A_196 = arith.cmpi ne, %add3A_155, %add3A_173 : i32
          %or3A_197 = arith.constant false
          %or3A_198 = arith.ori %or3A_197, %ne3A_196 : i1
          %or3A_199 = arith.constant false
          %or3A_200 = arith.ori %or3A_198, %or3A_199 : i1
          %sub3A_201 = arith.constant 2 : i32
          %sub3A_202 = arith.subi %mul3A_149, %sub3A_201 : i32
          %add3A_203 = arith.constant 1 : i32
          %add3A_204 = arith.addi %sub3A_202, %add3A_203 : i32
          %ge3A_205 = arith.cmpi sge, %while3A_142, %add3A_204 : i32
          %not3A_206 = arith.constant true
          %not3A_207 = arith.xori %ge3A_205, %not3A_206 : i1
          %and3A_208 = arith.andi %or3A_200, %not3A_207 : i1
          %ne3A_209 = arith.cmpi ne, %add3A_155, %add3A_165 : i32
          %or3A_210 = arith.constant false
          %or3A_211 = arith.ori %or3A_210, %ne3A_209 : i1
          %or3A_212 = arith.ori %or3A_211, %eq3A_151 : i1
          %convert_element_type3A_213 = arith.extui %or3A_212 : i1 to i32
          %cond3A_214 = arith.constant 0 : i32
          %cond3A_215 = arith.cmpi ne, %convert_element_type3A_213, %cond3A_214 : i32
          scf.if %cond3A_215 {
            "tpu.trace_start"() <{level = 10 : i32, message = "ep_wait_in"}> : () -> ()
            %mul3A_294 = arith.constant 128 : i32
            %mul3A_295 = arith.muli %mul3A_294, %add3A_155 : i32
            %rem3A_296 = arith.constant 2 : i32
            %rem3A_297 = arith.remui %while3A_144, %rem3A_296 : i32
            %dma_wait3A = arith.constant 0 : i32
            %dma_wait3A_298 = arith.constant 0 : i32
            %dma_wait3A_299 = tpu.memref_slice %run_scoped3A[%rem3A_297, %dma_wait3A, %dma_wait3A_298] : memref<2x1x128xi32, #tpu.memory_space<vmem>> -> memref<1x1x128xi32, #tpu.memory_space<vmem>>
            %dma_wait3A_300 = tpu.memref_squeeze %dma_wait3A_299 : memref<1x1x128xi32, #tpu.memory_space<vmem>> -> memref<1x128xi32, #tpu.memory_space<vmem>>
            %dma_wait3A_301 = arith.constant 0 : i32
            %dma_wait3A_302 = tpu.memref_slice %arg3[%dma_wait3A_301, %mul3A_295] : memref<1x74752xi32, #tpu.memory_space<hbm>> -> memref<1x128xi32, #tpu.memory_space<hbm>>
            %dma_wait3A_303 = tpu.memref_slice %run_scoped3A_17[%rem3A_297] : memref<2x!tpu.dma_semaphore, #tpu.memory_space<semaphore_mem>> -> memref<1x!tpu.dma_semaphore, #tpu.memory_space<semaphore_mem>>
            %dma_wait3A_304 = tpu.memref_squeeze %dma_wait3A_303 : memref<1x!tpu.dma_semaphore, #tpu.memory_space<semaphore_mem>> -> memref<!tpu.dma_semaphore, #tpu.memory_space<semaphore_mem>>
            %dma_wait3A_305 = arith.constant 0 : i32
            %dma_wait3A_306 = arith.constant 0 : i32
            %dma_wait3A_307 = tpu.memref_slice %run_scoped3A[%rem3A_297, %dma_wait3A_305, %dma_wait3A_306] : memref<2x1x128xi32, #tpu.memory_space<vmem>> -> memref<1x1x128xi32, #tpu.memory_space<vmem>>
            %dma_wait3A_308 = tpu.memref_squeeze %dma_wait3A_307 : memref<1x1x128xi32, #tpu.memory_space<vmem>> -> memref<1x128xi32, #tpu.memory_space<vmem>>
            %dma_wait3A_309 = arith.constant 0 : i32
            %dma_wait3A_310 = tpu.memref_slice %arg3[%dma_wait3A_309, %mul3A_295] : memref<1x74752xi32, #tpu.memory_space<hbm>> -> memref<1x128xi32, #tpu.memory_space<hbm>>
            tpu.wait_dma2 semaphore(%dma_wait3A_304 : memref<!tpu.dma_semaphore, #tpu.memory_space<semaphore_mem>>) src(%dma_wait3A_310 : memref<1x128xi32, #tpu.memory_space<hbm>>) dst(%dma_wait3A_308 : memref<1x128xi32, #tpu.memory_space<vmem>>)
            "tpu.trace_stop"() : () -> ()
          } else {
          }
          %ne3A_216 = arith.cmpi ne, %add3A_155, %add3A_165 : i32
          %or3A_217 = arith.constant false
          %or3A_218 = arith.ori %or3A_217, %ne3A_216 : i1
          %or3A_219 = arith.constant false
          %or3A_220 = arith.ori %or3A_218, %or3A_219 : i1
          %or3A_221 = arith.ori %or3A_220, %eq3A_151 : i1
          %convert_element_type3A_222 = arith.extui %or3A_221 : i1 to i32
          %cond3A_223 = arith.constant 0 : i32
          %cond3A_224 = arith.cmpi ne, %convert_element_type3A_222, %cond3A_223 : i32
          scf.if %cond3A_224 {
          } else {
          }
          %rem3A_225 = arith.constant 2 : i32
          %rem3A_226 = arith.remui %while3A_144, %rem3A_225 : i32
          %rem3A_227 = arith.constant 2 : i32
          %rem3A_228 = arith.remui %while3A_145, %rem3A_227 : i32
          %run_scoped3A_229 = arith.constant 0 : i32
          "tpu.trace_start"() <{level = 10 : i32, message = "ep_run_kernel"}> : () -> ()
          "tpu.region"() ({
            %run_scoped3A_294 = tpu.sem_alloc : memref<!tpu.dma_semaphore, #tpu.memory_space<semaphore_mem>>
            %dma_start3A_295 = arith.constant 0 : i32
            %dma_start3A_296 = arith.constant 0 : i32
            %dma_start3A_297 = tpu.memref_slice %run_scoped3A_18[%rem3A_228, %dma_start3A_295, %dma_start3A_296] : memref<2x128x64xf32, #tpu.memory_space<vmem>> -> memref<1x128x64xf32, #tpu.memory_space<vmem>>
            %dma_start3A_298 = tpu.memref_squeeze %dma_start3A_297 : memref<1x128x64xf32, #tpu.memory_space<vmem>> -> memref<128x64xf32, #tpu.memory_space<vmem>>
            %dma_start3A_299 = arith.constant 0 : i32
            %dma_start3A_300 = arith.constant 0 : i32
            %dma_start3A_301 = tpu.memref_slice %run_scoped3A[%rem3A_226, %dma_start3A_299, %dma_start3A_300] : memref<2x1x128xi32, #tpu.memory_space<vmem>> -> memref<1x1x128xi32, #tpu.memory_space<vmem>>
            %dma_start3A_302 = tpu.memref_squeeze %dma_start3A_301 : memref<1x1x128xi32, #tpu.memory_space<vmem>> -> memref<1x128xi32, #tpu.memory_space<vmem>>
            %dma_start3A_303 = arith.constant 0 : i32
            %dma_start3A_304 = tpu.memref_slice %dma_start3A_302[%run_scoped3A_229, %dma_start3A_303] : memref<1x128xi32, #tpu.memory_space<vmem>> -> memref<1x128xi32, #tpu.memory_space<vmem>>
            %dma_start3A_305 = tpu.memref_squeeze %dma_start3A_304 : memref<1x128xi32, #tpu.memory_space<vmem>> -> memref<128xi32, #tpu.memory_space<vmem>>
            %dma_start3A_306 = arith.constant 0 : i32
            %dma_start3A_307 = arith.constant 0 : i32
            %dma_start3A_308 = tpu.memref_slice %arg2[%dma_start3A_306, %dma_start3A_307] : memref<100000x64xf32, #tpu.memory_space<hbm>> -> memref<100000x64xf32, #tpu.memory_space<hbm>>
            tpu.enqueue_indirect_dma source(%dma_start3A_308 : memref<100000x64xf32, #tpu.memory_space<hbm>>) target(%dma_start3A_298 : memref<128x64xf32, #tpu.memory_space<vmem>>) offsets(%dma_start3A_305 : memref<128xi32, #tpu.memory_space<vmem>>) semaphore(%run_scoped3A_294 : memref<!tpu.dma_semaphore, #tpu.memory_space<semaphore_mem>>)
            %dma_wait3A = arith.constant 0 : i32
            %dma_wait3A_309 = arith.constant 0 : i32
            %dma_wait3A_310 = tpu.memref_slice %run_scoped3A_18[%rem3A_228, %dma_wait3A, %dma_wait3A_309] : memref<2x128x64xf32, #tpu.memory_space<vmem>> -> memref<1x128x64xf32, #tpu.memory_space<vmem>>
            %dma_wait3A_311 = tpu.memref_squeeze %dma_wait3A_310 : memref<1x128x64xf32, #tpu.memory_space<vmem>> -> memref<128x64xf32, #tpu.memory_space<vmem>>
            %dma_wait3A_312 = arith.constant 0 : i32
            %dma_wait3A_313 = arith.constant 0 : i32
            %dma_wait3A_314 = tpu.memref_slice %run_scoped3A[%rem3A_226, %dma_wait3A_312, %dma_wait3A_313] : memref<2x1x128xi32, #tpu.memory_space<vmem>> -> memref<1x1x128xi32, #tpu.memory_space<vmem>>
            %dma_wait3A_315 = tpu.memref_squeeze %dma_wait3A_314 : memref<1x1x128xi32, #tpu.memory_space<vmem>> -> memref<1x128xi32, #tpu.memory_space<vmem>>
            %dma_wait3A_316 = arith.constant 0 : i32
            %dma_wait3A_317 = tpu.memref_slice %dma_wait3A_315[%run_scoped3A_229, %dma_wait3A_316] : memref<1x128xi32, #tpu.memory_space<vmem>> -> memref<1x128xi32, #tpu.memory_space<vmem>>
            %dma_wait3A_318 = tpu.memref_squeeze %dma_wait3A_317 : memref<1x128xi32, #tpu.memory_space<vmem>> -> memref<128xi32, #tpu.memory_space<vmem>>
            %dma_wait3A_319 = arith.constant 0 : i32
            %dma_wait3A_320 = arith.constant 0 : i32
            %dma_wait3A_321 = tpu.memref_slice %arg2[%dma_wait3A_319, %dma_wait3A_320] : memref<100000x64xf32, #tpu.memory_space<hbm>> -> memref<100000x64xf32, #tpu.memory_space<hbm>>
            tpu.wait_indirect_dma semaphore(%run_scoped3A_294 : memref<!tpu.dma_semaphore, #tpu.memory_space<semaphore_mem>>) src(%dma_wait3A_321 : memref<100000x64xf32, #tpu.memory_space<hbm>>) dst(%dma_wait3A_311 : memref<128x64xf32, #tpu.memory_space<vmem>>)
            tpu.yield
          }) : () -> ()
          "tpu.trace_stop"() : () -> ()
          %ne3A_230 = arith.cmpi ne, %add3A_155, %add3A_173 : i32
          %or3A_231 = arith.constant false
          %or3A_232 = arith.ori %or3A_231, %ne3A_230 : i1
          %or3A_233 = arith.ori %or3A_232, %eq3A_154 : i1
          %convert_element_type3A_234 = arith.extui %or3A_233 : i1 to i32
          %cond3A_235 = arith.constant 0 : i32
          %cond3A_236 = arith.cmpi ne, %convert_element_type3A_234, %cond3A_235 : i32
          scf.if %cond3A_236 {
          } else {
          }
          %and3A_237 = arith.constant false
          %and3A_238 = arith.andi %or3A_233, %and3A_237 : i1
          %ne3A_239 = arith.cmpi ne, %add3A_155, %add3A_173 : i32
          %or3A_240 = arith.constant false
          %or3A_241 = arith.ori %or3A_240, %ne3A_239 : i1
          %or3A_242 = arith.constant false
          %or3A_243 = arith.ori %or3A_241, %or3A_242 : i1
          %or3A_244 = arith.ori %or3A_243, %eq3A_154 : i1
          %convert_element_type3A_245 = arith.extui %or3A_244 : i1 to i32
          %cond3A_246 = arith.constant 0 : i32
          %cond3A_247 = arith.cmpi ne, %convert_element_type3A_245, %cond3A_246 : i32
          scf.if %cond3A_247 {
            "tpu.trace_start"() <{level = 10 : i32, message = "ep_copy_out"}> : () -> ()
            %rem3A_294 = arith.constant 2 : i32
            %rem3A_295 = arith.remui %while3A_145, %rem3A_294 : i32
            %mul3A_296 = arith.constant 128 : i32
            %mul3A_297 = arith.muli %mul3A_296, %add3A_155 : i32
            %dma_start3A_298 = arith.constant 0 : i32
            %dma_start3A_299 = arith.constant 0 : i32
            %dma_start3A_300 = tpu.memref_slice %run_scoped3A_18[%rem3A_295, %dma_start3A_298, %dma_start3A_299] : memref<2x128x64xf32, #tpu.memory_space<vmem>> -> memref<1x128x64xf32, #tpu.memory_space<vmem>>
            %dma_start3A_301 = tpu.memref_squeeze %dma_start3A_300 : memref<1x128x64xf32, #tpu.memory_space<vmem>> -> memref<128x64xf32, #tpu.memory_space<vmem>>
            %dma_start3A_302 = arith.constant 0 : i32
            %dma_start3A_303 = tpu.memref_slice %arg4[%mul3A_297, %dma_start3A_302] : memref<74752x64xf32, #tpu.memory_space<hbm>> -> memref<128x64xf32, #tpu.memory_space<hbm>>
            %dma_start3A_304 = tpu.memref_slice %run_scoped3A_19[%rem3A_295] : memref<2x!tpu.dma_semaphore, #tpu.memory_space<semaphore_mem>> -> memref<1x!tpu.dma_semaphore, #tpu.memory_space<semaphore_mem>>
            %dma_start3A_305 = tpu.memref_squeeze %dma_start3A_304 : memref<1x!tpu.dma_semaphore, #tpu.memory_space<semaphore_mem>> -> memref<!tpu.dma_semaphore, #tpu.memory_space<semaphore_mem>>
            %dma_start3A_306 = arith.constant 0 : i32
            %dma_start3A_307 = tpu.memref_slice %arg4[%mul3A_297, %dma_start3A_306] : memref<74752x64xf32, #tpu.memory_space<hbm>> -> memref<128x64xf32, #tpu.memory_space<hbm>>
            %dma_start3A_308 = arith.constant 0 : i32
            %dma_start3A_309 = arith.constant 0 : i32
            %dma_start3A_310 = tpu.memref_slice %run_scoped3A_18[%rem3A_295, %dma_start3A_308, %dma_start3A_309] : memref<2x128x64xf32, #tpu.memory_space<vmem>> -> memref<1x128x64xf32, #tpu.memory_space<vmem>>
            %dma_start3A_311 = tpu.memref_squeeze %dma_start3A_310 : memref<1x128x64xf32, #tpu.memory_space<vmem>> -> memref<128x64xf32, #tpu.memory_space<vmem>>
            tpu.enqueue_dma source(%dma_start3A_311 : memref<128x64xf32, #tpu.memory_space<vmem>>) target(%dma_start3A_307 : memref<128x64xf32, #tpu.memory_space<hbm>>) target_semaphore(%dma_start3A_305 : memref<!tpu.dma_semaphore, #tpu.memory_space<semaphore_mem>>)
            "tpu.trace_stop"() : () -> ()
          } else {
          }
          %and3A_248 = arith.constant true
          %and3A_249 = arith.andi %or3A_244, %and3A_248 : i1
          %add3A_250 = arith.constant 1 : i32
          %add3A_251 = arith.addi %while3A_145, %add3A_250 : i32
          %select_n3A_252 = arith.select %and3A_249, %add3A_251, %while3A_145 : i32
          %ne3A_253 = arith.cmpi ne, %add3A_155, %add3A_165 : i32
          %or3A_254 = arith.constant false
          %or3A_255 = arith.ori %or3A_254, %ne3A_253 : i1
          %not3A_256 = arith.constant true
          %not3A_257 = arith.xori %eq3A_151, %not3A_256 : i1
          %and3A_258 = arith.andi %or3A_255, %not3A_257 : i1
          %convert_element_type3A_259 = arith.extui %and3A_258 : i1 to i32
          %cond3A_260 = arith.constant 0 : i32
          %cond3A_261 = arith.cmpi ne, %convert_element_type3A_259, %cond3A_260 : i32
          scf.if %cond3A_261 {
          } else {
          }
          %and3A_262 = arith.constant false
          %and3A_263 = arith.andi %and3A_258, %and3A_262 : i1
          %ne3A_264 = arith.cmpi ne, %add3A_155, %add3A_165 : i32
          %or3A_265 = arith.constant false
          %or3A_266 = arith.ori %or3A_265, %ne3A_264 : i1
          %or3A_267 = arith.constant false
          %or3A_268 = arith.ori %or3A_266, %or3A_267 : i1
          %not3A_269 = arith.constant true
          %not3A_270 = arith.xori %eq3A_151, %not3A_269 : i1
          %and3A_271 = arith.andi %or3A_268, %not3A_270 : i1
          %convert_element_type3A_272 = arith.extui %and3A_271 : i1 to i32
          %cond3A_273 = arith.constant 0 : i32
          %cond3A_274 = arith.cmpi ne, %convert_element_type3A_272, %cond3A_273 : i32
          scf.if %cond3A_274 {
            "tpu.trace_start"() <{level = 10 : i32, message = "ep_wait_out"}> : () -> ()
            %rem3A_294 = arith.constant 2 : i32
            %rem3A_295 = arith.remui %while3A_146, %rem3A_294 : i32
            %mul3A_296 = arith.constant 128 : i32
            %mul3A_297 = arith.muli %mul3A_296, %add3A_165 : i32
            %dma_wait3A = arith.constant 0 : i32
            %dma_wait3A_298 = arith.constant 0 : i32
            %dma_wait3A_299 = tpu.memref_slice %run_scoped3A_18[%rem3A_295, %dma_wait3A, %dma_wait3A_298] : memref<2x128x64xf32, #tpu.memory_space<vmem>> -> memref<1x128x64xf32, #tpu.memory_space<vmem>>
            %dma_wait3A_300 = tpu.memref_squeeze %dma_wait3A_299 : memref<1x128x64xf32, #tpu.memory_space<vmem>> -> memref<128x64xf32, #tpu.memory_space<vmem>>
            %dma_wait3A_301 = arith.constant 0 : i32
            %dma_wait3A_302 = tpu.memref_slice %arg4[%mul3A_297, %dma_wait3A_301] : memref<74752x64xf32, #tpu.memory_space<hbm>> -> memref<128x64xf32, #tpu.memory_space<hbm>>
            %dma_wait3A_303 = tpu.memref_slice %run_scoped3A_19[%rem3A_295] : memref<2x!tpu.dma_semaphore, #tpu.memory_space<semaphore_mem>> -> memref<1x!tpu.dma_semaphore, #tpu.memory_space<semaphore_mem>>
            %dma_wait3A_304 = tpu.memref_squeeze %dma_wait3A_303 : memref<1x!tpu.dma_semaphore, #tpu.memory_space<semaphore_mem>> -> memref<!tpu.dma_semaphore, #tpu.memory_space<semaphore_mem>>
            %dma_wait3A_305 = arith.constant 0 : i32
            %dma_wait3A_306 = tpu.memref_slice %arg4[%mul3A_297, %dma_wait3A_305] : memref<74752x64xf32, #tpu.memory_space<hbm>> -> memref<128x64xf32, #tpu.memory_space<hbm>>
            %dma_wait3A_307 = arith.constant 0 : i32
            %dma_wait3A_308 = arith.constant 0 : i32
            %dma_wait3A_309 = tpu.memref_slice %run_scoped3A_18[%rem3A_295, %dma_wait3A_307, %dma_wait3A_308] : memref<2x128x64xf32, #tpu.memory_space<vmem>> -> memref<1x128x64xf32, #tpu.memory_space<vmem>>
            %dma_wait3A_310 = tpu.memref_squeeze %dma_wait3A_309 : memref<1x128x64xf32, #tpu.memory_space<vmem>> -> memref<128x64xf32, #tpu.memory_space<vmem>>
            tpu.wait_dma2 semaphore(%dma_wait3A_304 : memref<!tpu.dma_semaphore, #tpu.memory_space<semaphore_mem>>) src(%dma_wait3A_310 : memref<128x64xf32, #tpu.memory_space<vmem>>) dst(%dma_wait3A_306 : memref<128x64xf32, #tpu.memory_space<hbm>>)
            "tpu.trace_stop"() : () -> ()
          } else {
          }
          %and3A_275 = arith.constant true
          %and3A_276 = arith.andi %and3A_271, %and3A_275 : i1
          %add3A_277 = arith.constant 1 : i32
          %add3A_278 = arith.addi %while3A_146, %add3A_277 : i32
          %select_n3A_279 = arith.select %and3A_276, %add3A_278, %while3A_146 : i32
          %ne3A_280 = arith.cmpi ne, %add3A_155, %add3A_173 : i32
          %or3A_281 = arith.constant false
          %or3A_282 = arith.ori %or3A_281, %ne3A_280 : i1
          %or3A_283 = arith.ori %or3A_282, %eq3A_154 : i1
          %add3A_284 = arith.constant 1 : i32
          %add3A_285 = arith.addi %while3A_144, %add3A_284 : i32
          %select_n3A_286 = arith.select %or3A_283, %add3A_285, %while3A_144 : i32
          %add3A_287 = arith.constant 1 : i32
          %add3A_288 = arith.addi %while3A_147, %add3A_287 : i32
          %select_n3A_289 = arith.constant true
          %select_n3A_290 = arith.select %select_n3A_289, %add3A_288, %while3A_147 : i32
          %eq3A_291 = arith.cmpi eq, %select_n3A_290, %select_n3A : i32
          %select_n3A_292 = arith.constant 0 : i32
          %select_n3A_293 = arith.select %eq3A_291, %select_n3A_292, %select_n3A_290 : i32
          scf.yield %select_n3A_195, %select_n3A_286, %select_n3A_252, %select_n3A_279, %select_n3A_293 : i32, i32, i32, i32, i32
        }
        %while3A_89 = arith.constant 1 : i32
        %while3A_90:5 = scf.for %while3A_142 = %while3A_86 to %while3A_82 step %while3A_89 iter_args(%while3A_143 = %while3A_88#0, %while3A_144 = %while3A_88#1, %while3A_145 = %while3A_88#2, %while3A_146 = %while3A_88#3, %while3A_147 = %while3A_88#4) -> (i32, i32, i32, i32, i32)  : i32 {
          %mul3A_148 = arith.constant 1 : i32
          %mul3A_149 = arith.muli %mul3A_148, %select_n3A : i32
          %eq3A_150 = arith.constant 0 : i32
          %eq3A_151 = arith.cmpi eq, %while3A_142, %eq3A_150 : i32
          %sub3A_152 = arith.constant 1 : i32
          %sub3A_153 = arith.subi %mul3A_149, %sub3A_152 : i32
          %eq3A_154 = arith.cmpi eq, %while3A_142, %sub3A_153 : i32
          %add3A_155 = arith.addi %while3A_147, %select_n3A_14 : i32
          %sub3A_156 = arith.constant 1 : i32
          %sub3A_157 = arith.subi %while3A_147, %sub3A_156 : i32
          %select_n3A_158 = arith.constant true
          %select_n3A_159 = arith.select %select_n3A_158, %sub3A_157, %while3A_147 : i32
          %eq3A_160 = arith.constant -1 : i32
          %eq3A_161 = arith.cmpi eq, %select_n3A_159, %eq3A_160 : i32
          %sub3A_162 = arith.constant 1 : i32
          %sub3A_163 = arith.subi %select_n3A, %sub3A_162 : i32
          %select_n3A_164 = arith.select %eq3A_161, %sub3A_163, %select_n3A_159 : i32
          %add3A_165 = arith.addi %select_n3A_164, %select_n3A_14 : i32
          %add3A_166 = arith.constant 1 : i32
          %add3A_167 = arith.addi %while3A_147, %add3A_166 : i32
          %select_n3A_168 = arith.constant true
          %select_n3A_169 = arith.select %select_n3A_168, %add3A_167, %while3A_147 : i32
          %eq3A_170 = arith.cmpi eq, %select_n3A_169, %select_n3A : i32
          %select_n3A_171 = arith.constant 0 : i32
          %select_n3A_172 = arith.select %eq3A_170, %select_n3A_171, %select_n3A_169 : i32
          %add3A_173 = arith.addi %select_n3A_172, %select_n3A_14 : i32
          %add3A_174 = arith.constant 1 : i32
          %add3A_175 = arith.addi %select_n3A_172, %add3A_174 : i32
          %select_n3A_176 = arith.constant true
          %select_n3A_177 = arith.select %select_n3A_176, %add3A_175, %select_n3A_172 : i32
          %eq3A_178 = arith.cmpi eq, %select_n3A_177, %select_n3A : i32
          %select_n3A_179 = arith.constant 0 : i32
          %select_n3A_180 = arith.select %eq3A_178, %select_n3A_179, %select_n3A_177 : i32
          %add3A_181 = arith.addi %select_n3A_180, %select_n3A_14 : i32
          %ne3A = arith.cmpi ne, %add3A_155, %add3A_173 : i32
          %or3A = arith.constant false
          %or3A_182 = arith.ori %or3A, %ne3A : i1
          %sub3A_183 = arith.constant 2 : i32
          %sub3A_184 = arith.subi %mul3A_149, %sub3A_183 : i32
          %add3A_185 = arith.constant 1 : i32
          %add3A_186 = arith.addi %sub3A_184, %add3A_185 : i32
          %ge3A = arith.cmpi sge, %while3A_142, %add3A_186 : i32
          %not3A = arith.constant true
          %not3A_187 = arith.xori %ge3A, %not3A : i1
          %and3A = arith.andi %or3A_182, %not3A_187 : i1
          %convert_element_type3A_188 = arith.extui %and3A : i1 to i32
          %cond3A_189 = arith.constant 0 : i32
          %cond3A_190 = arith.cmpi ne, %convert_element_type3A_188, %cond3A_189 : i32
          scf.if %cond3A_190 {
            "tpu.trace_start"() <{level = 10 : i32, message = "ep_copy_in"}> : () -> ()
            %rem3A_294 = arith.constant 2 : i32
            %rem3A_295 = arith.remui %while3A_143, %rem3A_294 : i32
            %mul3A_296 = arith.constant 128 : i32
            %mul3A_297 = arith.muli %mul3A_296, %add3A_173 : i32
            %dma_start3A_298 = arith.constant 0 : i32
            %dma_start3A_299 = arith.constant 0 : i32
            %dma_start3A_300 = tpu.memref_slice %run_scoped3A[%rem3A_295, %dma_start3A_298, %dma_start3A_299] : memref<2x1x128xi32, #tpu.memory_space<vmem>> -> memref<1x1x128xi32, #tpu.memory_space<vmem>>
            %dma_start3A_301 = tpu.memref_squeeze %dma_start3A_300 : memref<1x1x128xi32, #tpu.memory_space<vmem>> -> memref<1x128xi32, #tpu.memory_space<vmem>>
            %dma_start3A_302 = arith.constant 0 : i32
            %dma_start3A_303 = tpu.memref_slice %arg3[%dma_start3A_302, %mul3A_297] : memref<1x74752xi32, #tpu.memory_space<hbm>> -> memref<1x128xi32, #tpu.memory_space<hbm>>
            %dma_start3A_304 = tpu.memref_slice %run_scoped3A_17[%rem3A_295] : memref<2x!tpu.dma_semaphore, #tpu.memory_space<semaphore_mem>> -> memref<1x!tpu.dma_semaphore, #tpu.memory_space<semaphore_mem>>
            %dma_start3A_305 = tpu.memref_squeeze %dma_start3A_304 : memref<1x!tpu.dma_semaphore, #tpu.memory_space<semaphore_mem>> -> memref<!tpu.dma_semaphore, #tpu.memory_space<semaphore_mem>>
            %dma_start3A_306 = arith.constant 0 : i32
            %dma_start3A_307 = arith.constant 0 : i32
            %dma_start3A_308 = tpu.memref_slice %run_scoped3A[%rem3A_295, %dma_start3A_306, %dma_start3A_307] : memref<2x1x128xi32, #tpu.memory_space<vmem>> -> memref<1x1x128xi32, #tpu.memory_space<vmem>>
            %dma_start3A_309 = tpu.memref_squeeze %dma_start3A_308 : memref<1x1x128xi32, #tpu.memory_space<vmem>> -> memref<1x128xi32, #tpu.memory_space<vmem>>
            %dma_start3A_310 = arith.constant 0 : i32
            %dma_start3A_311 = tpu.memref_slice %arg3[%dma_start3A_310, %mul3A_297] : memref<1x74752xi32, #tpu.memory_space<hbm>> -> memref<1x128xi32, #tpu.memory_space<hbm>>
            tpu.enqueue_dma source(%dma_start3A_311 : memref<1x128xi32, #tpu.memory_space<hbm>>) target(%dma_start3A_309 : memref<1x128xi32, #tpu.memory_space<vmem>>) target_semaphore(%dma_start3A_305 : memref<!tpu.dma_semaphore, #tpu.memory_space<semaphore_mem>>)
            "tpu.trace_stop"() : () -> ()
          } else {
          }
          %and3A_191 = arith.constant true
          %and3A_192 = arith.andi %and3A, %and3A_191 : i1
          %add3A_193 = arith.constant 1 : i32
          %add3A_194 = arith.addi %while3A_143, %add3A_193 : i32
          %select_n3A_195 = arith.select %and3A_192, %add3A_194, %while3A_143 : i32
          %ne3A_196 = arith.cmpi ne, %add3A_155, %add3A_173 : i32
          %or3A_197 = arith.constant false
          %or3A_198 = arith.ori %or3A_197, %ne3A_196 : i1
          %or3A_199 = arith.constant false
          %or3A_200 = arith.ori %or3A_198, %or3A_199 : i1
          %sub3A_201 = arith.constant 2 : i32
          %sub3A_202 = arith.subi %mul3A_149, %sub3A_201 : i32
          %add3A_203 = arith.constant 1 : i32
          %add3A_204 = arith.addi %sub3A_202, %add3A_203 : i32
          %ge3A_205 = arith.cmpi sge, %while3A_142, %add3A_204 : i32
          %not3A_206 = arith.constant true
          %not3A_207 = arith.xori %ge3A_205, %not3A_206 : i1
          %and3A_208 = arith.andi %or3A_200, %not3A_207 : i1
          %ne3A_209 = arith.cmpi ne, %add3A_155, %add3A_165 : i32
          %or3A_210 = arith.constant false
          %or3A_211 = arith.ori %or3A_210, %ne3A_209 : i1
          %or3A_212 = arith.ori %or3A_211, %eq3A_151 : i1
          %convert_element_type3A_213 = arith.extui %or3A_212 : i1 to i32
          %cond3A_214 = arith.constant 0 : i32
          %cond3A_215 = arith.cmpi ne, %convert_element_type3A_213, %cond3A_214 : i32
          scf.if %cond3A_215 {
            "tpu.trace_start"() <{level = 10 : i32, message = "ep_wait_in"}> : () -> ()
            %mul3A_294 = arith.constant 128 : i32
            %mul3A_295 = arith.muli %mul3A_294, %add3A_155 : i32
            %rem3A_296 = arith.constant 2 : i32
            %rem3A_297 = arith.remui %while3A_144, %rem3A_296 : i32
            %dma_wait3A = arith.constant 0 : i32
            %dma_wait3A_298 = arith.constant 0 : i32
            %dma_wait3A_299 = tpu.memref_slice %run_scoped3A[%rem3A_297, %dma_wait3A, %dma_wait3A_298] : memref<2x1x128xi32, #tpu.memory_space<vmem>> -> memref<1x1x128xi32, #tpu.memory_space<vmem>>
            %dma_wait3A_300 = tpu.memref_squeeze %dma_wait3A_299 : memref<1x1x128xi32, #tpu.memory_space<vmem>> -> memref<1x128xi32, #tpu.memory_space<vmem>>
            %dma_wait3A_301 = arith.constant 0 : i32
            %dma_wait3A_302 = tpu.memref_slice %arg3[%dma_wait3A_301, %mul3A_295] : memref<1x74752xi32, #tpu.memory_space<hbm>> -> memref<1x128xi32, #tpu.memory_space<hbm>>
            %dma_wait3A_303 = tpu.memref_slice %run_scoped3A_17[%rem3A_297] : memref<2x!tpu.dma_semaphore, #tpu.memory_space<semaphore_mem>> -> memref<1x!tpu.dma_semaphore, #tpu.memory_space<semaphore_mem>>
            %dma_wait3A_304 = tpu.memref_squeeze %dma_wait3A_303 : memref<1x!tpu.dma_semaphore, #tpu.memory_space<semaphore_mem>> -> memref<!tpu.dma_semaphore, #tpu.memory_space<semaphore_mem>>
            %dma_wait3A_305 = arith.constant 0 : i32
            %dma_wait3A_306 = arith.constant 0 : i32
            %dma_wait3A_307 = tpu.memref_slice %run_scoped3A[%rem3A_297, %dma_wait3A_305, %dma_wait3A_306] : memref<2x1x128xi32, #tpu.memory_space<vmem>> -> memref<1x1x128xi32, #tpu.memory_space<vmem>>
            %dma_wait3A_308 = tpu.memref_squeeze %dma_wait3A_307 : memref<1x1x128xi32, #tpu.memory_space<vmem>> -> memref<1x128xi32, #tpu.memory_space<vmem>>
            %dma_wait3A_309 = arith.constant 0 : i32
            %dma_wait3A_310 = tpu.memref_slice %arg3[%dma_wait3A_309, %mul3A_295] : memref<1x74752xi32, #tpu.memory_space<hbm>> -> memref<1x128xi32, #tpu.memory_space<hbm>>
            tpu.wait_dma2 semaphore(%dma_wait3A_304 : memref<!tpu.dma_semaphore, #tpu.memory_space<semaphore_mem>>) src(%dma_wait3A_310 : memref<1x128xi32, #tpu.memory_space<hbm>>) dst(%dma_wait3A_308 : memref<1x128xi32, #tpu.memory_space<vmem>>)
            "tpu.trace_stop"() : () -> ()
          } else {
          }
          %ne3A_216 = arith.cmpi ne, %add3A_155, %add3A_165 : i32
          %or3A_217 = arith.constant false
          %or3A_218 = arith.ori %or3A_217, %ne3A_216 : i1
          %or3A_219 = arith.constant false
          %or3A_220 = arith.ori %or3A_218, %or3A_219 : i1
          %or3A_221 = arith.ori %or3A_220, %eq3A_151 : i1
          %convert_element_type3A_222 = arith.extui %or3A_221 : i1 to i32
          %cond3A_223 = arith.constant 0 : i32
          %cond3A_224 = arith.cmpi ne, %convert_element_type3A_222, %cond3A_223 : i32
          scf.if %cond3A_224 {
          } else {
          }
          %rem3A_225 = arith.constant 2 : i32
          %rem3A_226 = arith.remui %while3A_144, %rem3A_225 : i32
          %rem3A_227 = arith.constant 2 : i32
          %rem3A_228 = arith.remui %while3A_145, %rem3A_227 : i32
          %run_scoped3A_229 = arith.constant 0 : i32
          "tpu.trace_start"() <{level = 10 : i32, message = "ep_run_kernel"}> : () -> ()
          "tpu.region"() ({
            %run_scoped3A_294 = tpu.sem_alloc : memref<!tpu.dma_semaphore, #tpu.memory_space<semaphore_mem>>
            %dma_start3A_295 = arith.constant 0 : i32
            %dma_start3A_296 = arith.constant 0 : i32
            %dma_start3A_297 = tpu.memref_slice %run_scoped3A_18[%rem3A_228, %dma_start3A_295, %dma_start3A_296] : memref<2x128x64xf32, #tpu.memory_space<vmem>> -> memref<1x128x64xf32, #tpu.memory_space<vmem>>
            %dma_start3A_298 = tpu.memref_squeeze %dma_start3A_297 : memref<1x128x64xf32, #tpu.memory_space<vmem>> -> memref<128x64xf32, #tpu.memory_space<vmem>>
            %dma_start3A_299 = arith.constant 0 : i32
            %dma_start3A_300 = arith.constant 0 : i32
            %dma_start3A_301 = tpu.memref_slice %run_scoped3A[%rem3A_226, %dma_start3A_299, %dma_start3A_300] : memref<2x1x128xi32, #tpu.memory_space<vmem>> -> memref<1x1x128xi32, #tpu.memory_space<vmem>>
            %dma_start3A_302 = tpu.memref_squeeze %dma_start3A_301 : memref<1x1x128xi32, #tpu.memory_space<vmem>> -> memref<1x128xi32, #tpu.memory_space<vmem>>
            %dma_start3A_303 = arith.constant 0 : i32
            %dma_start3A_304 = tpu.memref_slice %dma_start3A_302[%run_scoped3A_229, %dma_start3A_303] : memref<1x128xi32, #tpu.memory_space<vmem>> -> memref<1x128xi32, #tpu.memory_space<vmem>>
            %dma_start3A_305 = tpu.memref_squeeze %dma_start3A_304 : memref<1x128xi32, #tpu.memory_space<vmem>> -> memref<128xi32, #tpu.memory_space<vmem>>
            %dma_start3A_306 = arith.constant 0 : i32
            %dma_start3A_307 = arith.constant 0 : i32
            %dma_start3A_308 = tpu.memref_slice %arg2[%dma_start3A_306, %dma_start3A_307] : memref<100000x64xf32, #tpu.memory_space<hbm>> -> memref<100000x64xf32, #tpu.memory_space<hbm>>
            tpu.enqueue_indirect_dma source(%dma_start3A_308 : memref<100000x64xf32, #tpu.memory_space<hbm>>) target(%dma_start3A_298 : memref<128x64xf32, #tpu.memory_space<vmem>>) offsets(%dma_start3A_305 : memref<128xi32, #tpu.memory_space<vmem>>) semaphore(%run_scoped3A_294 : memref<!tpu.dma_semaphore, #tpu.memory_space<semaphore_mem>>)
            %dma_wait3A = arith.constant 0 : i32
            %dma_wait3A_309 = arith.constant 0 : i32
            %dma_wait3A_310 = tpu.memref_slice %run_scoped3A_18[%rem3A_228, %dma_wait3A, %dma_wait3A_309] : memref<2x128x64xf32, #tpu.memory_space<vmem>> -> memref<1x128x64xf32, #tpu.memory_space<vmem>>
            %dma_wait3A_311 = tpu.memref_squeeze %dma_wait3A_310 : memref<1x128x64xf32, #tpu.memory_space<vmem>> -> memref<128x64xf32, #tpu.memory_space<vmem>>
            %dma_wait3A_312 = arith.constant 0 : i32
            %dma_wait3A_313 = arith.constant 0 : i32
            %dma_wait3A_314 = tpu.memref_slice %run_scoped3A[%rem3A_226, %dma_wait3A_312, %dma_wait3A_313] : memref<2x1x128xi32, #tpu.memory_space<vmem>> -> memref<1x1x128xi32, #tpu.memory_space<vmem>>
            %dma_wait3A_315 = tpu.memref_squeeze %dma_wait3A_314 : memref<1x1x128xi32, #tpu.memory_space<vmem>> -> memref<1x128xi32, #tpu.memory_space<vmem>>
            %dma_wait3A_316 = arith.constant 0 : i32
            %dma_wait3A_317 = tpu.memref_slice %dma_wait3A_315[%run_scoped3A_229, %dma_wait3A_316] : memref<1x128xi32, #tpu.memory_space<vmem>> -> memref<1x128xi32, #tpu.memory_space<vmem>>
            %dma_wait3A_318 = tpu.memref_squeeze %dma_wait3A_317 : memref<1x128xi32, #tpu.memory_space<vmem>> -> memref<128xi32, #tpu.memory_space<vmem>>
            %dma_wait3A_319 = arith.constant 0 : i32
            %dma_wait3A_320 = arith.constant 0 : i32
            %dma_wait3A_321 = tpu.memref_slice %arg2[%dma_wait3A_319, %dma_wait3A_320] : memref<100000x64xf32, #tpu.memory_space<hbm>> -> memref<100000x64xf32, #tpu.memory_space<hbm>>
            tpu.wait_indirect_dma semaphore(%run_scoped3A_294 : memref<!tpu.dma_semaphore, #tpu.memory_space<semaphore_mem>>) src(%dma_wait3A_321 : memref<100000x64xf32, #tpu.memory_space<hbm>>) dst(%dma_wait3A_311 : memref<128x64xf32, #tpu.memory_space<vmem>>)
            tpu.yield
          }) : () -> ()
          "tpu.trace_stop"() : () -> ()
          %ne3A_230 = arith.cmpi ne, %add3A_155, %add3A_173 : i32
          %or3A_231 = arith.constant false
          %or3A_232 = arith.ori %or3A_231, %ne3A_230 : i1
          %or3A_233 = arith.ori %or3A_232, %eq3A_154 : i1
          %convert_element_type3A_234 = arith.extui %or3A_233 : i1 to i32
          %cond3A_235 = arith.constant 0 : i32
          %cond3A_236 = arith.cmpi ne, %convert_element_type3A_234, %cond3A_235 : i32
          scf.if %cond3A_236 {
          } else {
          }
          %and3A_237 = arith.constant false
          %and3A_238 = arith.andi %or3A_233, %and3A_237 : i1
          %ne3A_239 = arith.cmpi ne, %add3A_155, %add3A_173 : i32
          %or3A_240 = arith.constant false
          %or3A_241 = arith.ori %or3A_240, %ne3A_239 : i1
          %or3A_242 = arith.constant false
          %or3A_243 = arith.ori %or3A_241, %or3A_242 : i1
          %or3A_244 = arith.ori %or3A_243, %eq3A_154 : i1
          %convert_element_type3A_245 = arith.extui %or3A_244 : i1 to i32
          %cond3A_246 = arith.constant 0 : i32
          %cond3A_247 = arith.cmpi ne, %convert_element_type3A_245, %cond3A_246 : i32
          scf.if %cond3A_247 {
            "tpu.trace_start"() <{level = 10 : i32, message = "ep_copy_out"}> : () -> ()
            %rem3A_294 = arith.constant 2 : i32
            %rem3A_295 = arith.remui %while3A_145, %rem3A_294 : i32
            %mul3A_296 = arith.constant 128 : i32
            %mul3A_297 = arith.muli %mul3A_296, %add3A_155 : i32
            %dma_start3A_298 = arith.constant 0 : i32
            %dma_start3A_299 = arith.constant 0 : i32
            %dma_start3A_300 = tpu.memref_slice %run_scoped3A_18[%rem3A_295, %dma_start3A_298, %dma_start3A_299] : memref<2x128x64xf32, #tpu.memory_space<vmem>> -> memref<1x128x64xf32, #tpu.memory_space<vmem>>
            %dma_start3A_301 = tpu.memref_squeeze %dma_start3A_300 : memref<1x128x64xf32, #tpu.memory_space<vmem>> -> memref<128x64xf32, #tpu.memory_space<vmem>>
            %dma_start3A_302 = arith.constant 0 : i32
            %dma_start3A_303 = tpu.memref_slice %arg4[%mul3A_297, %dma_start3A_302] : memref<74752x64xf32, #tpu.memory_space<hbm>> -> memref<128x64xf32, #tpu.memory_space<hbm>>
            %dma_start3A_304 = tpu.memref_slice %run_scoped3A_19[%rem3A_295] : memref<2x!tpu.dma_semaphore, #tpu.memory_space<semaphore_mem>> -> memref<1x!tpu.dma_semaphore, #tpu.memory_space<semaphore_mem>>
            %dma_start3A_305 = tpu.memref_squeeze %dma_start3A_304 : memref<1x!tpu.dma_semaphore, #tpu.memory_space<semaphore_mem>> -> memref<!tpu.dma_semaphore, #tpu.memory_space<semaphore_mem>>
            %dma_start3A_306 = arith.constant 0 : i32
            %dma_start3A_307 = tpu.memref_slice %arg4[%mul3A_297, %dma_start3A_306] : memref<74752x64xf32, #tpu.memory_space<hbm>> -> memref<128x64xf32, #tpu.memory_space<hbm>>
            %dma_start3A_308 = arith.constant 0 : i32
            %dma_start3A_309 = arith.constant 0 : i32
            %dma_start3A_310 = tpu.memref_slice %run_scoped3A_18[%rem3A_295, %dma_start3A_308, %dma_start3A_309] : memref<2x128x64xf32, #tpu.memory_space<vmem>> -> memref<1x128x64xf32, #tpu.memory_space<vmem>>
            %dma_start3A_311 = tpu.memref_squeeze %dma_start3A_310 : memref<1x128x64xf32, #tpu.memory_space<vmem>> -> memref<128x64xf32, #tpu.memory_space<vmem>>
            tpu.enqueue_dma source(%dma_start3A_311 : memref<128x64xf32, #tpu.memory_space<vmem>>) target(%dma_start3A_307 : memref<128x64xf32, #tpu.memory_space<hbm>>) target_semaphore(%dma_start3A_305 : memref<!tpu.dma_semaphore, #tpu.memory_space<semaphore_mem>>)
            "tpu.trace_stop"() : () -> ()
          } else {
          }
          %and3A_248 = arith.constant true
          %and3A_249 = arith.andi %or3A_244, %and3A_248 : i1
          %add3A_250 = arith.constant 1 : i32
          %add3A_251 = arith.addi %while3A_145, %add3A_250 : i32
          %select_n3A_252 = arith.select %and3A_249, %add3A_251, %while3A_145 : i32
          %ne3A_253 = arith.cmpi ne, %add3A_155, %add3A_165 : i32
          %or3A_254 = arith.constant false
          %or3A_255 = arith.ori %or3A_254, %ne3A_253 : i1
          %not3A_256 = arith.constant true
          %not3A_257 = arith.xori %eq3A_151, %not3A_256 : i1
          %and3A_258 = arith.andi %or3A_255, %not3A_257 : i1
          %convert_element_type3A_259 = arith.extui %and3A_258 : i1 to i32
          %cond3A_260 = arith.constant 0 : i32
          %cond3A_261 = arith.cmpi ne, %convert_element_type3A_259, %cond3A_260 : i32
          scf.if %cond3A_261 {
          } else {
          }
          %and3A_262 = arith.constant false
          %and3A_263 = arith.andi %and3A_258, %and3A_262 : i1
          %ne3A_264 = arith.cmpi ne, %add3A_155, %add3A_165 : i32
          %or3A_265 = arith.constant false
          %or3A_266 = arith.ori %or3A_265, %ne3A_264 : i1
          %or3A_267 = arith.constant false
          %or3A_268 = arith.ori %or3A_266, %or3A_267 : i1
          %not3A_269 = arith.constant true
          %not3A_270 = arith.xori %eq3A_151, %not3A_269 : i1
          %and3A_271 = arith.andi %or3A_268, %not3A_270 : i1
          %convert_element_type3A_272 = arith.extui %and3A_271 : i1 to i32
          %cond3A_273 = arith.constant 0 : i32
          %cond3A_274 = arith.cmpi ne, %convert_element_type3A_272, %cond3A_273 : i32
          scf.if %cond3A_274 {
            "tpu.trace_start"() <{level = 10 : i32, message = "ep_wait_out"}> : () -> ()
            %rem3A_294 = arith.constant 2 : i32
            %rem3A_295 = arith.remui %while3A_146, %rem3A_294 : i32
            %mul3A_296 = arith.constant 128 : i32
            %mul3A_297 = arith.muli %mul3A_296, %add3A_165 : i32
            %dma_wait3A = arith.constant 0 : i32
            %dma_wait3A_298 = arith.constant 0 : i32
            %dma_wait3A_299 = tpu.memref_slice %run_scoped3A_18[%rem3A_295, %dma_wait3A, %dma_wait3A_298] : memref<2x128x64xf32, #tpu.memory_space<vmem>> -> memref<1x128x64xf32, #tpu.memory_space<vmem>>
            %dma_wait3A_300 = tpu.memref_squeeze %dma_wait3A_299 : memref<1x128x64xf32, #tpu.memory_space<vmem>> -> memref<128x64xf32, #tpu.memory_space<vmem>>
            %dma_wait3A_301 = arith.constant 0 : i32
            %dma_wait3A_302 = tpu.memref_slice %arg4[%mul3A_297, %dma_wait3A_301] : memref<74752x64xf32, #tpu.memory_space<hbm>> -> memref<128x64xf32, #tpu.memory_space<hbm>>
            %dma_wait3A_303 = tpu.memref_slice %run_scoped3A_19[%rem3A_295] : memref<2x!tpu.dma_semaphore, #tpu.memory_space<semaphore_mem>> -> memref<1x!tpu.dma_semaphore, #tpu.memory_space<semaphore_mem>>
            %dma_wait3A_304 = tpu.memref_squeeze %dma_wait3A_303 : memref<1x!tpu.dma_semaphore, #tpu.memory_space<semaphore_mem>> -> memref<!tpu.dma_semaphore, #tpu.memory_space<semaphore_mem>>
            %dma_wait3A_305 = arith.constant 0 : i32
            %dma_wait3A_306 = tpu.memref_slice %arg4[%mul3A_297, %dma_wait3A_305] : memref<74752x64xf32, #tpu.memory_space<hbm>> -> memref<128x64xf32, #tpu.memory_space<hbm>>
            %dma_wait3A_307 = arith.constant 0 : i32
            %dma_wait3A_308 = arith.constant 0 : i32
            %dma_wait3A_309 = tpu.memref_slice %run_scoped3A_18[%rem3A_295, %dma_wait3A_307, %dma_wait3A_308] : memref<2x128x64xf32, #tpu.memory_space<vmem>> -> memref<1x128x64xf32, #tpu.memory_space<vmem>>
            %dma_wait3A_310 = tpu.memref_squeeze %dma_wait3A_309 : memref<1x128x64xf32, #tpu.memory_space<vmem>> -> memref<128x64xf32, #tpu.memory_space<vmem>>
            tpu.wait_dma2 semaphore(%dma_wait3A_304 : memref<!tpu.dma_semaphore, #tpu.memory_space<semaphore_mem>>) src(%dma_wait3A_310 : memref<128x64xf32, #tpu.memory_space<vmem>>) dst(%dma_wait3A_306 : memref<128x64xf32, #tpu.memory_space<hbm>>)
            "tpu.trace_stop"() : () -> ()
          } else {
          }
          %and3A_275 = arith.constant true
          %and3A_276 = arith.andi %and3A_271, %and3A_275 : i1
          %add3A_277 = arith.constant 1 : i32
          %add3A_278 = arith.addi %while3A_146, %add3A_277 : i32
          %select_n3A_279 = arith.select %and3A_276, %add3A_278, %while3A_146 : i32
          %ne3A_280 = arith.cmpi ne, %add3A_155, %add3A_173 : i32
          %or3A_281 = arith.constant false
          %or3A_282 = arith.ori %or3A_281, %ne3A_280 : i1
          %or3A_283 = arith.ori %or3A_282, %eq3A_154 : i1
          %add3A_284 = arith.constant 1 : i32
          %add3A_285 = arith.addi %while3A_144, %add3A_284 : i32
          %select_n3A_286 = arith.select %or3A_283, %add3A_285, %while3A_144 : i32
          %add3A_287 = arith.constant 1 : i32
          %add3A_288 = arith.addi %while3A_147, %add3A_287 : i32
          %select_n3A_289 = arith.constant true
          %select_n3A_290 = arith.select %select_n3A_289, %add3A_288, %while3A_147 : i32
          %eq3A_291 = arith.cmpi eq, %select_n3A_290, %select_n3A : i32
          %select_n3A_292 = arith.constant 0 : i32
          %select_n3A_293 = arith.select %eq3A_291, %select_n3A_292, %select_n3A_290 : i32
          scf.yield %select_n3A_195, %select_n3A_286, %select_n3A_252, %select_n3A_279, %select_n3A_293 : i32, i32, i32, i32, i32
        }
        %sub3A_91 = arith.constant 1 : i32
        %sub3A_92 = arith.subi %while3A_90#4, %sub3A_91 : i32
        %select_n3A_93 = arith.constant true
        %select_n3A_94 = arith.select %select_n3A_93, %sub3A_92, %while3A_90#4 : i32
        %eq3A_95 = arith.constant -1 : i32
        %eq3A_96 = arith.cmpi eq, %select_n3A_94, %eq3A_95 : i32
        %sub3A_97 = arith.constant 1 : i32
        %sub3A_98 = arith.subi %select_n3A, %sub3A_97 : i32
        %select_n3A_99 = arith.select %eq3A_96, %sub3A_98, %select_n3A_94 : i32
        %sub3A_100 = arith.constant 1 : i32
        %sub3A_101 = arith.subi %mul3A_16, %sub3A_100 : i32
        %mul3A_102 = arith.constant 1 : i32
        %mul3A_103 = arith.muli %mul3A_102, %select_n3A : i32
        %eq3A_104 = arith.constant 0 : i32
        %eq3A_105 = arith.cmpi eq, %sub3A_101, %eq3A_104 : i32
        %sub3A_106 = arith.constant 1 : i32
        %sub3A_107 = arith.subi %mul3A_103, %sub3A_106 : i32
        %eq3A_108 = arith.cmpi eq, %sub3A_101, %sub3A_107 : i32
        %add3A_109 = arith.addi %select_n3A_99, %select_n3A_14 : i32
        %sub3A_110 = arith.constant 1 : i32
        %sub3A_111 = arith.subi %select_n3A_99, %sub3A_110 : i32
        %select_n3A_112 = arith.constant true
        %select_n3A_113 = arith.select %select_n3A_112, %sub3A_111, %select_n3A_99 : i32
        %eq3A_114 = arith.constant -1 : i32
        %eq3A_115 = arith.cmpi eq, %select_n3A_113, %eq3A_114 : i32
        %sub3A_116 = arith.constant 1 : i32
        %sub3A_117 = arith.subi %select_n3A, %sub3A_116 : i32
        %select_n3A_118 = arith.select %eq3A_115, %sub3A_117, %select_n3A_113 : i32
        %add3A_119 = arith.addi %select_n3A_118, %select_n3A_14 : i32
        %add3A_120 = arith.constant 1 : i32
        %add3A_121 = arith.addi %select_n3A_99, %add3A_120 : i32
        %select_n3A_122 = arith.constant true
        %select_n3A_123 = arith.select %select_n3A_122, %add3A_121, %select_n3A_99 : i32
        %eq3A_124 = arith.cmpi eq, %select_n3A_123, %select_n3A : i32
        %select_n3A_125 = arith.constant 0 : i32
        %select_n3A_126 = arith.select %eq3A_124, %select_n3A_125, %select_n3A_123 : i32
        %add3A_127 = arith.addi %select_n3A_126, %select_n3A_14 : i32
        %add3A_128 = arith.constant 1 : i32
        %add3A_129 = arith.addi %select_n3A_126, %add3A_128 : i32
        %select_n3A_130 = arith.constant true
        %select_n3A_131 = arith.select %select_n3A_130, %add3A_129, %select_n3A_126 : i32
        %eq3A_132 = arith.cmpi eq, %select_n3A_131, %select_n3A : i32
        %select_n3A_133 = arith.constant 0 : i32
        %select_n3A_134 = arith.select %eq3A_132, %select_n3A_133, %select_n3A_131 : i32
        %add3A_135 = arith.addi %select_n3A_134, %select_n3A_14 : i32
        %convert_element_type3A_136 = arith.extui %eq3A_108 : i1 to i32
        %cond3A_137 = arith.constant 0 : i32
        %cond3A_138 = arith.cmpi ne, %convert_element_type3A_136, %cond3A_137 : i32
        scf.if %cond3A_138 {
        } else {
        }
        %convert_element_type3A_139 = arith.extui %eq3A_108 : i1 to i32
        %cond3A_140 = arith.constant 0 : i32
        %cond3A_141 = arith.cmpi ne, %convert_element_type3A_139, %cond3A_140 : i32
        scf.if %cond3A_141 {
          "tpu.trace_start"() <{level = 10 : i32, message = "ep_finalize"}> : () -> ()
          %rem3A_142 = arith.constant 2 : i32
          %rem3A_143 = arith.remui %while3A_90#3, %rem3A_142 : i32
          %mul3A_144 = arith.constant 128 : i32
          %mul3A_145 = arith.muli %mul3A_144, %add3A_109 : i32
          %dma_wait3A = arith.constant 0 : i32
          %dma_wait3A_146 = arith.constant 0 : i32
          %dma_wait3A_147 = tpu.memref_slice %run_scoped3A_18[%rem3A_143, %dma_wait3A, %dma_wait3A_146] : memref<2x128x64xf32, #tpu.memory_space<vmem>> -> memref<1x128x64xf32, #tpu.memory_space<vmem>>
          %dma_wait3A_148 = tpu.memref_squeeze %dma_wait3A_147 : memref<1x128x64xf32, #tpu.memory_space<vmem>> -> memref<128x64xf32, #tpu.memory_space<vmem>>
          %dma_wait3A_149 = arith.constant 0 : i32
          %dma_wait3A_150 = tpu.memref_slice %arg4[%mul3A_145, %dma_wait3A_149] : memref<74752x64xf32, #tpu.memory_space<hbm>> -> memref<128x64xf32, #tpu.memory_space<hbm>>
          %dma_wait3A_151 = tpu.memref_slice %run_scoped3A_19[%rem3A_143] : memref<2x!tpu.dma_semaphore, #tpu.memory_space<semaphore_mem>> -> memref<1x!tpu.dma_semaphore, #tpu.memory_space<semaphore_mem>>
          %dma_wait3A_152 = tpu.memref_squeeze %dma_wait3A_151 : memref<1x!tpu.dma_semaphore, #tpu.memory_space<semaphore_mem>> -> memref<!tpu.dma_semaphore, #tpu.memory_space<semaphore_mem>>
          %dma_wait3A_153 = arith.constant 0 : i32
          %dma_wait3A_154 = tpu.memref_slice %arg4[%mul3A_145, %dma_wait3A_153] : memref<74752x64xf32, #tpu.memory_space<hbm>> -> memref<128x64xf32, #tpu.memory_space<hbm>>
          %dma_wait3A_155 = arith.constant 0 : i32
          %dma_wait3A_156 = arith.constant 0 : i32
          %dma_wait3A_157 = tpu.memref_slice %run_scoped3A_18[%rem3A_143, %dma_wait3A_155, %dma_wait3A_156] : memref<2x128x64xf32, #tpu.memory_space<vmem>> -> memref<1x128x64xf32, #tpu.memory_space<vmem>>
          %dma_wait3A_158 = tpu.memref_squeeze %dma_wait3A_157 : memref<1x128x64xf32, #tpu.memory_space<vmem>> -> memref<128x64xf32, #tpu.memory_space<vmem>>
          tpu.wait_dma2 semaphore(%dma_wait3A_152 : memref<!tpu.dma_semaphore, #tpu.memory_space<semaphore_mem>>) src(%dma_wait3A_158 : memref<128x64xf32, #tpu.memory_space<vmem>>) dst(%dma_wait3A_154 : memref<128x64xf32, #tpu.memory_space<hbm>>)
          "tpu.trace_stop"() : () -> ()
        } else {
        }
      } else {
      }
      tpu.yield
    }) : () -> ()
    return
  }
}

module attributes {stable_mosaic.version = 14 : i64} {
  func.func @body(%arg0: i32, %arg1: memref<512x128xf32, #tpu.memory_space<vmem>>, %arg2: memref<512x1xi32, #tpu.memory_space<vmem>>, %arg3: memref<2336x8x128xf32, #tpu.memory_space<vmem>>, %arg4: memref<512x8xi32, #tpu.memory_space<vmem>>, %arg5: memref<4096x8xi32, #tpu.memory_space<vmem>>, %arg6: memref<32x64xf32, #tpu.memory_space<vmem>>, %arg7: memref<64x64xf32, #tpu.memory_space<vmem>>, %arg8: memref<1x64xf32, #tpu.memory_space<vmem>>, %arg9: memref<64x64xf32, #tpu.memory_space<vmem>>, %arg10: memref<1x64xf32, #tpu.memory_space<vmem>>, %arg11: memref<512x1xf32, #tpu.memory_space<vmem>>) attributes {dimension_semantics = [#tpu.dimension_semantics<arbitrary>], iteration_bounds = array<i64: 2>, scalar_prefetch = 0 : i64, scratch_operands = 0 : i64, tpu.core_type = #tpu.core_type<tc>, window_params = [{transform_indices = @transform_0, window_bounds = array<i64: 512, 128>}, {transform_indices = @transform_1, window_bounds = array<i64: 512, 1>}, {transform_indices = @transform_2, window_bounds = array<i64: 2336, 8, 128>}, {transform_indices = @transform_3, window_bounds = array<i64: 512, 8>}, {transform_indices = @transform_4, window_bounds = array<i64: 4096, 8>}, {pipeline_mode = #tpu.pipeline_mode<synchronous>, transform_indices = @transform_5, window_bounds = array<i64: 32, 64>}, {pipeline_mode = #tpu.pipeline_mode<synchronous>, transform_indices = @transform_6, window_bounds = array<i64: 64, 64>}, {pipeline_mode = #tpu.pipeline_mode<synchronous>, transform_indices = @transform_7, window_bounds = array<i64: 1, 64>}, {pipeline_mode = #tpu.pipeline_mode<synchronous>, transform_indices = @transform_8, window_bounds = array<i64: 64, 64>}, {pipeline_mode = #tpu.pipeline_mode<synchronous>, transform_indices = @transform_9, window_bounds = array<i64: 1, 64>}, {transform_indices = @transform_10, window_bounds = array<i64: 512, 1>}]} {
    %get3A = arith.constant 0 : index
    %get3A_0 = arith.constant 0 : index
    %get3A_1 = arith.constant 0 : index
    %get3A_2 = vector.load %arg3[%get3A, %get3A_0, %get3A_1] : memref<2336x8x128xf32, #tpu.memory_space<vmem>>, vector<2336x8x128xf32>
    %reshape3A = vector.shape_cast %get3A_2 : vector<2336x8x128xf32> to vector<18688x128xf32>
    %slice3A = vector.extract_strided_slice %reshape3A {offsets = [0, 0], sizes = [4096, 128], strides = [1, 1]} : vector<18688x128xf32> to vector<4096x128xf32>
    %slice3A_3 = vector.extract_strided_slice %reshape3A {offsets = [4096, 0], sizes = [4096, 128], strides = [1, 1]} : vector<18688x128xf32> to vector<4096x128xf32>
    %slice3A_4 = vector.extract_strided_slice %reshape3A {offsets = [8192, 0], sizes = [4096, 128], strides = [1, 1]} : vector<18688x128xf32> to vector<4096x128xf32>
    %slice3A_5 = vector.extract_strided_slice %reshape3A {offsets = [12288, 0], sizes = [4096, 128], strides = [1, 1]} : vector<18688x128xf32> to vector<4096x128xf32>
    %slice3A_6 = vector.extract_strided_slice %reshape3A {offsets = [16384, 0], sizes = [512, 128], strides = [1, 1]} : vector<18688x128xf32> to vector<512x128xf32>
    %slice3A_7 = vector.extract_strided_slice %reshape3A {offsets = [16896, 0], sizes = [512, 128], strides = [1, 1]} : vector<18688x128xf32> to vector<512x128xf32>
    %slice3A_8 = vector.extract_strided_slice %reshape3A {offsets = [17408, 0], sizes = [512, 128], strides = [1, 1]} : vector<18688x128xf32> to vector<512x128xf32>
    %slice3A_9 = vector.extract_strided_slice %reshape3A {offsets = [17920, 0], sizes = [512, 128], strides = [1, 1]} : vector<18688x128xf32> to vector<512x128xf32>
    %slice3A_10 = vector.extract_strided_slice %reshape3A {offsets = [18432, 0], sizes = [256, 128], strides = [1, 1]} : vector<18688x128xf32> to vector<256x128xf32>
    %get3A_11 = arith.constant 0 : index
    %get3A_12 = arith.constant 0 : index
    %get3A_13 = vector.load %arg1[%get3A_11, %get3A_12] : memref<512x128xf32, #tpu.memory_space<vmem>>, vector<512x128xf32>
    %get3A_14 = arith.constant 0 : index
    %get3A_15 = arith.constant 0 : index
    %get3A_16 = vector.load %arg2[%get3A_14, %get3A_15] : memref<512x1xi32, #tpu.memory_space<vmem>>, vector<512x1xi32>
    %and3A = arith.constant 1 : i32
    %and3A_17 = vector.broadcast %and3A : i32 to vector<512x1xi32>
    %and3A_18 = arith.andi %get3A_16, %and3A_17 : vector<512x1xi32>
    %eq3A = arith.constant 1 : i32
    %eq3A_19 = vector.broadcast %eq3A : i32 to vector<512x1xi32>
    %eq3A_20 = arith.cmpi eq, %and3A_18, %eq3A_19 : vector<512x1xi32>
    %slice3A_21 = vector.extract_strided_slice %get3A_13 {offsets = [0, 64], sizes = [512, 64], strides = [1, 1]} : vector<512x128xf32> to vector<512x64xf32>
    %slice3A_22 = vector.extract_strided_slice %get3A_13 {offsets = [0, 0], sizes = [512, 64], strides = [1, 1]} : vector<512x128xf32> to vector<512x64xf32>
    %broadcast_in_dim3A = vector.shape_cast %eq3A_20 : vector<512x1xi1> to vector<512x1xi1>
    %broadcast_in_dim3A_23 = vector.broadcast %broadcast_in_dim3A : vector<512x1xi1> to vector<512x64xi1>
    %select_n3A = arith.select %broadcast_in_dim3A_23, %slice3A_21, %slice3A_22 : vector<512x64xi1>, vector<512x64xf32>
    %get3A_24 = arith.constant 0 : index
    %get3A_25 = arith.constant 0 : index
    %get3A_26 = vector.load %arg6[%get3A_24, %get3A_25] : memref<32x64xf32, #tpu.memory_space<vmem>>, vector<32x64xf32>
    %dot_general3A = arith.constant dense<0.000000e+00> : vector<512x32xf32>
    %dot_general3A_27 = tpu.matmul %select_n3A, %get3A_26, %dot_general3A {dimension_numbers = #tpu.dot_dimension_numbers<[1], [1], [0], [0], [0, 0, 1, 0], [], []>, transpose_lhs_hint = false} : vector<512x64xf32>, vector<32x64xf32>, vector<512x32xf32> -> vector<512x32xf32>
    %mul3A = arith.constant 1.562500e-02 : f32
    %mul3A_28 = vector.broadcast %mul3A : f32 to vector<512x32xf32>
    %mul3A_29 = arith.mulf %dot_general3A_27, %mul3A_28 : vector<512x32xf32>
    %exp3A = math.exp %mul3A_29 : vector<512x32xf32>
    %get3A_30 = arith.constant 0 : index
    %get3A_31 = arith.constant 0 : index
    %get3A_32 = vector.load %arg4[%get3A_30, %get3A_31] : memref<512x8xi32, #tpu.memory_space<vmem>>, vector<512x8xi32>
    %get3A_33 = arith.constant 0 : index
    %get3A_34 = arith.constant 0 : index
    %get3A_35 = vector.load %arg5[%get3A_33, %get3A_34] : memref<4096x8xi32, #tpu.memory_space<vmem>>, vector<4096x8xi32>
    %lt3A = arith.constant 0 : i32
    %lt3A_36 = vector.broadcast %lt3A : i32 to vector<512x8xi32>
    %lt3A_37 = arith.cmpi slt, %get3A_32, %lt3A_36 : vector<512x8xi32>
    %add3A = arith.constant 32 : i32
    %add3A_38 = vector.broadcast %add3A : i32 to vector<512x8xi32>
    %add3A_39 = arith.addi %get3A_32, %add3A_38 : vector<512x8xi32>
    %select_n3A_40 = arith.select %lt3A_37, %add3A_39, %get3A_32 : vector<512x8xi1>, vector<512x8xi32>
    %reshape3A_41 = vector.shape_cast %select_n3A_40 : vector<512x8xi32> to vector<512x8x1xi32>
    %gather3A = vector.shape_cast %reshape3A_41 : vector<512x8x1xi32> to vector<512x8xi32>
    %gather3A_42 = tpu.dynamic_gather %exp3A[%gather3A] in [1] : vector<512x32xf32>, vector<512x8xi32> -> vector<512x8xf32>
    %reduce_sum3A = arith.constant dense<0.000000e+00> : vector<512xf32>
    %reduce_sum3A_43 = vector.multi_reduction <add>, %gather3A_42, %reduce_sum3A [1] : vector<512x8xf32> to vector<512xf32>
    %broadcast_in_dim3A_44 = vector.shape_cast %reduce_sum3A_43 : vector<512xf32> to vector<512x1xf32>
    %div3A = vector.broadcast %broadcast_in_dim3A_44 : vector<512x1xf32> to vector<512x8xf32>
    %div3A_45 = arith.divf %gather3A_42, %div3A : vector<512x8xf32>
    %broadcast_in_dim3A_46 = vector.shape_cast %exp3A : vector<512x32xf32> to vector<512x1x32xf32>
    %broadcast_in_dim3A_47 = vector.shape_cast %broadcast_in_dim3A_46 : vector<512x1x32xf32> to vector<512x1x32xf32>
    %broadcast_in_dim3A_48 = vector.broadcast %broadcast_in_dim3A_47 : vector<512x1x32xf32> to vector<512x8x32xf32>
    %reshape3A_49 = vector.shape_cast %broadcast_in_dim3A_48 : vector<512x8x32xf32> to vector<4096x32xf32>
    %lt3A_50 = arith.constant 0 : i32
    %lt3A_51 = vector.broadcast %lt3A_50 : i32 to vector<4096x8xi32>
    %lt3A_52 = arith.cmpi slt, %get3A_35, %lt3A_51 : vector<4096x8xi32>
    %add3A_53 = arith.constant 32 : i32
    %add3A_54 = vector.broadcast %add3A_53 : i32 to vector<4096x8xi32>
    %add3A_55 = arith.addi %get3A_35, %add3A_54 : vector<4096x8xi32>
    %select_n3A_56 = arith.select %lt3A_52, %add3A_55, %get3A_35 : vector<4096x8xi1>, vector<4096x8xi32>
    %reshape3A_57 = vector.shape_cast %select_n3A_56 : vector<4096x8xi32> to vector<4096x8x1xi32>
    %gather3A_58 = vector.shape_cast %reshape3A_57 : vector<4096x8x1xi32> to vector<4096x8xi32>
    %gather3A_59 = tpu.dynamic_gather %reshape3A_49[%gather3A_58] in [1] : vector<4096x32xf32>, vector<4096x8xi32> -> vector<4096x8xf32>
    %reduce_sum3A_60 = arith.constant dense<0.000000e+00> : vector<4096xf32>
    %reduce_sum3A_61 = vector.multi_reduction <add>, %gather3A_59, %reduce_sum3A_60 [1] : vector<4096x8xf32> to vector<4096xf32>
    %broadcast_in_dim3A_62 = vector.shape_cast %reduce_sum3A_61 : vector<4096xf32> to vector<4096x1xf32>
    %div3A_63 = vector.broadcast %broadcast_in_dim3A_62 : vector<4096x1xf32> to vector<4096x8xf32>
    %div3A_64 = arith.divf %gather3A_59, %div3A_63 : vector<4096x8xf32>
    %iota3A = tpu.iota {dimensions = array<i32: 1>} : vector<8x128xi32>
    %iota3A_65 = tpu.iota {dimensions = array<i32: 0>} : vector<8x128xi32>
    %lt3A_66 = arith.constant 64 : i32
    %lt3A_67 = vector.broadcast %lt3A_66 : i32 to vector<8x128xi32>
    %lt3A_68 = arith.cmpi slt, %iota3A, %lt3A_67 : vector<8x128xi32>
    %jit3A = arith.constant 0 : i32
    %jit3A_69 = arith.constant 1 : i32
    %broadcast_in_dim3A_70 = vector.broadcast %jit3A : i32 to vector<8x128xi32>
    %broadcast_in_dim3A_71 = vector.broadcast %jit3A_69 : i32 to vector<8x128xi32>
    %select_n3A_72 = arith.select %lt3A_68, %broadcast_in_dim3A_70, %broadcast_in_dim3A_71 : vector<8x128xi1>, vector<8x128xi32>
    %eq3A_73 = arith.cmpi eq, %iota3A_65, %select_n3A_72 : vector<8x128xi32>
    %convert_element_type3A = arith.extui %eq3A_73 : vector<8x128xi1> to vector<8x128xi32>
    %convert_element_type3A_74 = arith.sitofp %convert_element_type3A : vector<8x128xi32> to vector<8x128xf32>
    %dot_general3A_75 = arith.constant dense<0.000000e+00> : vector<4096x128xf32>
    %dot_general3A_76 = tpu.matmul %div3A_64, %convert_element_type3A_74, %dot_general3A_75 {dimension_numbers = #tpu.dot_dimension_numbers<[1], [0], [0], [1], [0, 0, 1, 1], [], []>, transpose_lhs_hint = false} : vector<4096x8xf32>, vector<8x128xf32>, vector<4096x128xf32> -> vector<4096x128xf32>
    %mul3A_77 = arith.mulf %dot_general3A_76, %slice3A : vector<4096x128xf32>
    %lt3A_78 = arith.constant 64 : i32
    %lt3A_79 = vector.broadcast %lt3A_78 : i32 to vector<8x128xi32>
    %lt3A_80 = arith.cmpi slt, %iota3A, %lt3A_79 : vector<8x128xi32>
    %jit3A_81 = arith.constant 2 : i32
    %jit3A_82 = arith.constant 3 : i32
    %broadcast_in_dim3A_83 = vector.broadcast %jit3A_81 : i32 to vector<8x128xi32>
    %broadcast_in_dim3A_84 = vector.broadcast %jit3A_82 : i32 to vector<8x128xi32>
    %select_n3A_85 = arith.select %lt3A_80, %broadcast_in_dim3A_83, %broadcast_in_dim3A_84 : vector<8x128xi1>, vector<8x128xi32>
    %eq3A_86 = arith.cmpi eq, %iota3A_65, %select_n3A_85 : vector<8x128xi32>
    %convert_element_type3A_87 = arith.extui %eq3A_86 : vector<8x128xi1> to vector<8x128xi32>
    %convert_element_type3A_88 = arith.sitofp %convert_element_type3A_87 : vector<8x128xi32> to vector<8x128xf32>
    %dot_general3A_89 = arith.constant dense<0.000000e+00> : vector<4096x128xf32>
    %dot_general3A_90 = tpu.matmul %div3A_64, %convert_element_type3A_88, %dot_general3A_89 {dimension_numbers = #tpu.dot_dimension_numbers<[1], [0], [0], [1], [0, 0, 1, 1], [], []>, transpose_lhs_hint = false} : vector<4096x8xf32>, vector<8x128xf32>, vector<4096x128xf32> -> vector<4096x128xf32>
    %mul3A_91 = arith.mulf %dot_general3A_90, %slice3A_3 : vector<4096x128xf32>
    %add3A_92 = arith.addf %mul3A_77, %mul3A_91 : vector<4096x128xf32>
    %lt3A_93 = arith.constant 64 : i32
    %lt3A_94 = vector.broadcast %lt3A_93 : i32 to vector<8x128xi32>
    %lt3A_95 = arith.cmpi slt, %iota3A, %lt3A_94 : vector<8x128xi32>
    %jit3A_96 = arith.constant 4 : i32
    %jit3A_97 = arith.constant 5 : i32
    %broadcast_in_dim3A_98 = vector.broadcast %jit3A_96 : i32 to vector<8x128xi32>
    %broadcast_in_dim3A_99 = vector.broadcast %jit3A_97 : i32 to vector<8x128xi32>
    %select_n3A_100 = arith.select %lt3A_95, %broadcast_in_dim3A_98, %broadcast_in_dim3A_99 : vector<8x128xi1>, vector<8x128xi32>
    %eq3A_101 = arith.cmpi eq, %iota3A_65, %select_n3A_100 : vector<8x128xi32>
    %convert_element_type3A_102 = arith.extui %eq3A_101 : vector<8x128xi1> to vector<8x128xi32>
    %convert_element_type3A_103 = arith.sitofp %convert_element_type3A_102 : vector<8x128xi32> to vector<8x128xf32>
    %dot_general3A_104 = arith.constant dense<0.000000e+00> : vector<4096x128xf32>
    %dot_general3A_105 = tpu.matmul %div3A_64, %convert_element_type3A_103, %dot_general3A_104 {dimension_numbers = #tpu.dot_dimension_numbers<[1], [0], [0], [1], [0, 0, 1, 1], [], []>, transpose_lhs_hint = false} : vector<4096x8xf32>, vector<8x128xf32>, vector<4096x128xf32> -> vector<4096x128xf32>
    %mul3A_106 = arith.mulf %dot_general3A_105, %slice3A_4 : vector<4096x128xf32>
    %add3A_107 = arith.addf %add3A_92, %mul3A_106 : vector<4096x128xf32>
    %lt3A_108 = arith.constant 64 : i32
    %lt3A_109 = vector.broadcast %lt3A_108 : i32 to vector<8x128xi32>
    %lt3A_110 = arith.cmpi slt, %iota3A, %lt3A_109 : vector<8x128xi32>
    %jit3A_111 = arith.constant 6 : i32
    %jit3A_112 = arith.constant 7 : i32
    %broadcast_in_dim3A_113 = vector.broadcast %jit3A_111 : i32 to vector<8x128xi32>
    %broadcast_in_dim3A_114 = vector.broadcast %jit3A_112 : i32 to vector<8x128xi32>
    %select_n3A_115 = arith.select %lt3A_110, %broadcast_in_dim3A_113, %broadcast_in_dim3A_114 : vector<8x128xi1>, vector<8x128xi32>
    %eq3A_116 = arith.cmpi eq, %iota3A_65, %select_n3A_115 : vector<8x128xi32>
    %convert_element_type3A_117 = arith.extui %eq3A_116 : vector<8x128xi1> to vector<8x128xi32>
    %convert_element_type3A_118 = arith.sitofp %convert_element_type3A_117 : vector<8x128xi32> to vector<8x128xf32>
    %dot_general3A_119 = arith.constant dense<0.000000e+00> : vector<4096x128xf32>
    %dot_general3A_120 = tpu.matmul %div3A_64, %convert_element_type3A_118, %dot_general3A_119 {dimension_numbers = #tpu.dot_dimension_numbers<[1], [0], [0], [1], [0, 0, 1, 1], [], []>, transpose_lhs_hint = false} : vector<4096x8xf32>, vector<8x128xf32>, vector<4096x128xf32> -> vector<4096x128xf32>
    %mul3A_121 = arith.mulf %dot_general3A_120, %slice3A_5 : vector<4096x128xf32>
    %add3A_122 = arith.addf %add3A_107, %mul3A_121 : vector<4096x128xf32>
    %get3A_123 = arith.constant 0 : index
    %get3A_124 = arith.constant 0 : index
    %get3A_125 = vector.load %arg7[%get3A_123, %get3A_124] : memref<64x64xf32, #tpu.memory_space<vmem>>, vector<64x64xf32>
    %get3A_126 = arith.constant 0 : index
    %get3A_127 = arith.constant 0 : index
    %get3A_128 = vector.load %arg8[%get3A_126, %get3A_127] : memref<1x64xf32, #tpu.memory_space<vmem>>, vector<1x64xf32>
    %get3A_129 = arith.constant 0 : index
    %get3A_130 = arith.constant 0 : index
    %get3A_131 = vector.load %arg9[%get3A_129, %get3A_130] : memref<64x64xf32, #tpu.memory_space<vmem>>, vector<64x64xf32>
    %get3A_132 = arith.constant 0 : index
    %get3A_133 = arith.constant 0 : index
    %get3A_134 = vector.load %arg10[%get3A_132, %get3A_133] : memref<1x64xf32, #tpu.memory_space<vmem>>, vector<1x64xf32>
    %broadcast_in_dim3A_135 = arith.constant 0.000000e+00 : f32
    %broadcast_in_dim3A_136 = vector.broadcast %broadcast_in_dim3A_135 : f32 to vector<64x64xf32>
    %concatenate3A = tpu.concatenate %get3A_125, %get3A_125 in 1 : vector<64x64xf32>, vector<64x64xf32> -> vector<64x128xf32>
    %mul3A_137 = arith.constant 1.250000e-01 : f32
    %mul3A_138 = vector.broadcast %mul3A_137 : f32 to vector<64x128xf32>
    %mul3A_139 = arith.mulf %concatenate3A, %mul3A_138 : vector<64x128xf32>
    %dot_general3A_140 = arith.constant dense<0.000000e+00> : vector<4096x64xf32>
    %dot_general3A_141 = tpu.matmul %add3A_122, %mul3A_139, %dot_general3A_140 {dimension_numbers = #tpu.dot_dimension_numbers<[1], [1], [0], [0], [0, 0, 1, 0], [], []>, transpose_lhs_hint = false} : vector<4096x128xf32>, vector<64x128xf32>, vector<4096x64xf32> -> vector<4096x64xf32>
    %reshape3A_142 = vector.shape_cast %dot_general3A_141 : vector<4096x64xf32> to vector<512x8x64xf32>
    %concatenate3A_143 = tpu.concatenate %get3A_125, %broadcast_in_dim3A_136 in 1 : vector<64x64xf32>, vector<64x64xf32> -> vector<64x128xf32>
    %concatenate3A_144 = tpu.concatenate %broadcast_in_dim3A_136, %get3A_125 in 1 : vector<64x64xf32>, vector<64x64xf32> -> vector<64x128xf32>
    %concatenate3A_145 = tpu.concatenate %concatenate3A_143, %concatenate3A_144 in 0 : vector<64x128xf32>, vector<64x128xf32> -> vector<128x128xf32>
    %concatenate3A_146 = tpu.concatenate %get3A_128, %get3A_128 in 1 : vector<1x64xf32>, vector<1x64xf32> -> vector<1x128xf32>
    %lt3A_147 = arith.constant 64 : i32
    %lt3A_148 = vector.broadcast %lt3A_147 : i32 to vector<8x128xi32>
    %lt3A_149 = arith.cmpi slt, %iota3A, %lt3A_148 : vector<8x128xi32>
    %jit3A_150 = arith.constant 0 : i32
    %jit3A_151 = arith.constant 1 : i32
    %broadcast_in_dim3A_152 = vector.broadcast %jit3A_150 : i32 to vector<8x128xi32>
    %broadcast_in_dim3A_153 = vector.broadcast %jit3A_151 : i32 to vector<8x128xi32>
    %select_n3A_154 = arith.select %lt3A_149, %broadcast_in_dim3A_152, %broadcast_in_dim3A_153 : vector<8x128xi1>, vector<8x128xi32>
    %eq3A_155 = arith.cmpi eq, %iota3A_65, %select_n3A_154 : vector<8x128xi32>
    %convert_element_type3A_156 = arith.extui %eq3A_155 : vector<8x128xi1> to vector<8x128xi32>
    %convert_element_type3A_157 = arith.sitofp %convert_element_type3A_156 : vector<8x128xi32> to vector<8x128xf32>
    %dot_general3A_158 = arith.constant dense<0.000000e+00> : vector<512x128xf32>
    %dot_general3A_159 = tpu.matmul %div3A_45, %convert_element_type3A_157, %dot_general3A_158 {dimension_numbers = #tpu.dot_dimension_numbers<[1], [0], [0], [1], [0, 0, 1, 1], [], []>, transpose_lhs_hint = false} : vector<512x8xf32>, vector<8x128xf32>, vector<512x128xf32> -> vector<512x128xf32>
    %mul3A_160 = arith.mulf %dot_general3A_159, %slice3A_6 : vector<512x128xf32>
    %slice3A_161 = vector.extract_strided_slice %reshape3A_142 {offsets = [0, 0, 0], sizes = [512, 1, 64], strides = [1, 1, 1]} : vector<512x8x64xf32> to vector<512x1x64xf32>
    %squeeze3A = vector.shape_cast %slice3A_161 : vector<512x1x64xf32> to vector<512x64xf32>
    %slice3A_162 = vector.extract_strided_slice %reshape3A_142 {offsets = [0, 1, 0], sizes = [512, 1, 64], strides = [1, 1, 1]} : vector<512x8x64xf32> to vector<512x1x64xf32>
    %squeeze3A_163 = vector.shape_cast %slice3A_162 : vector<512x1x64xf32> to vector<512x64xf32>
    %concatenate3A_164 = tpu.concatenate %squeeze3A, %squeeze3A_163 in 1 : vector<512x64xf32>, vector<512x64xf32> -> vector<512x128xf32>
    %dot_general3A_165 = arith.constant dense<0.000000e+00> : vector<512x128xf32>
    %dot_general3A_166 = tpu.matmul %slice3A_6, %concatenate3A_145, %dot_general3A_165 {dimension_numbers = #tpu.dot_dimension_numbers<[1], [1], [0], [0], [0, 0, 1, 0], [], []>, transpose_lhs_hint = false} : vector<512x128xf32>, vector<128x128xf32>, vector<512x128xf32> -> vector<512x128xf32>
    %add3A_167 = arith.addf %dot_general3A_166, %concatenate3A_164 : vector<512x128xf32>
    %add3A_168 = vector.broadcast %concatenate3A_146 : vector<1x128xf32> to vector<512x128xf32>
    %add3A_169 = arith.addf %add3A_167, %add3A_168 : vector<512x128xf32>
    %max3A = arith.constant 0.000000e+00 : f32
    %max3A_170 = vector.broadcast %max3A : f32 to vector<512x128xf32>
    %max3A_171 = arith.maximumf %add3A_169, %max3A_170 : vector<512x128xf32>
    %lt3A_172 = arith.constant 64 : i32
    %lt3A_173 = vector.broadcast %lt3A_172 : i32 to vector<8x128xi32>
    %lt3A_174 = arith.cmpi slt, %iota3A, %lt3A_173 : vector<8x128xi32>
    %jit3A_175 = arith.constant 0 : i32
    %jit3A_176 = arith.constant 1 : i32
    %broadcast_in_dim3A_177 = vector.broadcast %jit3A_175 : i32 to vector<8x128xi32>
    %broadcast_in_dim3A_178 = vector.broadcast %jit3A_176 : i32 to vector<8x128xi32>
    %select_n3A_179 = arith.select %lt3A_174, %broadcast_in_dim3A_177, %broadcast_in_dim3A_178 : vector<8x128xi1>, vector<8x128xi32>
    %eq3A_180 = arith.cmpi eq, %iota3A_65, %select_n3A_179 : vector<8x128xi32>
    %convert_element_type3A_181 = arith.extui %eq3A_180 : vector<8x128xi1> to vector<8x128xi32>
    %convert_element_type3A_182 = arith.sitofp %convert_element_type3A_181 : vector<8x128xi32> to vector<8x128xf32>
    %dot_general3A_183 = arith.constant dense<0.000000e+00> : vector<512x128xf32>
    %dot_general3A_184 = tpu.matmul %div3A_45, %convert_element_type3A_182, %dot_general3A_183 {dimension_numbers = #tpu.dot_dimension_numbers<[1], [0], [0], [1], [0, 0, 1, 1], [], []>, transpose_lhs_hint = false} : vector<512x8xf32>, vector<8x128xf32>, vector<512x128xf32> -> vector<512x128xf32>
    %mul3A_185 = arith.mulf %dot_general3A_184, %max3A_171 : vector<512x128xf32>
    %slice3A_186 = vector.extract_strided_slice %reshape3A_142 {offsets = [0, 2, 0], sizes = [512, 1, 64], strides = [1, 1, 1]} : vector<512x8x64xf32> to vector<512x1x64xf32>
    %squeeze3A_187 = vector.shape_cast %slice3A_186 : vector<512x1x64xf32> to vector<512x64xf32>
    %slice3A_188 = vector.extract_strided_slice %reshape3A_142 {offsets = [0, 3, 0], sizes = [512, 1, 64], strides = [1, 1, 1]} : vector<512x8x64xf32> to vector<512x1x64xf32>
    %squeeze3A_189 = vector.shape_cast %slice3A_188 : vector<512x1x64xf32> to vector<512x64xf32>
    %concatenate3A_190 = tpu.concatenate %squeeze3A_187, %squeeze3A_189 in 1 : vector<512x64xf32>, vector<512x64xf32> -> vector<512x128xf32>
    %dot_general3A_191 = arith.constant dense<0.000000e+00> : vector<512x128xf32>
    %dot_general3A_192 = tpu.matmul %slice3A_7, %concatenate3A_145, %dot_general3A_191 {dimension_numbers = #tpu.dot_dimension_numbers<[1], [1], [0], [0], [0, 0, 1, 0], [], []>, transpose_lhs_hint = false} : vector<512x128xf32>, vector<128x128xf32>, vector<512x128xf32> -> vector<512x128xf32>
    %add3A_193 = arith.addf %dot_general3A_192, %concatenate3A_190 : vector<512x128xf32>
    %add3A_194 = vector.broadcast %concatenate3A_146 : vector<1x128xf32> to vector<512x128xf32>
    %add3A_195 = arith.addf %add3A_193, %add3A_194 : vector<512x128xf32>
    %max3A_196 = arith.constant 0.000000e+00 : f32
    %max3A_197 = vector.broadcast %max3A_196 : f32 to vector<512x128xf32>
    %max3A_198 = arith.maximumf %add3A_195, %max3A_197 : vector<512x128xf32>
    %lt3A_199 = arith.constant 64 : i32
    %lt3A_200 = vector.broadcast %lt3A_199 : i32 to vector<8x128xi32>
    %lt3A_201 = arith.cmpi slt, %iota3A, %lt3A_200 : vector<8x128xi32>
    %jit3A_202 = arith.constant 2 : i32
    %jit3A_203 = arith.constant 3 : i32
    %broadcast_in_dim3A_204 = vector.broadcast %jit3A_202 : i32 to vector<8x128xi32>
    %broadcast_in_dim3A_205 = vector.broadcast %jit3A_203 : i32 to vector<8x128xi32>
    %select_n3A_206 = arith.select %lt3A_201, %broadcast_in_dim3A_204, %broadcast_in_dim3A_205 : vector<8x128xi1>, vector<8x128xi32>
    %eq3A_207 = arith.cmpi eq, %iota3A_65, %select_n3A_206 : vector<8x128xi32>
    %convert_element_type3A_208 = arith.extui %eq3A_207 : vector<8x128xi1> to vector<8x128xi32>
    %convert_element_type3A_209 = arith.sitofp %convert_element_type3A_208 : vector<8x128xi32> to vector<8x128xf32>
    %dot_general3A_210 = arith.constant dense<0.000000e+00> : vector<512x128xf32>
    %dot_general3A_211 = tpu.matmul %div3A_45, %convert_element_type3A_209, %dot_general3A_210 {dimension_numbers = #tpu.dot_dimension_numbers<[1], [0], [0], [1], [0, 0, 1, 1], [], []>, transpose_lhs_hint = false} : vector<512x8xf32>, vector<8x128xf32>, vector<512x128xf32> -> vector<512x128xf32>
    %mul3A_212 = arith.mulf %dot_general3A_211, %max3A_198 : vector<512x128xf32>
    %add3A_213 = arith.addf %mul3A_185, %mul3A_212 : vector<512x128xf32>
    %lt3A_214 = arith.constant 64 : i32
    %lt3A_215 = vector.broadcast %lt3A_214 : i32 to vector<8x128xi32>
    %lt3A_216 = arith.cmpi slt, %iota3A, %lt3A_215 : vector<8x128xi32>
    %jit3A_217 = arith.constant 2 : i32
    %jit3A_218 = arith.constant 3 : i32
    %broadcast_in_dim3A_219 = vector.broadcast %jit3A_217 : i32 to vector<8x128xi32>
    %broadcast_in_dim3A_220 = vector.broadcast %jit3A_218 : i32 to vector<8x128xi32>
    %select_n3A_221 = arith.select %lt3A_216, %broadcast_in_dim3A_219, %broadcast_in_dim3A_220 : vector<8x128xi1>, vector<8x128xi32>
    %eq3A_222 = arith.cmpi eq, %iota3A_65, %select_n3A_221 : vector<8x128xi32>
    %convert_element_type3A_223 = arith.extui %eq3A_222 : vector<8x128xi1> to vector<8x128xi32>
    %convert_element_type3A_224 = arith.sitofp %convert_element_type3A_223 : vector<8x128xi32> to vector<8x128xf32>
    %dot_general3A_225 = arith.constant dense<0.000000e+00> : vector<512x128xf32>
    %dot_general3A_226 = tpu.matmul %div3A_45, %convert_element_type3A_224, %dot_general3A_225 {dimension_numbers = #tpu.dot_dimension_numbers<[1], [0], [0], [1], [0, 0, 1, 1], [], []>, transpose_lhs_hint = false} : vector<512x8xf32>, vector<8x128xf32>, vector<512x128xf32> -> vector<512x128xf32>
    %mul3A_227 = arith.mulf %dot_general3A_226, %slice3A_7 : vector<512x128xf32>
    %add3A_228 = arith.addf %mul3A_160, %mul3A_227 : vector<512x128xf32>
    %slice3A_229 = vector.extract_strided_slice %reshape3A_142 {offsets = [0, 4, 0], sizes = [512, 1, 64], strides = [1, 1, 1]} : vector<512x8x64xf32> to vector<512x1x64xf32>
    %squeeze3A_230 = vector.shape_cast %slice3A_229 : vector<512x1x64xf32> to vector<512x64xf32>
    %slice3A_231 = vector.extract_strided_slice %reshape3A_142 {offsets = [0, 5, 0], sizes = [512, 1, 64], strides = [1, 1, 1]} : vector<512x8x64xf32> to vector<512x1x64xf32>
    %squeeze3A_232 = vector.shape_cast %slice3A_231 : vector<512x1x64xf32> to vector<512x64xf32>
    %concatenate3A_233 = tpu.concatenate %squeeze3A_230, %squeeze3A_232 in 1 : vector<512x64xf32>, vector<512x64xf32> -> vector<512x128xf32>
    %dot_general3A_234 = arith.constant dense<0.000000e+00> : vector<512x128xf32>
    %dot_general3A_235 = tpu.matmul %slice3A_8, %concatenate3A_145, %dot_general3A_234 {dimension_numbers = #tpu.dot_dimension_numbers<[1], [1], [0], [0], [0, 0, 1, 0], [], []>, transpose_lhs_hint = false} : vector<512x128xf32>, vector<128x128xf32>, vector<512x128xf32> -> vector<512x128xf32>
    %add3A_236 = arith.addf %dot_general3A_235, %concatenate3A_233 : vector<512x128xf32>
    %add3A_237 = vector.broadcast %concatenate3A_146 : vector<1x128xf32> to vector<512x128xf32>
    %add3A_238 = arith.addf %add3A_236, %add3A_237 : vector<512x128xf32>
    %max3A_239 = arith.constant 0.000000e+00 : f32
    %max3A_240 = vector.broadcast %max3A_239 : f32 to vector<512x128xf32>
    %max3A_241 = arith.maximumf %add3A_238, %max3A_240 : vector<512x128xf32>
    %lt3A_242 = arith.constant 64 : i32
    %lt3A_243 = vector.broadcast %lt3A_242 : i32 to vector<8x128xi32>
    %lt3A_244 = arith.cmpi slt, %iota3A, %lt3A_243 : vector<8x128xi32>
    %jit3A_245 = arith.constant 4 : i32
    %jit3A_246 = arith.constant 5 : i32
    %broadcast_in_dim3A_247 = vector.broadcast %jit3A_245 : i32 to vector<8x128xi32>
    %broadcast_in_dim3A_248 = vector.broadcast %jit3A_246 : i32 to vector<8x128xi32>
    %select_n3A_249 = arith.select %lt3A_244, %broadcast_in_dim3A_247, %broadcast_in_dim3A_248 : vector<8x128xi1>, vector<8x128xi32>
    %eq3A_250 = arith.cmpi eq, %iota3A_65, %select_n3A_249 : vector<8x128xi32>
    %convert_element_type3A_251 = arith.extui %eq3A_250 : vector<8x128xi1> to vector<8x128xi32>
    %convert_element_type3A_252 = arith.sitofp %convert_element_type3A_251 : vector<8x128xi32> to vector<8x128xf32>
    %dot_general3A_253 = arith.constant dense<0.000000e+00> : vector<512x128xf32>
    %dot_general3A_254 = tpu.matmul %div3A_45, %convert_element_type3A_252, %dot_general3A_253 {dimension_numbers = #tpu.dot_dimension_numbers<[1], [0], [0], [1], [0, 0, 1, 1], [], []>, transpose_lhs_hint = false} : vector<512x8xf32>, vector<8x128xf32>, vector<512x128xf32> -> vector<512x128xf32>
    %mul3A_255 = arith.mulf %dot_general3A_254, %max3A_241 : vector<512x128xf32>
    %add3A_256 = arith.addf %add3A_213, %mul3A_255 : vector<512x128xf32>
    %lt3A_257 = arith.constant 64 : i32
    %lt3A_258 = vector.broadcast %lt3A_257 : i32 to vector<8x128xi32>
    %lt3A_259 = arith.cmpi slt, %iota3A, %lt3A_258 : vector<8x128xi32>
    %jit3A_260 = arith.constant 4 : i32
    %jit3A_261 = arith.constant 5 : i32
    %broadcast_in_dim3A_262 = vector.broadcast %jit3A_260 : i32 to vector<8x128xi32>
    %broadcast_in_dim3A_263 = vector.broadcast %jit3A_261 : i32 to vector<8x128xi32>
    %select_n3A_264 = arith.select %lt3A_259, %broadcast_in_dim3A_262, %broadcast_in_dim3A_263 : vector<8x128xi1>, vector<8x128xi32>
    %eq3A_265 = arith.cmpi eq, %iota3A_65, %select_n3A_264 : vector<8x128xi32>
    %convert_element_type3A_266 = arith.extui %eq3A_265 : vector<8x128xi1> to vector<8x128xi32>
    %convert_element_type3A_267 = arith.sitofp %convert_element_type3A_266 : vector<8x128xi32> to vector<8x128xf32>
    %dot_general3A_268 = arith.constant dense<0.000000e+00> : vector<512x128xf32>
    %dot_general3A_269 = tpu.matmul %div3A_45, %convert_element_type3A_267, %dot_general3A_268 {dimension_numbers = #tpu.dot_dimension_numbers<[1], [0], [0], [1], [0, 0, 1, 1], [], []>, transpose_lhs_hint = false} : vector<512x8xf32>, vector<8x128xf32>, vector<512x128xf32> -> vector<512x128xf32>
    %mul3A_270 = arith.mulf %dot_general3A_269, %slice3A_8 : vector<512x128xf32>
    %add3A_271 = arith.addf %add3A_228, %mul3A_270 : vector<512x128xf32>
    %slice3A_272 = vector.extract_strided_slice %reshape3A_142 {offsets = [0, 6, 0], sizes = [512, 1, 64], strides = [1, 1, 1]} : vector<512x8x64xf32> to vector<512x1x64xf32>
    %squeeze3A_273 = vector.shape_cast %slice3A_272 : vector<512x1x64xf32> to vector<512x64xf32>
    %slice3A_274 = vector.extract_strided_slice %reshape3A_142 {offsets = [0, 7, 0], sizes = [512, 1, 64], strides = [1, 1, 1]} : vector<512x8x64xf32> to vector<512x1x64xf32>
    %squeeze3A_275 = vector.shape_cast %slice3A_274 : vector<512x1x64xf32> to vector<512x64xf32>
    %concatenate3A_276 = tpu.concatenate %squeeze3A_273, %squeeze3A_275 in 1 : vector<512x64xf32>, vector<512x64xf32> -> vector<512x128xf32>
    %dot_general3A_277 = arith.constant dense<0.000000e+00> : vector<512x128xf32>
    %dot_general3A_278 = tpu.matmul %slice3A_9, %concatenate3A_145, %dot_general3A_277 {dimension_numbers = #tpu.dot_dimension_numbers<[1], [1], [0], [0], [0, 0, 1, 0], [], []>, transpose_lhs_hint = false} : vector<512x128xf32>, vector<128x128xf32>, vector<512x128xf32> -> vector<512x128xf32>
    %add3A_279 = arith.addf %dot_general3A_278, %concatenate3A_276 : vector<512x128xf32>
    %add3A_280 = vector.broadcast %concatenate3A_146 : vector<1x128xf32> to vector<512x128xf32>
    %add3A_281 = arith.addf %add3A_279, %add3A_280 : vector<512x128xf32>
    %max3A_282 = arith.constant 0.000000e+00 : f32
    %max3A_283 = vector.broadcast %max3A_282 : f32 to vector<512x128xf32>
    %max3A_284 = arith.maximumf %add3A_281, %max3A_283 : vector<512x128xf32>
    %lt3A_285 = arith.constant 64 : i32
    %lt3A_286 = vector.broadcast %lt3A_285 : i32 to vector<8x128xi32>
    %lt3A_287 = arith.cmpi slt, %iota3A, %lt3A_286 : vector<8x128xi32>
    %jit3A_288 = arith.constant 6 : i32
    %jit3A_289 = arith.constant 7 : i32
    %broadcast_in_dim3A_290 = vector.broadcast %jit3A_288 : i32 to vector<8x128xi32>
    %broadcast_in_dim3A_291 = vector.broadcast %jit3A_289 : i32 to vector<8x128xi32>
    %select_n3A_292 = arith.select %lt3A_287, %broadcast_in_dim3A_290, %broadcast_in_dim3A_291 : vector<8x128xi1>, vector<8x128xi32>
    %eq3A_293 = arith.cmpi eq, %iota3A_65, %select_n3A_292 : vector<8x128xi32>
    %convert_element_type3A_294 = arith.extui %eq3A_293 : vector<8x128xi1> to vector<8x128xi32>
    %convert_element_type3A_295 = arith.sitofp %convert_element_type3A_294 : vector<8x128xi32> to vector<8x128xf32>
    %dot_general3A_296 = arith.constant dense<0.000000e+00> : vector<512x128xf32>
    %dot_general3A_297 = tpu.matmul %div3A_45, %convert_element_type3A_295, %dot_general3A_296 {dimension_numbers = #tpu.dot_dimension_numbers<[1], [0], [0], [1], [0, 0, 1, 1], [], []>, transpose_lhs_hint = false} : vector<512x8xf32>, vector<8x128xf32>, vector<512x128xf32> -> vector<512x128xf32>
    %mul3A_298 = arith.mulf %dot_general3A_297, %max3A_284 : vector<512x128xf32>
    %add3A_299 = arith.addf %add3A_256, %mul3A_298 : vector<512x128xf32>
    %lt3A_300 = arith.constant 64 : i32
    %lt3A_301 = vector.broadcast %lt3A_300 : i32 to vector<8x128xi32>
    %lt3A_302 = arith.cmpi slt, %iota3A, %lt3A_301 : vector<8x128xi32>
    %jit3A_303 = arith.constant 6 : i32
    %jit3A_304 = arith.constant 7 : i32
    %broadcast_in_dim3A_305 = vector.broadcast %jit3A_303 : i32 to vector<8x128xi32>
    %broadcast_in_dim3A_306 = vector.broadcast %jit3A_304 : i32 to vector<8x128xi32>
    %select_n3A_307 = arith.select %lt3A_302, %broadcast_in_dim3A_305, %broadcast_in_dim3A_306 : vector<8x128xi1>, vector<8x128xi32>
    %eq3A_308 = arith.cmpi eq, %iota3A_65, %select_n3A_307 : vector<8x128xi32>
    %convert_element_type3A_309 = arith.extui %eq3A_308 : vector<8x128xi1> to vector<8x128xi32>
    %convert_element_type3A_310 = arith.sitofp %convert_element_type3A_309 : vector<8x128xi32> to vector<8x128xf32>
    %dot_general3A_311 = arith.constant dense<0.000000e+00> : vector<512x128xf32>
    %dot_general3A_312 = tpu.matmul %div3A_45, %convert_element_type3A_310, %dot_general3A_311 {dimension_numbers = #tpu.dot_dimension_numbers<[1], [0], [0], [1], [0, 0, 1, 1], [], []>, transpose_lhs_hint = false} : vector<512x8xf32>, vector<8x128xf32>, vector<512x128xf32> -> vector<512x128xf32>
    %mul3A_313 = arith.mulf %dot_general3A_312, %slice3A_9 : vector<512x128xf32>
    %add3A_314 = arith.addf %add3A_271, %mul3A_313 : vector<512x128xf32>
    %slice3A_315 = vector.extract_strided_slice %add3A_299 {offsets = [0, 0], sizes = [512, 64], strides = [1, 1]} : vector<512x128xf32> to vector<512x64xf32>
    %slice3A_316 = vector.extract_strided_slice %add3A_299 {offsets = [0, 64], sizes = [512, 64], strides = [1, 1]} : vector<512x128xf32> to vector<512x64xf32>
    %add3A_317 = arith.addf %slice3A_315, %slice3A_316 : vector<512x64xf32>
    %mul3A_318 = arith.constant 1.250000e-01 : f32
    %mul3A_319 = vector.broadcast %mul3A_318 : f32 to vector<512x64xf32>
    %mul3A_320 = arith.mulf %add3A_317, %mul3A_319 : vector<512x64xf32>
    %slice3A_321 = vector.extract_strided_slice %add3A_314 {offsets = [0, 0], sizes = [512, 64], strides = [1, 1]} : vector<512x128xf32> to vector<512x64xf32>
    %slice3A_322 = vector.extract_strided_slice %add3A_314 {offsets = [0, 64], sizes = [512, 64], strides = [1, 1]} : vector<512x128xf32> to vector<512x64xf32>
    %add3A_323 = arith.addf %slice3A_321, %slice3A_322 : vector<512x64xf32>
    %mul3A_324 = arith.constant 1.250000e-01 : f32
    %mul3A_325 = vector.broadcast %mul3A_324 : f32 to vector<512x64xf32>
    %mul3A_326 = arith.mulf %add3A_323, %mul3A_325 : vector<512x64xf32>
    %slice3A_327 = vector.extract_strided_slice %slice3A_10 {offsets = [0, 0], sizes = [256, 64], strides = [1, 1]} : vector<256x128xf32> to vector<256x64xf32>
    %slice3A_328 = vector.extract_strided_slice %slice3A_10 {offsets = [0, 64], sizes = [256, 64], strides = [1, 1]} : vector<256x128xf32> to vector<256x64xf32>
    %stack3A = vector.shape_cast %slice3A_327 : vector<256x64xf32> to vector<256x1x64xf32>
    %stack3A_329 = vector.shape_cast %slice3A_328 : vector<256x64xf32> to vector<256x1x64xf32>
    %stack3A_330 = tpu.concatenate %stack3A, %stack3A_329 in 1 : vector<256x1x64xf32>, vector<256x1x64xf32> -> vector<256x2x64xf32>
    %reshape3A_331 = vector.shape_cast %stack3A_330 : vector<256x2x64xf32> to vector<512x64xf32>
    %add3A_332 = arith.addf %reshape3A_331, %mul3A_326 : vector<512x64xf32>
    %dot_general3A_333 = arith.constant dense<0.000000e+00> : vector<512x64xf32>
    %dot_general3A_334 = tpu.matmul %add3A_332, %get3A_125, %dot_general3A_333 {dimension_numbers = #tpu.dot_dimension_numbers<[1], [1], [0], [0], [0, 0, 1, 0], [], []>, transpose_lhs_hint = false} : vector<512x64xf32>, vector<64x64xf32>, vector<512x64xf32> -> vector<512x64xf32>
    %add3A_335 = vector.broadcast %get3A_128 : vector<1x64xf32> to vector<512x64xf32>
    %add3A_336 = arith.addf %dot_general3A_334, %add3A_335 : vector<512x64xf32>
    %max3A_337 = arith.constant 0.000000e+00 : f32
    %max3A_338 = vector.broadcast %max3A_337 : f32 to vector<512x64xf32>
    %max3A_339 = arith.maximumf %add3A_336, %max3A_338 : vector<512x64xf32>
    %add3A_340 = arith.addf %max3A_339, %mul3A_320 : vector<512x64xf32>
    %dot_general3A_341 = arith.constant dense<0.000000e+00> : vector<512x64xf32>
    %dot_general3A_342 = tpu.matmul %add3A_340, %get3A_131, %dot_general3A_341 {dimension_numbers = #tpu.dot_dimension_numbers<[1], [1], [0], [0], [0, 0, 1, 0], [], []>, transpose_lhs_hint = false} : vector<512x64xf32>, vector<64x64xf32>, vector<512x64xf32> -> vector<512x64xf32>
    %add3A_343 = vector.broadcast %get3A_134 : vector<1x64xf32> to vector<512x64xf32>
    %add3A_344 = arith.addf %dot_general3A_342, %add3A_343 : vector<512x64xf32>
    %tanh3A = math.tanh %add3A_344 : vector<512x64xf32>
    %mul3A_345 = arith.mulf %select_n3A, %tanh3A : vector<512x64xf32>
    %reduce_sum3A_346 = arith.constant dense<0.000000e+00> : vector<512xf32>
    %reduce_sum3A_347 = vector.multi_reduction <add>, %mul3A_345, %reduce_sum3A_346 [1] : vector<512x64xf32> to vector<512xf32>
    %broadcast_in_dim3A_348 = vector.shape_cast %reduce_sum3A_347 : vector<512xf32> to vector<512x1xf32>
    %swap3A = arith.constant 0 : index
    %swap3A_349 = arith.constant 0 : index
    %swap3A_350 = vector.load %arg11[%swap3A, %swap3A_349] : memref<512x1xf32, #tpu.memory_space<vmem>>, vector<512x1xf32>
    tpu.vector_store %arg11[%swap3A, %swap3A_349], %broadcast_in_dim3A_348 {strides = array<i32>} : memref<512x1xf32, #tpu.memory_space<vmem>>, vector<512x1xf32>,
    return
  }
  func.func @transform_0(%arg0: i32) -> (i32, i32) {
    %c0_i32 = arith.constant 0 : i32
    %c0_i32_0 = arith.constant 0 : i32
    return %arg0, %c0_i32 : i32, i32
  }
  func.func @transform_1(%arg0: i32) -> (i32, i32) {
    %c0_i32 = arith.constant 0 : i32
    %c0_i32_0 = arith.constant 0 : i32
    return %arg0, %c0_i32 : i32, i32
  }
  func.func @transform_2(%arg0: i32) -> (i32, i32, i32) {
    %c0_i32 = arith.constant 0 : i32
    %c0_i32_0 = arith.constant 0 : i32
    %c0_i32_1 = arith.constant 0 : i32
    return %arg0, %c0_i32, %c0_i32_0 : i32, i32, i32
  }
  func.func @transform_3(%arg0: i32) -> (i32, i32) {
    %c0_i32 = arith.constant 0 : i32
    %c0_i32_0 = arith.constant 0 : i32
    return %arg0, %c0_i32 : i32, i32
  }
  func.func @transform_4(%arg0: i32) -> (i32, i32) {
    %c0_i32 = arith.constant 0 : i32
    %c0_i32_0 = arith.constant 0 : i32
    return %arg0, %c0_i32 : i32, i32
  }
  func.func @transform_5(%arg0: i32) -> (i32, i32) {
    %c0_i32 = arith.constant 0 : i32
    %c0_i32_0 = arith.constant 0 : i32
    %c0_i32_1 = arith.constant 0 : i32
    return %c0_i32, %c0_i32_0 : i32, i32
  }
  func.func @transform_6(%arg0: i32) -> (i32, i32) {
    %c0_i32 = arith.constant 0 : i32
    %c0_i32_0 = arith.constant 0 : i32
    %c0_i32_1 = arith.constant 0 : i32
    return %c0_i32, %c0_i32_0 : i32, i32
  }
  func.func @transform_7(%arg0: i32) -> (i32, i32) {
    %c0_i32 = arith.constant 0 : i32
    %c0_i32_0 = arith.constant 0 : i32
    %c0_i32_1 = arith.constant 0 : i32
    return %c0_i32, %c0_i32_0 : i32, i32
  }
  func.func @transform_8(%arg0: i32) -> (i32, i32) {
    %c0_i32 = arith.constant 0 : i32
    %c0_i32_0 = arith.constant 0 : i32
    %c0_i32_1 = arith.constant 0 : i32
    return %c0_i32, %c0_i32_0 : i32, i32
  }
  func.func @transform_9(%arg0: i32) -> (i32, i32) {
    %c0_i32 = arith.constant 0 : i32
    %c0_i32_0 = arith.constant 0 : i32
    %c0_i32_1 = arith.constant 0 : i32
    return %c0_i32, %c0_i32_0 : i32, i32
  }
  func.func @transform_10(%arg0: i32) -> (i32, i32) {
    %c0_i32 = arith.constant 0 : i32
    %c0_i32_0 = arith.constant 0 : i32
    return %arg0, %c0_i32 : i32, i32
  }
}

</mosaic_0001>

<sc_bundles>
// kernel: kernel.12.cloned.1.call-start
scs
__scs_entry_jumppad:
0x0: {  	(pc) =	sbr.rel $0x88, $3  }
0x1: {  	(tag) =	ssettag $0x0;
	lr =	simm.s32 $0x1  }
0x2: {  	[smem:$0x3F96] =	sst lr;
	_ =	strace $0xD0000000  }
0x3: {  	_ = 	snop  }
0x4: {  	_ = 	snop  }
0x5: {  	_ = 	snop  }
0x6: {  	_ = 	snop  }
0x7: {  	_ = 	snop  }
__scs_overlays_trampoline_lowered:
0x8: {  	[smem:$0x3FA5] =	sst s0  }
0x9: {  	[smem:$0x3FA6] =	sst s1  }
0xa: {  	[smem:$0x3FA7] =	sst s2  }
0xb: {  	[smem:$0x3FA8] =	sst s3  }
0xc: {  	[smem:$0x3FA9] =	sst s4  }
0xd: {  	[smem:$0x3FAA] =	sst s5  }
0xe: {  	[smem:$0x3FAB] =	sst s6  }
0xf: {  	[smem:$0x3FAC] =	sst s7  }
0x10: {  	[smem:$0x3FAD] =	sst s8  }
0x11: {  	[smem:$0x3FAE] =	sst s9;
	s0 =	simm.s32 @!p0 $0x0  }
0x12: {  	s1 =	sld [smem:$0x3F94];
	s0 =	simm.s32 @p0 $0x1  }
0x13: {  	[smem:$0x3FAF] =	sst s0;
	s0 =	simm.s32 @!p1 $0x0  }
0x14: {  	s2 =	sld [smem:$0x3F93];
	s0 =	simm.s32 @p1 $0x1  }
0x15: {  	[smem:$0x3FB0] =	sst s0;
	s0 =	simm.s32 @!p2 $0x0  }
0x16: {  	s3 =	sld [smem:$0x3FDB];
	s0 =	simm.s32 @p2 $0x1  }
0x17: {  	s4 =	simm.s32 $0x1BF5;
	[smem:$0x3FB2] =	sst s0  }
0x18: {  	s0 =	sld [smem:$0x3F95];
	_ =	swait.ge [sflag:s4], $0x0  }
0x19: {  	s7 =	sld [smem:$0x3F96]  }
0x1a: {  	s8 =	sadd.s32 $0xFFFFE003, lr  }
0x1b: {  	s9 =	sadd.s32 $0xFFFFFEF7, lr;
	s5 =	simm.s32 $0xFFFFFFFF;
	p2 =	slt.u32 s8, $0xFFFFF086  }
0x1c: {  	p1 =	slt.u32 s9, $0xF7A;
	s5 =	simm.s32 @!p2 $0x0  }
0x1d: {  	s5 =	simm.s32 @p1 $0x1;
	p0 =	seq.s32 s7, s2  }
0x1e: {  	s7 =	smul.u32 @!p0 $0xF7A, s2;
	p2 =	seq.s32 @!p0 s5, $0x0  }
0x1f: {  	s9 =	smul.u32 $0xF7A, s1;
	s8 =	simm.s32 @!p0 $0x1BF5;
	p2 =	por !p2, p0  }
0x20: {  	[sflag:s8] =	ssyncset.s32 @!p0 $0xFFFFF086;
	s6 =	sadd.s32 @!p0 s3, s7;
	s7 =	simm.s32 @!p0 $0x108  }
0x21: {  	s3 =	sadd.s32 s3, s9;
	s6 =	sadd.s32 @!p0 $0x88, s6;
	s7 =	simm.s32 @p2 $0x1082  }
0x22: {  	[simem:s7], [sflag:s8] =	dma.local @!p0 [hbm:s6], $0xF7A  }
0x23: {  	s9 =	sor.u32 $0xD0000000, s2;
	s6 =	simm.s32 $0x108;
	_ =	swait.ge @!p0 [sflag:s8], $0x0  }
0x24: {  	s3 =	sadd.s32 $0x88, s3;
	s6 =	simm.s32 @!p1 $0x1082;
	[sflag:s4] =	ssyncset.s32 $0xFFFFF086  }
0x25: {  	[simem:s6], [sflag:s4] =	dma.local [hbm:s3], $0xF7A  }
0x26: {  	[smem:$0x3F96] =	sst s1;
	(tag) =	ssettag s2;
	_ =	strace s9  }
0x27: {  	s1 =	sld [smem:$0x3FA6]  }
0x28: {  	s2 =	sld [smem:$0x3FA7]  }
0x29: {  	s4 =	sld [smem:$0x3FA9]  }
0x2a: {  	p0 =	seq.s32 s5, $0x0;
	s5 =	sld [smem:$0x3FAA]  }
0x2b: {  	s6 =	sld [smem:$0x3FAB]  }
0x2c: {  	s7 =	sld [smem:$0x3FAC]  }
0x2d: {  	s3 =	simm.s32 $0x108;
	s8 =	sld [smem:$0x3FAD]  }
0x2e: {  	s3 =	simm.s32 @!p0 $0x1082;
	s9 =	sld [smem:$0x3FAE]  }
0x2f: {  	lr =	sadd.s32 s0, s3;
	s0 =	sld [smem:$0x3FA5]  }
0x30: {  	s3 =	sld [smem:$0x3FA8]  }
0x31: {  	[smem:$0x3FB1] =	sst s10  }
0x32: {  	s10 =	sld [smem:$0x3FAF];
	_ =	sdelay $0x3  }
0x33: {  	p0 =	seq.s32 s10, $0x1;
	s10 =	sld [smem:$0x3FB1];
	_ =	sdelay $0x3  }
0x34: {  	[smem:$0x3FB1] =	sst s10  }
0x35: {  	s10 =	sld [smem:$0x3FB0];
	_ =	sdelay $0x3  }
0x36: {  	p1 =	seq.s32 s10, $0x1;
	s10 =	sld [smem:$0x3FB1];
	_ =	sdelay $0x3  }
0x37: {  	[smem:$0x3FB1] =	sst s10  }
0x38: {  	s10 =	sld [smem:$0x3FB2]  }
0x39: {  	_ = 	snop;
	(pc) =	sbr.ind lr, $3  }
0x3a: {  	_ = 	snop  }
0x3b: {  	_ = 	snop  }
0x3c: {  	p2 =	seq.s32 s10, $0x1;
	s10 =	sld [smem:$0x3FB1]  }
0x3d: {  	_ =	shalt  }
0x3e: {  	_ =	shalt  }
0x3f: {  	_ =	shalt  }
0x40: {  	_ =	shalt  }
0x41: {  	_ =	shalt  }
0x42: {  	_ =	shalt  }
0x43: {  	_ =	shalt  }
0x44: {  	_ =	shalt  }
0x45: {  	_ =	shalt  }
0x46: {  	_ =	shalt  }
0x47: {  	_ =	shalt  }
0x48: {  	_ =	shalt  }
0x49: {  	_ =	shalt  }
0x4a: {  	_ =	shalt  }
0x4b: {  	_ =	shalt  }
0x4c: {  	_ =	shalt  }
0x4d: {  	_ =	shalt  }
0x4e: {  	_ =	shalt  }
0x4f: {  	_ =	shalt  }
0x50: {  	_ =	shalt  }
0x51: {  	_ =	shalt  }
0x52: {  	_ =	shalt  }
0x53: {  	_ =	shalt  }
0x54: {  	_ =	shalt  }
0x55: {  	_ =	shalt  }
0x56: {  	_ =	shalt  }
0x57: {  	_ =	shalt  }
0x58: {  	_ =	shalt  }
0x59: {  	_ =	shalt  }
0x5a: {  	_ =	shalt  }
0x5b: {  	_ =	shalt  }
0x5c: {  	_ =	shalt  }
0x5d: {  	_ =	shalt  }
0x5e: {  	_ =	shalt  }
0x5f: {  	_ =	shalt  }
0x60: {  	_ =	shalt  }
0x61: {  	_ =	shalt  }
0x62: {  	_ =	shalt  }
0x63: {  	_ =	shalt  }
0x64: {  	_ =	shalt  }
0x65: {  	_ =	shalt  }
0x66: {  	_ =	shalt  }
0x67: {  	_ =	shalt  }
0x68: {  	_ =	shalt  }
0x69: {  	_ =	shalt  }
0x6a: {  	_ =	shalt  }
0x6b: {  	_ =	shalt  }
0x6c: {  	_ =	shalt  }
0x6d: {  	_ =	shalt  }
0x6e: {  	_ =	shalt  }
0x6f: {  	_ =	shalt  }
0x70: {  	_ =	shalt  }
0x71: {  	_ =	shalt  }
0x72: {  	_ =	shalt  }
0x73: {  	_ =	shalt  }
0x74: {  	_ =	shalt  }
0x75: {  	_ =	shalt  }
0x76: {  	_ =	shalt  }
0x77: {  	_ =	shalt  }
0x78: {  	_ =	shalt  }
0x79: {  	_ =	shalt  }
0x7a: {  	_ =	shalt  }
0x7b: {  	_ =	shalt  }
0x7c: {  	_ =	shalt  }
0x7d: {  	_ =	shalt  }
0x7e: {  	_ =	shalt  }
0x7f: {  	_ =	shalt  }
0x80: {  	_ =	shalt  }
0x81: {  	_ =	shalt  }
0x82: {  	_ =	shalt  }
0x83: {  	_ =	shalt  }
0x84: {  	_ =	shalt  }
0x85: {  	_ =	shalt  }
0x86: {  	_ =	shalt  }
0x87: {  	_ =	shalt  }
.Lfunc_end0:
.L_simem_size_0:
called_computation_lowered:
.L_overlay_start_0:
0x88: {  	s2 =	sld [smem:$0x3FD9]  }
0x89: {  	s3 =	sld [smem:$0x3FFE];
	_ =	sdelay $0x1  }
0x8a: {  	s1 =	srdreg.scid  }
0x8b: {  	s0 =	sand.u32 $0x1, s1  }
0x8c: {  	s17 =	sshll.u32 s0, $0xA;
	s2 =	sadd.s32 s3, s2  }
0x8d: {  	s2 =	sadd.s32 s2, s17  }
0x8e: {  	[smem:$0x3FBD] =	sst s2  }
0x8f: {  	_ = 	snop  }
0x90: {  	s2 =	sld [smem:$0x3FC8]  }
0x91: {  	s18 =	sld [smem:$0x3FD0];
	(tm) =	ssettm $0x1  }
0x92: {  	s4 =	sld [smem:$0x3FFB];
	_ =	sdelay $0x3  }
0x93: {  	_ =	strace s4  }
0x94: {  	s4 =	sld [smem:$0x3FFC];
	_ =	sdelay $0x3  }
0x95: {  	_ =	strace s4  }
0x96: {  	s4 =	sld [smem:$0x3FFD];
	_ =	sdelay $0x3  }
0x97: {  	_ =	strace s4  }
0x98: {  	_ =	strace $0x8FFFFFFF  }
0x99: {  	s19 =	sld [smem:$0x3FDB];
	_ =	sdelay $0x1  }
0x9a: {  	s5 =	simm.s32 $_scs_section_size  }
0x9b: {  	s6 =	simm.s32 $_size__tile_overlayer_lowered;
	s7 =	simm.s32 $_tile_overlayer_lowered  }
0x9c: {  	s22 =	simm.s32 $0x1BFF;
	s21 =	sshll.u32 s7, $0x1;
	s4 =	sadd.s32 s5, s19  }
0x9d: {  	s8 =	simm.s32 $0x0;
	s20 =	sshll.u32 s6, $0x1;
	s6 =	sadd.s32 s21, s4  }
0x9e: {  	[timem:s8], [sflag:s22] =	dma.local [hbm:s6], s20  }
0x9f: {  	_ =	swait.ge [sflag:s22], s20  }
0xa0: {  	s5 =	ssub.s32 $0x0, s20;
	[sflag:s22] =	ssyncset.done $0x0  }
0xa1: {  	[sflag:s22] =	ssyncadd.s32 s5;
	_ =	sdelay $0x1  }
0xa2: {  	s23 =	simm.s32 $0x1B8B  }
0xa3: {  	_ =	swait.ge [sflag:s23], $0x1  }
0xa4: {  	[sflag:s23] =	ssyncset.done $0x0  }
0xa5: {  	s25 =	simm.s32 $0x1B8E;
	s24 =	sld [smem:$0x3FFE];
	[sflag:s23] =	ssyncadd.s32 $0xFFFFFFFF  }
0xa6: {  	s26 =	simm.s32 $execute0_lowered;
	[smem:$0x3FD2] =	sst s25  }
0xa7: {  	s6 =	sshll.u32 s26, $0x1;
	_ =	strace $0x80000046;
	[dreg:$0x1] =	wrdreg $0xFFFFFFFF  }
0xa8: {  	s28 =	simm.s32 $_size_execute0_lowered;
	s4 =	sadd.s32 s4, s6;
	[dreg:$0x0] =	wrdreg $0x0  }
0xa9: {  	s6 =	sshll.u32 s28, $0x1;
	[dreg:$0x2] =	wrdreg s4  }
0xaa: {  	[dreg:$0x3] =	wrdreg s6  }
0xab: {  	[dreg:$0x4] =	wrdreg $0xC0  }
0xac: {  	_ =	task [dreg:s8], $0x5FFFF  }
0xad: {  	[dreg:$0x1] =	wrdreg $0xFFFFFFFF  }
0xae: {  	[dreg:$0x0] =	wrdreg $0x60  }
0xaf: {  	[dreg:$0x2] =	wrdreg s24  }
0xb0: {  	[dreg:$0x3] =	wrdreg s2  }
0xb1: {  	[dreg:$0x4] =	wrdreg s18  }
0xb2: {  	[dreg:$0x5] =	wrdreg $0x9  }
0xb3: {  	_ =	task.clear_ibuf [dreg:s8], $0x6FFFF;
	_ =	strace $0x90000046  }
0xb4: {  	s29 =	simm.s32 $0x9;
	_ =	strace $0x80000052  }
0xb5: {  	_ =	swait.ge [sflag:s29], $0x1  }
0xb6: {  	[sflag:s29] =	ssyncadd.s32 $0xFFFFFFFF  }
0xb7: {  	_ =	strace $0x90000052  }
0xb8: {  	_ =	sfence  }
0xb9: {  	s30 =	sld [smem:$0x0];
	_ =	sdelay $0x2  }
0xba: {  	s31 =	sshll.u32 s1, $0xD;
	s1 =	sshrl.u32 s1, $0x2  }
0xbb: {  	s3 =	sand.u32 $0x4000, s31;
	s1 =	sadd.s32 s1, s30  }
0xbc: {  	s0 =	sor.u32 s3, s0;
	s1 =	sshll.u32 s1, $0x11  }
0xbd: {  	s0 =	sor.u32 s1, s0  }
0xbe: {  	s0 =	sadd.s32 $0x8F2B, s0  }
0xbf: {  	[sflag:s0] =	ssyncadd.remote.s32 $0x1  }
0xc0: {  	_ =	sfence.sel $0xFFFF  }
0xc1: {  	[dreg:$0x0] =	wrdreg $0xFFFFFFFF;
	(pc) =	sbr.abs _section_cstart, $3  }
0xc2: {  	[dreg:$0x1] =	wrdreg $0xFFFFFFFF  }
0xc3: {  	_ =	task.clear_ibuf [dreg:s8], $0x2FFFF;
	_ =	strace $0x9FFFFFFF  }
0xc4: {  	(tm) =	ssettm $0x7FFFFFFF  }
0xc5: {  	_ =	shalt  }
tec
execute0_lowered:
.L_overlay_start_1:
0x0: {  	(tag) =	ssettag $0x1  }
0x1: {  	s13 =	rddreg [dreg:$0x0]  }
0x2: {  	s3 =	rddreg [dreg:$0x1];
	s2 =	srdreg.scid  }
0x3: {  	s11 =	rddreg [dreg:$0x2];
	s1 =	stileid.u32;
	s14 =	sand.u32 $0x1, s2  }
0x4: {  	s2 =	simm.s32 $0x0;
	s5 =	sshll.u32 s1, $0x7;
	s4 =	sshll.u32 s14, $0xB  }
0x5: {  	[smem:$0x7FF] =	sst s2;
	s15 =	sor.u32 s5, s4  }
0x6: {  	s0 =	rddreg [dreg:$0x3];
	_ =	strace $0x80000047;
	s12 =	sshrl.u32 s15, $0x3  }
0x7: {  	_ =	strace $0x80000048;
	s3 =	sadd.s32 s3, s12  }
0x8: {  	[tilespmem:s2], [sflag:$0x1] =	stream.linear.gather [hbm4b:s3+s2], $0x80, $0x200038;
	[tilespmem:$0x8100] =	vst v63  }
0x9: {  	_ =	strace $0x90000048  }
0xa: {  	s4 =	simm.s32 $0x1;
	_ =	strace $0x80000049  }
0xb: {  	_ =	swait.ge [sflag:s4], $0x80  }
0xc: {  	[sflag:s4] =	ssyncset.done $0x0  }
0xd: {  	[sflag:s4] =	ssyncadd.s32 $0xFFFFFF80  }
0xe: {  	s6 =	simm.s32 $0x80;
	s7 =	simm.s32 $0x100;
	_ =	strace $0x90000049  }
0xf: {  	s8 =	simm.s32 $0x5;
	s5 =	sadd.s32 $0x18CA00, s13;
	_ =	strace $0x8000004A  }
0x10: {  	[tilespmem:s7], [sflag:$0x5] =	stream.indirect.gather [hbm4b:s5+s6], $0x10, s2, s6, $0x2000b8;
	[tilespmem:$0x8100] =	vst v63  }
0x11: {  	_ =	swait.ge [sflag:s8], $0x800  }
0x12: {  	[sflag:s8] =	ssyncset.done $0x0  }
0x13: {  	s9 =	sshll.u32 s15, $0x1;
	[sflag:s8] =	ssyncadd.s32 $0xFFFFF800  }
0x14: {  	s9 =	sadd.s32 s9, s13;
	_ =	strace $0x9000004A  }
0x15: {  	s9 =	sadd.s32 $0x6000, s9;
	_ =	strace $0x8000004B  }
0x16: {  	[hbm4b:s9+s2] =	stream.linear.scatter [tilespmem:s7], [sflag:$0x3], $0x800, $0x200038;
	[tilespmem:$0x8100] =	vst v63  }
0x17: {  	_ =	strace $0x9000004B  }
0x18: {  	s10 =	simm.s32 $0x3;
	_ =	strace $0x8000004C  }
0x19: {  	_ =	swait.ge [sflag:s10], $0x800  }
0x1a: {  	[sflag:s10] =	ssyncset.done $0x0  }
0x1b: {  	[sflag:s10] =	ssyncadd.s32 $0xFFFFF800  }
0x1c: {  	_ =	strace $0x9000004C  }
0x1d: {  	s11 =	sadd.s32 s11, s12;
	_ =	strace $0x8000004D  }
0x1e: {  	[tilespmem:s2], [sflag:$0x1] =	stream.linear.gather [hbm4b:s11+s2], $0x80, $0x200038;
	[tilespmem:$0x8100] =	vst v63  }
0x1f: {  	_ =	strace $0x9000004D  }
0x20: {  	_ =	strace $0x8000004E  }
0x21: {  	_ =	swait.ge [sflag:s4], $0x80  }
0x22: {  	[sflag:s4] =	ssyncset.done $0x0  }
0x23: {  	[sflag:s4] =	ssyncadd.s32 $0xFFFFFF80  }
0x24: {  	_ =	strace $0x9000004E  }
0x25: {  	s12 =	sadd.s32 $0x1BD800, s13;
	_ =	strace $0x8000004F  }
0x26: {  	[tilespmem:s7], [sflag:$0x5] =	stream.indirect.gather [hbm4b:s12+s6], $0x80, s2, s6, $0x2000b8;
	[tilespmem:$0x8100] =	vst v63  }
0x27: {  	s14 =	ssub.s32 $0x2, s14;
	_ =	swait.ge [sflag:s8], $0x4000  }
0x28: {  	s31 =	sshrl.u32 s14, $0x1;
	[sflag:s8] =	ssyncset.done $0x0  }
0x29: {  	s15 =	sshll.u32 s15, $0x4;
	s14 =	ssub.s32 s14, s31;
	[sflag:s8] =	ssyncadd.s32 $0xFFFFC000  }
0x2a: {  	s13 =	sadd.s32 s15, s13;
	s14 =	smax.u32 s14, $0x1;
	_ =	strace $0x9000004F  }
0x2b: {  	s13 =	sadd.s32 $0x8000, s13;
	p0 =	sne.s32 s14, $0x1;
	_ =	strace $0x80000050  }
0x2c: {  	[hbm4b:s13+s2] =	stream.linear.scatter [tilespmem:s7], [sflag:$0x3], $0x4000, $0x200038;
	[tilespmem:$0x8100] =	vst v63  }
.Ltmp0:
0x2d: {  	_ =	strace $0x90000050;
	(pc) =	sbr.rel @!p0 .LBB2_2-.Ltmp0, $4  }
0x2e: {  	_ =	strace $0x80000051  }
0x2f: {  	_ =	swait.ge [sflag:s10], $0x4000  }
0x30: {  	[sflag:s10] =	ssyncset.done $0x0  }
0x31: {  	s14 =	sadd.s32 $0xFFFFFFFF, s14;
	[sflag:s10] =	ssyncadd.s32 $0xFFFFC000  }
.LBB2_1:
0x32: {  	p0 =	sne.s32 s14, $0x1;
	s14 =	sadd.s32 $0xFFFFFFFF, s14;
	_ =	strace $0x90000051  }
0x33: {  	_ =	strace $0x80000048  }
0x34: {  	[tilespmem:s2], [sflag:$0x1] =	stream.linear.gather [hbm4b:s3+s2], $0x80, $0x200038;
	[tilespmem:$0x8100] =	vst v63  }
0x35: {  	_ =	strace $0x90000048  }
0x36: {  	_ =	strace $0x80000049  }
0x37: {  	_ =	swait.ge [sflag:s4], $0x80  }
0x38: {  	[sflag:s4] =	ssyncset.done $0x0  }
0x39: {  	[sflag:s4] =	ssyncadd.s32 $0xFFFFFF80  }
0x3a: {  	_ =	strace $0x90000049  }
0x3b: {  	_ =	strace $0x8000004A  }
0x3c: {  	[tilespmem:s7], [sflag:$0x5] =	stream.indirect.gather [hbm4b:s5+s6], $0x10, s2, s6, $0x2000b8;
	[tilespmem:$0x8100] =	vst v63  }
0x3d: {  	_ =	swait.ge [sflag:s8], $0x800  }
0x3e: {  	[sflag:s8] =	ssyncset.done $0x0  }
0x3f: {  	[sflag:s8] =	ssyncadd.s32 $0xFFFFF800  }
0x40: {  	_ =	strace $0x9000004A  }
0x41: {  	_ =	strace $0x8000004B  }
0x42: {  	[hbm4b:s9+s2] =	stream.linear.scatter [tilespmem:s7], [sflag:$0x3], $0x800, $0x200038;
	[tilespmem:$0x8100] =	vst v63  }
0x43: {  	_ =	strace $0x9000004B  }
0x44: {  	_ =	strace $0x8000004C  }
0x45: {  	_ =	swait.ge [sflag:s10], $0x800  }
0x46: {  	[sflag:s10] =	ssyncset.done $0x0  }
0x47: {  	[sflag:s10] =	ssyncadd.s32 $0xFFFFF800  }
0x48: {  	_ =	strace $0x9000004C  }
0x49: {  	_ =	strace $0x8000004D  }
0x4a: {  	[tilespmem:s2], [sflag:$0x1] =	stream.linear.gather [hbm4b:s11+s2], $0x80, $0x200038;
	[tilespmem:$0x8100] =	vst v63  }
0x4b: {  	_ =	strace $0x9000004D  }
0x4c: {  	_ =	strace $0x8000004E  }
0x4d: {  	_ =	swait.ge [sflag:s4], $0x80  }
0x4e: {  	[sflag:s4] =	ssyncset.done $0x0  }
0x4f: {  	[sflag:s4] =	ssyncadd.s32 $0xFFFFFF80  }
0x50: {  	_ =	strace $0x9000004E  }
0x51: {  	_ =	strace $0x8000004F  }
0x52: {  	[tilespmem:s7], [sflag:$0x5] =	stream.indirect.gather [hbm4b:s12+s6], $0x80, s2, s6, $0x2000b8;
	[tilespmem:$0x8100] =	vst v63  }
0x53: {  	_ =	swait.ge [sflag:s8], $0x4000  }
0x54: {  	[sflag:s8] =	ssyncset.done $0x0  }
0x55: {  	[sflag:s8] =	ssyncadd.s32 $0xFFFFC000  }
0x56: {  	_ =	strace $0x9000004F  }
0x57: {  	_ =	strace $0x80000050  }
0x58: {  	[hbm4b:s13+s2] =	stream.linear.scatter [tilespmem:s7], [sflag:$0x3], $0x4000, $0x200038;
	[tilespmem:$0x8100] =	vst v63  }
.Ltmp1:
0x59: {  	_ =	strace $0x90000050;
	(pc) =	sbr.rel @p0 .LBB2_1-.Ltmp1, $4  }
0x5a: {  	_ =	strace $0x80000051  }
0x5b: {  	_ =	swait.ge [sflag:s10], $0x4000  }
0x5c: {  	[sflag:s10] =	ssyncset.done $0x0  }
0x5d: {  	[sflag:s10] =	ssyncadd.s32 $0xFFFFC000  }
.LBB2_2:
0x5e: {  	_ =	strace $0x90000051  }
0x5f: {  	_ =	sfence.sel $0x180000  }
0x60: {  	[bflag:$0x0] =	sbarrier.arrive $0xFFFF  }
0x61: {  	p0 =	sne.s32 s1, $0x0;
	_ =	strace $0x90000047  }
0x62: {  	s0 =	sadd.s32 @!p0 $0x100000, s0;
	[bflag:$0x2] =	sbarrier.arrive $0xFFFF  }
0x63: {  	[sflag:s0] =	ssyncadd.tile.s32 @!p0 $0x1;
	_ =	shalt  }
.Lfunc_end2:
_tile_overlayer_lowered:
.L_overlay_start_2:
0x64: {  	(tag) =	ssettag $0x2  }
0x65: {  	s0 =	rddreg [dreg:$0x0];
	s2 =	stileid.u32  }
0x66: {  	s1 =	rddreg [dreg:$0x1];
	p0 =	sne.s32 s2, $0x0  }
0x67: {  	s3 =	rddreg [dreg:$0x2];
	[bflag:$0x3] =	sbarrier.arrive $0xFFFF;
	s2 =	simm.s32 @!p0 $0x1C01  }
0x68: {  	[timem:s3], [sflag:s2] =	dma.local @!p0 [hbm:s0], s1  }
0x69: {  	s0 =	simm.s32 @!p0 $0x1  }
0x6a: {  	_ =	swait.ge @!p0 [sflag:s0], s1  }
0x6b: {  	s1 =	ssub.s32 @!p0 $0x0, s1;
	[sflag:s0] =	ssyncset.done @!p0 $0x0  }
0x6c: {  	[sflag:s0] =	ssyncadd.s32 @!p0 s1  }
0x6d: {  	[bflag:$0x3] =	sbarrier.arrive $0xFFFF  }
0x6e: {  	_ =	shalt  }

// kernel: kernel.15.cloned.1.call-start
scs
__scs_entry_jumppad:
0x0: {  	(pc) =	sbr.rel $0x88, $3  }
0x1: {  	(tag) =	ssettag $0x0;
	lr =	simm.s32 $0x1  }
0x2: {  	[smem:$0x3F96] =	sst lr;
	_ =	strace $0xD0000000  }
0x3: {  	_ = 	snop  }
0x4: {  	_ = 	snop  }
0x5: {  	_ = 	snop  }
0x6: {  	_ = 	snop  }
0x7: {  	_ = 	snop  }
__scs_overlays_trampoline_lowered:
0x8: {  	[smem:$0x3FA5] =	sst s0  }
0x9: {  	[smem:$0x3FA6] =	sst s1  }
0xa: {  	[smem:$0x3FA7] =	sst s2  }
0xb: {  	[smem:$0x3FA8] =	sst s3  }
0xc: {  	[smem:$0x3FA9] =	sst s4  }
0xd: {  	[smem:$0x3FAA] =	sst s5  }
0xe: {  	[smem:$0x3FAB] =	sst s6  }
0xf: {  	[smem:$0x3FAC] =	sst s7  }
0x10: {  	[smem:$0x3FAD] =	sst s8  }
0x11: {  	[smem:$0x3FAE] =	sst s9;
	s0 =	simm.s32 @!p0 $0x0  }
0x12: {  	s1 =	sld [smem:$0x3F94];
	s0 =	simm.s32 @p0 $0x1  }
0x13: {  	[smem:$0x3FAF] =	sst s0;
	s0 =	simm.s32 @!p1 $0x0  }
0x14: {  	s2 =	sld [smem:$0x3F93];
	s0 =	simm.s32 @p1 $0x1  }
0x15: {  	[smem:$0x3FB0] =	sst s0;
	s0 =	simm.s32 @!p2 $0x0  }
0x16: {  	s3 =	sld [smem:$0x3FDB];
	s0 =	simm.s32 @p2 $0x1  }
0x17: {  	s4 =	simm.s32 $0x1BF5;
	[smem:$0x3FB2] =	sst s0  }
0x18: {  	s0 =	sld [smem:$0x3F95];
	_ =	swait.ge [sflag:s4], $0x0  }
0x19: {  	s7 =	sld [smem:$0x3F96]  }
0x1a: {  	s8 =	sadd.s32 $0xFFFFE003, lr  }
0x1b: {  	s9 =	sadd.s32 $0xFFFFFEF7, lr;
	s5 =	simm.s32 $0xFFFFFFFF;
	p2 =	slt.u32 s8, $0xFFFFF086  }
0x1c: {  	p1 =	slt.u32 s9, $0xF7A;
	s5 =	simm.s32 @!p2 $0x0  }
0x1d: {  	s5 =	simm.s32 @p1 $0x1;
	p0 =	seq.s32 s7, s2  }
0x1e: {  	s7 =	smul.u32 @!p0 $0xF7A, s2;
	p2 =	seq.s32 @!p0 s5, $0x0  }
0x1f: {  	s9 =	smul.u32 $0xF7A, s1;
	s8 =	simm.s32 @!p0 $0x1BF5;
	p2 =	por !p2, p0  }
0x20: {  	[sflag:s8] =	ssyncset.s32 @!p0 $0xFFFFF086;
	s6 =	sadd.s32 @!p0 s3, s7;
	s7 =	simm.s32 @!p0 $0x108  }
0x21: {  	s3 =	sadd.s32 s3, s9;
	s6 =	sadd.s32 @!p0 $0x88, s6;
	s7 =	simm.s32 @p2 $0x1082  }
0x22: {  	[simem:s7], [sflag:s8] =	dma.local @!p0 [hbm:s6], $0xF7A  }
0x23: {  	s9 =	sor.u32 $0xD0000000, s2;
	s6 =	simm.s32 $0x108;
	_ =	swait.ge @!p0 [sflag:s8], $0x0  }
0x24: {  	s3 =	sadd.s32 $0x88, s3;
	s6 =	simm.s32 @!p1 $0x1082;
	[sflag:s4] =	ssyncset.s32 $0xFFFFF086  }
0x25: {  	[simem:s6], [sflag:s4] =	dma.local [hbm:s3], $0xF7A  }
0x26: {  	[smem:$0x3F96] =	sst s1;
	(tag) =	ssettag s2;
	_ =	strace s9  }
0x27: {  	s1 =	sld [smem:$0x3FA6]  }
0x28: {  	s2 =	sld [smem:$0x3FA7]  }
0x29: {  	s4 =	sld [smem:$0x3FA9]  }
0x2a: {  	p0 =	seq.s32 s5, $0x0;
	s5 =	sld [smem:$0x3FAA]  }
0x2b: {  	s6 =	sld [smem:$0x3FAB]  }
0x2c: {  	s7 =	sld [smem:$0x3FAC]  }
0x2d: {  	s3 =	simm.s32 $0x108;
	s8 =	sld [smem:$0x3FAD]  }
0x2e: {  	s3 =	simm.s32 @!p0 $0x1082;
	s9 =	sld [smem:$0x3FAE]  }
0x2f: {  	lr =	sadd.s32 s0, s3;
	s0 =	sld [smem:$0x3FA5]  }
0x30: {  	s3 =	sld [smem:$0x3FA8]  }
0x31: {  	[smem:$0x3FB1] =	sst s10  }
0x32: {  	s10 =	sld [smem:$0x3FAF];
	_ =	sdelay $0x3  }
0x33: {  	p0 =	seq.s32 s10, $0x1;
	s10 =	sld [smem:$0x3FB1];
	_ =	sdelay $0x3  }
0x34: {  	[smem:$0x3FB1] =	sst s10  }
0x35: {  	s10 =	sld [smem:$0x3FB0];
	_ =	sdelay $0x3  }
0x36: {  	p1 =	seq.s32 s10, $0x1;
	s10 =	sld [smem:$0x3FB1];
	_ =	sdelay $0x3  }
0x37: {  	[smem:$0x3FB1] =	sst s10  }
0x38: {  	s10 =	sld [smem:$0x3FB2]  }
0x39: {  	_ = 	snop;
	(pc) =	sbr.ind lr, $3  }
0x3a: {  	_ = 	snop  }
0x3b: {  	_ = 	snop  }
0x3c: {  	p2 =	seq.s32 s10, $0x1;
	s10 =	sld [smem:$0x3FB1]  }
0x3d: {  	_ =	shalt  }
0x3e: {  	_ =	shalt  }
0x3f: {  	_ =	shalt  }
0x40: {  	_ =	shalt  }
0x41: {  	_ =	shalt  }
0x42: {  	_ =	shalt  }
0x43: {  	_ =	shalt  }
0x44: {  	_ =	shalt  }
0x45: {  	_ =	shalt  }
0x46: {  	_ =	shalt  }
0x47: {  	_ =	shalt  }
0x48: {  	_ =	shalt  }
0x49: {  	_ =	shalt  }
0x4a: {  	_ =	shalt  }
0x4b: {  	_ =	shalt  }
0x4c: {  	_ =	shalt  }
0x4d: {  	_ =	shalt  }
0x4e: {  	_ =	shalt  }
0x4f: {  	_ =	shalt  }
0x50: {  	_ =	shalt  }
0x51: {  	_ =	shalt  }
0x52: {  	_ =	shalt  }
0x53: {  	_ =	shalt  }
0x54: {  	_ =	shalt  }
0x55: {  	_ =	shalt  }
0x56: {  	_ =	shalt  }
0x57: {  	_ =	shalt  }
0x58: {  	_ =	shalt  }
0x59: {  	_ =	shalt  }
0x5a: {  	_ =	shalt  }
0x5b: {  	_ =	shalt  }
0x5c: {  	_ =	shalt  }
0x5d: {  	_ =	shalt  }
0x5e: {  	_ =	shalt  }
0x5f: {  	_ =	shalt  }
0x60: {  	_ =	shalt  }
0x61: {  	_ =	shalt  }
0x62: {  	_ =	shalt  }
0x63: {  	_ =	shalt  }
0x64: {  	_ =	shalt  }
0x65: {  	_ =	shalt  }
0x66: {  	_ =	shalt  }
0x67: {  	_ =	shalt  }
0x68: {  	_ =	shalt  }
0x69: {  	_ =	shalt  }
0x6a: {  	_ =	shalt  }
0x6b: {  	_ =	shalt  }
0x6c: {  	_ =	shalt  }
0x6d: {  	_ =	shalt  }
0x6e: {  	_ =	shalt  }
0x6f: {  	_ =	shalt  }
0x70: {  	_ =	shalt  }
0x71: {  	_ =	shalt  }
0x72: {  	_ =	shalt  }
0x73: {  	_ =	shalt  }
0x74: {  	_ =	shalt  }
0x75: {  	_ =	shalt  }
0x76: {  	_ =	shalt  }
0x77: {  	_ =	shalt  }
0x78: {  	_ =	shalt  }
0x79: {  	_ =	shalt  }
0x7a: {  	_ =	shalt  }
0x7b: {  	_ =	shalt  }
0x7c: {  	_ =	shalt  }
0x7d: {  	_ =	shalt  }
0x7e: {  	_ =	shalt  }
0x7f: {  	_ =	shalt  }
0x80: {  	_ =	shalt  }
0x81: {  	_ =	shalt  }
0x82: {  	_ =	shalt  }
0x83: {  	_ =	shalt  }
0x84: {  	_ =	shalt  }
0x85: {  	_ =	shalt  }
0x86: {  	_ =	shalt  }
0x87: {  	_ =	shalt  }
.Lfunc_end0:
.L_simem_size_0:
called_computation.1_lowered:
.L_overlay_start_0:
0x88: {  	s2 =	sld [smem:$0x3FD9]  }
0x89: {  	s3 =	sld [smem:$0x3FFE];
	_ =	sdelay $0x1  }
0x8a: {  	s1 =	srdreg.scid  }
0x8b: {  	s0 =	sand.u32 $0x1, s1  }
0x8c: {  	s16 =	sshll.u32 s0, $0xA;
	s2 =	sadd.s32 s3, s2  }
0x8d: {  	s2 =	sadd.s32 s2, s16  }
0x8e: {  	[smem:$0x3FBD] =	sst s2  }
0x8f: {  	_ = 	snop  }
0x90: {  	(tm) =	ssettm $0x1  }
0x91: {  	s17 =	sld [smem:$0x3FFB];
	_ =	sdelay $0x3  }
0x92: {  	_ =	strace s17  }
0x93: {  	s2 =	sld [smem:$0x3FFC];
	_ =	sdelay $0x3  }
0x94: {  	_ =	strace s2  }
0x95: {  	s2 =	sld [smem:$0x3FFD];
	_ =	sdelay $0x3  }
0x96: {  	_ =	strace s2  }
0x97: {  	_ =	strace $0x8FFFFFFF  }
0x98: {  	s18 =	sld [smem:$0x3FDB];
	_ =	sdelay $0x1  }
0x99: {  	s19 =	simm.s32 $_scs_section_size  }
0x9a: {  	s4 =	simm.s32 $_size__tile_overlayer_lowered;
	s5 =	simm.s32 $_tile_overlayer_lowered  }
0x9b: {  	s22 =	simm.s32 $0x1BFF;
	s21 =	sshll.u32 s5, $0x1;
	s2 =	sadd.s32 s19, s18  }
0x9c: {  	s6 =	simm.s32 $0x0;
	s20 =	sshll.u32 s4, $0x1;
	s4 =	sadd.s32 s21, s2  }
0x9d: {  	[timem:s6], [sflag:s22] =	dma.local [hbm:s4], s20  }
0x9e: {  	_ =	swait.ge [sflag:s22], s20  }
0x9f: {  	s3 =	ssub.s32 $0x0, s20;
	[sflag:s22] =	ssyncset.done $0x0  }
0xa0: {  	[sflag:s22] =	ssyncadd.s32 s3;
	_ =	sdelay $0x1  }
0xa1: {  	s23 =	simm.s32 $0x1B8B  }
0xa2: {  	_ =	swait.ge [sflag:s23], $0x1  }
0xa3: {  	[sflag:s23] =	ssyncset.done $0x0  }
0xa4: {  	s25 =	simm.s32 $0x1B8E;
	s24 =	sld [smem:$0x3FFE];
	[sflag:s23] =	ssyncadd.s32 $0xFFFFFFFF  }
0xa5: {  	s26 =	simm.s32 $execute0_lowered;
	[smem:$0x3FD2] =	sst s25  }
0xa6: {  	s4 =	sshll.u32 s26, $0x1;
	_ =	strace $0x80000053;
	[dreg:$0x1] =	wrdreg $0xFFFFFFFF  }
0xa7: {  	s28 =	simm.s32 $_size_execute0_lowered;
	s2 =	sadd.s32 s2, s4;
	[dreg:$0x0] =	wrdreg $0x0  }
0xa8: {  	s4 =	sshll.u32 s28, $0x1;
	[dreg:$0x2] =	wrdreg s2  }
0xa9: {  	[dreg:$0x3] =	wrdreg s4  }
0xaa: {  	[dreg:$0x4] =	wrdreg $0xC0  }
0xab: {  	_ =	task [dreg:s6], $0x5FFFF  }
0xac: {  	[dreg:$0x1] =	wrdreg $0xFFFFFFFF  }
0xad: {  	[dreg:$0x0] =	wrdreg $0x60  }
0xae: {  	[dreg:$0x2] =	wrdreg s24  }
0xaf: {  	[dreg:$0x3] =	wrdreg $0x9  }
0xb0: {  	_ =	task.clear_ibuf [dreg:s6], $0x4FFFF;
	_ =	strace $0x90000053  }
0xb1: {  	s29 =	simm.s32 $0x9;
	_ =	strace $0x8000005C  }
0xb2: {  	_ =	swait.ge [sflag:s29], $0x1  }
0xb3: {  	[sflag:s29] =	ssyncadd.s32 $0xFFFFFFFF  }
0xb4: {  	_ =	strace $0x9000005C  }
0xb5: {  	_ =	sfence  }
0xb6: {  	s30 =	sld [smem:$0x0];
	_ =	sdelay $0x2  }
0xb7: {  	s31 =	sshll.u32 s1, $0xD;
	s1 =	sshrl.u32 s1, $0x2  }
0xb8: {  	s3 =	sand.u32 $0x4000, s31;
	s1 =	sadd.s32 s1, s30  }
0xb9: {  	s0 =	sor.u32 s3, s0;
	s1 =	sshll.u32 s1, $0x11  }
0xba: {  	s0 =	sor.u32 s1, s0  }
0xbb: {  	s0 =	sadd.s32 $0x8F2B, s0  }
0xbc: {  	[sflag:s0] =	ssyncadd.remote.s32 $0x1  }
0xbd: {  	_ =	sfence.sel $0xFFFF  }
0xbe: {  	[dreg:$0x0] =	wrdreg $0xFFFFFFFF;
	(pc) =	sbr.abs _section_cstart, $3  }
0xbf: {  	[dreg:$0x1] =	wrdreg $0xFFFFFFFF  }
0xc0: {  	_ =	task.clear_ibuf [dreg:s6], $0x2FFFF;
	_ =	strace $0x9FFFFFFF  }
0xc1: {  	(tm) =	ssettm $0x7FFFFFFF  }
tec
execute0_lowered:
.L_overlay_start_1:
0x0: {  	(tag) =	ssettag $0x1  }
0x1: {  	s4 =	rddreg [dreg:$0x0]  }
0x2: {  	s0 =	rddreg [dreg:$0x1];
	s1 =	simm.s32 $0x0;
	s5 =	srdreg.scid  }
0x3: {  	s8 =	simm.s32 $0x80;
	s9 =	simm.s32 $0x4;
	s10 =	simm.s32 $0x0  }
0x4: {  	[smem:$0x7FF] =	sst s1;
	s2 =	sadd.s32 $0x18CA00, s4;
	s3 =	sadd.s32 $0x6000, s4  }
0x5: {  	s4 =	sadd.s32 $0x28000, s4;
	_ =	strace $0x80000054;
	[dreg:$0x2] =	wrdreg s2  }
0x6: {  	s5 =	sand.u32 $0x1, s5;
	s2 =	stileid.u32;
	[dreg:$0x4] =	wrdreg s4  }
0x7: {  	s6 =	ssub.s32 $0x2, s5;
	s5 =	sshll.u32 s5, $0x4;
	[dreg:$0x3] =	wrdreg s8  }
0x8: {  	s8 =	simm.s32 $0x5;
	s7 =	sshrl.u32 s6, $0x1;
	s5 =	sor.u32 s2, s5  }
0x9: {  	s6 =	ssub.s32 s6, s7;
	s31 =	sshll.u32 s5, $0x7;
	s4 =	sshll.u32 s5, $0x3  }
0xa: {  	s7 =	simm.s32 $0x1;
	s5 =	sadd.s32 s3, s31;
	s6 =	smax.u32 s6, $0x1  }
.LBB2_1:
0xb: {  	_ =	strace $0x80000055;
	s11 =	simm.s32 $0x1;
	p0 =	por $0x0, $0x0  }
0xc: {  	[tilespmem:s1], [sflag:$0x1] =	stream.linear.gather [hbm4b:s5+s1], $0x80, $0x200038;
	[tilespmem:$0x1100] =	vst v63  }
0xd: {  	s11 =	simm.s32 @p0 $0x0  }
0xe: {  	p4 =	por $0x1, $0x1;
	s20 =	sand.u32 $0x1, s1;
	p1 =	sne.s32 s11, $0x0  }
0xf: {  	p2 =	por $0x1, $0x1;
	s18 =	simm.s32 $0x6;
	p0 =	por !p4, !p1  }
0x10: {  	s16 =	simm.s32 $0x0;
	p5 =	por $0x0, $0x0;
	p0 =	por !p0, !p0  }
0x11: {  	s23 =	sadd.s32 $0x0, s4;
	s30 =	sadd.s32 $0x1, s20;
	s12 =	sadd.s32 @p0 s4, s11  }
0x12: {  	_ =	strace $0x90000055;
	s13 =	sand.u32 @p0 $0x1, s7;
	s12 =	sshll.u32 @p0 s12, $0x4  }
0x13: {  	_ =	strace @p0 $0x80000056;
	s15 =	simm.s32 @p0 $0x0;
	s12 =	sand.u32 @p0 $0x1FFFFFF0, s12  }
0x14: {  	s14 =	sshll.u32 @p0 s13, $0x7;
	s13 =	sadd.s32 @p0 $0x1, s13;
	s12 =	sadd.s32 @p0 s3, s12  }
0x15: {  	[tilespmem:s14], [sflag:s13] =	stream.linear.gather @p0 [hbm4b:s12+s15], $0x80, $0x200038;
	[tilespmem:$0x1100] =	vst v63  }
0x16: {  	p3 =	por p2, p2;
	s21 =	sshll.u32 s20, $0xB;
	_ =	strace @p0 $0x90000056  }
0x17: {  	s16 =	sand.u32 $0x80, s16;
	p2 =	por p5, p5;
	_ =	strace $0x80000057  }
0x18: {  	s17 =	sadd.s32 $0x1, s11;
	s22 =	sor.u32 $0x100, s21;
	_ =	swait.ge [sflag:s30], $0x80  }
0x19: {  	s21 =	simm.s32 $0x1;
	p6 =	por p1, p1;
	[sflag:s30] =	ssyncset.done $0x0  }
0x1a: {  	p1 =	por p3, p3;
	p4 =	por $0x1, $0x1;
	[sflag:s30] =	ssyncadd.s32 $0xFFFFFF80  }
0x1b: {  	s12 =	simm.s32 $0x7;
	s15 =	sand.u32 @!p3 $0x1, s1;
	_ =	strace $0x90000057  }
0x1c: {  	s13 =	simm.s32 $0x1;
	p3 =	seq.s32 s17, $0x8;
	_ =	strace $0x80000058  }
0x1d: {  	s13 =	simm.s32 @!p0 $0x0;
	s17 =	simm.s32 @p3 $0x0;
	s19 =	rddreg [dreg:$0x3]  }
0x1e: {  	p0 =	por $0x0, $0x0;
	s14 =	sadd.s32 $0x1, s13;
	s31 =	rddreg [dreg:$0x2]  }
0x1f: {  	[tilespmem:s22], [sflag:$0x5] =	stream.indirect.gather [hbm4b:s31+s19], $0x10, s16, s19, $0x2000b8;
	[tilespmem:$0x1100] =	vst v63  }
0x20: {  	p3 =	sne.s32 s11, s17;
	s21 =	simm.s32 @!p0 $0x0;
	_ =	swait.ge [sflag:s8], $0x800  }
0x21: {  	p5 =	por !p4, !p3;
	p4 =	por $0x0, $0x0;
	[sflag:s8] =	ssyncset.done $0x0  }
0x22: {  	s13 =	simm.s32 $0x0;
	p6 =	por p4, p6;
	[sflag:s8] =	ssyncadd.s32 $0xFFFFF800  }
0x23: {  	s16 =	simm.s32 $0x0;
	s19 =	simm.s32 $0x0;
	_ =	strace $0x90000058  }
.LBB2_2:
0x24: {  	_ =	strace @p6 $0x80000059;
	s13 =	sadd.s32 s21, s13;
	s21 =	smov.u32 s12  }
0x25: {  	s12 =	smov.u32 s18;
	s18 =	sadd.s32 $0xFFFFFFFF, s18;
	p0 =	por p3, p3  }
0x26: {  	s28 =	sshll.u32 @p6 s23, $0x8;
	s20 =	sadd.s32 @p6 $0x3, s20;
	s24 =	simm.s32 @!p0 $0x0  }
0x27: {  	s25 =	rddreg [dreg:$0x4];
	s28 =	sand.u32 @p6 $0x1FFFFF00, s28;
	s24 =	simm.s32 @p0 $0x1  }
0x28: {  	s25 =	sadd.s32 @p6 s25, s28;
	s28 =	simm.s32 @p6 $0x0;
	p0 =	sne.s32 s18, $0x0  }
0x29: {  	[hbm4b:s25+s28] =	stream.linear.scatter @p6 [tilespmem:s22], [sflag:s20], $0x800, $0x200038;
	[tilespmem:$0x1100] =	vst v63  }
0x2a: {  	s20 =	sadd.s32 @!p1 $0x3, s15;
	s15 =	simm.s32 @!p0 $0x0  }
0x2b: {  	s26 =	simm.s32 $0x1;
	[smem:$0x7FC] =	sst s24;
	s15 =	simm.s32 @p0 $0x1  }
0x2c: {  	s26 =	simm.s32 @!p6 $0x0;
	_ =	strace @p6 $0x90000059;
	[smem:$0x7FD] =	sst s15  }
0x2d: {  	p5 =	por !p5, !p5;
	s19 =	sadd.s32 s26, s19;
	_ =	strace @!p1 $0x8000005A  }
0x2e: {  	s24 =	sand.u32 @!p2 $0x1, s13;
	s22 =	sand.u32 @p5 $0x1, s14;
	_ =	swait.ge @!p1 [sflag:s20], $0x800  }
0x2f: {  	s15 =	smov.u32 s24;
	s24 =	sadd.s32 @p5 s4, s17;
	[sflag:s20] =	ssyncset.done @!p1 $0x0  }
0x30: {  	s25 =	sshll.u32 @p5 s22, $0x7;
	s24 =	sshll.u32 @p5 s24, $0x4;
	[sflag:s20] =	ssyncadd.s32 @!p1 $0xFFFFF800  }
0x31: {  	s20 =	sadd.s32 @p5 $0x1, s22;
	s22 =	sand.u32 @p5 $0x1FFFFFF0, s24;
	_ =	strace @!p1 $0x9000005A  }
0x32: {  	s24 =	simm.s32 @p5 $0x0;
	s22 =	sadd.s32 @p5 s3, s22;
	_ =	strace @p5 $0x80000056  }
0x33: {  	[tilespmem:s25], [sflag:s20] =	stream.linear.gather @p5 [hbm4b:s22+s24], $0x80, $0x200038;
	[tilespmem:$0x1100] =	vst v63  }
0x34: {  	s16 =	sadd.s32 s26, s16;
	s26 =	sand.u32 $0x1, s19;
	_ =	strace @p5 $0x90000056  }
0x35: {  	s24 =	sadd.s32 $0x1, s26;
	_ =	strace $0x80000057  }
0x36: {  	_ =	swait.ge [sflag:s24], $0x80  }
0x37: {  	[sflag:s24] =	ssyncset.done $0x0  }
0x38: {  	s20 =	simm.s32 $0x1;
	[sflag:s24] =	ssyncadd.s32 $0xFFFFFF80  }
0x39: {  	s20 =	simm.s32 @!p5 $0x0;
	_ =	strace $0x90000057  }
0x3a: {  	s14 =	sadd.s32 s20, s14;
	s20 =	sand.u32 $0x1, s16;
	_ =	strace $0x80000058  }
0x3b: {  	s29 =	sshll.u32 s19, $0x7;
	s25 =	sshll.u32 s20, $0xB;
	s26 =	rddreg [dreg:$0x3]  }
0x3c: {  	s29 =	sand.u32 $0x80, s29;
	s22 =	sor.u32 $0x100, s25;
	s30 =	rddreg [dreg:$0x2]  }
0x3d: {  	[tilespmem:s22], [sflag:$0x5] =	stream.indirect.gather [hbm4b:s30+s26], $0x10, s29, s26, $0x2000b8;
	[tilespmem:$0x1100] =	vst v63  }
0x3e: {  	_ =	swait.ge [sflag:s8], $0x800  }
0x3f: {  	s31 =	sadd.s32 $0x1, s17;
	[sflag:s8] =	ssyncset.done $0x0  }
0x40: {  	s23 =	sadd.s32 s4, s11;
	s11 =	smov.u32 s17;
	[sflag:s8] =	ssyncadd.s32 $0xFFFFF800  }
0x41: {  	p3 =	seq.s32 s31, $0x8;
	s17 =	smov.u32 s31;
	_ =	strace $0x90000058  }
0x42: {  	s17 =	simm.s32 @p3 $0x0;
	s31 =	sld [smem:$0x7FD]  }
0x43: {  	p6 =	sne.s32 s12, $0x1;
	p0 =	sne.s32 s21, $0x8;
	p3 =	sne.s32 s11, s17  }
0x44: {  	p5 =	por !p6, !p3;
	p6 =	seq.s32 s21, $0x1;
	s21 =	simm.s32 $0x1  }
0x45: {  	s21 =	simm.s32 @!p0 $0x0;
	p0 =	seq.s32 s31, $0x1  }
.Ltmp0:
0x46: {  	s30 =	sld [smem:$0x7FC];
	(pc) =	sbr.rel @p0 .LBB2_2-.Ltmp0, $4  }
0x47: {  	_ = 	snop  }
0x48: {  	p4 =	seq.s32 s12, $0x8  }
0x49: {  	p1 =	por p2, p2;
	p2 =	por p4, p4;
	p4 =	seq.s32 s30, $0x1  }
0x4a: {  	p6 =	por p6, p4  }
0x4b: {  	_ =	strace @p6 $0x80000059;
	s23 =	sshll.u32 @p6 s23, $0x8  }
0x4c: {  	s18 =	rddreg [dreg:$0x4];
	s23 =	sand.u32 @p6 $0x1FFFFF00, s23  }
0x4d: {  	s20 =	sadd.s32 @p6 $0x3, s20;
	s18 =	sadd.s32 @p6 s18, s23;
	s23 =	simm.s32 @p6 $0x0  }
0x4e: {  	[hbm4b:s18+s23] =	stream.linear.scatter @p6 [tilespmem:s22], [sflag:s20], $0x800, $0x200038;
	[tilespmem:$0x1100] =	vst v63  }
0x4f: {  	p0 =	por !p5, !p5;
	_ =	strace @p6 $0x90000059  }
0x50: {  	s15 =	sadd.s32 @!p1 $0x3, s15;
	s17 =	sadd.s32 @p0 s4, s17;
	_ =	strace @!p1 $0x8000005A  }
0x51: {  	s14 =	sand.u32 @p0 $0x1, s14;
	s17 =	sshll.u32 @p0 s17, $0x4;
	_ =	swait.ge @!p1 [sflag:s15], $0x800  }
0x52: {  	s18 =	simm.s32 $0x1;
	s20 =	sshll.u32 @p0 s14, $0x7;
	[sflag:s15] =	ssyncset.done @!p1 $0x0  }
0x53: {  	s14 =	sadd.s32 @p0 $0x1, s14;
	s18 =	simm.s32 @!p6 $0x0;
	[sflag:s15] =	ssyncadd.s32 @!p1 $0xFFFFF800  }
0x54: {  	s19 =	sadd.s32 s18, s19;
	s15 =	sand.u32 @p0 $0x1FFFFFF0, s17;
	_ =	strace @!p1 $0x9000005A  }
0x55: {  	s17 =	simm.s32 @p0 $0x0;
	s15 =	sadd.s32 @p0 s3, s15;
	_ =	strace @p0 $0x80000056  }
0x56: {  	[tilespmem:s20], [sflag:s14] =	stream.linear.gather @p0 [hbm4b:s15+s17], $0x80, $0x200038;
	[tilespmem:$0x1100] =	vst v63  }
0x57: {  	s25 =	sand.u32 $0x1, s19;
	_ =	strace @p0 $0x90000056  }
0x58: {  	s14 =	sadd.s32 $0x1, s25;
	_ =	strace $0x80000057  }
0x59: {  	_ =	swait.ge [sflag:s14], $0x80  }
0x5a: {  	[sflag:s14] =	ssyncset.done $0x0  }
0x5b: {  	[sflag:s14] =	ssyncadd.s32 $0xFFFFFF80  }
0x5c: {  	s26 =	sadd.s32 s18, s16;
	_ =	strace $0x90000057  }
0x5d: {  	s14 =	sand.u32 $0x1, s26;
	_ =	strace $0x80000058  }
0x5e: {  	s30 =	sshll.u32 s19, $0x7;
	s31 =	sshll.u32 s14, $0xB;
	s28 =	rddreg [dreg:$0x3]  }
0x5f: {  	s17 =	sand.u32 $0x80, s30;
	s18 =	sor.u32 $0x100, s31;
	s29 =	rddreg [dreg:$0x2]  }
0x60: {  	[tilespmem:s18], [sflag:$0x5] =	stream.indirect.gather [hbm4b:s29+s28], $0x10, s17, s28, $0x2000b8;
	[tilespmem:$0x1100] =	vst v63  }
0x61: {  	_ =	swait.ge [sflag:s8], $0x800  }
0x62: {  	[sflag:s8] =	ssyncset.done $0x0  }
0x63: {  	p5 =	por p3, p3;
	p6 =	seq.s32 s12, $0x1;
	[sflag:s8] =	ssyncadd.s32 $0xFFFFF800  }
0x64: {  	s11 =	sadd.s32 s4, s11;
	p0 =	por p6, p5;
	_ =	strace $0x90000058  }
0x65: {  	s11 =	sshll.u32 @p0 s11, $0x8;
	_ =	strace @p0 $0x80000059  }
0x66: {  	s13 =	sadd.s32 s21, s13;
	s11 =	sand.u32 @p0 $0x1FFFFF00, s11;
	s12 =	rddreg [dreg:$0x4]  }
0x67: {  	s14 =	sadd.s32 @p0 $0x3, s14;
	s11 =	sadd.s32 @p0 s12, s11;
	s12 =	simm.s32 @p0 $0x0  }
0x68: {  	[hbm4b:s11+s12] =	stream.linear.scatter @p0 [tilespmem:s18], [sflag:s14], $0x800, $0x200038;
	[tilespmem:$0x1100] =	vst v63  }
0x69: {  	p1 =	por p2, p2;
	s11 =	sand.u32 @!p2 $0x1, s13;
	_ =	strace @p0 $0x90000059  }
0x6a: {  	s11 =	sadd.s32 @!p1 $0x3, s11;
	_ =	strace @!p1 $0x8000005A  }
0x6b: {  	_ =	swait.ge @!p1 [sflag:s11], $0x800  }
0x6c: {  	[sflag:s11] =	ssyncset.done @!p1 $0x0  }
0x6d: {  	s10 =	sadd.s32 $0x1, s10;
	[sflag:s11] =	ssyncadd.s32 @!p1 $0xFFFFF800  }
0x6e: {  	p0 =	sne.s32 s10, s6;
	_ =	strace @!p1 $0x9000005A  }
.Ltmp1:
0x6f: {  	_ =	strace $0x8000005B;
	(pc) =	sbr.rel @p0 .LBB2_1-.Ltmp1, $4  }
0x70: {  	_ =	swait.ge [sflag:s9], $0x800  }
0x71: {  	[sflag:s9] =	ssyncset.done $0x0  }
0x72: {  	[sflag:s9] =	ssyncadd.s32 $0xFFFFF800  }
0x73: {  	_ =	strace $0x9000005B  }
0x74: {  	_ =	sfence.sel $0x180000  }
0x75: {  	[bflag:$0x0] =	sbarrier.arrive $0xFFFF  }
0x76: {  	p0 =	sne.s32 s2, $0x0;
	_ =	strace $0x90000054  }
0x77: {  	s0 =	sadd.s32 @!p0 $0x100000, s0;
	[bflag:$0x2] =	sbarrier.arrive $0xFFFF  }
0x78: {  	[sflag:s0] =	ssyncadd.tile.s32 @!p0 $0x1;
	_ =	shalt  }
.Lfunc_end2:
_tile_overlayer_lowered:
.L_overlay_start_2:
0x79: {  	(tag) =	ssettag $0x2  }
0x7a: {  	s0 =	rddreg [dreg:$0x0];
	s2 =	stileid.u32  }
0x7b: {  	s1 =	rddreg [dreg:$0x1];
	p0 =	sne.s32 s2, $0x0  }
0x7c: {  	s3 =	rddreg [dreg:$0x2];
	[bflag:$0x3] =	sbarrier.arrive $0xFFFF;
	s2 =	simm.s32 @!p0 $0x1C01  }
0x7d: {  	[timem:s3], [sflag:s2] =	dma.local @!p0 [hbm:s0], s1  }
0x7e: {  	s0 =	simm.s32 @!p0 $0x1  }
0x7f: {  	_ =	swait.ge @!p0 [sflag:s0], s1  }
0x80: {  	s1 =	ssub.s32 @!p0 $0x0, s1;
	[sflag:s0] =	ssyncset.done @!p0 $0x0  }
0x81: {  	[sflag:s0] =	ssyncadd.s32 @!p0 s1  }
0x82: {  	[bflag:$0x3] =	sbarrier.arrive $0xFFFF  }
0x83: {  	_ =	shalt  }

// kernel: kernel.18.cloned.1.call-start
scs
__scs_entry_jumppad:
0x0: {  	(pc) =	sbr.rel $0x88, $3  }
0x1: {  	(tag) =	ssettag $0x0;
	lr =	simm.s32 $0x1  }
0x2: {  	[smem:$0x3F96] =	sst lr;
	_ =	strace $0xD0000000  }
0x3: {  	_ = 	snop  }
0x4: {  	_ = 	snop  }
0x5: {  	_ = 	snop  }
0x6: {  	_ = 	snop  }
0x7: {  	_ = 	snop  }
__scs_overlays_trampoline_lowered:
0x8: {  	[smem:$0x3FA5] =	sst s0  }
0x9: {  	[smem:$0x3FA6] =	sst s1  }
0xa: {  	[smem:$0x3FA7] =	sst s2  }
0xb: {  	[smem:$0x3FA8] =	sst s3  }
0xc: {  	[smem:$0x3FA9] =	sst s4  }
0xd: {  	[smem:$0x3FAA] =	sst s5  }
0xe: {  	[smem:$0x3FAB] =	sst s6  }
0xf: {  	[smem:$0x3FAC] =	sst s7  }
0x10: {  	[smem:$0x3FAD] =	sst s8  }
0x11: {  	[smem:$0x3FAE] =	sst s9;
	s0 =	simm.s32 @!p0 $0x0  }
0x12: {  	s1 =	sld [smem:$0x3F94];
	s0 =	simm.s32 @p0 $0x1  }
0x13: {  	[smem:$0x3FAF] =	sst s0;
	s0 =	simm.s32 @!p1 $0x0  }
0x14: {  	s2 =	sld [smem:$0x3F93];
	s0 =	simm.s32 @p1 $0x1  }
0x15: {  	[smem:$0x3FB0] =	sst s0;
	s0 =	simm.s32 @!p2 $0x0  }
0x16: {  	s3 =	sld [smem:$0x3FDB];
	s0 =	simm.s32 @p2 $0x1  }
0x17: {  	s4 =	simm.s32 $0x1BF5;
	[smem:$0x3FB2] =	sst s0  }
0x18: {  	s0 =	sld [smem:$0x3F95];
	_ =	swait.ge [sflag:s4], $0x0  }
0x19: {  	s7 =	sld [smem:$0x3F96]  }
0x1a: {  	s8 =	sadd.s32 $0xFFFFE003, lr  }
0x1b: {  	s9 =	sadd.s32 $0xFFFFFEF7, lr;
	s5 =	simm.s32 $0xFFFFFFFF;
	p2 =	slt.u32 s8, $0xFFFFF086  }
0x1c: {  	p1 =	slt.u32 s9, $0xF7A;
	s5 =	simm.s32 @!p2 $0x0  }
0x1d: {  	s5 =	simm.s32 @p1 $0x1;
	p0 =	seq.s32 s7, s2  }
0x1e: {  	s7 =	smul.u32 @!p0 $0xF7A, s2;
	p2 =	seq.s32 @!p0 s5, $0x0  }
0x1f: {  	s9 =	smul.u32 $0xF7A, s1;
	s8 =	simm.s32 @!p0 $0x1BF5;
	p2 =	por !p2, p0  }
0x20: {  	[sflag:s8] =	ssyncset.s32 @!p0 $0xFFFFF086;
	s6 =	sadd.s32 @!p0 s3, s7;
	s7 =	simm.s32 @!p0 $0x108  }
0x21: {  	s3 =	sadd.s32 s3, s9;
	s6 =	sadd.s32 @!p0 $0x88, s6;
	s7 =	simm.s32 @p2 $0x1082  }
0x22: {  	[simem:s7], [sflag:s8] =	dma.local @!p0 [hbm:s6], $0xF7A  }
0x23: {  	s9 =	sor.u32 $0xD0000000, s2;
	s6 =	simm.s32 $0x108;
	_ =	swait.ge @!p0 [sflag:s8], $0x0  }
0x24: {  	s3 =	sadd.s32 $0x88, s3;
	s6 =	simm.s32 @!p1 $0x1082;
	[sflag:s4] =	ssyncset.s32 $0xFFFFF086  }
0x25: {  	[simem:s6], [sflag:s4] =	dma.local [hbm:s3], $0xF7A  }
0x26: {  	[smem:$0x3F96] =	sst s1;
	(tag) =	ssettag s2;
	_ =	strace s9  }
0x27: {  	s1 =	sld [smem:$0x3FA6]  }
0x28: {  	s2 =	sld [smem:$0x3FA7]  }
0x29: {  	s4 =	sld [smem:$0x3FA9]  }
0x2a: {  	p0 =	seq.s32 s5, $0x0;
	s5 =	sld [smem:$0x3FAA]  }
0x2b: {  	s6 =	sld [smem:$0x3FAB]  }
0x2c: {  	s7 =	sld [smem:$0x3FAC]  }
0x2d: {  	s3 =	simm.s32 $0x108;
	s8 =	sld [smem:$0x3FAD]  }
0x2e: {  	s3 =	simm.s32 @!p0 $0x1082;
	s9 =	sld [smem:$0x3FAE]  }
0x2f: {  	lr =	sadd.s32 s0, s3;
	s0 =	sld [smem:$0x3FA5]  }
0x30: {  	s3 =	sld [smem:$0x3FA8]  }
0x31: {  	[smem:$0x3FB1] =	sst s10  }
0x32: {  	s10 =	sld [smem:$0x3FAF];
	_ =	sdelay $0x3  }
0x33: {  	p0 =	seq.s32 s10, $0x1;
	s10 =	sld [smem:$0x3FB1];
	_ =	sdelay $0x3  }
0x34: {  	[smem:$0x3FB1] =	sst s10  }
0x35: {  	s10 =	sld [smem:$0x3FB0];
	_ =	sdelay $0x3  }
0x36: {  	p1 =	seq.s32 s10, $0x1;
	s10 =	sld [smem:$0x3FB1];
	_ =	sdelay $0x3  }
0x37: {  	[smem:$0x3FB1] =	sst s10  }
0x38: {  	s10 =	sld [smem:$0x3FB2]  }
0x39: {  	_ = 	snop;
	(pc) =	sbr.ind lr, $3  }
0x3a: {  	_ = 	snop  }
0x3b: {  	_ = 	snop  }
0x3c: {  	p2 =	seq.s32 s10, $0x1;
	s10 =	sld [smem:$0x3FB1]  }
0x3d: {  	_ =	shalt  }
0x3e: {  	_ =	shalt  }
0x3f: {  	_ =	shalt  }
0x40: {  	_ =	shalt  }
0x41: {  	_ =	shalt  }
0x42: {  	_ =	shalt  }
0x43: {  	_ =	shalt  }
0x44: {  	_ =	shalt  }
0x45: {  	_ =	shalt  }
0x46: {  	_ =	shalt  }
0x47: {  	_ =	shalt  }
0x48: {  	_ =	shalt  }
0x49: {  	_ =	shalt  }
0x4a: {  	_ =	shalt  }
0x4b: {  	_ =	shalt  }
0x4c: {  	_ =	shalt  }
0x4d: {  	_ =	shalt  }
0x4e: {  	_ =	shalt  }
0x4f: {  	_ =	shalt  }
0x50: {  	_ =	shalt  }
0x51: {  	_ =	shalt  }
0x52: {  	_ =	shalt  }
0x53: {  	_ =	shalt  }
0x54: {  	_ =	shalt  }
0x55: {  	_ =	shalt  }
0x56: {  	_ =	shalt  }
0x57: {  	_ =	shalt  }
0x58: {  	_ =	shalt  }
0x59: {  	_ =	shalt  }
0x5a: {  	_ =	shalt  }
0x5b: {  	_ =	shalt  }
0x5c: {  	_ =	shalt  }
0x5d: {  	_ =	shalt  }
0x5e: {  	_ =	shalt  }
0x5f: {  	_ =	shalt  }
0x60: {  	_ =	shalt  }
0x61: {  	_ =	shalt  }
0x62: {  	_ =	shalt  }
0x63: {  	_ =	shalt  }
0x64: {  	_ =	shalt  }
0x65: {  	_ =	shalt  }
0x66: {  	_ =	shalt  }
0x67: {  	_ =	shalt  }
0x68: {  	_ =	shalt  }
0x69: {  	_ =	shalt  }
0x6a: {  	_ =	shalt  }
0x6b: {  	_ =	shalt  }
0x6c: {  	_ =	shalt  }
0x6d: {  	_ =	shalt  }
0x6e: {  	_ =	shalt  }
0x6f: {  	_ =	shalt  }
0x70: {  	_ =	shalt  }
0x71: {  	_ =	shalt  }
0x72: {  	_ =	shalt  }
0x73: {  	_ =	shalt  }
0x74: {  	_ =	shalt  }
0x75: {  	_ =	shalt  }
0x76: {  	_ =	shalt  }
0x77: {  	_ =	shalt  }
0x78: {  	_ =	shalt  }
0x79: {  	_ =	shalt  }
0x7a: {  	_ =	shalt  }
0x7b: {  	_ =	shalt  }
0x7c: {  	_ =	shalt  }
0x7d: {  	_ =	shalt  }
0x7e: {  	_ =	shalt  }
0x7f: {  	_ =	shalt  }
0x80: {  	_ =	shalt  }
0x81: {  	_ =	shalt  }
0x82: {  	_ =	shalt  }
0x83: {  	_ =	shalt  }
0x84: {  	_ =	shalt  }
0x85: {  	_ =	shalt  }
0x86: {  	_ =	shalt  }
0x87: {  	_ =	shalt  }
.Lfunc_end0:
.L_simem_size_0:
called_computation.2_lowered:
.L_overlay_start_0:
0x88: {  	s2 =	sld [smem:$0x3FD9]  }
0x89: {  	s3 =	sld [smem:$0x3FFE];
	_ =	sdelay $0x1  }
0x8a: {  	s1 =	srdreg.scid  }
0x8b: {  	s0 =	sand.u32 $0x1, s1  }
0x8c: {  	s17 =	sshll.u32 s0, $0xA;
	s2 =	sadd.s32 s3, s2  }
0x8d: {  	s2 =	sadd.s32 s2, s17  }
0x8e: {  	[smem:$0x3FBD] =	sst s2  }
0x8f: {  	_ = 	snop  }
0x90: {  	(tm) =	ssettm $0x1  }
0x91: {  	s18 =	sld [smem:$0x3FFB];
	_ =	sdelay $0x3  }
0x92: {  	_ =	strace s18  }
0x93: {  	s2 =	sld [smem:$0x3FFC];
	_ =	sdelay $0x3  }
0x94: {  	_ =	strace s2  }
0x95: {  	s2 =	sld [smem:$0x3FFD];
	_ =	sdelay $0x3  }
0x96: {  	_ =	strace s2  }
0x97: {  	_ =	strace $0x8FFFFFFF  }
0x98: {  	s19 =	sld [smem:$0x3FDB];
	_ =	sdelay $0x1  }
0x99: {  	s20 =	simm.s32 $_scs_section_size  }
0x9a: {  	s4 =	simm.s32 $_size__tile_overlayer_lowered;
	s5 =	simm.s32 $_tile_overlayer_lowered  }
0x9b: {  	s6 =	simm.s32 $0x1BFF;
	s21 =	sshll.u32 s5, $0x1;
	s3 =	sadd.s32 s20, s19  }
0x9c: {  	s22 =	simm.s32 $0x0;
	s4 =	sshll.u32 s4, $0x1;
	s5 =	sadd.s32 s21, s3  }
0x9d: {  	[timem:s22], [sflag:s6] =	dma.local [hbm:s5], s4  }
0x9e: {  	_ =	swait.ge [sflag:s6], s4  }
0x9f: {  	s4 =	ssub.s32 $0x0, s4;
	[sflag:s6] =	ssyncset.done $0x0  }
0xa0: {  	[sflag:s6] =	ssyncadd.s32 s4;
	_ =	sdelay $0x1  }
0xa1: {  	s23 =	simm.s32 $0x1B8B  }
0xa2: {  	_ =	swait.ge [sflag:s23], $0x1  }
0xa3: {  	[sflag:s23] =	ssyncset.done $0x0  }
0xa4: {  	[sflag:s23] =	ssyncadd.s32 $0xFFFFFFFF  }
0xa5: {  	s4 =	sld [smem:$0x0]  }
0xa6: {  	s5 =	sand.u32 $0xFFFFFFFE, s1  }
0xa7: {  	p0 =	sne.s32 s1, s5  }
0xa8: {  	s5 =	sshll.u32 @p0 s5, $0xE  }
0xa9: {  	s5 =	sadd.s32 @p0 $0x11B8D, s5;
	s6 =	sshll.u32 @p0 s4, $0x11  }
0xaa: {  	s5 =	sor.u32 @p0 s6, s5  }
0xab: {  	[sflag:s5] =	ssyncadd.remote.s32 @p0 $0x1;
	_ =	sdelay $0x1  }
0xac: {  	s5 =	simm.s32 @p0 $0x1B8D  }
0xad: {  	_ =	swait.eq @p0 [sflag:s5], $0x1  }
0xae: {  	[sflag:s5] =	ssyncadd.s32 @p0 $0xFFFFFFFF  }
0xaf: {  	s6 =	sshll.u32 @!p0 s1, $0xE  }
0xb0: {  	s6 =	sor.u32 @!p0 $0x4000, s6;
	s5 =	simm.s32 @!p0 $0x1B8D  }
0xb1: {  	s4 =	sshll.u32 @!p0 s4, $0x11;
	s6 =	sadd.s32 @!p0 $0x11B8D, s6;
	_ =	swait.eq @!p0 [sflag:s5], $0x1  }
0xb2: {  	s4 =	sor.u32 @!p0 s4, s6;
	[sflag:s5] =	ssyncadd.s32 @!p0 $0xFFFFFFFF  }
0xb3: {  	s25 =	simm.s32 $0x1B8E;
	s24 =	sld [smem:$0x3FFE];
	[sflag:s4] =	ssyncadd.remote.s32 @!p0 $0x1  }
0xb4: {  	s26 =	simm.s32 $execute0_lowered;
	[smem:$0x3FD2] =	sst s25  }
0xb5: {  	s5 =	sshll.u32 s26, $0x1;
	_ =	strace $0x8000007B;
	[dreg:$0x1] =	wrdreg $0xFFFFFFFF  }
0xb6: {  	s28 =	simm.s32 $_size_execute0_lowered;
	s3 =	sadd.s32 s3, s5;
	[dreg:$0x0] =	wrdreg $0x0  }
0xb7: {  	s5 =	sshll.u32 s28, $0x1;
	[dreg:$0x2] =	wrdreg s3  }
0xb8: {  	[dreg:$0x3] =	wrdreg s5  }
0xb9: {  	[dreg:$0x4] =	wrdreg $0xC0  }
0xba: {  	_ =	task [dreg:s22], $0x5FFFF  }
0xbb: {  	[dreg:$0x1] =	wrdreg $0xFFFFFFFF  }
0xbc: {  	[dreg:$0x0] =	wrdreg $0x60  }
0xbd: {  	[dreg:$0x2] =	wrdreg s24  }
0xbe: {  	[dreg:$0x3] =	wrdreg $0x9  }
0xbf: {  	_ =	task.clear_ibuf [dreg:s22], $0x4FFFF;
	_ =	strace $0x9000007B  }
0xc0: {  	s29 =	simm.s32 $0x9;
	_ =	strace $0x80000084  }
0xc1: {  	_ =	swait.ge [sflag:s29], $0x1  }
0xc2: {  	[sflag:s29] =	ssyncadd.s32 $0xFFFFFFFF  }
0xc3: {  	_ =	strace $0x90000084  }
0xc4: {  	_ =	sfence  }
0xc5: {  	s30 =	sld [smem:$0x0];
	_ =	sdelay $0x2  }
0xc6: {  	s31 =	sshll.u32 s1, $0xD;
	s1 =	sshrl.u32 s1, $0x2  }
0xc7: {  	s4 =	sand.u32 $0x4000, s31;
	s1 =	sadd.s32 s1, s30  }
0xc8: {  	s0 =	sor.u32 s4, s0;
	s1 =	sshll.u32 s1, $0x11  }
0xc9: {  	s0 =	sor.u32 s1, s0  }
0xca: {  	s0 =	sadd.s32 $0x8F2B, s0  }
0xcb: {  	[sflag:s0] =	ssyncadd.remote.s32 $0x1  }
0xcc: {  	_ =	sfence.sel $0xFFFF  }
0xcd: {  	[dreg:$0x0] =	wrdreg $0xFFFFFFFF;
	(pc) =	sbr.abs _section_cstart, $3  }
0xce: {  	[dreg:$0x1] =	wrdreg $0xFFFFFFFF  }
0xcf: {  	_ =	task.clear_ibuf [dreg:s22], $0x2FFFF;
	_ =	strace $0x9FFFFFFF  }
0xd0: {  	(tm) =	ssettm $0x7FFFFFFF  }
0xd1: {  	_ =	shalt  }
tec
execute0_lowered:
.L_overlay_start_1:
0x0: {  	(tag) =	ssettag $0x1  }
0x1: {  	s4 =	rddreg [dreg:$0x0];
	s1 =	srdreg.scid  }
0x2: {  	s0 =	rddreg [dreg:$0x1];
	s2 =	simm.s32 $0x0;
	s9 =	simm.s32 $0x1  }
0x3: {  	s10 =	simm.s32 $0x80;
	s11 =	simm.s32 $0x0;
	s5 =	sand.u32 $0x1, s1  }
0x4: {  	s1 =	stileid.u32;
	[smem:$0x7FF] =	sst s2;
	s3 =	sshll.u32 s5, $0x4  }
0x5: {  	s6 =	sadd.s32 $0x38000, s4;
	s8 =	sadd.s32 $0x331600, s4;
	s3 =	sor.u32 s1, s3  }
0x6: {  	_ =	strace $0x8000007C;
	[dreg:$0x2] =	wrdreg s6;
	s7 =	smul.u32 $0x12, s3  }
0x7: {  	s4 =	sadd.s32 $0x2F200, s4;
	[dreg:$0x4] =	wrdreg s8;
	s6 =	smul.u32 $0x13, s3  }
0x8: {  	s29 =	ssub.s32 $0x2, s5;
	p0 =	slt.u32 s3, $0x8;
	s3 =	sadd.s32 $0x8, s7  }
0x9: {  	s5 =	simm.s32 $0x13;
	[dreg:$0x3] =	wrdreg s10;
	s3 =	smov.u32 @p0 s6  }
0xa: {  	s10 =	simm.s32 $0x5;
	s31 =	sshrl.u32 s29, $0x1;
	s30 =	sshll.u32 s3, $0x4  }
0xb: {  	s8 =	ssub.s32 s29, s31;
	s5 =	simm.s32 @!p0 $0x12;
	s7 =	sand.u32 $0x1FFFFFF0, s30  }
0xc: {  	s8 =	smax.u32 s8, $0x1;
	s6 =	sadd.s32 s4, s7;
	s7 =	sadd.s32 $0xFFFFFFFF, s5  }
.LBB2_1:
0xd: {  	_ =	strace $0x8000007D;
	p2 =	sne.s32 s5, $0x1  }
.Ltmp0:
0xe: {  	p0 =	seq.s32 s5, $0x1;
	s13 =	simm.s32 $0x1;
	(pc) =	sbr.rel @!p2 .LBB2_2-.Ltmp0, $4  }
0xf: {  	[tilespmem:s2], [sflag:$0x1] =	stream.linear.gather [hbm4b:s6+s2], $0x80, $0x200038;
	[tilespmem:$0x4100] =	vst v63  }
0x10: {  	s12 =	simm.s32 $0x1;
	p1 =	por $0x1, $0x1;
	s13 =	simm.s32 @p0 $0x0  }
0x11: {  	p6 =	sgt.u32 s7, $0x0;
	p4 =	por p1, p1;
	p3 =	sne.s32 s13, $0x0  }
0x12: {  	_ =	strace $0x9000007D;
	p5 =	por !p6, !p3;
	p6 =	por $0x0, $0x0  }
0x13: {  	p2 =	por !p5, !p5  }
0x14: {  	s21 =	sand.u32 $0x1, s2;
	s19 =	simm.s32 $0x2;
	s14 =	sadd.s32 @p2 s3, s13  }
0x15: {  	p1 =	por p3, p3;
	s15 =	sand.u32 @p2 $0x1, s9;
	s14 =	sshll.u32 @p2 s14, $0x4  }
0x16: {  	_ =	strace @p2 $0x8000007E;
	s17 =	simm.s32 @p2 $0x0;
	s14 =	sand.u32 @p2 $0x1FFFFFF0, s14  }
0x17: {  	s16 =	sshll.u32 @p2 s15, $0x7;
	s15 =	sadd.s32 @p2 $0x1, s15;
	s14 =	sadd.s32 @p2 s4, s14  }
0x18: {  	[tilespmem:s16], [sflag:s15] =	stream.linear.gather @p2 [hbm4b:s14+s17], $0x80, $0x200038;
	[tilespmem:$0x4100] =	vst v63  }
0x19: {  	s30 =	simm.s32 $0x0;
	p6 =	por $0x0, $0x0;
	_ =	strace @p2 $0x9000007E  }
0x1a: {  	p0 =	sne.s32 s5, $0x2;
	s29 =	sadd.s32 $0x1, s21;
	_ =	strace $0x8000007F  }
0x1b: {  	s24 =	sadd.s32 $0x0, s3;
	p5 =	sgt.u32 s7, $0x1;
	_ =	swait.ge [sflag:s29], $0x80  }
0x1c: {  	s23 =	simm.s32 $0x1;
	s22 =	sshll.u32 s21, $0xD;
	[sflag:s29] =	ssyncset.done $0x0  }
0x1d: {  	s22 =	sor.u32 $0x100, s22;
	s16 =	sand.u32 @!p4 $0x1, s2;
	[sflag:s29] =	ssyncadd.s32 $0xFFFFFF80  }
0x1e: {  	s15 =	simm.s32 $0x1;
	s17 =	sadd.s32 $0x1, s13;
	_ =	strace $0x9000007F  }
0x1f: {  	s14 =	sand.u32 $0x80, s30;
	s15 =	simm.s32 @!p2 $0x0;
	_ =	strace $0x80000080  }
0x20: {  	p2 =	por p4, p4;
	p4 =	por p6, p6;
	s20 =	rddreg [dreg:$0x3]  }
0x21: {  	p3 =	seq.s32 s17, s5;
	p6 =	seq.s32 s7, $0x0;
	s31 =	rddreg [dreg:$0x2]  }
0x22: {  	[tilespmem:s22], [sflag:$0x5] =	stream.indirect.gather [hbm4b:s31+s20], $0x40, s14, s20, $0x2000b8;
	[tilespmem:$0x4100] =	vst v63  }
.Ltmp1:
0x23: {  	s18 =	sadd.s32 $0x1, s15;
	s17 =	simm.s32 @p3 $0x0;
	(pc) =	sbr.rel @!p0 .LBB2_4-.Ltmp1, $4  }
0x24: {  	p1 =	por p6, p1;
	p6 =	por $0x0, $0x0;
	_ =	swait.ge [sflag:s10], $0x2000  }
0x25: {  	s15 =	simm.s32 $0x0;
	p3 =	sne.s32 s13, s17;
	[sflag:s10] =	ssyncset.done $0x0  }
0x26: {  	s23 =	simm.s32 @!p6 $0x0;
	p5 =	por !p5, !p3;
	[sflag:s10] =	ssyncadd.s32 $0xFFFFE000  }
0x27: {  	s14 =	simm.s32 $0x0;
	s20 =	simm.s32 $0x0;
	_ =	strace $0x90000080  }
.LBB2_5:
0x28: {  	_ =	strace @p1 $0x80000081;
	s14 =	sadd.s32 s23, s14;
	s23 =	smov.u32 s12  }
0x29: {  	s12 =	smov.u32 s19;
	s19 =	sadd.s32 $0x1, s19;
	p0 =	por p3, p3  }
0x2a: {  	s29 =	sshll.u32 @p1 s24, $0xA;
	s21 =	sadd.s32 @p1 $0x3, s21;
	s25 =	simm.s32 @!p0 $0x0  }
0x2b: {  	s26 =	rddreg [dreg:$0x4];
	s29 =	sand.u32 @p1 $0x1FFFFC00, s29;
	s25 =	simm.s32 @p0 $0x1  }
0x2c: {  	s26 =	sadd.s32 @p1 s26, s29;
	s29 =	simm.s32 @p1 $0x0;
	p0 =	sne.s32 s5, s19  }
0x2d: {  	[hbm4b:s26+s29] =	stream.linear.scatter @p1 [tilespmem:s22], [sflag:s21], $0x2000, $0x200038;
	[tilespmem:$0x4100] =	vst v63  }
0x2e: {  	s21 =	sadd.s32 @!p2 $0x3, s16;
	s16 =	simm.s32 @!p0 $0x0  }
0x2f: {  	s28 =	simm.s32 $0x1;
	[smem:$0x7FC] =	sst s25;
	s16 =	simm.s32 @p0 $0x1  }
0x30: {  	s28 =	simm.s32 @!p1 $0x0;
	_ =	strace @p1 $0x90000081;
	[smem:$0x7FD] =	sst s16  }
0x31: {  	s20 =	sadd.s32 s28, s20;
	s25 =	sand.u32 @!p4 $0x1, s14;
	_ =	strace @!p2 $0x80000082  }
0x32: {  	p1 =	por !p5, !p5;
	s16 =	smov.u32 s25;
	_ =	swait.ge @!p2 [sflag:s21], $0x2000  }
0x33: {  	s22 =	sand.u32 @p1 $0x1, s18;
	s25 =	sadd.s32 @p1 s3, s17;
	[sflag:s21] =	ssyncset.done @!p2 $0x0  }
0x34: {  	s26 =	sshll.u32 @p1 s22, $0x7;
	s25 =	sshll.u32 @p1 s25, $0x4;
	[sflag:s21] =	ssyncadd.s32 @!p2 $0xFFFFE000  }
0x35: {  	s21 =	sadd.s32 @p1 $0x1, s22;
	s22 =	sand.u32 @p1 $0x1FFFFFF0, s25;
	_ =	strace @!p2 $0x90000082  }
0x36: {  	s25 =	simm.s32 @p1 $0x0;
	s22 =	sadd.s32 @p1 s4, s22;
	_ =	strace @p1 $0x8000007E  }
0x37: {  	[tilespmem:s26], [sflag:s21] =	stream.linear.gather @p1 [hbm4b:s22+s25], $0x80, $0x200038;
	[tilespmem:$0x4100] =	vst v63  }
0x38: {  	s15 =	sadd.s32 s28, s15;
	s28 =	sand.u32 $0x1, s20;
	_ =	strace @p1 $0x9000007E  }
0x39: {  	s28 =	sadd.s32 $0x1, s28;
	_ =	strace $0x8000007F  }
0x3a: {  	_ =	swait.ge [sflag:s28], $0x80  }
0x3b: {  	[sflag:s28] =	ssyncset.done $0x0  }
0x3c: {  	s21 =	simm.s32 $0x1;
	[sflag:s28] =	ssyncadd.s32 $0xFFFFFF80  }
0x3d: {  	s21 =	simm.s32 @!p1 $0x0;
	_ =	strace $0x9000007F  }
0x3e: {  	s18 =	sadd.s32 s21, s18;
	s21 =	sand.u32 $0x1, s15;
	_ =	strace $0x80000080  }
0x3f: {  	s31 =	sshll.u32 s20, $0x7;
	s29 =	sshll.u32 s21, $0xD;
	s25 =	rddreg [dreg:$0x3]  }
0x40: {  	s31 =	sand.u32 $0x80, s31;
	s22 =	sor.u32 $0x100, s29;
	s26 =	rddreg [dreg:$0x2]  }
0x41: {  	[tilespmem:s22], [sflag:$0x5] =	stream.indirect.gather [hbm4b:s26+s25], $0x40, s31, s25, $0x2000b8;
	[tilespmem:$0x4100] =	vst v63  }
0x42: {  	_ =	swait.ge [sflag:s10], $0x2000  }
0x43: {  	[sflag:s10] =	ssyncset.done $0x0  }
0x44: {  	[sflag:s10] =	ssyncadd.s32 $0xFFFFE000  }
0x45: {  	s30 =	sadd.s32 $0x1, s17;
	_ =	strace $0x90000080  }
0x46: {  	s24 =	sadd.s32 s3, s13;
	s13 =	smov.u32 s17;
	s31 =	sld [smem:$0x7FD]  }
0x47: {  	p0 =	sne.s32 s23, $0x0;
	s17 =	smov.u32 s30;
	p1 =	seq.s32 s30, s5  }
0x48: {  	s17 =	simm.s32 @p1 $0x0;
	p1 =	seq.s32 s7, s23;
	s23 =	simm.s32 $0x1  }
0x49: {  	s23 =	simm.s32 @!p0 $0x0;
	p0 =	seq.s32 s31, $0x1  }
.Ltmp2:
0x4a: {  	s30 =	sld [smem:$0x7FC];
	(pc) =	sbr.rel @p0 .LBB2_5-.Ltmp2, $4  }
0x4b: {  	p3 =	seq.s32 s12, $0x0  }
0x4c: {  	p6 =	por p3, p3;
	p5 =	slt.u32 s12, s7  }
0x4d: {  	p2 =	por p4, p4;
	p3 =	sne.s32 s13, s17;
	p4 =	seq.s32 s30, $0x1  }
0x4e: {  	p5 =	por !p5, !p3;
	p1 =	por p1, p4;
	p4 =	por p6, p6  }
0x4f: {  	p6 =	por $0x1, $0x1  }
.LBB2_7:
0x50: {  	p0 =	por !p1, !p6  }
0x51: {  	s25 =	simm.s32 $0x1;
	_ =	strace @!p0 $0x80000081;
	s24 =	sshll.u32 @!p0 s24, $0xA  }
0x52: {  	p2 =	por p2, !p6;
	s19 =	rddreg [dreg:$0x4];
	s24 =	sand.u32 @!p0 $0x1FFFFC00, s24  }
0x53: {  	s21 =	sadd.s32 @!p0 $0x3, s21;
	s19 =	sadd.s32 @!p0 s19, s24;
	s24 =	simm.s32 @!p0 $0x0  }
0x54: {  	[hbm4b:s19+s24] =	stream.linear.scatter @!p0 [tilespmem:s22], [sflag:s21], $0x2000, $0x200038;
	[tilespmem:$0x4100] =	vst v63  }
0x55: {  	p1 =	por !p5, !p5;
	s25 =	simm.s32 @p0 $0x0;
	_ =	strace @!p0 $0x90000081  }
0x56: {  	s16 =	sadd.s32 @!p2 $0x3, s16;
	s17 =	sadd.s32 @p1 s3, s17;
	_ =	strace @!p2 $0x80000082  }
0x57: {  	s18 =	sand.u32 @p1 $0x1, s18;
	s17 =	sshll.u32 @p1 s17, $0x4;
	_ =	swait.ge @!p2 [sflag:s16], $0x2000  }
0x58: {  	s17 =	sand.u32 @p1 $0x1FFFFFF0, s17;
	s19 =	sadd.s32 @p6 s25, s20;
	[sflag:s16] =	ssyncset.done @!p2 $0x0  }
0x59: {  	s20 =	simm.s32 $0x0;
	s17 =	sadd.s32 @p1 s4, s17;
	[sflag:s16] =	ssyncadd.s32 @!p2 $0xFFFFE000  }
0x5a: {  	s20 =	smov.u32 @p6 s19;
	s19 =	sshll.u32 @p1 s18, $0x7;
	_ =	strace @!p2 $0x90000082  }
0x5b: {  	s16 =	sadd.s32 @p1 $0x1, s18;
	s18 =	simm.s32 @p1 $0x0;
	_ =	strace @p1 $0x8000007E  }
0x5c: {  	[tilespmem:s19], [sflag:s16] =	stream.linear.gather @p1 [hbm4b:s17+s18], $0x80, $0x200038;
	[tilespmem:$0x4100] =	vst v63  }
0x5d: {  	s26 =	sand.u32 $0x1, s20;
	_ =	strace @p1 $0x9000007E  }
0x5e: {  	s16 =	sadd.s32 $0x1, s26;
	_ =	strace $0x8000007F  }
0x5f: {  	_ =	swait.ge [sflag:s16], $0x80  }
0x60: {  	[sflag:s16] =	ssyncset.done $0x0  }
0x61: {  	s15 =	sadd.s32 @p6 s25, s15;
	[sflag:s16] =	ssyncadd.s32 $0xFFFFFF80;
	s16 =	simm.s32 $0x0  }
0x62: {  	_ =	strace $0x9000007F;
	s16 =	smov.u32 @p6 s15  }
0x63: {  	_ =	strace $0x80000080;
	s16 =	sand.u32 $0x1, s16  }
0x64: {  	s30 =	sshll.u32 s20, $0x7;
	s28 =	rddreg [dreg:$0x3];
	s31 =	sshll.u32 s16, $0xD  }
0x65: {  	s18 =	sand.u32 $0x80, s30;
	s29 =	rddreg [dreg:$0x2];
	s19 =	sor.u32 $0x100, s31  }
0x66: {  	[tilespmem:s19], [sflag:$0x5] =	stream.indirect.gather [hbm4b:s29+s28], $0x40, s18, s28, $0x2000b8;
	[tilespmem:$0x4100] =	vst v63  }
0x67: {  	_ =	swait.ge [sflag:s10], $0x2000  }
0x68: {  	p3 =	por p3, p3;
	[sflag:s10] =	ssyncset.done $0x0  }
0x69: {  	p5 =	seq.s32 s7, s12;
	s13 =	sadd.s32 s3, s13;
	[sflag:s10] =	ssyncadd.s32 $0xFFFFE000  }
0x6a: {  	s14 =	sadd.s32 @p6 s23, s14;
	p1 =	por p5, p3;
	_ =	strace $0x90000080  }
0x6b: {  	s17 =	simm.s32 $0x0;
	s13 =	sshll.u32 @p1 s13, $0xA;
	_ =	strace @p1 $0x80000081  }
0x6c: {  	s17 =	smov.u32 @p6 s14;
	s13 =	sand.u32 @p1 $0x1FFFFC00, s13;
	s15 =	rddreg [dreg:$0x4]  }
0x6d: {  	s14 =	sadd.s32 @p1 $0x3, s16;
	s13 =	sadd.s32 @p1 s15, s13;
	s15 =	simm.s32 @p1 $0x0  }
0x6e: {  	[hbm4b:s13+s15] =	stream.linear.scatter @p1 [tilespmem:s19], [sflag:s14], $0x2000, $0x200038;
	[tilespmem:$0x4100] =	vst v63  }
0x6f: {  	p0 =	por p4, p4;
	s13 =	sand.u32 @!p4 $0x1, s17;
	_ =	strace @p1 $0x90000081  }
0x70: {  	s13 =	sadd.s32 @!p0 $0x3, s13;
	_ =	strace @!p0 $0x80000082  }
0x71: {  	p1 =	sne.s32 s12, $0x0;
	s12 =	simm.s32 $0x1;
	_ =	swait.ge @!p0 [sflag:s13], $0x2000  }
0x72: {  	s12 =	simm.s32 @!p1 $0x0;
	[sflag:s13] =	ssyncset.done @!p0 $0x0  }
0x73: {  	s11 =	sadd.s32 $0x1, s11;
	s12 =	sadd.s32 s12, s17;
	[sflag:s13] =	ssyncadd.s32 @!p0 $0xFFFFE000  }
0x74: {  	s12 =	sand.u32 $0x1, s12;
	_ =	strace @!p0 $0x90000082;
	p0 =	sne.s32 s11, s8  }
.Ltmp3:
0x75: {  	s12 =	sadd.s32 $0x3, s12;
	_ =	strace $0x80000083;
	(pc) =	sbr.rel @p0 .LBB2_1-.Ltmp3, $4  }
.Ltmp4:
0x76: {  	_ =	swait.ge [sflag:s12], $0x2000;
	(pc) =	sbr.rel @!p0 .LBB2_8-.Ltmp4, $4  }
0x77: {  	[sflag:s12] =	ssyncset.done $0x0  }
0x78: {  	[sflag:s12] =	ssyncadd.s32 $0xFFFFE000  }
0x79: {  	_ =	strace $0x90000083  }
0x7a: {  	_ = 	snop  }
.LBB2_2:
.Ltmp5:
0x7b: {  	(pc) =	sbr.rel .LBB2_7-.Ltmp5, $4  }
0x7c: {  	_ = 	snop  }
0x7d: {  	s14 =	simm.s32 $0x0  }
0x7e: {  	s12 =	simm.s32 $0x0;
	s15 =	simm.s32 $0x0;
	s17 =	smov.u32 s13  }
0x7f: {  	s20 =	simm.s32 $0x0;
	s18 =	simm.s32 $0x1;
	s13 =	simm.s32 $0x0  }
.LBB2_4:
.Ltmp6:
0x80: {  	(pc) =	sbr.rel .LBB2_7-.Ltmp6, $3  }
0x81: {  	_ =	sdelay $0x1  }
0x82: {  	s14 =	simm.s32 $0x0  }
0x83: {  	s15 =	simm.s32 $0x0;
	s20 =	simm.s32 $0x0;
	p6 =	por $0x1, $0x1  }
.LBB2_8:
0x84: {  	_ =	sfence.sel $0x180000  }
0x85: {  	[bflag:$0x0] =	sbarrier.arrive $0xFFFF  }
0x86: {  	p0 =	sne.s32 s1, $0x0;
	_ =	strace $0x9000007C  }
0x87: {  	s0 =	sadd.s32 @!p0 $0x100000, s0;
	[bflag:$0x2] =	sbarrier.arrive $0xFFFF  }
0x88: {  	[sflag:s0] =	ssyncadd.tile.s32 @!p0 $0x1;
	_ =	shalt  }
.Lfunc_end2:
_tile_overlayer_lowered:
.L_overlay_start_2:
0x89: {  	(tag) =	ssettag $0x2  }
0x8a: {  	s0 =	rddreg [dreg:$0x0];
	s2 =	stileid.u32  }
0x8b: {  	s1 =	rddreg [dreg:$0x1];
	p0 =	sne.s32 s2, $0x0  }
0x8c: {  	s3 =	rddreg [dreg:$0x2];
	[bflag:$0x3] =	sbarrier.arrive $0xFFFF;
	s2 =	simm.s32 @!p0 $0x1C01  }
0x8d: {  	[timem:s3], [sflag:s2] =	dma.local @!p0 [hbm:s0], s1  }
0x8e: {  	s0 =	simm.s32 @!p0 $0x1  }
0x8f: {  	_ =	swait.ge @!p0 [sflag:s0], s1  }
0x90: {  	s1 =	ssub.s32 @!p0 $0x0, s1;
	[sflag:s0] =	ssyncset.done @!p0 $0x0  }
0x91: {  	[sflag:s0] =	ssyncadd.s32 @!p0 s1  }
0x92: {  	[bflag:$0x3] =	sbarrier.arrive $0xFFFF  }
0x93: {  	_ =	shalt  }

// kernel: kernel.21.cloned.1.call-start
scs
__scs_entry_jumppad:
0x0: {  	(pc) =	sbr.rel $0x88, $3  }
0x1: {  	(tag) =	ssettag $0x0;
	lr =	simm.s32 $0x1  }
0x2: {  	[smem:$0x3F96] =	sst lr;
	_ =	strace $0xD0000000  }
0x3: {  	_ = 	snop  }
0x4: {  	_ = 	snop  }
0x5: {  	_ = 	snop  }
0x6: {  	_ = 	snop  }
0x7: {  	_ = 	snop  }
__scs_overlays_trampoline_lowered:
0x8: {  	[smem:$0x3FA5] =	sst s0  }
0x9: {  	[smem:$0x3FA6] =	sst s1  }
0xa: {  	[smem:$0x3FA7] =	sst s2  }
0xb: {  	[smem:$0x3FA8] =	sst s3  }
0xc: {  	[smem:$0x3FA9] =	sst s4  }
0xd: {  	[smem:$0x3FAA] =	sst s5  }
0xe: {  	[smem:$0x3FAB] =	sst s6  }
0xf: {  	[smem:$0x3FAC] =	sst s7  }
0x10: {  	[smem:$0x3FAD] =	sst s8  }
0x11: {  	[smem:$0x3FAE] =	sst s9;
	s0 =	simm.s32 @!p0 $0x0  }
0x12: {  	s1 =	sld [smem:$0x3F94];
	s0 =	simm.s32 @p0 $0x1  }
0x13: {  	[smem:$0x3FAF] =	sst s0;
	s0 =	simm.s32 @!p1 $0x0  }
0x14: {  	s2 =	sld [smem:$0x3F93];
	s0 =	simm.s32 @p1 $0x1  }
0x15: {  	[smem:$0x3FB0] =	sst s0;
	s0 =	simm.s32 @!p2 $0x0  }
0x16: {  	s3 =	sld [smem:$0x3FDB];
	s0 =	simm.s32 @p2 $0x1  }
0x17: {  	s4 =	simm.s32 $0x1BF5;
	[smem:$0x3FB2] =	sst s0  }
0x18: {  	s0 =	sld [smem:$0x3F95];
	_ =	swait.ge [sflag:s4], $0x0  }
0x19: {  	s7 =	sld [smem:$0x3F96]  }
0x1a: {  	s8 =	sadd.s32 $0xFFFFE003, lr  }
0x1b: {  	s9 =	sadd.s32 $0xFFFFFEF7, lr;
	s5 =	simm.s32 $0xFFFFFFFF;
	p2 =	slt.u32 s8, $0xFFFFF086  }
0x1c: {  	p1 =	slt.u32 s9, $0xF7A;
	s5 =	simm.s32 @!p2 $0x0  }
0x1d: {  	s5 =	simm.s32 @p1 $0x1;
	p0 =	seq.s32 s7, s2  }
0x1e: {  	s7 =	smul.u32 @!p0 $0xF7A, s2;
	p2 =	seq.s32 @!p0 s5, $0x0  }
0x1f: {  	s9 =	smul.u32 $0xF7A, s1;
	s8 =	simm.s32 @!p0 $0x1BF5;
	p2 =	por !p2, p0  }
0x20: {  	[sflag:s8] =	ssyncset.s32 @!p0 $0xFFFFF086;
	s6 =	sadd.s32 @!p0 s3, s7;
	s7 =	simm.s32 @!p0 $0x108  }
0x21: {  	s3 =	sadd.s32 s3, s9;
	s6 =	sadd.s32 @!p0 $0x88, s6;
	s7 =	simm.s32 @p2 $0x1082  }
0x22: {  	[simem:s7], [sflag:s8] =	dma.local @!p0 [hbm:s6], $0xF7A  }
0x23: {  	s9 =	sor.u32 $0xD0000000, s2;
	s6 =	simm.s32 $0x108;
	_ =	swait.ge @!p0 [sflag:s8], $0x0  }
0x24: {  	s3 =	sadd.s32 $0x88, s3;
	s6 =	simm.s32 @!p1 $0x1082;
	[sflag:s4] =	ssyncset.s32 $0xFFFFF086  }
0x25: {  	[simem:s6], [sflag:s4] =	dma.local [hbm:s3], $0xF7A  }
0x26: {  	[smem:$0x3F96] =	sst s1;
	(tag) =	ssettag s2;
	_ =	strace s9  }
0x27: {  	s1 =	sld [smem:$0x3FA6]  }
0x28: {  	s2 =	sld [smem:$0x3FA7]  }
0x29: {  	s4 =	sld [smem:$0x3FA9]  }
0x2a: {  	p0 =	seq.s32 s5, $0x0;
	s5 =	sld [smem:$0x3FAA]  }
0x2b: {  	s6 =	sld [smem:$0x3FAB]  }
0x2c: {  	s7 =	sld [smem:$0x3FAC]  }
0x2d: {  	s3 =	simm.s32 $0x108;
	s8 =	sld [smem:$0x3FAD]  }
0x2e: {  	s3 =	simm.s32 @!p0 $0x1082;
	s9 =	sld [smem:$0x3FAE]  }
0x2f: {  	lr =	sadd.s32 s0, s3;
	s0 =	sld [smem:$0x3FA5]  }
0x30: {  	s3 =	sld [smem:$0x3FA8]  }
0x31: {  	[smem:$0x3FB1] =	sst s10  }
0x32: {  	s10 =	sld [smem:$0x3FAF];
	_ =	sdelay $0x3  }
0x33: {  	p0 =	seq.s32 s10, $0x1;
	s10 =	sld [smem:$0x3FB1];
	_ =	sdelay $0x3  }
0x34: {  	[smem:$0x3FB1] =	sst s10  }
0x35: {  	s10 =	sld [smem:$0x3FB0];
	_ =	sdelay $0x3  }
0x36: {  	p1 =	seq.s32 s10, $0x1;
	s10 =	sld [smem:$0x3FB1];
	_ =	sdelay $0x3  }
0x37: {  	[smem:$0x3FB1] =	sst s10  }
0x38: {  	s10 =	sld [smem:$0x3FB2]  }
0x39: {  	_ = 	snop;
	(pc) =	sbr.ind lr, $3  }
0x3a: {  	_ = 	snop  }
0x3b: {  	_ = 	snop  }
0x3c: {  	p2 =	seq.s32 s10, $0x1;
	s10 =	sld [smem:$0x3FB1]  }
0x3d: {  	_ =	shalt  }
0x3e: {  	_ =	shalt  }
0x3f: {  	_ =	shalt  }
0x40: {  	_ =	shalt  }
0x41: {  	_ =	shalt  }
0x42: {  	_ =	shalt  }
0x43: {  	_ =	shalt  }
0x44: {  	_ =	shalt  }
0x45: {  	_ =	shalt  }
0x46: {  	_ =	shalt  }
0x47: {  	_ =	shalt  }
0x48: {  	_ =	shalt  }
0x49: {  	_ =	shalt  }
0x4a: {  	_ =	shalt  }
0x4b: {  	_ =	shalt  }
0x4c: {  	_ =	shalt  }
0x4d: {  	_ =	shalt  }
0x4e: {  	_ =	shalt  }
0x4f: {  	_ =	shalt  }
0x50: {  	_ =	shalt  }
0x51: {  	_ =	shalt  }
0x52: {  	_ =	shalt  }
0x53: {  	_ =	shalt  }
0x54: {  	_ =	shalt  }
0x55: {  	_ =	shalt  }
0x56: {  	_ =	shalt  }
0x57: {  	_ =	shalt  }
0x58: {  	_ =	shalt  }
0x59: {  	_ =	shalt  }
0x5a: {  	_ =	shalt  }
0x5b: {  	_ =	shalt  }
0x5c: {  	_ =	shalt  }
0x5d: {  	_ =	shalt  }
0x5e: {  	_ =	shalt  }
0x5f: {  	_ =	shalt  }
0x60: {  	_ =	shalt  }
0x61: {  	_ =	shalt  }
0x62: {  	_ =	shalt  }
0x63: {  	_ =	shalt  }
0x64: {  	_ =	shalt  }
0x65: {  	_ =	shalt  }
0x66: {  	_ =	shalt  }
0x67: {  	_ =	shalt  }
0x68: {  	_ =	shalt  }
0x69: {  	_ =	shalt  }
0x6a: {  	_ =	shalt  }
0x6b: {  	_ =	shalt  }
0x6c: {  	_ =	shalt  }
0x6d: {  	_ =	shalt  }
0x6e: {  	_ =	shalt  }
0x6f: {  	_ =	shalt  }
0x70: {  	_ =	shalt  }
0x71: {  	_ =	shalt  }
0x72: {  	_ =	shalt  }
0x73: {  	_ =	shalt  }
0x74: {  	_ =	shalt  }
0x75: {  	_ =	shalt  }
0x76: {  	_ =	shalt  }
0x77: {  	_ =	shalt  }
0x78: {  	_ =	shalt  }
0x79: {  	_ =	shalt  }
0x7a: {  	_ =	shalt  }
0x7b: {  	_ =	shalt  }
0x7c: {  	_ =	shalt  }
0x7d: {  	_ =	shalt  }
0x7e: {  	_ =	shalt  }
0x7f: {  	_ =	shalt  }
0x80: {  	_ =	shalt  }
0x81: {  	_ =	shalt  }
0x82: {  	_ =	shalt  }
0x83: {  	_ =	shalt  }
0x84: {  	_ =	shalt  }
0x85: {  	_ =	shalt  }
0x86: {  	_ =	shalt  }
0x87: {  	_ =	shalt  }
.Lfunc_end0:
.L_simem_size_0:
called_computation.3_lowered:
.L_overlay_start_0:
0x88: {  	s2 =	sld [smem:$0x3FD9]  }
0x89: {  	s3 =	sld [smem:$0x3FFE];
	_ =	sdelay $0x1  }
0x8a: {  	s1 =	srdreg.scid  }
0x8b: {  	s0 =	sand.u32 $0x1, s1  }
0x8c: {  	s17 =	sshll.u32 s0, $0xA;
	s2 =	sadd.s32 s3, s2  }
0x8d: {  	s2 =	sadd.s32 s2, s17  }
0x8e: {  	[smem:$0x3FBD] =	sst s2  }
0x8f: {  	_ = 	snop  }
0x90: {  	(tm) =	ssettm $0x1  }
0x91: {  	s18 =	sld [smem:$0x3FFB];
	_ =	sdelay $0x3  }
0x92: {  	_ =	strace s18  }
0x93: {  	s2 =	sld [smem:$0x3FFC];
	_ =	sdelay $0x3  }
0x94: {  	_ =	strace s2  }
0x95: {  	s2 =	sld [smem:$0x3FFD];
	_ =	sdelay $0x3  }
0x96: {  	_ =	strace s2  }
0x97: {  	_ =	strace $0x8FFFFFFF  }
0x98: {  	s19 =	sld [smem:$0x3FDB];
	_ =	sdelay $0x1  }
0x99: {  	s20 =	simm.s32 $_scs_section_size  }
0x9a: {  	s4 =	simm.s32 $_size__tile_overlayer_lowered;
	s5 =	simm.s32 $_tile_overlayer_lowered  }
0x9b: {  	s6 =	simm.s32 $0x1BFF;
	s21 =	sshll.u32 s5, $0x1;
	s3 =	sadd.s32 s20, s19  }
0x9c: {  	s22 =	simm.s32 $0x0;
	s4 =	sshll.u32 s4, $0x1;
	s5 =	sadd.s32 s21, s3  }
0x9d: {  	[timem:s22], [sflag:s6] =	dma.local [hbm:s5], s4  }
0x9e: {  	_ =	swait.ge [sflag:s6], s4  }
0x9f: {  	s4 =	ssub.s32 $0x0, s4;
	[sflag:s6] =	ssyncset.done $0x0  }
0xa0: {  	[sflag:s6] =	ssyncadd.s32 s4;
	_ =	sdelay $0x1  }
0xa1: {  	s23 =	simm.s32 $0x1B8B  }
0xa2: {  	_ =	swait.ge [sflag:s23], $0x1  }
0xa3: {  	[sflag:s23] =	ssyncset.done $0x0  }
0xa4: {  	[sflag:s23] =	ssyncadd.s32 $0xFFFFFFFF  }
0xa5: {  	s4 =	sld [smem:$0x0]  }
0xa6: {  	s5 =	sand.u32 $0xFFFFFFFE, s1  }
0xa7: {  	p0 =	sne.s32 s1, s5  }
0xa8: {  	s5 =	sshll.u32 @p0 s5, $0xE  }
0xa9: {  	s5 =	sadd.s32 @p0 $0x11B8D, s5;
	s6 =	sshll.u32 @p0 s4, $0x11  }
0xaa: {  	s5 =	sor.u32 @p0 s6, s5  }
0xab: {  	[sflag:s5] =	ssyncadd.remote.s32 @p0 $0x1;
	_ =	sdelay $0x1  }
0xac: {  	s5 =	simm.s32 @p0 $0x1B8D  }
0xad: {  	_ =	swait.eq @p0 [sflag:s5], $0x1  }
0xae: {  	[sflag:s5] =	ssyncadd.s32 @p0 $0xFFFFFFFF  }
0xaf: {  	s6 =	sshll.u32 @!p0 s1, $0xE  }
0xb0: {  	s6 =	sor.u32 @!p0 $0x4000, s6;
	s5 =	simm.s32 @!p0 $0x1B8D  }
0xb1: {  	s4 =	sshll.u32 @!p0 s4, $0x11;
	s6 =	sadd.s32 @!p0 $0x11B8D, s6;
	_ =	swait.eq @!p0 [sflag:s5], $0x1  }
0xb2: {  	s4 =	sor.u32 @!p0 s4, s6;
	[sflag:s5] =	ssyncadd.s32 @!p0 $0xFFFFFFFF  }
0xb3: {  	s25 =	simm.s32 $0x1B8E;
	s24 =	sld [smem:$0x3FFE];
	[sflag:s4] =	ssyncadd.remote.s32 @!p0 $0x1  }
0xb4: {  	s26 =	simm.s32 $execute0_lowered;
	[smem:$0x3FD2] =	sst s25  }
0xb5: {  	s5 =	sshll.u32 s26, $0x1;
	_ =	strace $0x80000071;
	[dreg:$0x1] =	wrdreg $0xFFFFFFFF  }
0xb6: {  	s28 =	simm.s32 $_size_execute0_lowered;
	s3 =	sadd.s32 s3, s5;
	[dreg:$0x0] =	wrdreg $0x0  }
0xb7: {  	s5 =	sshll.u32 s28, $0x1;
	[dreg:$0x2] =	wrdreg s3  }
0xb8: {  	[dreg:$0x3] =	wrdreg s5  }
0xb9: {  	[dreg:$0x4] =	wrdreg $0xC0  }
0xba: {  	_ =	task [dreg:s22], $0x5FFFF  }
0xbb: {  	[dreg:$0x1] =	wrdreg $0xFFFFFFFF  }
0xbc: {  	[dreg:$0x0] =	wrdreg $0x60  }
0xbd: {  	[dreg:$0x2] =	wrdreg s24  }
0xbe: {  	[dreg:$0x3] =	wrdreg $0xA  }
0xbf: {  	_ =	task.clear_ibuf [dreg:s22], $0x4FFFF;
	_ =	strace $0x90000071  }
0xc0: {  	s29 =	simm.s32 $0xA;
	_ =	strace $0x8000007A  }
0xc1: {  	_ =	swait.ge [sflag:s29], $0x1  }
0xc2: {  	[sflag:s29] =	ssyncadd.s32 $0xFFFFFFFF  }
0xc3: {  	_ =	strace $0x9000007A  }
0xc4: {  	_ =	sfence  }
0xc5: {  	s30 =	sld [smem:$0x0];
	_ =	sdelay $0x2  }
0xc6: {  	s31 =	sshll.u32 s1, $0xD;
	s1 =	sshrl.u32 s1, $0x2  }
0xc7: {  	s4 =	sand.u32 $0x4000, s31;
	s1 =	sadd.s32 s1, s30  }
0xc8: {  	s0 =	sor.u32 s4, s0;
	s1 =	sshll.u32 s1, $0x11  }
0xc9: {  	s0 =	sor.u32 s1, s0  }
0xca: {  	s0 =	sadd.s32 $0x8F2B, s0  }
0xcb: {  	[sflag:s0] =	ssyncadd.remote.s32 $0x1  }
0xcc: {  	_ =	sfence.sel $0xFFFF  }
0xcd: {  	[dreg:$0x0] =	wrdreg $0xFFFFFFFF;
	(pc) =	sbr.abs _section_cstart, $3  }
0xce: {  	[dreg:$0x1] =	wrdreg $0xFFFFFFFF  }
0xcf: {  	_ =	task.clear_ibuf [dreg:s22], $0x2FFFF;
	_ =	strace $0x9FFFFFFF  }
0xd0: {  	(tm) =	ssettm $0x7FFFFFFF  }
0xd1: {  	_ =	shalt  }
tec
execute0_lowered:
.L_overlay_start_1:
0x0: {  	(tag) =	ssettag $0x1  }
0x1: {  	s4 =	rddreg [dreg:$0x0];
	s1 =	srdreg.scid  }
0x2: {  	s0 =	rddreg [dreg:$0x1];
	s2 =	simm.s32 $0x0;
	s9 =	simm.s32 $0x1  }
0x3: {  	s10 =	simm.s32 $0x80;
	s11 =	simm.s32 $0x0;
	s5 =	sand.u32 $0x1, s1  }
0x4: {  	s1 =	stileid.u32;
	[smem:$0x7FF] =	sst s2;
	s3 =	sshll.u32 s5, $0x4  }
0x5: {  	s6 =	sadd.s32 $0x38000, s4;
	s8 =	sadd.s32 $0x29F600, s4;
	s3 =	sor.u32 s1, s3  }
0x6: {  	_ =	strace $0x80000072;
	[dreg:$0x2] =	wrdreg s6;
	s7 =	smul.u32 $0x12, s3  }
0x7: {  	s4 =	sadd.s32 $0x2CC00, s4;
	[dreg:$0x4] =	wrdreg s8;
	s6 =	smul.u32 $0x13, s3  }
0x8: {  	s29 =	ssub.s32 $0x2, s5;
	p0 =	slt.u32 s3, $0x8;
	s3 =	sadd.s32 $0x8, s7  }
0x9: {  	s5 =	simm.s32 $0x13;
	[dreg:$0x3] =	wrdreg s10;
	s3 =	smov.u32 @p0 s6  }
0xa: {  	s10 =	simm.s32 $0x5;
	s31 =	sshrl.u32 s29, $0x1;
	s30 =	sshll.u32 s3, $0x4  }
0xb: {  	s8 =	ssub.s32 s29, s31;
	s5 =	simm.s32 @!p0 $0x12;
	s7 =	sand.u32 $0x1FFFFFF0, s30  }
0xc: {  	s8 =	smax.u32 s8, $0x1;
	s6 =	sadd.s32 s4, s7;
	s7 =	sadd.s32 $0xFFFFFFFF, s5  }
.LBB2_1:
0xd: {  	_ =	strace $0x80000073;
	p2 =	sne.s32 s5, $0x1  }
.Ltmp0:
0xe: {  	p0 =	seq.s32 s5, $0x1;
	s13 =	simm.s32 $0x1;
	(pc) =	sbr.rel @!p2 .LBB2_2-.Ltmp0, $4  }
0xf: {  	[tilespmem:s2], [sflag:$0x1] =	stream.linear.gather [hbm4b:s6+s2], $0x80, $0x200038;
	[tilespmem:$0x4100] =	vst v63  }
0x10: {  	s12 =	simm.s32 $0x1;
	p1 =	por $0x1, $0x1;
	s13 =	simm.s32 @p0 $0x0  }
0x11: {  	p6 =	sgt.u32 s7, $0x0;
	p4 =	por p1, p1;
	p3 =	sne.s32 s13, $0x0  }
0x12: {  	_ =	strace $0x90000073;
	p5 =	por !p6, !p3;
	p6 =	por $0x0, $0x0  }
0x13: {  	p2 =	por !p5, !p5  }
0x14: {  	s21 =	sand.u32 $0x1, s2;
	s19 =	simm.s32 $0x2;
	s14 =	sadd.s32 @p2 s3, s13  }
0x15: {  	p1 =	por p3, p3;
	s15 =	sand.u32 @p2 $0x1, s9;
	s14 =	sshll.u32 @p2 s14, $0x4  }
0x16: {  	_ =	strace @p2 $0x80000074;
	s17 =	simm.s32 @p2 $0x0;
	s14 =	sand.u32 @p2 $0x1FFFFFF0, s14  }
0x17: {  	s16 =	sshll.u32 @p2 s15, $0x7;
	s15 =	sadd.s32 @p2 $0x1, s15;
	s14 =	sadd.s32 @p2 s4, s14  }
0x18: {  	[tilespmem:s16], [sflag:s15] =	stream.linear.gather @p2 [hbm4b:s14+s17], $0x80, $0x200038;
	[tilespmem:$0x4100] =	vst v63  }
0x19: {  	s30 =	simm.s32 $0x0;
	p6 =	por $0x0, $0x0;
	_ =	strace @p2 $0x90000074  }
0x1a: {  	p0 =	sne.s32 s5, $0x2;
	s29 =	sadd.s32 $0x1, s21;
	_ =	strace $0x80000075  }
0x1b: {  	s24 =	sadd.s32 $0x0, s3;
	p5 =	sgt.u32 s7, $0x1;
	_ =	swait.ge [sflag:s29], $0x80  }
0x1c: {  	s23 =	simm.s32 $0x1;
	s22 =	sshll.u32 s21, $0xD;
	[sflag:s29] =	ssyncset.done $0x0  }
0x1d: {  	s22 =	sor.u32 $0x100, s22;
	s16 =	sand.u32 @!p4 $0x1, s2;
	[sflag:s29] =	ssyncadd.s32 $0xFFFFFF80  }
0x1e: {  	s15 =	simm.s32 $0x1;
	s17 =	sadd.s32 $0x1, s13;
	_ =	strace $0x90000075  }
0x1f: {  	s14 =	sand.u32 $0x80, s30;
	s15 =	simm.s32 @!p2 $0x0;
	_ =	strace $0x80000076  }
0x20: {  	p2 =	por p4, p4;
	p4 =	por p6, p6;
	s20 =	rddreg [dreg:$0x3]  }
0x21: {  	p3 =	seq.s32 s17, s5;
	p6 =	seq.s32 s7, $0x0;
	s31 =	rddreg [dreg:$0x2]  }
0x22: {  	[tilespmem:s22], [sflag:$0x5] =	stream.indirect.gather [hbm4b:s31+s20], $0x40, s14, s20, $0x2000b8;
	[tilespmem:$0x4100] =	vst v63  }
.Ltmp1:
0x23: {  	s18 =	sadd.s32 $0x1, s15;
	s17 =	simm.s32 @p3 $0x0;
	(pc) =	sbr.rel @!p0 .LBB2_4-.Ltmp1, $4  }
0x24: {  	p1 =	por p6, p1;
	p6 =	por $0x0, $0x0;
	_ =	swait.ge [sflag:s10], $0x2000  }
0x25: {  	s15 =	simm.s32 $0x0;
	p3 =	sne.s32 s13, s17;
	[sflag:s10] =	ssyncset.done $0x0  }
0x26: {  	s23 =	simm.s32 @!p6 $0x0;
	p5 =	por !p5, !p3;
	[sflag:s10] =	ssyncadd.s32 $0xFFFFE000  }
0x27: {  	s14 =	simm.s32 $0x0;
	s20 =	simm.s32 $0x0;
	_ =	strace $0x90000076  }
.LBB2_5:
0x28: {  	_ =	strace @p1 $0x80000077;
	s14 =	sadd.s32 s23, s14;
	s23 =	smov.u32 s12  }
0x29: {  	s12 =	smov.u32 s19;
	s19 =	sadd.s32 $0x1, s19;
	p0 =	por p3, p3  }
0x2a: {  	s29 =	sshll.u32 @p1 s24, $0xA;
	s21 =	sadd.s32 @p1 $0x3, s21;
	s25 =	simm.s32 @!p0 $0x0  }
0x2b: {  	s26 =	rddreg [dreg:$0x4];
	s29 =	sand.u32 @p1 $0x1FFFFC00, s29;
	s25 =	simm.s32 @p0 $0x1  }
0x2c: {  	s26 =	sadd.s32 @p1 s26, s29;
	s29 =	simm.s32 @p1 $0x0;
	p0 =	sne.s32 s5, s19  }
0x2d: {  	[hbm4b:s26+s29] =	stream.linear.scatter @p1 [tilespmem:s22], [sflag:s21], $0x2000, $0x200038;
	[tilespmem:$0x4100] =	vst v63  }
0x2e: {  	s21 =	sadd.s32 @!p2 $0x3, s16;
	s16 =	simm.s32 @!p0 $0x0  }
0x2f: {  	s28 =	simm.s32 $0x1;
	[smem:$0x7FC] =	sst s25;
	s16 =	simm.s32 @p0 $0x1  }
0x30: {  	s28 =	simm.s32 @!p1 $0x0;
	_ =	strace @p1 $0x90000077;
	[smem:$0x7FD] =	sst s16  }
0x31: {  	s20 =	sadd.s32 s28, s20;
	s25 =	sand.u32 @!p4 $0x1, s14;
	_ =	strace @!p2 $0x80000078  }
0x32: {  	p1 =	por !p5, !p5;
	s16 =	smov.u32 s25;
	_ =	swait.ge @!p2 [sflag:s21], $0x2000  }
0x33: {  	s22 =	sand.u32 @p1 $0x1, s18;
	s25 =	sadd.s32 @p1 s3, s17;
	[sflag:s21] =	ssyncset.done @!p2 $0x0  }
0x34: {  	s26 =	sshll.u32 @p1 s22, $0x7;
	s25 =	sshll.u32 @p1 s25, $0x4;
	[sflag:s21] =	ssyncadd.s32 @!p2 $0xFFFFE000  }
0x35: {  	s21 =	sadd.s32 @p1 $0x1, s22;
	s22 =	sand.u32 @p1 $0x1FFFFFF0, s25;
	_ =	strace @!p2 $0x90000078  }
0x36: {  	s25 =	simm.s32 @p1 $0x0;
	s22 =	sadd.s32 @p1 s4, s22;
	_ =	strace @p1 $0x80000074  }
0x37: {  	[tilespmem:s26], [sflag:s21] =	stream.linear.gather @p1 [hbm4b:s22+s25], $0x80, $0x200038;
	[tilespmem:$0x4100] =	vst v63  }
0x38: {  	s15 =	sadd.s32 s28, s15;
	s28 =	sand.u32 $0x1, s20;
	_ =	strace @p1 $0x90000074  }
0x39: {  	s28 =	sadd.s32 $0x1, s28;
	_ =	strace $0x80000075  }
0x3a: {  	_ =	swait.ge [sflag:s28], $0x80  }
0x3b: {  	[sflag:s28] =	ssyncset.done $0x0  }
0x3c: {  	s21 =	simm.s32 $0x1;
	[sflag:s28] =	ssyncadd.s32 $0xFFFFFF80  }
0x3d: {  	s21 =	simm.s32 @!p1 $0x0;
	_ =	strace $0x90000075  }
0x3e: {  	s18 =	sadd.s32 s21, s18;
	s21 =	sand.u32 $0x1, s15;
	_ =	strace $0x80000076  }
0x3f: {  	s31 =	sshll.u32 s20, $0x7;
	s29 =	sshll.u32 s21, $0xD;
	s25 =	rddreg [dreg:$0x3]  }
0x40: {  	s31 =	sand.u32 $0x80, s31;
	s22 =	sor.u32 $0x100, s29;
	s26 =	rddreg [dreg:$0x2]  }
0x41: {  	[tilespmem:s22], [sflag:$0x5] =	stream.indirect.gather [hbm4b:s26+s25], $0x40, s31, s25, $0x2000b8;
	[tilespmem:$0x4100] =	vst v63  }
0x42: {  	_ =	swait.ge [sflag:s10], $0x2000  }
0x43: {  	[sflag:s10] =	ssyncset.done $0x0  }
0x44: {  	[sflag:s10] =	ssyncadd.s32 $0xFFFFE000  }
0x45: {  	s30 =	sadd.s32 $0x1, s17;
	_ =	strace $0x90000076  }
0x46: {  	s24 =	sadd.s32 s3, s13;
	s13 =	smov.u32 s17;
	s31 =	sld [smem:$0x7FD]  }
0x47: {  	p0 =	sne.s32 s23, $0x0;
	s17 =	smov.u32 s30;
	p1 =	seq.s32 s30, s5  }
0x48: {  	s17 =	simm.s32 @p1 $0x0;
	p1 =	seq.s32 s7, s23;
	s23 =	simm.s32 $0x1  }
0x49: {  	s23 =	simm.s32 @!p0 $0x0;
	p0 =	seq.s32 s31, $0x1  }
.Ltmp2:
0x4a: {  	s30 =	sld [smem:$0x7FC];
	(pc) =	sbr.rel @p0 .LBB2_5-.Ltmp2, $4  }
0x4b: {  	p3 =	seq.s32 s12, $0x0  }
0x4c: {  	p6 =	por p3, p3;
	p5 =	slt.u32 s12, s7  }
0x4d: {  	p2 =	por p4, p4;
	p3 =	sne.s32 s13, s17;
	p4 =	seq.s32 s30, $0x1  }
0x4e: {  	p5 =	por !p5, !p3;
	p1 =	por p1, p4;
	p4 =	por p6, p6  }
0x4f: {  	p6 =	por $0x1, $0x1  }
.LBB2_7:
0x50: {  	p0 =	por !p1, !p6  }
0x51: {  	s25 =	simm.s32 $0x1;
	_ =	strace @!p0 $0x80000077;
	s24 =	sshll.u32 @!p0 s24, $0xA  }
0x52: {  	p2 =	por p2, !p6;
	s19 =	rddreg [dreg:$0x4];
	s24 =	sand.u32 @!p0 $0x1FFFFC00, s24  }
0x53: {  	s21 =	sadd.s32 @!p0 $0x3, s21;
	s19 =	sadd.s32 @!p0 s19, s24;
	s24 =	simm.s32 @!p0 $0x0  }
0x54: {  	[hbm4b:s19+s24] =	stream.linear.scatter @!p0 [tilespmem:s22], [sflag:s21], $0x2000, $0x200038;
	[tilespmem:$0x4100] =	vst v63  }
0x55: {  	p1 =	por !p5, !p5;
	s25 =	simm.s32 @p0 $0x0;
	_ =	strace @!p0 $0x90000077  }
0x56: {  	s16 =	sadd.s32 @!p2 $0x3, s16;
	s17 =	sadd.s32 @p1 s3, s17;
	_ =	strace @!p2 $0x80000078  }
0x57: {  	s18 =	sand.u32 @p1 $0x1, s18;
	s17 =	sshll.u32 @p1 s17, $0x4;
	_ =	swait.ge @!p2 [sflag:s16], $0x2000  }
0x58: {  	s17 =	sand.u32 @p1 $0x1FFFFFF0, s17;
	s19 =	sadd.s32 @p6 s25, s20;
	[sflag:s16] =	ssyncset.done @!p2 $0x0  }
0x59: {  	s20 =	simm.s32 $0x0;
	s17 =	sadd.s32 @p1 s4, s17;
	[sflag:s16] =	ssyncadd.s32 @!p2 $0xFFFFE000  }
0x5a: {  	s20 =	smov.u32 @p6 s19;
	s19 =	sshll.u32 @p1 s18, $0x7;
	_ =	strace @!p2 $0x90000078  }
0x5b: {  	s16 =	sadd.s32 @p1 $0x1, s18;
	s18 =	simm.s32 @p1 $0x0;
	_ =	strace @p1 $0x80000074  }
0x5c: {  	[tilespmem:s19], [sflag:s16] =	stream.linear.gather @p1 [hbm4b:s17+s18], $0x80, $0x200038;
	[tilespmem:$0x4100] =	vst v63  }
0x5d: {  	s26 =	sand.u32 $0x1, s20;
	_ =	strace @p1 $0x90000074  }
0x5e: {  	s16 =	sadd.s32 $0x1, s26;
	_ =	strace $0x80000075  }
0x5f: {  	_ =	swait.ge [sflag:s16], $0x80  }
0x60: {  	[sflag:s16] =	ssyncset.done $0x0  }
0x61: {  	s15 =	sadd.s32 @p6 s25, s15;
	[sflag:s16] =	ssyncadd.s32 $0xFFFFFF80;
	s16 =	simm.s32 $0x0  }
0x62: {  	_ =	strace $0x90000075;
	s16 =	smov.u32 @p6 s15  }
0x63: {  	_ =	strace $0x80000076;
	s16 =	sand.u32 $0x1, s16  }
0x64: {  	s30 =	sshll.u32 s20, $0x7;
	s28 =	rddreg [dreg:$0x3];
	s31 =	sshll.u32 s16, $0xD  }
0x65: {  	s18 =	sand.u32 $0x80, s30;
	s29 =	rddreg [dreg:$0x2];
	s19 =	sor.u32 $0x100, s31  }
0x66: {  	[tilespmem:s19], [sflag:$0x5] =	stream.indirect.gather [hbm4b:s29+s28], $0x40, s18, s28, $0x2000b8;
	[tilespmem:$0x4100] =	vst v63  }
0x67: {  	_ =	swait.ge [sflag:s10], $0x2000  }
0x68: {  	p3 =	por p3, p3;
	[sflag:s10] =	ssyncset.done $0x0  }
0x69: {  	p5 =	seq.s32 s7, s12;
	s13 =	sadd.s32 s3, s13;
	[sflag:s10] =	ssyncadd.s32 $0xFFFFE000  }
0x6a: {  	s14 =	sadd.s32 @p6 s23, s14;
	p1 =	por p5, p3;
	_ =	strace $0x90000076  }
0x6b: {  	s17 =	simm.s32 $0x0;
	s13 =	sshll.u32 @p1 s13, $0xA;
	_ =	strace @p1 $0x80000077  }
0x6c: {  	s17 =	smov.u32 @p6 s14;
	s13 =	sand.u32 @p1 $0x1FFFFC00, s13;
	s15 =	rddreg [dreg:$0x4]  }
0x6d: {  	s14 =	sadd.s32 @p1 $0x3, s16;
	s13 =	sadd.s32 @p1 s15, s13;
	s15 =	simm.s32 @p1 $0x0  }
0x6e: {  	[hbm4b:s13+s15] =	stream.linear.scatter @p1 [tilespmem:s19], [sflag:s14], $0x2000, $0x200038;
	[tilespmem:$0x4100] =	vst v63  }
0x6f: {  	p0 =	por p4, p4;
	s13 =	sand.u32 @!p4 $0x1, s17;
	_ =	strace @p1 $0x90000077  }
0x70: {  	s13 =	sadd.s32 @!p0 $0x3, s13;
	_ =	strace @!p0 $0x80000078  }
0x71: {  	p1 =	sne.s32 s12, $0x0;
	s12 =	simm.s32 $0x1;
	_ =	swait.ge @!p0 [sflag:s13], $0x2000  }
0x72: {  	s12 =	simm.s32 @!p1 $0x0;
	[sflag:s13] =	ssyncset.done @!p0 $0x0  }
0x73: {  	s11 =	sadd.s32 $0x1, s11;
	s12 =	sadd.s32 s12, s17;
	[sflag:s13] =	ssyncadd.s32 @!p0 $0xFFFFE000  }
0x74: {  	s12 =	sand.u32 $0x1, s12;
	_ =	strace @!p0 $0x90000078;
	p0 =	sne.s32 s11, s8  }
.Ltmp3:
0x75: {  	s12 =	sadd.s32 $0x3, s12;
	_ =	strace $0x80000079;
	(pc) =	sbr.rel @p0 .LBB2_1-.Ltmp3, $4  }
.Ltmp4:
0x76: {  	_ =	swait.ge [sflag:s12], $0x2000;
	(pc) =	sbr.rel @!p0 .LBB2_8-.Ltmp4, $4  }
0x77: {  	[sflag:s12] =	ssyncset.done $0x0  }
0x78: {  	[sflag:s12] =	ssyncadd.s32 $0xFFFFE000  }
0x79: {  	_ =	strace $0x90000079  }
0x7a: {  	_ = 	snop  }
.LBB2_2:
.Ltmp5:
0x7b: {  	(pc) =	sbr.rel .LBB2_7-.Ltmp5, $4  }
0x7c: {  	_ = 	snop  }
0x7d: {  	s14 =	simm.s32 $0x0  }
0x7e: {  	s12 =	simm.s32 $0x0;
	s15 =	simm.s32 $0x0;
	s17 =	smov.u32 s13  }
0x7f: {  	s20 =	simm.s32 $0x0;
	s18 =	simm.s32 $0x1;
	s13 =	simm.s32 $0x0  }
.LBB2_4:
.Ltmp6:
0x80: {  	(pc) =	sbr.rel .LBB2_7-.Ltmp6, $3  }
0x81: {  	_ =	sdelay $0x1  }
0x82: {  	s14 =	simm.s32 $0x0  }
0x83: {  	s15 =	simm.s32 $0x0;
	s20 =	simm.s32 $0x0;
	p6 =	por $0x1, $0x1  }
.LBB2_8:
0x84: {  	_ =	sfence.sel $0x180000  }
0x85: {  	[bflag:$0x0] =	sbarrier.arrive $0xFFFF  }
0x86: {  	p0 =	sne.s32 s1, $0x0;
	_ =	strace $0x90000072  }
0x87: {  	s0 =	sadd.s32 @!p0 $0x100000, s0;
	[bflag:$0x2] =	sbarrier.arrive $0xFFFF  }
0x88: {  	[sflag:s0] =	ssyncadd.tile.s32 @!p0 $0x1;
	_ =	shalt  }
.Lfunc_end2:
_tile_overlayer_lowered:
.L_overlay_start_2:
0x89: {  	(tag) =	ssettag $0x2  }
0x8a: {  	s0 =	rddreg [dreg:$0x0];
	s2 =	stileid.u32  }
0x8b: {  	s1 =	rddreg [dreg:$0x1];
	p0 =	sne.s32 s2, $0x0  }
0x8c: {  	s3 =	rddreg [dreg:$0x2];
	[bflag:$0x3] =	sbarrier.arrive $0xFFFF;
	s2 =	simm.s32 @!p0 $0x1C01  }
0x8d: {  	[timem:s3], [sflag:s2] =	dma.local @!p0 [hbm:s0], s1  }
0x8e: {  	s0 =	simm.s32 @!p0 $0x1  }
0x8f: {  	_ =	swait.ge @!p0 [sflag:s0], s1  }
0x90: {  	s1 =	ssub.s32 @!p0 $0x0, s1;
	[sflag:s0] =	ssyncset.done @!p0 $0x0  }
0x91: {  	[sflag:s0] =	ssyncadd.s32 @!p0 s1  }
0x92: {  	[bflag:$0x3] =	sbarrier.arrive $0xFFFF  }
0x93: {  	_ =	shalt  }

// kernel: kernel.24.cloned.1.call-start
scs
__scs_entry_jumppad:
0x0: {  	(pc) =	sbr.rel $0x88, $3  }
0x1: {  	(tag) =	ssettag $0x0;
	lr =	simm.s32 $0x1  }
0x2: {  	[smem:$0x3F96] =	sst lr;
	_ =	strace $0xD0000000  }
0x3: {  	_ = 	snop  }
0x4: {  	_ = 	snop  }
0x5: {  	_ = 	snop  }
0x6: {  	_ = 	snop  }
0x7: {  	_ = 	snop  }
__scs_overlays_trampoline_lowered:
0x8: {  	[smem:$0x3FA5] =	sst s0  }
0x9: {  	[smem:$0x3FA6] =	sst s1  }
0xa: {  	[smem:$0x3FA7] =	sst s2  }
0xb: {  	[smem:$0x3FA8] =	sst s3  }
0xc: {  	[smem:$0x3FA9] =	sst s4  }
0xd: {  	[smem:$0x3FAA] =	sst s5  }
0xe: {  	[smem:$0x3FAB] =	sst s6  }
0xf: {  	[smem:$0x3FAC] =	sst s7  }
0x10: {  	[smem:$0x3FAD] =	sst s8  }
0x11: {  	[smem:$0x3FAE] =	sst s9;
	s0 =	simm.s32 @!p0 $0x0  }
0x12: {  	s1 =	sld [smem:$0x3F94];
	s0 =	simm.s32 @p0 $0x1  }
0x13: {  	[smem:$0x3FAF] =	sst s0;
	s0 =	simm.s32 @!p1 $0x0  }
0x14: {  	s2 =	sld [smem:$0x3F93];
	s0 =	simm.s32 @p1 $0x1  }
0x15: {  	[smem:$0x3FB0] =	sst s0;
	s0 =	simm.s32 @!p2 $0x0  }
0x16: {  	s3 =	sld [smem:$0x3FDB];
	s0 =	simm.s32 @p2 $0x1  }
0x17: {  	s4 =	simm.s32 $0x1BF5;
	[smem:$0x3FB2] =	sst s0  }
0x18: {  	s0 =	sld [smem:$0x3F95];
	_ =	swait.ge [sflag:s4], $0x0  }
0x19: {  	s7 =	sld [smem:$0x3F96]  }
0x1a: {  	s8 =	sadd.s32 $0xFFFFE003, lr  }
0x1b: {  	s9 =	sadd.s32 $0xFFFFFEF7, lr;
	s5 =	simm.s32 $0xFFFFFFFF;
	p2 =	slt.u32 s8, $0xFFFFF086  }
0x1c: {  	p1 =	slt.u32 s9, $0xF7A;
	s5 =	simm.s32 @!p2 $0x0  }
0x1d: {  	s5 =	simm.s32 @p1 $0x1;
	p0 =	seq.s32 s7, s2  }
0x1e: {  	s7 =	smul.u32 @!p0 $0xF7A, s2;
	p2 =	seq.s32 @!p0 s5, $0x0  }
0x1f: {  	s9 =	smul.u32 $0xF7A, s1;
	s8 =	simm.s32 @!p0 $0x1BF5;
	p2 =	por !p2, p0  }
0x20: {  	[sflag:s8] =	ssyncset.s32 @!p0 $0xFFFFF086;
	s6 =	sadd.s32 @!p0 s3, s7;
	s7 =	simm.s32 @!p0 $0x108  }
0x21: {  	s3 =	sadd.s32 s3, s9;
	s6 =	sadd.s32 @!p0 $0x88, s6;
	s7 =	simm.s32 @p2 $0x1082  }
0x22: {  	[simem:s7], [sflag:s8] =	dma.local @!p0 [hbm:s6], $0xF7A  }
0x23: {  	s9 =	sor.u32 $0xD0000000, s2;
	s6 =	simm.s32 $0x108;
	_ =	swait.ge @!p0 [sflag:s8], $0x0  }
0x24: {  	s3 =	sadd.s32 $0x88, s3;
	s6 =	simm.s32 @!p1 $0x1082;
	[sflag:s4] =	ssyncset.s32 $0xFFFFF086  }
0x25: {  	[simem:s6], [sflag:s4] =	dma.local [hbm:s3], $0xF7A  }
0x26: {  	[smem:$0x3F96] =	sst s1;
	(tag) =	ssettag s2;
	_ =	strace s9  }
0x27: {  	s1 =	sld [smem:$0x3FA6]  }
0x28: {  	s2 =	sld [smem:$0x3FA7]  }
0x29: {  	s4 =	sld [smem:$0x3FA9]  }
0x2a: {  	p0 =	seq.s32 s5, $0x0;
	s5 =	sld [smem:$0x3FAA]  }
0x2b: {  	s6 =	sld [smem:$0x3FAB]  }
0x2c: {  	s7 =	sld [smem:$0x3FAC]  }
0x2d: {  	s3 =	simm.s32 $0x108;
	s8 =	sld [smem:$0x3FAD]  }
0x2e: {  	s3 =	simm.s32 @!p0 $0x1082;
	s9 =	sld [smem:$0x3FAE]  }
0x2f: {  	lr =	sadd.s32 s0, s3;
	s0 =	sld [smem:$0x3FA5]  }
0x30: {  	s3 =	sld [smem:$0x3FA8]  }
0x31: {  	[smem:$0x3FB1] =	sst s10  }
0x32: {  	s10 =	sld [smem:$0x3FAF];
	_ =	sdelay $0x3  }
0x33: {  	p0 =	seq.s32 s10, $0x1;
	s10 =	sld [smem:$0x3FB1];
	_ =	sdelay $0x3  }
0x34: {  	[smem:$0x3FB1] =	sst s10  }
0x35: {  	s10 =	sld [smem:$0x3FB0];
	_ =	sdelay $0x3  }
0x36: {  	p1 =	seq.s32 s10, $0x1;
	s10 =	sld [smem:$0x3FB1];
	_ =	sdelay $0x3  }
0x37: {  	[smem:$0x3FB1] =	sst s10  }
0x38: {  	s10 =	sld [smem:$0x3FB2]  }
0x39: {  	_ = 	snop;
	(pc) =	sbr.ind lr, $3  }
0x3a: {  	_ = 	snop  }
0x3b: {  	_ = 	snop  }
0x3c: {  	p2 =	seq.s32 s10, $0x1;
	s10 =	sld [smem:$0x3FB1]  }
0x3d: {  	_ =	shalt  }
0x3e: {  	_ =	shalt  }
0x3f: {  	_ =	shalt  }
0x40: {  	_ =	shalt  }
0x41: {  	_ =	shalt  }
0x42: {  	_ =	shalt  }
0x43: {  	_ =	shalt  }
0x44: {  	_ =	shalt  }
0x45: {  	_ =	shalt  }
0x46: {  	_ =	shalt  }
0x47: {  	_ =	shalt  }
0x48: {  	_ =	shalt  }
0x49: {  	_ =	shalt  }
0x4a: {  	_ =	shalt  }
0x4b: {  	_ =	shalt  }
0x4c: {  	_ =	shalt  }
0x4d: {  	_ =	shalt  }
0x4e: {  	_ =	shalt  }
0x4f: {  	_ =	shalt  }
0x50: {  	_ =	shalt  }
0x51: {  	_ =	shalt  }
0x52: {  	_ =	shalt  }
0x53: {  	_ =	shalt  }
0x54: {  	_ =	shalt  }
0x55: {  	_ =	shalt  }
0x56: {  	_ =	shalt  }
0x57: {  	_ =	shalt  }
0x58: {  	_ =	shalt  }
0x59: {  	_ =	shalt  }
0x5a: {  	_ =	shalt  }
0x5b: {  	_ =	shalt  }
0x5c: {  	_ =	shalt  }
0x5d: {  	_ =	shalt  }
0x5e: {  	_ =	shalt  }
0x5f: {  	_ =	shalt  }
0x60: {  	_ =	shalt  }
0x61: {  	_ =	shalt  }
0x62: {  	_ =	shalt  }
0x63: {  	_ =	shalt  }
0x64: {  	_ =	shalt  }
0x65: {  	_ =	shalt  }
0x66: {  	_ =	shalt  }
0x67: {  	_ =	shalt  }
0x68: {  	_ =	shalt  }
0x69: {  	_ =	shalt  }
0x6a: {  	_ =	shalt  }
0x6b: {  	_ =	shalt  }
0x6c: {  	_ =	shalt  }
0x6d: {  	_ =	shalt  }
0x6e: {  	_ =	shalt  }
0x6f: {  	_ =	shalt  }
0x70: {  	_ =	shalt  }
0x71: {  	_ =	shalt  }
0x72: {  	_ =	shalt  }
0x73: {  	_ =	shalt  }
0x74: {  	_ =	shalt  }
0x75: {  	_ =	shalt  }
0x76: {  	_ =	shalt  }
0x77: {  	_ =	shalt  }
0x78: {  	_ =	shalt  }
0x79: {  	_ =	shalt  }
0x7a: {  	_ =	shalt  }
0x7b: {  	_ =	shalt  }
0x7c: {  	_ =	shalt  }
0x7d: {  	_ =	shalt  }
0x7e: {  	_ =	shalt  }
0x7f: {  	_ =	shalt  }
0x80: {  	_ =	shalt  }
0x81: {  	_ =	shalt  }
0x82: {  	_ =	shalt  }
0x83: {  	_ =	shalt  }
0x84: {  	_ =	shalt  }
0x85: {  	_ =	shalt  }
0x86: {  	_ =	shalt  }
0x87: {  	_ =	shalt  }
.Lfunc_end0:
.L_simem_size_0:
called_computation.4_lowered:
.L_overlay_start_0:
0x88: {  	s2 =	sld [smem:$0x3FD9]  }
0x89: {  	s3 =	sld [smem:$0x3FFE];
	_ =	sdelay $0x1  }
0x8a: {  	s1 =	srdreg.scid  }
0x8b: {  	s0 =	sand.u32 $0x1, s1  }
0x8c: {  	s17 =	sshll.u32 s0, $0xA;
	s2 =	sadd.s32 s3, s2  }
0x8d: {  	s2 =	sadd.s32 s2, s17  }
0x8e: {  	[smem:$0x3FBD] =	sst s2  }
0x8f: {  	_ = 	snop  }
0x90: {  	(tm) =	ssettm $0x1  }
0x91: {  	s18 =	sld [smem:$0x3FFB];
	_ =	sdelay $0x3  }
0x92: {  	_ =	strace s18  }
0x93: {  	s2 =	sld [smem:$0x3FFC];
	_ =	sdelay $0x3  }
0x94: {  	_ =	strace s2  }
0x95: {  	s2 =	sld [smem:$0x3FFD];
	_ =	sdelay $0x3  }
0x96: {  	_ =	strace s2  }
0x97: {  	_ =	strace $0x8FFFFFFF  }
0x98: {  	s19 =	sld [smem:$0x3FDB];
	_ =	sdelay $0x1  }
0x99: {  	s20 =	simm.s32 $_scs_section_size  }
0x9a: {  	s4 =	simm.s32 $_size__tile_overlayer_lowered;
	s5 =	simm.s32 $_tile_overlayer_lowered  }
0x9b: {  	s6 =	simm.s32 $0x1BFF;
	s21 =	sshll.u32 s5, $0x1;
	s3 =	sadd.s32 s20, s19  }
0x9c: {  	s22 =	simm.s32 $0x0;
	s4 =	sshll.u32 s4, $0x1;
	s5 =	sadd.s32 s21, s3  }
0x9d: {  	[timem:s22], [sflag:s6] =	dma.local [hbm:s5], s4  }
0x9e: {  	_ =	swait.ge [sflag:s6], s4  }
0x9f: {  	s4 =	ssub.s32 $0x0, s4;
	[sflag:s6] =	ssyncset.done $0x0  }
0xa0: {  	[sflag:s6] =	ssyncadd.s32 s4;
	_ =	sdelay $0x1  }
0xa1: {  	s23 =	simm.s32 $0x1B8B  }
0xa2: {  	_ =	swait.ge [sflag:s23], $0x1  }
0xa3: {  	[sflag:s23] =	ssyncset.done $0x0  }
0xa4: {  	[sflag:s23] =	ssyncadd.s32 $0xFFFFFFFF  }
0xa5: {  	s4 =	sld [smem:$0x0]  }
0xa6: {  	s5 =	sand.u32 $0xFFFFFFFE, s1  }
0xa7: {  	p0 =	sne.s32 s1, s5  }
0xa8: {  	s5 =	sshll.u32 @p0 s5, $0xE  }
0xa9: {  	s5 =	sadd.s32 @p0 $0x11B8D, s5;
	s6 =	sshll.u32 @p0 s4, $0x11  }
0xaa: {  	s5 =	sor.u32 @p0 s6, s5  }
0xab: {  	[sflag:s5] =	ssyncadd.remote.s32 @p0 $0x1;
	_ =	sdelay $0x1  }
0xac: {  	s5 =	simm.s32 @p0 $0x1B8D  }
0xad: {  	_ =	swait.eq @p0 [sflag:s5], $0x1  }
0xae: {  	[sflag:s5] =	ssyncadd.s32 @p0 $0xFFFFFFFF  }
0xaf: {  	s6 =	sshll.u32 @!p0 s1, $0xE  }
0xb0: {  	s6 =	sor.u32 @!p0 $0x4000, s6;
	s5 =	simm.s32 @!p0 $0x1B8D  }
0xb1: {  	s4 =	sshll.u32 @!p0 s4, $0x11;
	s6 =	sadd.s32 @!p0 $0x11B8D, s6;
	_ =	swait.eq @!p0 [sflag:s5], $0x1  }
0xb2: {  	s4 =	sor.u32 @!p0 s4, s6;
	[sflag:s5] =	ssyncadd.s32 @!p0 $0xFFFFFFFF  }
0xb3: {  	s25 =	simm.s32 $0x1B8E;
	s24 =	sld [smem:$0x3FFE];
	[sflag:s4] =	ssyncadd.remote.s32 @!p0 $0x1  }
0xb4: {  	s26 =	simm.s32 $execute0_lowered;
	[smem:$0x3FD2] =	sst s25  }
0xb5: {  	s5 =	sshll.u32 s26, $0x1;
	_ =	strace $0x80000067;
	[dreg:$0x1] =	wrdreg $0xFFFFFFFF  }
0xb6: {  	s28 =	simm.s32 $_size_execute0_lowered;
	s3 =	sadd.s32 s3, s5;
	[dreg:$0x0] =	wrdreg $0x0  }
0xb7: {  	s5 =	sshll.u32 s28, $0x1;
	[dreg:$0x2] =	wrdreg s3  }
0xb8: {  	[dreg:$0x3] =	wrdreg s5  }
0xb9: {  	[dreg:$0x4] =	wrdreg $0xC0  }
0xba: {  	_ =	task [dreg:s22], $0x5FFFF  }
0xbb: {  	[dreg:$0x1] =	wrdreg $0xFFFFFFFF  }
0xbc: {  	[dreg:$0x0] =	wrdreg $0x60  }
0xbd: {  	[dreg:$0x2] =	wrdreg s24  }
0xbe: {  	[dreg:$0x3] =	wrdreg $0xB  }
0xbf: {  	_ =	task.clear_ibuf [dreg:s22], $0x4FFFF;
	_ =	strace $0x90000067  }
0xc0: {  	s29 =	simm.s32 $0xB;
	_ =	strace $0x80000070  }
0xc1: {  	_ =	swait.ge [sflag:s29], $0x1  }
0xc2: {  	[sflag:s29] =	ssyncadd.s32 $0xFFFFFFFF  }
0xc3: {  	_ =	strace $0x90000070  }
0xc4: {  	_ =	sfence  }
0xc5: {  	s30 =	sld [smem:$0x0];
	_ =	sdelay $0x2  }
0xc6: {  	s31 =	sshll.u32 s1, $0xD;
	s1 =	sshrl.u32 s1, $0x2  }
0xc7: {  	s4 =	sand.u32 $0x4000, s31;
	s1 =	sadd.s32 s1, s30  }
0xc8: {  	s0 =	sor.u32 s4, s0;
	s1 =	sshll.u32 s1, $0x11  }
0xc9: {  	s0 =	sor.u32 s1, s0  }
0xca: {  	s0 =	sadd.s32 $0x8F2B, s0  }
0xcb: {  	[sflag:s0] =	ssyncadd.remote.s32 $0x1  }
0xcc: {  	_ =	sfence.sel $0xFFFF  }
0xcd: {  	[dreg:$0x0] =	wrdreg $0xFFFFFFFF;
	(pc) =	sbr.abs _section_cstart, $3  }
0xce: {  	[dreg:$0x1] =	wrdreg $0xFFFFFFFF  }
0xcf: {  	_ =	task.clear_ibuf [dreg:s22], $0x2FFFF;
	_ =	strace $0x9FFFFFFF  }
0xd0: {  	(tm) =	ssettm $0x7FFFFFFF  }
0xd1: {  	_ =	shalt  }
tec
execute0_lowered:
.L_overlay_start_1:
0x0: {  	(tag) =	ssettag $0x1  }
0x1: {  	s4 =	rddreg [dreg:$0x0];
	s1 =	srdreg.scid  }
0x2: {  	s0 =	rddreg [dreg:$0x1];
	s2 =	simm.s32 $0x0;
	s9 =	simm.s32 $0x1  }
0x3: {  	s10 =	simm.s32 $0x80;
	s11 =	simm.s32 $0x0;
	s5 =	sand.u32 $0x1, s1  }
0x4: {  	s1 =	stileid.u32;
	[smem:$0x7FF] =	sst s2;
	s3 =	sshll.u32 s5, $0x4  }
0x5: {  	s6 =	sadd.s32 $0x38000, s4;
	s8 =	sadd.s32 $0x20D600, s4;
	s3 =	sor.u32 s1, s3  }
0x6: {  	_ =	strace $0x80000068;
	[dreg:$0x2] =	wrdreg s6;
	s7 =	smul.u32 $0x12, s3  }
0x7: {  	s4 =	sadd.s32 $0x2A600, s4;
	[dreg:$0x4] =	wrdreg s8;
	s6 =	smul.u32 $0x13, s3  }
0x8: {  	s29 =	ssub.s32 $0x2, s5;
	p0 =	slt.u32 s3, $0x8;
	s3 =	sadd.s32 $0x8, s7  }
0x9: {  	s5 =	simm.s32 $0x13;
	[dreg:$0x3] =	wrdreg s10;
	s3 =	smov.u32 @p0 s6  }
0xa: {  	s10 =	simm.s32 $0x5;
	s31 =	sshrl.u32 s29, $0x1;
	s30 =	sshll.u32 s3, $0x4  }
0xb: {  	s8 =	ssub.s32 s29, s31;
	s5 =	simm.s32 @!p0 $0x12;
	s7 =	sand.u32 $0x1FFFFFF0, s30  }
0xc: {  	s8 =	smax.u32 s8, $0x1;
	s6 =	sadd.s32 s4, s7;
	s7 =	sadd.s32 $0xFFFFFFFF, s5  }
.LBB2_1:
0xd: {  	_ =	strace $0x80000069;
	p2 =	sne.s32 s5, $0x1  }
.Ltmp0:
0xe: {  	p0 =	seq.s32 s5, $0x1;
	s13 =	simm.s32 $0x1;
	(pc) =	sbr.rel @!p2 .LBB2_2-.Ltmp0, $4  }
0xf: {  	[tilespmem:s2], [sflag:$0x1] =	stream.linear.gather [hbm4b:s6+s2], $0x80, $0x200038;
	[tilespmem:$0x4100] =	vst v63  }
0x10: {  	s12 =	simm.s32 $0x1;
	p1 =	por $0x1, $0x1;
	s13 =	simm.s32 @p0 $0x0  }
0x11: {  	p6 =	sgt.u32 s7, $0x0;
	p4 =	por p1, p1;
	p3 =	sne.s32 s13, $0x0  }
0x12: {  	_ =	strace $0x90000069;
	p5 =	por !p6, !p3;
	p6 =	por $0x0, $0x0  }
0x13: {  	p2 =	por !p5, !p5  }
0x14: {  	s21 =	sand.u32 $0x1, s2;
	s19 =	simm.s32 $0x2;
	s14 =	sadd.s32 @p2 s3, s13  }
0x15: {  	p1 =	por p3, p3;
	s15 =	sand.u32 @p2 $0x1, s9;
	s14 =	sshll.u32 @p2 s14, $0x4  }
0x16: {  	_ =	strace @p2 $0x8000006A;
	s17 =	simm.s32 @p2 $0x0;
	s14 =	sand.u32 @p2 $0x1FFFFFF0, s14  }
0x17: {  	s16 =	sshll.u32 @p2 s15, $0x7;
	s15 =	sadd.s32 @p2 $0x1, s15;
	s14 =	sadd.s32 @p2 s4, s14  }
0x18: {  	[tilespmem:s16], [sflag:s15] =	stream.linear.gather @p2 [hbm4b:s14+s17], $0x80, $0x200038;
	[tilespmem:$0x4100] =	vst v63  }
0x19: {  	s30 =	simm.s32 $0x0;
	p6 =	por $0x0, $0x0;
	_ =	strace @p2 $0x9000006A  }
0x1a: {  	p0 =	sne.s32 s5, $0x2;
	s29 =	sadd.s32 $0x1, s21;
	_ =	strace $0x8000006B  }
0x1b: {  	s24 =	sadd.s32 $0x0, s3;
	p5 =	sgt.u32 s7, $0x1;
	_ =	swait.ge [sflag:s29], $0x80  }
0x1c: {  	s23 =	simm.s32 $0x1;
	s22 =	sshll.u32 s21, $0xD;
	[sflag:s29] =	ssyncset.done $0x0  }
0x1d: {  	s22 =	sor.u32 $0x100, s22;
	s16 =	sand.u32 @!p4 $0x1, s2;
	[sflag:s29] =	ssyncadd.s32 $0xFFFFFF80  }
0x1e: {  	s15 =	simm.s32 $0x1;
	s17 =	sadd.s32 $0x1, s13;
	_ =	strace $0x9000006B  }
0x1f: {  	s14 =	sand.u32 $0x80, s30;
	s15 =	simm.s32 @!p2 $0x0;
	_ =	strace $0x8000006C  }
0x20: {  	p2 =	por p4, p4;
	p4 =	por p6, p6;
	s20 =	rddreg [dreg:$0x3]  }
0x21: {  	p3 =	seq.s32 s17, s5;
	p6 =	seq.s32 s7, $0x0;
	s31 =	rddreg [dreg:$0x2]  }
0x22: {  	[tilespmem:s22], [sflag:$0x5] =	stream.indirect.gather [hbm4b:s31+s20], $0x40, s14, s20, $0x2000b8;
	[tilespmem:$0x4100] =	vst v63  }
.Ltmp1:
0x23: {  	s18 =	sadd.s32 $0x1, s15;
	s17 =	simm.s32 @p3 $0x0;
	(pc) =	sbr.rel @!p0 .LBB2_4-.Ltmp1, $4  }
0x24: {  	p1 =	por p6, p1;
	p6 =	por $0x0, $0x0;
	_ =	swait.ge [sflag:s10], $0x2000  }
0x25: {  	s15 =	simm.s32 $0x0;
	p3 =	sne.s32 s13, s17;
	[sflag:s10] =	ssyncset.done $0x0  }
0x26: {  	s23 =	simm.s32 @!p6 $0x0;
	p5 =	por !p5, !p3;
	[sflag:s10] =	ssyncadd.s32 $0xFFFFE000  }
0x27: {  	s14 =	simm.s32 $0x0;
	s20 =	simm.s32 $0x0;
	_ =	strace $0x9000006C  }
.LBB2_5:
0x28: {  	_ =	strace @p1 $0x8000006D;
	s14 =	sadd.s32 s23, s14;
	s23 =	smov.u32 s12  }
0x29: {  	s12 =	smov.u32 s19;
	s19 =	sadd.s32 $0x1, s19;
	p0 =	por p3, p3  }
0x2a: {  	s29 =	sshll.u32 @p1 s24, $0xA;
	s21 =	sadd.s32 @p1 $0x3, s21;
	s25 =	simm.s32 @!p0 $0x0  }
0x2b: {  	s26 =	rddreg [dreg:$0x4];
	s29 =	sand.u32 @p1 $0x1FFFFC00, s29;
	s25 =	simm.s32 @p0 $0x1  }
0x2c: {  	s26 =	sadd.s32 @p1 s26, s29;
	s29 =	simm.s32 @p1 $0x0;
	p0 =	sne.s32 s5, s19  }
0x2d: {  	[hbm4b:s26+s29] =	stream.linear.scatter @p1 [tilespmem:s22], [sflag:s21], $0x2000, $0x200038;
	[tilespmem:$0x4100] =	vst v63  }
0x2e: {  	s21 =	sadd.s32 @!p2 $0x3, s16;
	s16 =	simm.s32 @!p0 $0x0  }
0x2f: {  	s28 =	simm.s32 $0x1;
	[smem:$0x7FC] =	sst s25;
	s16 =	simm.s32 @p0 $0x1  }
0x30: {  	s28 =	simm.s32 @!p1 $0x0;
	_ =	strace @p1 $0x9000006D;
	[smem:$0x7FD] =	sst s16  }
0x31: {  	s20 =	sadd.s32 s28, s20;
	s25 =	sand.u32 @!p4 $0x1, s14;
	_ =	strace @!p2 $0x8000006E  }
0x32: {  	p1 =	por !p5, !p5;
	s16 =	smov.u32 s25;
	_ =	swait.ge @!p2 [sflag:s21], $0x2000  }
0x33: {  	s22 =	sand.u32 @p1 $0x1, s18;
	s25 =	sadd.s32 @p1 s3, s17;
	[sflag:s21] =	ssyncset.done @!p2 $0x0  }
0x34: {  	s26 =	sshll.u32 @p1 s22, $0x7;
	s25 =	sshll.u32 @p1 s25, $0x4;
	[sflag:s21] =	ssyncadd.s32 @!p2 $0xFFFFE000  }
0x35: {  	s21 =	sadd.s32 @p1 $0x1, s22;
	s22 =	sand.u32 @p1 $0x1FFFFFF0, s25;
	_ =	strace @!p2 $0x9000006E  }
0x36: {  	s25 =	simm.s32 @p1 $0x0;
	s22 =	sadd.s32 @p1 s4, s22;
	_ =	strace @p1 $0x8000006A  }
0x37: {  	[tilespmem:s26], [sflag:s21] =	stream.linear.gather @p1 [hbm4b:s22+s25], $0x80, $0x200038;
	[tilespmem:$0x4100] =	vst v63  }
0x38: {  	s15 =	sadd.s32 s28, s15;
	s28 =	sand.u32 $0x1, s20;
	_ =	strace @p1 $0x9000006A  }
0x39: {  	s28 =	sadd.s32 $0x1, s28;
	_ =	strace $0x8000006B  }
0x3a: {  	_ =	swait.ge [sflag:s28], $0x80  }
0x3b: {  	[sflag:s28] =	ssyncset.done $0x0  }
0x3c: {  	s21 =	simm.s32 $0x1;
	[sflag:s28] =	ssyncadd.s32 $0xFFFFFF80  }
0x3d: {  	s21 =	simm.s32 @!p1 $0x0;
	_ =	strace $0x9000006B  }
0x3e: {  	s18 =	sadd.s32 s21, s18;
	s21 =	sand.u32 $0x1, s15;
	_ =	strace $0x8000006C  }
0x3f: {  	s31 =	sshll.u32 s20, $0x7;
	s29 =	sshll.u32 s21, $0xD;
	s25 =	rddreg [dreg:$0x3]  }
0x40: {  	s31 =	sand.u32 $0x80, s31;
	s22 =	sor.u32 $0x100, s29;
	s26 =	rddreg [dreg:$0x2]  }
0x41: {  	[tilespmem:s22], [sflag:$0x5] =	stream.indirect.gather [hbm4b:s26+s25], $0x40, s31, s25, $0x2000b8;
	[tilespmem:$0x4100] =	vst v63  }
0x42: {  	_ =	swait.ge [sflag:s10], $0x2000  }
0x43: {  	[sflag:s10] =	ssyncset.done $0x0  }
0x44: {  	[sflag:s10] =	ssyncadd.s32 $0xFFFFE000  }
0x45: {  	s30 =	sadd.s32 $0x1, s17;
	_ =	strace $0x9000006C  }
0x46: {  	s24 =	sadd.s32 s3, s13;
	s13 =	smov.u32 s17;
	s31 =	sld [smem:$0x7FD]  }
0x47: {  	p0 =	sne.s32 s23, $0x0;
	s17 =	smov.u32 s30;
	p1 =	seq.s32 s30, s5  }
0x48: {  	s17 =	simm.s32 @p1 $0x0;
	p1 =	seq.s32 s7, s23;
	s23 =	simm.s32 $0x1  }
0x49: {  	s23 =	simm.s32 @!p0 $0x0;
	p0 =	seq.s32 s31, $0x1  }
.Ltmp2:
0x4a: {  	s30 =	sld [smem:$0x7FC];
	(pc) =	sbr.rel @p0 .LBB2_5-.Ltmp2, $4  }
0x4b: {  	p3 =	seq.s32 s12, $0x0  }
0x4c: {  	p6 =	por p3, p3;
	p5 =	slt.u32 s12, s7  }
0x4d: {  	p2 =	por p4, p4;
	p3 =	sne.s32 s13, s17;
	p4 =	seq.s32 s30, $0x1  }
0x4e: {  	p5 =	por !p5, !p3;
	p1 =	por p1, p4;
	p4 =	por p6, p6  }
0x4f: {  	p6 =	por $0x1, $0x1  }
.LBB2_7:
0x50: {  	p0 =	por !p1, !p6  }
0x51: {  	s25 =	simm.s32 $0x1;
	_ =	strace @!p0 $0x8000006D;
	s24 =	sshll.u32 @!p0 s24, $0xA  }
0x52: {  	p2 =	por p2, !p6;
	s19 =	rddreg [dreg:$0x4];
	s24 =	sand.u32 @!p0 $0x1FFFFC00, s24  }
0x53: {  	s21 =	sadd.s32 @!p0 $0x3, s21;
	s19 =	sadd.s32 @!p0 s19, s24;
	s24 =	simm.s32 @!p0 $0x0  }
0x54: {  	[hbm4b:s19+s24] =	stream.linear.scatter @!p0 [tilespmem:s22], [sflag:s21], $0x2000, $0x200038;
	[tilespmem:$0x4100] =	vst v63  }
0x55: {  	p1 =	por !p5, !p5;
	s25 =	simm.s32 @p0 $0x0;
	_ =	strace @!p0 $0x9000006D  }
0x56: {  	s16 =	sadd.s32 @!p2 $0x3, s16;
	s17 =	sadd.s32 @p1 s3, s17;
	_ =	strace @!p2 $0x8000006E  }
0x57: {  	s18 =	sand.u32 @p1 $0x1, s18;
	s17 =	sshll.u32 @p1 s17, $0x4;
	_ =	swait.ge @!p2 [sflag:s16], $0x2000  }
0x58: {  	s17 =	sand.u32 @p1 $0x1FFFFFF0, s17;
	s19 =	sadd.s32 @p6 s25, s20;
	[sflag:s16] =	ssyncset.done @!p2 $0x0  }
0x59: {  	s20 =	simm.s32 $0x0;
	s17 =	sadd.s32 @p1 s4, s17;
	[sflag:s16] =	ssyncadd.s32 @!p2 $0xFFFFE000  }
0x5a: {  	s20 =	smov.u32 @p6 s19;
	s19 =	sshll.u32 @p1 s18, $0x7;
	_ =	strace @!p2 $0x9000006E  }
0x5b: {  	s16 =	sadd.s32 @p1 $0x1, s18;
	s18 =	simm.s32 @p1 $0x0;
	_ =	strace @p1 $0x8000006A  }
0x5c: {  	[tilespmem:s19], [sflag:s16] =	stream.linear.gather @p1 [hbm4b:s17+s18], $0x80, $0x200038;
	[tilespmem:$0x4100] =	vst v63  }
0x5d: {  	s26 =	sand.u32 $0x1, s20;
	_ =	strace @p1 $0x9000006A  }
0x5e: {  	s16 =	sadd.s32 $0x1, s26;
	_ =	strace $0x8000006B  }
0x5f: {  	_ =	swait.ge [sflag:s16], $0x80  }
0x60: {  	[sflag:s16] =	ssyncset.done $0x0  }
0x61: {  	s15 =	sadd.s32 @p6 s25, s15;
	[sflag:s16] =	ssyncadd.s32 $0xFFFFFF80;
	s16 =	simm.s32 $0x0  }
0x62: {  	_ =	strace $0x9000006B;
	s16 =	smov.u32 @p6 s15  }
0x63: {  	_ =	strace $0x8000006C;
	s16 =	sand.u32 $0x1, s16  }
0x64: {  	s30 =	sshll.u32 s20, $0x7;
	s28 =	rddreg [dreg:$0x3];
	s31 =	sshll.u32 s16, $0xD  }
0x65: {  	s18 =	sand.u32 $0x80, s30;
	s29 =	rddreg [dreg:$0x2];
	s19 =	sor.u32 $0x100, s31  }
0x66: {  	[tilespmem:s19], [sflag:$0x5] =	stream.indirect.gather [hbm4b:s29+s28], $0x40, s18, s28, $0x2000b8;
	[tilespmem:$0x4100] =	vst v63  }
0x67: {  	_ =	swait.ge [sflag:s10], $0x2000  }
0x68: {  	p3 =	por p3, p3;
	[sflag:s10] =	ssyncset.done $0x0  }
0x69: {  	p5 =	seq.s32 s7, s12;
	s13 =	sadd.s32 s3, s13;
	[sflag:s10] =	ssyncadd.s32 $0xFFFFE000  }
0x6a: {  	s14 =	sadd.s32 @p6 s23, s14;
	p1 =	por p5, p3;
	_ =	strace $0x9000006C  }
0x6b: {  	s17 =	simm.s32 $0x0;
	s13 =	sshll.u32 @p1 s13, $0xA;
	_ =	strace @p1 $0x8000006D  }
0x6c: {  	s17 =	smov.u32 @p6 s14;
	s13 =	sand.u32 @p1 $0x1FFFFC00, s13;
	s15 =	rddreg [dreg:$0x4]  }
0x6d: {  	s14 =	sadd.s32 @p1 $0x3, s16;
	s13 =	sadd.s32 @p1 s15, s13;
	s15 =	simm.s32 @p1 $0x0  }
0x6e: {  	[hbm4b:s13+s15] =	stream.linear.scatter @p1 [tilespmem:s19], [sflag:s14], $0x2000, $0x200038;
	[tilespmem:$0x4100] =	vst v63  }
0x6f: {  	p0 =	por p4, p4;
	s13 =	sand.u32 @!p4 $0x1, s17;
	_ =	strace @p1 $0x9000006D  }
0x70: {  	s13 =	sadd.s32 @!p0 $0x3, s13;
	_ =	strace @!p0 $0x8000006E  }
0x71: {  	p1 =	sne.s32 s12, $0x0;
	s12 =	simm.s32 $0x1;
	_ =	swait.ge @!p0 [sflag:s13], $0x2000  }
0x72: {  	s12 =	simm.s32 @!p1 $0x0;
	[sflag:s13] =	ssyncset.done @!p0 $0x0  }
0x73: {  	s11 =	sadd.s32 $0x1, s11;
	s12 =	sadd.s32 s12, s17;
	[sflag:s13] =	ssyncadd.s32 @!p0 $0xFFFFE000  }
0x74: {  	s12 =	sand.u32 $0x1, s12;
	_ =	strace @!p0 $0x9000006E;
	p0 =	sne.s32 s11, s8  }
.Ltmp3:
0x75: {  	s12 =	sadd.s32 $0x3, s12;
	_ =	strace $0x8000006F;
	(pc) =	sbr.rel @p0 .LBB2_1-.Ltmp3, $4  }
.Ltmp4:
0x76: {  	_ =	swait.ge [sflag:s12], $0x2000;
	(pc) =	sbr.rel @!p0 .LBB2_8-.Ltmp4, $4  }
0x77: {  	[sflag:s12] =	ssyncset.done $0x0  }
0x78: {  	[sflag:s12] =	ssyncadd.s32 $0xFFFFE000  }
0x79: {  	_ =	strace $0x9000006F  }
0x7a: {  	_ = 	snop  }
.LBB2_2:
.Ltmp5:
0x7b: {  	(pc) =	sbr.rel .LBB2_7-.Ltmp5, $4  }
0x7c: {  	_ = 	snop  }
0x7d: {  	s14 =	simm.s32 $0x0  }
0x7e: {  	s12 =	simm.s32 $0x0;
	s15 =	simm.s32 $0x0;
	s17 =	smov.u32 s13  }
0x7f: {  	s20 =	simm.s32 $0x0;
	s18 =	simm.s32 $0x1;
	s13 =	simm.s32 $0x0  }
.LBB2_4:
.Ltmp6:
0x80: {  	(pc) =	sbr.rel .LBB2_7-.Ltmp6, $3  }
0x81: {  	_ =	sdelay $0x1  }
0x82: {  	s14 =	simm.s32 $0x0  }
0x83: {  	s15 =	simm.s32 $0x0;
	s20 =	simm.s32 $0x0;
	p6 =	por $0x1, $0x1  }
.LBB2_8:
0x84: {  	_ =	sfence.sel $0x180000  }
0x85: {  	[bflag:$0x0] =	sbarrier.arrive $0xFFFF  }
0x86: {  	p0 =	sne.s32 s1, $0x0;
	_ =	strace $0x90000068  }
0x87: {  	s0 =	sadd.s32 @!p0 $0x100000, s0;
	[bflag:$0x2] =	sbarrier.arrive $0xFFFF  }
0x88: {  	[sflag:s0] =	ssyncadd.tile.s32 @!p0 $0x1;
	_ =	shalt  }
.Lfunc_end2:
_tile_overlayer_lowered:
.L_overlay_start_2:
0x89: {  	(tag) =	ssettag $0x2  }
0x8a: {  	s0 =	rddreg [dreg:$0x0];
	s2 =	stileid.u32  }
0x8b: {  	s1 =	rddreg [dreg:$0x1];
	p0 =	sne.s32 s2, $0x0  }
0x8c: {  	s3 =	rddreg [dreg:$0x2];
	[bflag:$0x3] =	sbarrier.arrive $0xFFFF;
	s2 =	simm.s32 @!p0 $0x1C01  }
0x8d: {  	[timem:s3], [sflag:s2] =	dma.local @!p0 [hbm:s0], s1  }
0x8e: {  	s0 =	simm.s32 @!p0 $0x1  }
0x8f: {  	_ =	swait.ge @!p0 [sflag:s0], s1  }
0x90: {  	s1 =	ssub.s32 @!p0 $0x0, s1;
	[sflag:s0] =	ssyncset.done @!p0 $0x0  }
0x91: {  	[sflag:s0] =	ssyncadd.s32 @!p0 s1  }
0x92: {  	[bflag:$0x3] =	sbarrier.arrive $0xFFFF  }
0x93: {  	_ =	shalt  }

// kernel: kernel.27.cloned.1.call-start
scs
__scs_entry_jumppad:
0x0: {  	(pc) =	sbr.rel $0x88, $3  }
0x1: {  	(tag) =	ssettag $0x0;
	lr =	simm.s32 $0x1  }
0x2: {  	[smem:$0x3F96] =	sst lr;
	_ =	strace $0xD0000000  }
0x3: {  	_ = 	snop  }
0x4: {  	_ = 	snop  }
0x5: {  	_ = 	snop  }
0x6: {  	_ = 	snop  }
0x7: {  	_ = 	snop  }
__scs_overlays_trampoline_lowered:
0x8: {  	[smem:$0x3FA5] =	sst s0  }
0x9: {  	[smem:$0x3FA6] =	sst s1  }
0xa: {  	[smem:$0x3FA7] =	sst s2  }
0xb: {  	[smem:$0x3FA8] =	sst s3  }
0xc: {  	[smem:$0x3FA9] =	sst s4  }
0xd: {  	[smem:$0x3FAA] =	sst s5  }
0xe: {  	[smem:$0x3FAB] =	sst s6  }
0xf: {  	[smem:$0x3FAC] =	sst s7  }
0x10: {  	[smem:$0x3FAD] =	sst s8  }
0x11: {  	[smem:$0x3FAE] =	sst s9;
	s0 =	simm.s32 @!p0 $0x0  }
0x12: {  	s1 =	sld [smem:$0x3F94];
	s0 =	simm.s32 @p0 $0x1  }
0x13: {  	[smem:$0x3FAF] =	sst s0;
	s0 =	simm.s32 @!p1 $0x0  }
0x14: {  	s2 =	sld [smem:$0x3F93];
	s0 =	simm.s32 @p1 $0x1  }
0x15: {  	[smem:$0x3FB0] =	sst s0;
	s0 =	simm.s32 @!p2 $0x0  }
0x16: {  	s3 =	sld [smem:$0x3FDB];
	s0 =	simm.s32 @p2 $0x1  }
0x17: {  	s4 =	simm.s32 $0x1BF5;
	[smem:$0x3FB2] =	sst s0  }
0x18: {  	s0 =	sld [smem:$0x3F95];
	_ =	swait.ge [sflag:s4], $0x0  }
0x19: {  	s7 =	sld [smem:$0x3F96]  }
0x1a: {  	s8 =	sadd.s32 $0xFFFFE003, lr  }
0x1b: {  	s9 =	sadd.s32 $0xFFFFFEF7, lr;
	s5 =	simm.s32 $0xFFFFFFFF;
	p2 =	slt.u32 s8, $0xFFFFF086  }
0x1c: {  	p1 =	slt.u32 s9, $0xF7A;
	s5 =	simm.s32 @!p2 $0x0  }
0x1d: {  	s5 =	simm.s32 @p1 $0x1;
	p0 =	seq.s32 s7, s2  }
0x1e: {  	s7 =	smul.u32 @!p0 $0xF7A, s2;
	p2 =	seq.s32 @!p0 s5, $0x0  }
0x1f: {  	s9 =	smul.u32 $0xF7A, s1;
	s8 =	simm.s32 @!p0 $0x1BF5;
	p2 =	por !p2, p0  }
0x20: {  	[sflag:s8] =	ssyncset.s32 @!p0 $0xFFFFF086;
	s6 =	sadd.s32 @!p0 s3, s7;
	s7 =	simm.s32 @!p0 $0x108  }
0x21: {  	s3 =	sadd.s32 s3, s9;
	s6 =	sadd.s32 @!p0 $0x88, s6;
	s7 =	simm.s32 @p2 $0x1082  }
0x22: {  	[simem:s7], [sflag:s8] =	dma.local @!p0 [hbm:s6], $0xF7A  }
0x23: {  	s9 =	sor.u32 $0xD0000000, s2;
	s6 =	simm.s32 $0x108;
	_ =	swait.ge @!p0 [sflag:s8], $0x0  }
0x24: {  	s3 =	sadd.s32 $0x88, s3;
	s6 =	simm.s32 @!p1 $0x1082;
	[sflag:s4] =	ssyncset.s32 $0xFFFFF086  }
0x25: {  	[simem:s6], [sflag:s4] =	dma.local [hbm:s3], $0xF7A  }
0x26: {  	[smem:$0x3F96] =	sst s1;
	(tag) =	ssettag s2;
	_ =	strace s9  }
0x27: {  	s1 =	sld [smem:$0x3FA6]  }
0x28: {  	s2 =	sld [smem:$0x3FA7]  }
0x29: {  	s4 =	sld [smem:$0x3FA9]  }
0x2a: {  	p0 =	seq.s32 s5, $0x0;
	s5 =	sld [smem:$0x3FAA]  }
0x2b: {  	s6 =	sld [smem:$0x3FAB]  }
0x2c: {  	s7 =	sld [smem:$0x3FAC]  }
0x2d: {  	s3 =	simm.s32 $0x108;
	s8 =	sld [smem:$0x3FAD]  }
0x2e: {  	s3 =	simm.s32 @!p0 $0x1082;
	s9 =	sld [smem:$0x3FAE]  }
0x2f: {  	lr =	sadd.s32 s0, s3;
	s0 =	sld [smem:$0x3FA5]  }
0x30: {  	s3 =	sld [smem:$0x3FA8]  }
0x31: {  	[smem:$0x3FB1] =	sst s10  }
0x32: {  	s10 =	sld [smem:$0x3FAF];
	_ =	sdelay $0x3  }
0x33: {  	p0 =	seq.s32 s10, $0x1;
	s10 =	sld [smem:$0x3FB1];
	_ =	sdelay $0x3  }
0x34: {  	[smem:$0x3FB1] =	sst s10  }
0x35: {  	s10 =	sld [smem:$0x3FB0];
	_ =	sdelay $0x3  }
0x36: {  	p1 =	seq.s32 s10, $0x1;
	s10 =	sld [smem:$0x3FB1];
	_ =	sdelay $0x3  }
0x37: {  	[smem:$0x3FB1] =	sst s10  }
0x38: {  	s10 =	sld [smem:$0x3FB2]  }
0x39: {  	_ = 	snop;
	(pc) =	sbr.ind lr, $3  }
0x3a: {  	_ = 	snop  }
0x3b: {  	_ = 	snop  }
0x3c: {  	p2 =	seq.s32 s10, $0x1;
	s10 =	sld [smem:$0x3FB1]  }
0x3d: {  	_ =	shalt  }
0x3e: {  	_ =	shalt  }
0x3f: {  	_ =	shalt  }
0x40: {  	_ =	shalt  }
0x41: {  	_ =	shalt  }
0x42: {  	_ =	shalt  }
0x43: {  	_ =	shalt  }
0x44: {  	_ =	shalt  }
0x45: {  	_ =	shalt  }
0x46: {  	_ =	shalt  }
0x47: {  	_ =	shalt  }
0x48: {  	_ =	shalt  }
0x49: {  	_ =	shalt  }
0x4a: {  	_ =	shalt  }
0x4b: {  	_ =	shalt  }
0x4c: {  	_ =	shalt  }
0x4d: {  	_ =	shalt  }
0x4e: {  	_ =	shalt  }
0x4f: {  	_ =	shalt  }
0x50: {  	_ =	shalt  }
0x51: {  	_ =	shalt  }
0x52: {  	_ =	shalt  }
0x53: {  	_ =	shalt  }
0x54: {  	_ =	shalt  }
0x55: {  	_ =	shalt  }
0x56: {  	_ =	shalt  }
0x57: {  	_ =	shalt  }
0x58: {  	_ =	shalt  }
0x59: {  	_ =	shalt  }
0x5a: {  	_ =	shalt  }
0x5b: {  	_ =	shalt  }
0x5c: {  	_ =	shalt  }
0x5d: {  	_ =	shalt  }
0x5e: {  	_ =	shalt  }
0x5f: {  	_ =	shalt  }
0x60: {  	_ =	shalt  }
0x61: {  	_ =	shalt  }
0x62: {  	_ =	shalt  }
0x63: {  	_ =	shalt  }
0x64: {  	_ =	shalt  }
0x65: {  	_ =	shalt  }
0x66: {  	_ =	shalt  }
0x67: {  	_ =	shalt  }
0x68: {  	_ =	shalt  }
0x69: {  	_ =	shalt  }
0x6a: {  	_ =	shalt  }
0x6b: {  	_ =	shalt  }
0x6c: {  	_ =	shalt  }
0x6d: {  	_ =	shalt  }
0x6e: {  	_ =	shalt  }
0x6f: {  	_ =	shalt  }
0x70: {  	_ =	shalt  }
0x71: {  	_ =	shalt  }
0x72: {  	_ =	shalt  }
0x73: {  	_ =	shalt  }
0x74: {  	_ =	shalt  }
0x75: {  	_ =	shalt  }
0x76: {  	_ =	shalt  }
0x77: {  	_ =	shalt  }
0x78: {  	_ =	shalt  }
0x79: {  	_ =	shalt  }
0x7a: {  	_ =	shalt  }
0x7b: {  	_ =	shalt  }
0x7c: {  	_ =	shalt  }
0x7d: {  	_ =	shalt  }
0x7e: {  	_ =	shalt  }
0x7f: {  	_ =	shalt  }
0x80: {  	_ =	shalt  }
0x81: {  	_ =	shalt  }
0x82: {  	_ =	shalt  }
0x83: {  	_ =	shalt  }
0x84: {  	_ =	shalt  }
0x85: {  	_ =	shalt  }
0x86: {  	_ =	shalt  }
0x87: {  	_ =	shalt  }
.Lfunc_end0:
.L_simem_size_0:
called_computation.5_lowered:
.L_overlay_start_0:
0x88: {  	s2 =	sld [smem:$0x3FD9]  }
0x89: {  	s3 =	sld [smem:$0x3FFE];
	_ =	sdelay $0x1  }
0x8a: {  	s1 =	srdreg.scid  }
0x8b: {  	s0 =	sand.u32 $0x1, s1  }
0x8c: {  	s16 =	sshll.u32 s0, $0xA;
	s2 =	sadd.s32 s3, s2  }
0x8d: {  	s2 =	sadd.s32 s2, s16  }
0x8e: {  	[smem:$0x3FBD] =	sst s2  }
0x8f: {  	_ = 	snop  }
0x90: {  	(tm) =	ssettm $0x1  }
0x91: {  	s17 =	sld [smem:$0x3FFB];
	_ =	sdelay $0x3  }
0x92: {  	_ =	strace s17  }
0x93: {  	s2 =	sld [smem:$0x3FFC];
	_ =	sdelay $0x3  }
0x94: {  	_ =	strace s2  }
0x95: {  	s2 =	sld [smem:$0x3FFD];
	_ =	sdelay $0x3  }
0x96: {  	_ =	strace s2  }
0x97: {  	_ =	strace $0x8FFFFFFF  }
0x98: {  	s18 =	sld [smem:$0x3FDB];
	_ =	sdelay $0x1  }
0x99: {  	s19 =	simm.s32 $_scs_section_size  }
0x9a: {  	s4 =	simm.s32 $_size__tile_overlayer_lowered;
	s5 =	simm.s32 $_tile_overlayer_lowered  }
0x9b: {  	s22 =	simm.s32 $0x1BFF;
	s21 =	sshll.u32 s5, $0x1;
	s2 =	sadd.s32 s19, s18  }
0x9c: {  	s6 =	simm.s32 $0x0;
	s20 =	sshll.u32 s4, $0x1;
	s4 =	sadd.s32 s21, s2  }
0x9d: {  	[timem:s6], [sflag:s22] =	dma.local [hbm:s4], s20  }
0x9e: {  	_ =	swait.ge [sflag:s22], s20  }
0x9f: {  	s3 =	ssub.s32 $0x0, s20;
	[sflag:s22] =	ssyncset.done $0x0  }
0xa0: {  	[sflag:s22] =	ssyncadd.s32 s3;
	_ =	sdelay $0x1  }
0xa1: {  	s23 =	simm.s32 $0x1B8B  }
0xa2: {  	_ =	swait.ge [sflag:s23], $0x1  }
0xa3: {  	[sflag:s23] =	ssyncset.done $0x0  }
0xa4: {  	s25 =	simm.s32 $0x1B8E;
	s24 =	sld [smem:$0x3FFE];
	[sflag:s23] =	ssyncadd.s32 $0xFFFFFFFF  }
0xa5: {  	s26 =	simm.s32 $execute0_lowered;
	[smem:$0x3FD2] =	sst s25  }
0xa6: {  	s4 =	sshll.u32 s26, $0x1;
	_ =	strace $0x8000005D;
	[dreg:$0x1] =	wrdreg $0xFFFFFFFF  }
0xa7: {  	s28 =	simm.s32 $_size_execute0_lowered;
	s2 =	sadd.s32 s2, s4;
	[dreg:$0x0] =	wrdreg $0x0  }
0xa8: {  	s4 =	sshll.u32 s28, $0x1;
	[dreg:$0x2] =	wrdreg s2  }
0xa9: {  	[dreg:$0x3] =	wrdreg s4  }
0xaa: {  	[dreg:$0x4] =	wrdreg $0xC0  }
0xab: {  	_ =	task [dreg:s6], $0x5FFFF  }
0xac: {  	[dreg:$0x1] =	wrdreg $0xFFFFFFFF  }
0xad: {  	[dreg:$0x0] =	wrdreg $0x60  }
0xae: {  	[dreg:$0x2] =	wrdreg s24  }
0xaf: {  	[dreg:$0x3] =	wrdreg $0xC  }
0xb0: {  	_ =	task.clear_ibuf [dreg:s6], $0x4FFFF;
	_ =	strace $0x9000005D  }
0xb1: {  	s29 =	simm.s32 $0xC;
	_ =	strace $0x80000066  }
0xb2: {  	_ =	swait.ge [sflag:s29], $0x1  }
0xb3: {  	[sflag:s29] =	ssyncadd.s32 $0xFFFFFFFF  }
0xb4: {  	_ =	strace $0x90000066  }
0xb5: {  	_ =	sfence  }
0xb6: {  	s30 =	sld [smem:$0x0];
	_ =	sdelay $0x2  }
0xb7: {  	s31 =	sshll.u32 s1, $0xD;
	s1 =	sshrl.u32 s1, $0x2  }
0xb8: {  	s3 =	sand.u32 $0x4000, s31;
	s1 =	sadd.s32 s1, s30  }
0xb9: {  	s0 =	sor.u32 s3, s0;
	s1 =	sshll.u32 s1, $0x11  }
0xba: {  	s0 =	sor.u32 s1, s0  }
0xbb: {  	s0 =	sadd.s32 $0x8F2B, s0  }
0xbc: {  	[sflag:s0] =	ssyncadd.remote.s32 $0x1  }
0xbd: {  	_ =	sfence.sel $0xFFFF  }
0xbe: {  	[dreg:$0x0] =	wrdreg $0xFFFFFFFF;
	(pc) =	sbr.abs _section_cstart, $3  }
0xbf: {  	[dreg:$0x1] =	wrdreg $0xFFFFFFFF  }
0xc0: {  	_ =	task.clear_ibuf [dreg:s6], $0x2FFFF;
	_ =	strace $0x9FFFFFFF  }
0xc1: {  	(tm) =	ssettm $0x7FFFFFFF  }
tec
execute0_lowered:
.L_overlay_start_1:
0x0: {  	(tag) =	ssettag $0x1  }
0x1: {  	s4 =	rddreg [dreg:$0x0];
	s1 =	srdreg.scid  }
0x2: {  	s0 =	rddreg [dreg:$0x1];
	s2 =	simm.s32 $0x0;
	s9 =	simm.s32 $0x1  }
0x3: {  	s10 =	simm.s32 $0x80;
	s11 =	simm.s32 $0x0;
	s5 =	sand.u32 $0x1, s1  }
0x4: {  	s1 =	stileid.u32;
	[smem:$0x7FF] =	sst s2;
	s3 =	sshll.u32 s5, $0x4  }
0x5: {  	s6 =	sadd.s32 $0x38000, s4;
	s8 =	sadd.s32 $0x17B600, s4;
	s3 =	sor.u32 s1, s3  }
0x6: {  	_ =	strace $0x8000005E;
	[dreg:$0x2] =	wrdreg s6;
	s7 =	smul.u32 $0x12, s3  }
0x7: {  	s4 =	sadd.s32 $0x28000, s4;
	[dreg:$0x4] =	wrdreg s8;
	s6 =	smul.u32 $0x13, s3  }
0x8: {  	s29 =	ssub.s32 $0x2, s5;
	p0 =	slt.u32 s3, $0x8;
	s3 =	sadd.s32 $0x8, s7  }
0x9: {  	s5 =	simm.s32 $0x13;
	[dreg:$0x3] =	wrdreg s10;
	s3 =	smov.u32 @p0 s6  }
0xa: {  	s10 =	simm.s32 $0x5;
	s31 =	sshrl.u32 s29, $0x1;
	s30 =	sshll.u32 s3, $0x4  }
0xb: {  	s8 =	ssub.s32 s29, s31;
	s5 =	simm.s32 @!p0 $0x12;
	s7 =	sand.u32 $0x1FFFFFF0, s30  }
0xc: {  	s8 =	smax.u32 s8, $0x1;
	s6 =	sadd.s32 s4, s7;
	s7 =	sadd.s32 $0xFFFFFFFF, s5  }
.LBB2_1:
0xd: {  	_ =	strace $0x8000005F;
	p2 =	sne.s32 s5, $0x1  }
.Ltmp0:
0xe: {  	p0 =	seq.s32 s5, $0x1;
	s13 =	simm.s32 $0x1;
	(pc) =	sbr.rel @!p2 .LBB2_2-.Ltmp0, $4  }
0xf: {  	[tilespmem:s2], [sflag:$0x1] =	stream.linear.gather [hbm4b:s6+s2], $0x80, $0x200038;
	[tilespmem:$0x4100] =	vst v63  }
0x10: {  	s12 =	simm.s32 $0x1;
	p1 =	por $0x1, $0x1;
	s13 =	simm.s32 @p0 $0x0  }
0x11: {  	p6 =	sgt.u32 s7, $0x0;
	p4 =	por p1, p1;
	p3 =	sne.s32 s13, $0x0  }
0x12: {  	_ =	strace $0x9000005F;
	p5 =	por !p6, !p3;
	p6 =	por $0x0, $0x0  }
0x13: {  	p2 =	por !p5, !p5  }
0x14: {  	s21 =	sand.u32 $0x1, s2;
	s19 =	simm.s32 $0x2;
	s14 =	sadd.s32 @p2 s3, s13  }
0x15: {  	p1 =	por p3, p3;
	s15 =	sand.u32 @p2 $0x1, s9;
	s14 =	sshll.u32 @p2 s14, $0x4  }
0x16: {  	_ =	strace @p2 $0x80000060;
	s17 =	simm.s32 @p2 $0x0;
	s14 =	sand.u32 @p2 $0x1FFFFFF0, s14  }
0x17: {  	s16 =	sshll.u32 @p2 s15, $0x7;
	s15 =	sadd.s32 @p2 $0x1, s15;
	s14 =	sadd.s32 @p2 s4, s14  }
0x18: {  	[tilespmem:s16], [sflag:s15] =	stream.linear.gather @p2 [hbm4b:s14+s17], $0x80, $0x200038;
	[tilespmem:$0x4100] =	vst v63  }
0x19: {  	s30 =	simm.s32 $0x0;
	p6 =	por $0x0, $0x0;
	_ =	strace @p2 $0x90000060  }
0x1a: {  	p0 =	sne.s32 s5, $0x2;
	s29 =	sadd.s32 $0x1, s21;
	_ =	strace $0x80000061  }
0x1b: {  	s24 =	sadd.s32 $0x0, s3;
	p5 =	sgt.u32 s7, $0x1;
	_ =	swait.ge [sflag:s29], $0x80  }
0x1c: {  	s23 =	simm.s32 $0x1;
	s22 =	sshll.u32 s21, $0xD;
	[sflag:s29] =	ssyncset.done $0x0  }
0x1d: {  	s22 =	sor.u32 $0x100, s22;
	s16 =	sand.u32 @!p4 $0x1, s2;
	[sflag:s29] =	ssyncadd.s32 $0xFFFFFF80  }
0x1e: {  	s15 =	simm.s32 $0x1;
	s17 =	sadd.s32 $0x1, s13;
	_ =	strace $0x90000061  }
0x1f: {  	s14 =	sand.u32 $0x80, s30;
	s15 =	simm.s32 @!p2 $0x0;
	_ =	strace $0x80000062  }
0x20: {  	p2 =	por p4, p4;
	p4 =	por p6, p6;
	s20 =	rddreg [dreg:$0x3]  }
0x21: {  	p3 =	seq.s32 s17, s5;
	p6 =	seq.s32 s7, $0x0;
	s31 =	rddreg [dreg:$0x2]  }
0x22: {  	[tilespmem:s22], [sflag:$0x5] =	stream.indirect.gather [hbm4b:s31+s20], $0x40, s14, s20, $0x2000b8;
	[tilespmem:$0x4100] =	vst v63  }
.Ltmp1:
0x23: {  	s18 =	sadd.s32 $0x1, s15;
	s17 =	simm.s32 @p3 $0x0;
	(pc) =	sbr.rel @!p0 .LBB2_4-.Ltmp1, $4  }
0x24: {  	p1 =	por p6, p1;
	p6 =	por $0x0, $0x0;
	_ =	swait.ge [sflag:s10], $0x2000  }
0x25: {  	s15 =	simm.s32 $0x0;
	p3 =	sne.s32 s13, s17;
	[sflag:s10] =	ssyncset.done $0x0  }
0x26: {  	s23 =	simm.s32 @!p6 $0x0;
	p5 =	por !p5, !p3;
	[sflag:s10] =	ssyncadd.s32 $0xFFFFE000  }
0x27: {  	s14 =	simm.s32 $0x0;
	s20 =	simm.s32 $0x0;
	_ =	strace $0x90000062  }
.LBB2_5:
0x28: {  	_ =	strace @p1 $0x80000063;
	s14 =	sadd.s32 s23, s14;
	s23 =	smov.u32 s12  }
0x29: {  	s12 =	smov.u32 s19;
	s19 =	sadd.s32 $0x1, s19;
	p0 =	por p3, p3  }
0x2a: {  	s29 =	sshll.u32 @p1 s24, $0xA;
	s21 =	sadd.s32 @p1 $0x3, s21;
	s25 =	simm.s32 @!p0 $0x0  }
0x2b: {  	s26 =	rddreg [dreg:$0x4];
	s29 =	sand.u32 @p1 $0x1FFFFC00, s29;
	s25 =	simm.s32 @p0 $0x1  }
0x2c: {  	s26 =	sadd.s32 @p1 s26, s29;
	s29 =	simm.s32 @p1 $0x0;
	p0 =	sne.s32 s5, s19  }
0x2d: {  	[hbm4b:s26+s29] =	stream.linear.scatter @p1 [tilespmem:s22], [sflag:s21], $0x2000, $0x200038;
	[tilespmem:$0x4100] =	vst v63  }
0x2e: {  	s21 =	sadd.s32 @!p2 $0x3, s16;
	s16 =	simm.s32 @!p0 $0x0  }
0x2f: {  	s28 =	simm.s32 $0x1;
	[smem:$0x7FC] =	sst s25;
	s16 =	simm.s32 @p0 $0x1  }
0x30: {  	s28 =	simm.s32 @!p1 $0x0;
	_ =	strace @p1 $0x90000063;
	[smem:$0x7FD] =	sst s16  }
0x31: {  	s20 =	sadd.s32 s28, s20;
	s25 =	sand.u32 @!p4 $0x1, s14;
	_ =	strace @!p2 $0x80000064  }
0x32: {  	p1 =	por !p5, !p5;
	s16 =	smov.u32 s25;
	_ =	swait.ge @!p2 [sflag:s21], $0x2000  }
0x33: {  	s22 =	sand.u32 @p1 $0x1, s18;
	s25 =	sadd.s32 @p1 s3, s17;
	[sflag:s21] =	ssyncset.done @!p2 $0x0  }
0x34: {  	s26 =	sshll.u32 @p1 s22, $0x7;
	s25 =	sshll.u32 @p1 s25, $0x4;
	[sflag:s21] =	ssyncadd.s32 @!p2 $0xFFFFE000  }
0x35: {  	s21 =	sadd.s32 @p1 $0x1, s22;
	s22 =	sand.u32 @p1 $0x1FFFFFF0, s25;
	_ =	strace @!p2 $0x90000064  }
0x36: {  	s25 =	simm.s32 @p1 $0x0;
	s22 =	sadd.s32 @p1 s4, s22;
	_ =	strace @p1 $0x80000060  }
0x37: {  	[tilespmem:s26], [sflag:s21] =	stream.linear.gather @p1 [hbm4b:s22+s25], $0x80, $0x200038;
	[tilespmem:$0x4100] =	vst v63  }
0x38: {  	s15 =	sadd.s32 s28, s15;
	s28 =	sand.u32 $0x1, s20;
	_ =	strace @p1 $0x90000060  }
0x39: {  	s28 =	sadd.s32 $0x1, s28;
	_ =	strace $0x80000061  }
0x3a: {  	_ =	swait.ge [sflag:s28], $0x80  }
0x3b: {  	[sflag:s28] =	ssyncset.done $0x0  }
0x3c: {  	s21 =	simm.s32 $0x1;
	[sflag:s28] =	ssyncadd.s32 $0xFFFFFF80  }
0x3d: {  	s21 =	simm.s32 @!p1 $0x0;
	_ =	strace $0x90000061  }
0x3e: {  	s18 =	sadd.s32 s21, s18;
	s21 =	sand.u32 $0x1, s15;
	_ =	strace $0x80000062  }
0x3f: {  	s31 =	sshll.u32 s20, $0x7;
	s29 =	sshll.u32 s21, $0xD;
	s25 =	rddreg [dreg:$0x3]  }
0x40: {  	s31 =	sand.u32 $0x80, s31;
	s22 =	sor.u32 $0x100, s29;
	s26 =	rddreg [dreg:$0x2]  }
0x41: {  	[tilespmem:s22], [sflag:$0x5] =	stream.indirect.gather [hbm4b:s26+s25], $0x40, s31, s25, $0x2000b8;
	[tilespmem:$0x4100] =	vst v63  }
0x42: {  	_ =	swait.ge [sflag:s10], $0x2000  }
0x43: {  	[sflag:s10] =	ssyncset.done $0x0  }
0x44: {  	[sflag:s10] =	ssyncadd.s32 $0xFFFFE000  }
0x45: {  	s30 =	sadd.s32 $0x1, s17;
	_ =	strace $0x90000062  }
0x46: {  	s24 =	sadd.s32 s3, s13;
	s13 =	smov.u32 s17;
	s31 =	sld [smem:$0x7FD]  }
0x47: {  	p0 =	sne.s32 s23, $0x0;
	s17 =	smov.u32 s30;
	p1 =	seq.s32 s30, s5  }
0x48: {  	s17 =	simm.s32 @p1 $0x0;
	p1 =	seq.s32 s7, s23;
	s23 =	simm.s32 $0x1  }
0x49: {  	s23 =	simm.s32 @!p0 $0x0;
	p0 =	seq.s32 s31, $0x1  }
.Ltmp2:
0x4a: {  	s30 =	sld [smem:$0x7FC];
	(pc) =	sbr.rel @p0 .LBB2_5-.Ltmp2, $4  }
0x4b: {  	p3 =	seq.s32 s12, $0x0  }
0x4c: {  	p6 =	por p3, p3;
	p5 =	slt.u32 s12, s7  }
0x4d: {  	p2 =	por p4, p4;
	p3 =	sne.s32 s13, s17;
	p4 =	seq.s32 s30, $0x1  }
0x4e: {  	p5 =	por !p5, !p3;
	p1 =	por p1, p4;
	p4 =	por p6, p6  }
0x4f: {  	p6 =	por $0x1, $0x1  }
.LBB2_7:
0x50: {  	p0 =	por !p1, !p6  }
0x51: {  	s25 =	simm.s32 $0x1;
	_ =	strace @!p0 $0x80000063;
	s24 =	sshll.u32 @!p0 s24, $0xA  }
0x52: {  	p2 =	por p2, !p6;
	s19 =	rddreg [dreg:$0x4];
	s24 =	sand.u32 @!p0 $0x1FFFFC00, s24  }
0x53: {  	s21 =	sadd.s32 @!p0 $0x3, s21;
	s19 =	sadd.s32 @!p0 s19, s24;
	s24 =	simm.s32 @!p0 $0x0  }
0x54: {  	[hbm4b:s19+s24] =	stream.linear.scatter @!p0 [tilespmem:s22], [sflag:s21], $0x2000, $0x200038;
	[tilespmem:$0x4100] =	vst v63  }
0x55: {  	p1 =	por !p5, !p5;
	s25 =	simm.s32 @p0 $0x0;
	_ =	strace @!p0 $0x90000063  }
0x56: {  	s16 =	sadd.s32 @!p2 $0x3, s16;
	s17 =	sadd.s32 @p1 s3, s17;
	_ =	strace @!p2 $0x80000064  }
0x57: {  	s18 =	sand.u32 @p1 $0x1, s18;
	s17 =	sshll.u32 @p1 s17, $0x4;
	_ =	swait.ge @!p2 [sflag:s16], $0x2000  }
0x58: {  	s17 =	sand.u32 @p1 $0x1FFFFFF0, s17;
	s19 =	sadd.s32 @p6 s25, s20;
	[sflag:s16] =	ssyncset.done @!p2 $0x0  }
0x59: {  	s20 =	simm.s32 $0x0;
	s17 =	sadd.s32 @p1 s4, s17;
	[sflag:s16] =	ssyncadd.s32 @!p2 $0xFFFFE000  }
0x5a: {  	s20 =	smov.u32 @p6 s19;
	s19 =	sshll.u32 @p1 s18, $0x7;
	_ =	strace @!p2 $0x90000064  }
0x5b: {  	s16 =	sadd.s32 @p1 $0x1, s18;
	s18 =	simm.s32 @p1 $0x0;
	_ =	strace @p1 $0x80000060  }
0x5c: {  	[tilespmem:s19], [sflag:s16] =	stream.linear.gather @p1 [hbm4b:s17+s18], $0x80, $0x200038;
	[tilespmem:$0x4100] =	vst v63  }
0x5d: {  	s26 =	sand.u32 $0x1, s20;
	_ =	strace @p1 $0x90000060  }
0x5e: {  	s16 =	sadd.s32 $0x1, s26;
	_ =	strace $0x80000061  }
0x5f: {  	_ =	swait.ge [sflag:s16], $0x80  }
0x60: {  	[sflag:s16] =	ssyncset.done $0x0  }
0x61: {  	s15 =	sadd.s32 @p6 s25, s15;
	[sflag:s16] =	ssyncadd.s32 $0xFFFFFF80;
	s16 =	simm.s32 $0x0  }
0x62: {  	_ =	strace $0x90000061;
	s16 =	smov.u32 @p6 s15  }
0x63: {  	_ =	strace $0x80000062;
	s16 =	sand.u32 $0x1, s16  }
0x64: {  	s30 =	sshll.u32 s20, $0x7;
	s28 =	rddreg [dreg:$0x3];
	s31 =	sshll.u32 s16, $0xD  }
0x65: {  	s18 =	sand.u32 $0x80, s30;
	s29 =	rddreg [dreg:$0x2];
	s19 =	sor.u32 $0x100, s31  }
0x66: {  	[tilespmem:s19], [sflag:$0x5] =	stream.indirect.gather [hbm4b:s29+s28], $0x40, s18, s28, $0x2000b8;
	[tilespmem:$0x4100] =	vst v63  }
0x67: {  	_ =	swait.ge [sflag:s10], $0x2000  }
0x68: {  	p3 =	por p3, p3;
	[sflag:s10] =	ssyncset.done $0x0  }
0x69: {  	p5 =	seq.s32 s7, s12;
	s13 =	sadd.s32 s3, s13;
	[sflag:s10] =	ssyncadd.s32 $0xFFFFE000  }
0x6a: {  	s14 =	sadd.s32 @p6 s23, s14;
	p1 =	por p5, p3;
	_ =	strace $0x90000062  }
0x6b: {  	s17 =	simm.s32 $0x0;
	s13 =	sshll.u32 @p1 s13, $0xA;
	_ =	strace @p1 $0x80000063  }
0x6c: {  	s17 =	smov.u32 @p6 s14;
	s13 =	sand.u32 @p1 $0x1FFFFC00, s13;
	s15 =	rddreg [dreg:$0x4]  }
0x6d: {  	s14 =	sadd.s32 @p1 $0x3, s16;
	s13 =	sadd.s32 @p1 s15, s13;
	s15 =	simm.s32 @p1 $0x0  }
0x6e: {  	[hbm4b:s13+s15] =	stream.linear.scatter @p1 [tilespmem:s19], [sflag:s14], $0x2000, $0x200038;
	[tilespmem:$0x4100] =	vst v63  }
0x6f: {  	p0 =	por p4, p4;
	s13 =	sand.u32 @!p4 $0x1, s17;
	_ =	strace @p1 $0x90000063  }
0x70: {  	s13 =	sadd.s32 @!p0 $0x3, s13;
	_ =	strace @!p0 $0x80000064  }
0x71: {  	p1 =	sne.s32 s12, $0x0;
	s12 =	simm.s32 $0x1;
	_ =	swait.ge @!p0 [sflag:s13], $0x2000  }
0x72: {  	s12 =	simm.s32 @!p1 $0x0;
	[sflag:s13] =	ssyncset.done @!p0 $0x0  }
0x73: {  	s11 =	sadd.s32 $0x1, s11;
	s12 =	sadd.s32 s12, s17;
	[sflag:s13] =	ssyncadd.s32 @!p0 $0xFFFFE000  }
0x74: {  	s12 =	sand.u32 $0x1, s12;
	_ =	strace @!p0 $0x90000064;
	p0 =	sne.s32 s11, s8  }
.Ltmp3:
0x75: {  	s12 =	sadd.s32 $0x3, s12;
	_ =	strace $0x80000065;
	(pc) =	sbr.rel @p0 .LBB2_1-.Ltmp3, $4  }
.Ltmp4:
0x76: {  	_ =	swait.ge [sflag:s12], $0x2000;
	(pc) =	sbr.rel @!p0 .LBB2_8-.Ltmp4, $4  }
0x77: {  	[sflag:s12] =	ssyncset.done $0x0  }
0x78: {  	[sflag:s12] =	ssyncadd.s32 $0xFFFFE000  }
0x79: {  	_ =	strace $0x90000065  }
0x7a: {  	_ = 	snop  }
.LBB2_2:
.Ltmp5:
0x7b: {  	(pc) =	sbr.rel .LBB2_7-.Ltmp5, $4  }
0x7c: {  	_ = 	snop  }
0x7d: {  	s14 =	simm.s32 $0x0  }
0x7e: {  	s12 =	simm.s32 $0x0;
	s15 =	simm.s32 $0x0;
	s17 =	smov.u32 s13  }
0x7f: {  	s20 =	simm.s32 $0x0;
	s18 =	simm.s32 $0x1;
	s13 =	simm.s32 $0x0  }
.LBB2_4:
.Ltmp6:
0x80: {  	(pc) =	sbr.rel .LBB2_7-.Ltmp6, $3  }
0x81: {  	_ =	sdelay $0x1  }
0x82: {  	s14 =	simm.s32 $0x0  }
0x83: {  	s15 =	simm.s32 $0x0;
	s20 =	simm.s32 $0x0;
	p6 =	por $0x1, $0x1  }
.LBB2_8:
0x84: {  	_ =	sfence.sel $0x180000  }
0x85: {  	[bflag:$0x0] =	sbarrier.arrive $0xFFFF  }
0x86: {  	p0 =	sne.s32 s1, $0x0;
	_ =	strace $0x9000005E  }
0x87: {  	s0 =	sadd.s32 @!p0 $0x100000, s0;
	[bflag:$0x2] =	sbarrier.arrive $0xFFFF  }
0x88: {  	[sflag:s0] =	ssyncadd.tile.s32 @!p0 $0x1;
	_ =	shalt  }
.Lfunc_end2:
_tile_overlayer_lowered:
.L_overlay_start_2:
0x89: {  	(tag) =	ssettag $0x2  }
0x8a: {  	s0 =	rddreg [dreg:$0x0];
	s2 =	stileid.u32  }
0x8b: {  	s1 =	rddreg [dreg:$0x1];
	p0 =	sne.s32 s2, $0x0  }
0x8c: {  	s3 =	rddreg [dreg:$0x2];
	[bflag:$0x3] =	sbarrier.arrive $0xFFFF;
	s2 =	simm.s32 @!p0 $0x1C01  }
0x8d: {  	[timem:s3], [sflag:s2] =	dma.local @!p0 [hbm:s0], s1  }
0x8e: {  	s0 =	simm.s32 @!p0 $0x1  }
0x8f: {  	_ =	swait.ge @!p0 [sflag:s0], s1  }
0x90: {  	s1 =	ssub.s32 @!p0 $0x0, s1;
	[sflag:s0] =	ssyncset.done @!p0 $0x0  }
0x91: {  	[sflag:s0] =	ssyncadd.s32 @!p0 s1  }
0x92: {  	[bflag:$0x3] =	sbarrier.arrive $0xFFFF  }
0x93: {  	_ =	shalt  }

</sc_bundles>
